<compile_context>
chip_gen: v7x
topology: tpu7x:2x2x1
jax: 0.10.2.dev20260603
libtpu: 0.0.44.dev20260713+nightly
codegen_flags: <defaults>
</compile_context>

<pallas_src>
import functools

import jax
import jax.numpy as jnp
from jax import lax
from jax.experimental import pallas as pl
from jax.experimental.pallas import tpu as pltpu
from jax.experimental.pallas import tpu_sc as plsc

DIM = 768
MAXPOS = 512
EPS = 1e-12

L = 16
NV = DIM // L
NC = 2
NS = 16
NW = NC * NS
C = 32


def _rsqrt(v):
    ib = lax.bitcast_convert_type(v, jnp.int32)
    ib = jnp.int32(0x5F3759DF) - lax.shift_right_arithmetic(ib, 1)
    y = lax.bitcast_convert_type(ib, jnp.float32)
    for _ in range(3):
        y = y * (jnp.float32(1.5) - jnp.float32(0.5) * v * y * y)
    return y


def _make_pt_kernel(n_tt, max_pos):
    n_rows = n_tt * max_pos
    rpw = n_rows // NW
    mesh = plsc.VectorSubcoreMesh(core_axis_name="c", subcore_axis_name="s")

    @functools.partial(
        pl.kernel,
        out_type=jax.ShapeDtypeStruct((n_rows, DIM), jnp.float32),
        mesh=mesh,
        compiler_params=pltpu.CompilerParams(needs_layout_passes=False),
        scratch_types=[
            pltpu.VMEM((rpw, DIM), jnp.float32),
            pltpu.VMEM((n_tt * DIM,), jnp.float32),
        ],
    )
    def pt_kernel(ttemb_hbm, pemb_hbm, pt_hbm, buf_v, ttc_v):
        cid = lax.axis_index("c")
        sid = lax.axis_index("s")
        wid = sid * NC + cid
        base = wid * rpw
        prow = lax.rem(base, max_pos)
        variant = base // max_pos
        pltpu.sync_copy(pemb_hbm.at[pl.ds(prow, rpw)], buf_v)
        pltpu.sync_copy(ttemb_hbm, ttc_v)

        def row_body(r, carry):
            for j in range(NV):
                sl = pl.ds(j * L, L)
                tt = ttc_v[pl.ds(variant * DIM + j * L, L)]
                buf_v[r, sl] = buf_v[r, sl] + tt
            return carry

        lax.fori_loop(0, rpw, row_body, 0)
        pltpu.sync_copy(buf_v, pt_hbm.at[pl.ds(base, rpw)])

    return pt_kernel


def _make_emb_kernel(n_tokens, seq_len):
    tpw = n_tokens // NW
    nchunk = tpw // C
    npair = nchunk // 2
    inv_dim = jnp.float32(1.0 / DIM)
    mesh = plsc.VectorSubcoreMesh(core_axis_name="c", subcore_axis_name="s")

    @functools.partial(
        pl.kernel,
        out_type=jax.ShapeDtypeStruct((n_tokens, DIM), jnp.float32),
        mesh=mesh,
        compiler_params=pltpu.CompilerParams(needs_layout_passes=False),
        scratch_types=[
            pltpu.VMEM((tpw,), jnp.int32),
            pltpu.VMEM((tpw,), jnp.int32),
            pltpu.VMEM((tpw,), jnp.int32),
            pltpu.VMEM((C, DIM), jnp.float32),
            pltpu.VMEM((C, DIM), jnp.float32),
            pltpu.VMEM((C, DIM), jnp.float32),
            pltpu.VMEM((C, DIM), jnp.float32),
            pltpu.VMEM((DIM,), jnp.float32),
            pltpu.VMEM((DIM,), jnp.float32),
            pltpu.SemaphoreType.DMA,
            pltpu.SemaphoreType.DMA,
            pltpu.SemaphoreType.DMA,
            pltpu.SemaphoreType.DMA,
        ],
    )
    def emb_kernel(ids_hbm, tt_hbm, wemb_hbm, pt_hbm, lnw_hbm, lnb_hbm,
                   out_hbm,
                   ids_v, tts_v, ptidx_v, rowsA, rowsB, ptA, ptB,
                   lnw_v, lnb_v, gsemA, gsemB, osemA, osemB):
        cid = lax.axis_index("c")
        sid = lax.axis_index("s")
        wid = sid * NC + cid
        base0 = wid * tpw

        pltpu.sync_copy(lnw_hbm, lnw_v)
        pltpu.sync_copy(lnb_hbm, lnb_v)
        pltpu.sync_copy(ids_hbm.at[pl.ds(base0, tpw)], ids_v)
        pltpu.sync_copy(tt_hbm.at[pl.ds(base0, tpw)], tts_v)
        lane = lax.iota(jnp.int32, L)
        for g in range(tpw // L):
            sl = pl.ds(g * L, L)
            ptidx_v[sl] = lane + ((g * L) % seq_len) + seq_len * tts_v[sl]

        def fire_gathers(k, rows_buf, pt_buf, gsem):
            sl = pl.ds(k * C, C)
            cpw = pltpu.async_copy(wemb_hbm.at[ids_v.at[sl]], rows_buf, gsem)
            cpp = pltpu.async_copy(pt_hbm.at[ptidx_v.at[sl]], pt_buf, gsem)
            return cpw, cpp

        def wait_gathers(k, rows_buf, pt_buf, gsem):
            sl = pl.ds(k * C, C)
            pltpu.make_async_copy(wemb_hbm.at[ids_v.at[sl]], rows_buf, gsem).wait()
            pltpu.make_async_copy(pt_hbm.at[ptidx_v.at[sl]], pt_buf, gsem).wait()

        def fire_out(k, rows_buf, osem):
            return pltpu.async_copy(rows_buf, out_hbm.at[pl.ds(base0 + k * C, C)], osem)

        def wait_out(k, rows_buf, osem):
            pltpu.make_async_copy(rows_buf, out_hbm.at[pl.ds(base0 + k * C, C)], osem).wait()

        def compute(rows_buf, pt_buf):
            def token_body(i, carry2):
                s = jnp.zeros((L,), jnp.float32)
                s2 = jnp.zeros((L,), jnp.float32)
                xs = []
                for j in range(NV):
                    sl = pl.ds(j * L, L)
                    x = rows_buf[i, sl] + pt_buf[i, sl]
                    xs.append(x)
                    s = s + x
                    s2 = s2 + x * x
                mean = jnp.sum(s) * inv_dim
                ex2 = jnp.sum(s2) * inv_dim
                var = ex2 - mean * mean
                rstd = _rsqrt(var + jnp.float32(EPS))
                shift = mean * rstd
                for j in range(NV):
                    sl = pl.ds(j * L, L)
                    xh = xs[j] * rstd - shift
                    rows_buf[i, sl] = xh * lnw_v[sl] + lnb_v[sl]
                return carry2

            lax.fori_loop(0, C, token_body, 0)

        fire_gathers(0, rowsA, ptA, gsemA)

        def pair_body(k2, carry):
            a = 2 * k2
            b = a + 1
            wait_gathers(a, rowsA, ptA, gsemA)

            @pl.when(k2 > 0)
            def _():
                wait_out(b - 2, rowsB, osemB)

            fire_gathers(b, rowsB, ptB, gsemB)
            compute(rowsA, ptA)
            fire_out(a, rowsA, osemA)

            wait_gathers(b, rowsB, ptB, gsemB)
            wait_out(a, rowsA, osemA)

            @pl.when(k2 < npair - 1)
            def _():
                fire_gathers(a + 2, rowsA, ptA, gsemA)

            compute(rowsB, ptB)
            fire_out(b, rowsB, osemB)
            return carry

        lax.fori_loop(0, npair, pair_body, 0)
        wait_out(nchunk - 1, rowsB, osemB)

    return emb_kernel


def kernel(input_ids, token_type_ids, word_embeddings, token_type_embeddings,
           position_embeddings, ln_weight, ln_bias):
    batch, seq = input_ids.shape
    n = batch * seq
    n_tt = token_type_embeddings.shape[0]
    ids = input_ids.reshape(n).astype(jnp.int32)
    tts = token_type_ids.reshape(n).astype(jnp.int32)
    pt = _make_pt_kernel(n_tt, seq)(
        token_type_embeddings.astype(jnp.float32).reshape(n_tt * DIM),
        position_embeddings.astype(jnp.float32),
    )
    emb = _make_emb_kernel(n, seq)(
        ids, tts,
        word_embeddings.astype(jnp.float32),
        pt,
        ln_weight.astype(jnp.float32),
        ln_bias.astype(jnp.float32),
    )
    return emb.reshape(batch, seq, DIM)

# --- scband reference (transcript-rebuilt; emitter-appended) ---
"""Pipeline reference for scband-bert-embeddings-17617955848531 (READ-ONLY COPY).

The authoritative reference and input builder live on the scoring server;
editing this copy changes nothing except your own understanding.
"""

import jax, jax.numpy as jnp
import numpy as np

VOCAB = 30522
DIM = 768
MAXPOS = 512
BATCH = 64
SEQ = 512
EPS = 1e-12


def setup_inputs(seed: int = 0) -> dict:
    key = jax.random.key(seed)
    k1, k2, k3, k4, k5, k6 = jax.random.split(key, 6)
    input_ids = jax.random.randint(k1, (BATCH, SEQ), 0, VOCAB, dtype=jnp.int64 if jax.config.jax_enable_x64 else jnp.int32)
    token_type_ids = jax.random.randint(k2, (BATCH, SEQ), 0, 2, dtype=jnp.int64 if jax.config.jax_enable_x64 else jnp.int32)
    word_embeddings = jax.random.normal(k3, (VOCAB, DIM), dtype=jnp.float32) * 0.02
    token_type_embeddings = jax.random.normal(k4, (2, DIM), dtype=jnp.float32) * 0.02
    position_embeddings = jax.random.normal(k5, (MAXPOS, DIM), dtype=jnp.float32) * 0.02
    ln_weight = jnp.ones((DIM,), dtype=jnp.float32)
    ln_bias = jnp.zeros((DIM,), dtype=jnp.float32)
    return {
        "input_ids": input_ids,
        "token_type_ids": token_type_ids,
        "word_embeddings": word_embeddings,
        "token_type_embeddings": token_type_embeddings,
        "position_embeddings": position_embeddings,
        "ln_weight": ln_weight,
        "ln_bias": ln_bias,
    }


def _layer_norm(x, weight, bias, eps=EPS):
    mean = jnp.mean(x, axis=-1, keepdims=True)
    var = jnp.mean(jnp.square(x - mean), axis=-1, keepdims=True)
    xhat = (x - mean) / jnp.sqrt(var + eps)
    return xhat * weight + bias


def reference(input_ids, token_type_ids, word_embeddings, token_type_embeddings, position_embeddings, ln_weight, ln_bias):
    seq_len = input_ids.shape[1]
    words = jnp.take(word_embeddings, input_ids, axis=0)
    position = jnp.take(position_embeddings, jnp.arange(seq_len), axis=0)[None, :, :]
    token_types = jnp.take(token_type_embeddings, token_type_ids, axis=0)
    embeddings = position + words + token_types
    return _layer_norm(embeddings, ln_weight, ln_bias)

if __name__ == "__main__":
    import jax
    _d = setup_inputs()
    print(jax.jit(kernel)(*tuple(_d.values())))

</pallas_src>

<mosaic_0001>
#map = affine_map<(d0, d1) -> (0)>
#map1 = affine_map<(d0, d1) -> (0, 0)>
module attributes {stable_mosaic.version = 14 : i64} {
  func.func @_rewritten_body(%arg0: i32, %arg1: i32, %arg2: memref<32768xi32, #tpu.memory_space<hbm>>, %arg3: memref<32768xi32, #tpu.memory_space<hbm>>, %arg4: memref<30522x768xf32, #tpu.memory_space<hbm>>, %arg5: memref<1024x768xf32, #tpu.memory_space<hbm>>, %arg6: memref<768xf32, #tpu.memory_space<hbm>>, %arg7: memref<768xf32, #tpu.memory_space<hbm>>, %arg8: memref<1xf32, #tpu.memory_space<hbm>>, %arg9: memref<32768x768xf32, #tpu.memory_space<hbm>>, %arg10: memref<1024xi32, #tpu.memory_space<vmem>>, %arg11: memref<1024xi32, #tpu.memory_space<vmem>>, %arg12: memref<1024xi32, #tpu.memory_space<vmem>>, %arg13: memref<32x768xf32, #tpu.memory_space<vmem>>, %arg14: memref<32x768xf32, #tpu.memory_space<vmem>>, %arg15: memref<32x768xf32, #tpu.memory_space<vmem>>, %arg16: memref<32x768xf32, #tpu.memory_space<vmem>>, %arg17: memref<768xf32, #tpu.memory_space<vmem>>, %arg18: memref<768xf32, #tpu.memory_space<vmem>>, %arg19: memref<!tpu.dma_semaphore, #tpu.memory_space<semaphore_mem>>, %arg20: memref<!tpu.dma_semaphore, #tpu.memory_space<semaphore_mem>>, %arg21: memref<!tpu.dma_semaphore, #tpu.memory_space<semaphore_mem>>, %arg22: memref<!tpu.dma_semaphore, #tpu.memory_space<semaphore_mem>>) attributes {dimension_semantics = [#tpu.dimension_semantics<core_parallel>, #tpu.dimension_semantics<subcore_parallel>], iteration_bounds = array<i64: 2, 16>, scalar_prefetch = 0 : i64, scratch_operands = 13 : i64, tpu.core_type = #tpu.core_type<sc_vector_subcore>, window_params = [{transform_indices = #map}, {transform_indices = #map}, {transform_indices = #map1}, {transform_indices = #map1}, {transform_indices = #map}, {transform_indices = #map}, {transform_indices = #map}, {transform_indices = #map1}]} {
    %empty_ref3A = memref.alloca() : memref<16xf32, #tpu.memory_space<vmem>>
    "tpu.region"() ({
      %run_scoped3A = tpu.sem_alloc : memref<!tpu.dma_semaphore, #tpu.memory_space<semaphore_mem>>
      %dma_start3A_726 = arith.constant 0 : i32
      %dma_start3A_727 = tpu.memref_slice %empty_ref3A[%dma_start3A_726] : memref<16xf32, #tpu.memory_space<vmem>> -> memref<1xf32, #tpu.memory_space<vmem>>
      %dma_start3A_728 = arith.constant 0 : i32
      %dma_start3A_729 = tpu.memref_slice %empty_ref3A[%dma_start3A_728] : memref<16xf32, #tpu.memory_space<vmem>> -> memref<1xf32, #tpu.memory_space<vmem>>
      tpu.enqueue_dma source(%arg8 : memref<1xf32, #tpu.memory_space<hbm>>) target(%dma_start3A_729 : memref<1xf32, #tpu.memory_space<vmem>>) target_semaphore(%run_scoped3A : memref<!tpu.dma_semaphore, #tpu.memory_space<semaphore_mem>>)
      %dma_wait3A_730 = arith.constant 0 : i32
      %dma_wait3A_731 = tpu.memref_slice %empty_ref3A[%dma_wait3A_730] : memref<16xf32, #tpu.memory_space<vmem>> -> memref<1xf32, #tpu.memory_space<vmem>>
      %dma_wait3A_732 = arith.constant 0 : i32
      %dma_wait3A_733 = tpu.memref_slice %empty_ref3A[%dma_wait3A_732] : memref<16xf32, #tpu.memory_space<vmem>> -> memref<1xf32, #tpu.memory_space<vmem>>
      tpu.wait_dma2 semaphore(%run_scoped3A : memref<!tpu.dma_semaphore, #tpu.memory_space<semaphore_mem>>) src(%arg8 : memref<1xf32, #tpu.memory_space<hbm>>) dst(%dma_wait3A_733 : memref<1xf32, #tpu.memory_space<vmem>>)
      tpu.yield
    }) : () -> ()
    %get3A = arith.constant 0 : index
    %get3A_0 = tpu.vector_load %empty_ref3A[%get3A] {strides = array<i32>} : memref<16xf32, #tpu.memory_space<vmem>>, vector<16xf32>,
    %slice3A = vector.extract_strided_slice %get3A_0 {offsets = [0], sizes = [1], strides = [1]} : vector<16xf32> to vector<1xf32>
    %squeeze3A = vector.extract %slice3A[0] : f32 from vector<1xf32>
    %mul3A = arith.constant 2 : i32
    %mul3A_1 = arith.muli %arg1, %mul3A : i32
    %add3A = arith.addi %mul3A_1, %arg0 : i32
    %mul3A_2 = arith.constant 1024 : i32
    %mul3A_3 = arith.muli %add3A, %mul3A_2 : i32
    "tpu.region"() ({
      %run_scoped3A = tpu.sem_alloc : memref<!tpu.dma_semaphore, #tpu.memory_space<semaphore_mem>>
      tpu.enqueue_dma source(%arg6 : memref<768xf32, #tpu.memory_space<hbm>>) target(%arg17 : memref<768xf32, #tpu.memory_space<vmem>>) target_semaphore(%run_scoped3A : memref<!tpu.dma_semaphore, #tpu.memory_space<semaphore_mem>>)
      tpu.wait_dma2 semaphore(%run_scoped3A : memref<!tpu.dma_semaphore, #tpu.memory_space<semaphore_mem>>) src(%arg6 : memref<768xf32, #tpu.memory_space<hbm>>) dst(%arg17 : memref<768xf32, #tpu.memory_space<vmem>>)
      tpu.yield
    }) : () -> ()
    "tpu.region"() ({
      %run_scoped3A = tpu.sem_alloc : memref<!tpu.dma_semaphore, #tpu.memory_space<semaphore_mem>>
      tpu.enqueue_dma source(%arg7 : memref<768xf32, #tpu.memory_space<hbm>>) target(%arg18 : memref<768xf32, #tpu.memory_space<vmem>>) target_semaphore(%run_scoped3A : memref<!tpu.dma_semaphore, #tpu.memory_space<semaphore_mem>>)
      tpu.wait_dma2 semaphore(%run_scoped3A : memref<!tpu.dma_semaphore, #tpu.memory_space<semaphore_mem>>) src(%arg7 : memref<768xf32, #tpu.memory_space<hbm>>) dst(%arg18 : memref<768xf32, #tpu.memory_space<vmem>>)
      tpu.yield
    }) : () -> ()
    "tpu.region"() ({
      %run_scoped3A = tpu.sem_alloc : memref<!tpu.dma_semaphore, #tpu.memory_space<semaphore_mem>>
      %dma_start3A_726 = tpu.memref_slice %arg2[%mul3A_3] : memref<32768xi32, #tpu.memory_space<hbm>> -> memref<1024xi32, #tpu.memory_space<hbm>>
      %dma_start3A_727 = tpu.memref_slice %arg2[%mul3A_3] : memref<32768xi32, #tpu.memory_space<hbm>> -> memref<1024xi32, #tpu.memory_space<hbm>>
      tpu.enqueue_dma source(%dma_start3A_727 : memref<1024xi32, #tpu.memory_space<hbm>>) target(%arg10 : memref<1024xi32, #tpu.memory_space<vmem>>) target_semaphore(%run_scoped3A : memref<!tpu.dma_semaphore, #tpu.memory_space<semaphore_mem>>)
      %dma_wait3A_728 = tpu.memref_slice %arg2[%mul3A_3] : memref<32768xi32, #tpu.memory_space<hbm>> -> memref<1024xi32, #tpu.memory_space<hbm>>
      %dma_wait3A_729 = tpu.memref_slice %arg2[%mul3A_3] : memref<32768xi32, #tpu.memory_space<hbm>> -> memref<1024xi32, #tpu.memory_space<hbm>>
      tpu.wait_dma2 semaphore(%run_scoped3A : memref<!tpu.dma_semaphore, #tpu.memory_space<semaphore_mem>>) src(%dma_wait3A_729 : memref<1024xi32, #tpu.memory_space<hbm>>) dst(%arg10 : memref<1024xi32, #tpu.memory_space<vmem>>)
      tpu.yield
    }) : () -> ()
    "tpu.region"() ({
      %run_scoped3A = tpu.sem_alloc : memref<!tpu.dma_semaphore, #tpu.memory_space<semaphore_mem>>
      %dma_start3A_726 = tpu.memref_slice %arg3[%mul3A_3] : memref<32768xi32, #tpu.memory_space<hbm>> -> memref<1024xi32, #tpu.memory_space<hbm>>
      %dma_start3A_727 = tpu.memref_slice %arg3[%mul3A_3] : memref<32768xi32, #tpu.memory_space<hbm>> -> memref<1024xi32, #tpu.memory_space<hbm>>
      tpu.enqueue_dma source(%dma_start3A_727 : memref<1024xi32, #tpu.memory_space<hbm>>) target(%arg11 : memref<1024xi32, #tpu.memory_space<vmem>>) target_semaphore(%run_scoped3A : memref<!tpu.dma_semaphore, #tpu.memory_space<semaphore_mem>>)
      %dma_wait3A_728 = tpu.memref_slice %arg3[%mul3A_3] : memref<32768xi32, #tpu.memory_space<hbm>> -> memref<1024xi32, #tpu.memory_space<hbm>>
      %dma_wait3A_729 = tpu.memref_slice %arg3[%mul3A_3] : memref<32768xi32, #tpu.memory_space<hbm>> -> memref<1024xi32, #tpu.memory_space<hbm>>
      tpu.wait_dma2 semaphore(%run_scoped3A : memref<!tpu.dma_semaphore, #tpu.memory_space<semaphore_mem>>) src(%dma_wait3A_729 : memref<1024xi32, #tpu.memory_space<hbm>>) dst(%arg11 : memref<1024xi32, #tpu.memory_space<vmem>>)
      tpu.yield
    }) : () -> ()
    %iota3A = tpu.iota {dimensions = array<i32: 0>} : vector<16xi32>
    %add3A_4 = arith.constant 0 : i32
    %add3A_5 = vector.broadcast %add3A_4 : i32 to vector<16xi32>
    %add3A_6 = arith.addi %iota3A, %add3A_5 : vector<16xi32>
    %get3A_7 = arith.constant 0 : index
    %get3A_8 = tpu.vector_load %arg11[%get3A_7] {strides = array<i32>} : memref<1024xi32, #tpu.memory_space<vmem>>, vector<16xi32>,
    %mul3A_9 = arith.constant 512 : i32
    %mul3A_10 = vector.broadcast %mul3A_9 : i32 to vector<16xi32>
    %mul3A_11 = arith.muli %mul3A_10, %get3A_8 : vector<16xi32>
    %add3A_12 = arith.addi %add3A_6, %mul3A_11 : vector<16xi32>
    %swap3A = arith.constant 0 : index
    %swap3A_13 = tpu.vector_load %arg12[%swap3A] {strides = array<i32>} : memref<1024xi32, #tpu.memory_space<vmem>>, vector<16xi32>,
    tpu.vector_store %arg12[%swap3A], %add3A_12 {strides = array<i32>} : memref<1024xi32, #tpu.memory_space<vmem>>, vector<16xi32>,
    %add3A_14 = arith.constant 16 : i32
    %add3A_15 = vector.broadcast %add3A_14 : i32 to vector<16xi32>
    %add3A_16 = arith.addi %iota3A, %add3A_15 : vector<16xi32>
    %get3A_17 = arith.constant 16 : index
    %get3A_18 = tpu.vector_load %arg11[%get3A_17] {strides = array<i32>} : memref<1024xi32, #tpu.memory_space<vmem>>, vector<16xi32>,
    %mul3A_19 = arith.constant 512 : i32
    %mul3A_20 = vector.broadcast %mul3A_19 : i32 to vector<16xi32>
    %mul3A_21 = arith.muli %mul3A_20, %get3A_18 : vector<16xi32>
    %add3A_22 = arith.addi %add3A_16, %mul3A_21 : vector<16xi32>
    %swap3A_23 = arith.constant 16 : index
    %swap3A_24 = tpu.vector_load %arg12[%swap3A_23] {strides = array<i32>} : memref<1024xi32, #tpu.memory_space<vmem>>, vector<16xi32>,
    tpu.vector_store %arg12[%swap3A_23], %add3A_22 {strides = array<i32>} : memref<1024xi32, #tpu.memory_space<vmem>>, vector<16xi32>,
    %add3A_25 = arith.constant 32 : i32
    %add3A_26 = vector.broadcast %add3A_25 : i32 to vector<16xi32>
    %add3A_27 = arith.addi %iota3A, %add3A_26 : vector<16xi32>
    %get3A_28 = arith.constant 32 : index
    %get3A_29 = tpu.vector_load %arg11[%get3A_28] {strides = array<i32>} : memref<1024xi32, #tpu.memory_space<vmem>>, vector<16xi32>,
    %mul3A_30 = arith.constant 512 : i32
    %mul3A_31 = vector.broadcast %mul3A_30 : i32 to vector<16xi32>
    %mul3A_32 = arith.muli %mul3A_31, %get3A_29 : vector<16xi32>
    %add3A_33 = arith.addi %add3A_27, %mul3A_32 : vector<16xi32>
    %swap3A_34 = arith.constant 32 : index
    %swap3A_35 = tpu.vector_load %arg12[%swap3A_34] {strides = array<i32>} : memref<1024xi32, #tpu.memory_space<vmem>>, vector<16xi32>,
    tpu.vector_store %arg12[%swap3A_34], %add3A_33 {strides = array<i32>} : memref<1024xi32, #tpu.memory_space<vmem>>, vector<16xi32>,
    %add3A_36 = arith.constant 48 : i32
    %add3A_37 = vector.broadcast %add3A_36 : i32 to vector<16xi32>
    %add3A_38 = arith.addi %iota3A, %add3A_37 : vector<16xi32>
    %get3A_39 = arith.constant 48 : index
    %get3A_40 = tpu.vector_load %arg11[%get3A_39] {strides = array<i32>} : memref<1024xi32, #tpu.memory_space<vmem>>, vector<16xi32>,
    %mul3A_41 = arith.constant 512 : i32
    %mul3A_42 = vector.broadcast %mul3A_41 : i32 to vector<16xi32>
    %mul3A_43 = arith.muli %mul3A_42, %get3A_40 : vector<16xi32>
    %add3A_44 = arith.addi %add3A_38, %mul3A_43 : vector<16xi32>
    %swap3A_45 = arith.constant 48 : index
    %swap3A_46 = tpu.vector_load %arg12[%swap3A_45] {strides = array<i32>} : memref<1024xi32, #tpu.memory_space<vmem>>, vector<16xi32>,
    tpu.vector_store %arg12[%swap3A_45], %add3A_44 {strides = array<i32>} : memref<1024xi32, #tpu.memory_space<vmem>>, vector<16xi32>,
    %add3A_47 = arith.constant 64 : i32
    %add3A_48 = vector.broadcast %add3A_47 : i32 to vector<16xi32>
    %add3A_49 = arith.addi %iota3A, %add3A_48 : vector<16xi32>
    %get3A_50 = arith.constant 64 : index
    %get3A_51 = tpu.vector_load %arg11[%get3A_50] {strides = array<i32>} : memref<1024xi32, #tpu.memory_space<vmem>>, vector<16xi32>,
    %mul3A_52 = arith.constant 512 : i32
    %mul3A_53 = vector.broadcast %mul3A_52 : i32 to vector<16xi32>
    %mul3A_54 = arith.muli %mul3A_53, %get3A_51 : vector<16xi32>
    %add3A_55 = arith.addi %add3A_49, %mul3A_54 : vector<16xi32>
    %swap3A_56 = arith.constant 64 : index
    %swap3A_57 = tpu.vector_load %arg12[%swap3A_56] {strides = array<i32>} : memref<1024xi32, #tpu.memory_space<vmem>>, vector<16xi32>,
    tpu.vector_store %arg12[%swap3A_56], %add3A_55 {strides = array<i32>} : memref<1024xi32, #tpu.memory_space<vmem>>, vector<16xi32>,
    %add3A_58 = arith.constant 80 : i32
    %add3A_59 = vector.broadcast %add3A_58 : i32 to vector<16xi32>
    %add3A_60 = arith.addi %iota3A, %add3A_59 : vector<16xi32>
    %get3A_61 = arith.constant 80 : index
    %get3A_62 = tpu.vector_load %arg11[%get3A_61] {strides = array<i32>} : memref<1024xi32, #tpu.memory_space<vmem>>, vector<16xi32>,
    %mul3A_63 = arith.constant 512 : i32
    %mul3A_64 = vector.broadcast %mul3A_63 : i32 to vector<16xi32>
    %mul3A_65 = arith.muli %mul3A_64, %get3A_62 : vector<16xi32>
    %add3A_66 = arith.addi %add3A_60, %mul3A_65 : vector<16xi32>
    %swap3A_67 = arith.constant 80 : index
    %swap3A_68 = tpu.vector_load %arg12[%swap3A_67] {strides = array<i32>} : memref<1024xi32, #tpu.memory_space<vmem>>, vector<16xi32>,
    tpu.vector_store %arg12[%swap3A_67], %add3A_66 {strides = array<i32>} : memref<1024xi32, #tpu.memory_space<vmem>>, vector<16xi32>,
    %add3A_69 = arith.constant 96 : i32
    %add3A_70 = vector.broadcast %add3A_69 : i32 to vector<16xi32>
    %add3A_71 = arith.addi %iota3A, %add3A_70 : vector<16xi32>
    %get3A_72 = arith.constant 96 : index
    %get3A_73 = tpu.vector_load %arg11[%get3A_72] {strides = array<i32>} : memref<1024xi32, #tpu.memory_space<vmem>>, vector<16xi32>,
    %mul3A_74 = arith.constant 512 : i32
    %mul3A_75 = vector.broadcast %mul3A_74 : i32 to vector<16xi32>
    %mul3A_76 = arith.muli %mul3A_75, %get3A_73 : vector<16xi32>
    %add3A_77 = arith.addi %add3A_71, %mul3A_76 : vector<16xi32>
    %swap3A_78 = arith.constant 96 : index
    %swap3A_79 = tpu.vector_load %arg12[%swap3A_78] {strides = array<i32>} : memref<1024xi32, #tpu.memory_space<vmem>>, vector<16xi32>,
    tpu.vector_store %arg12[%swap3A_78], %add3A_77 {strides = array<i32>} : memref<1024xi32, #tpu.memory_space<vmem>>, vector<16xi32>,
    %add3A_80 = arith.constant 112 : i32
    %add3A_81 = vector.broadcast %add3A_80 : i32 to vector<16xi32>
    %add3A_82 = arith.addi %iota3A, %add3A_81 : vector<16xi32>
    %get3A_83 = arith.constant 112 : index
    %get3A_84 = tpu.vector_load %arg11[%get3A_83] {strides = array<i32>} : memref<1024xi32, #tpu.memory_space<vmem>>, vector<16xi32>,
    %mul3A_85 = arith.constant 512 : i32
    %mul3A_86 = vector.broadcast %mul3A_85 : i32 to vector<16xi32>
    %mul3A_87 = arith.muli %mul3A_86, %get3A_84 : vector<16xi32>
    %add3A_88 = arith.addi %add3A_82, %mul3A_87 : vector<16xi32>
    %swap3A_89 = arith.constant 112 : index
    %swap3A_90 = tpu.vector_load %arg12[%swap3A_89] {strides = array<i32>} : memref<1024xi32, #tpu.memory_space<vmem>>, vector<16xi32>,
    tpu.vector_store %arg12[%swap3A_89], %add3A_88 {strides = array<i32>} : memref<1024xi32, #tpu.memory_space<vmem>>, vector<16xi32>,
    %add3A_91 = arith.constant 128 : i32
    %add3A_92 = vector.broadcast %add3A_91 : i32 to vector<16xi32>
    %add3A_93 = arith.addi %iota3A, %add3A_92 : vector<16xi32>
    %get3A_94 = arith.constant 128 : index
    %get3A_95 = tpu.vector_load %arg11[%get3A_94] {strides = array<i32>} : memref<1024xi32, #tpu.memory_space<vmem>>, vector<16xi32>,
    %mul3A_96 = arith.constant 512 : i32
    %mul3A_97 = vector.broadcast %mul3A_96 : i32 to vector<16xi32>
    %mul3A_98 = arith.muli %mul3A_97, %get3A_95 : vector<16xi32>
    %add3A_99 = arith.addi %add3A_93, %mul3A_98 : vector<16xi32>
    %swap3A_100 = arith.constant 128 : index
    %swap3A_101 = tpu.vector_load %arg12[%swap3A_100] {strides = array<i32>} : memref<1024xi32, #tpu.memory_space<vmem>>, vector<16xi32>,
    tpu.vector_store %arg12[%swap3A_100], %add3A_99 {strides = array<i32>} : memref<1024xi32, #tpu.memory_space<vmem>>, vector<16xi32>,
    %add3A_102 = arith.constant 144 : i32
    %add3A_103 = vector.broadcast %add3A_102 : i32 to vector<16xi32>
    %add3A_104 = arith.addi %iota3A, %add3A_103 : vector<16xi32>
    %get3A_105 = arith.constant 144 : index
    %get3A_106 = tpu.vector_load %arg11[%get3A_105] {strides = array<i32>} : memref<1024xi32, #tpu.memory_space<vmem>>, vector<16xi32>,
    %mul3A_107 = arith.constant 512 : i32
    %mul3A_108 = vector.broadcast %mul3A_107 : i32 to vector<16xi32>
    %mul3A_109 = arith.muli %mul3A_108, %get3A_106 : vector<16xi32>
    %add3A_110 = arith.addi %add3A_104, %mul3A_109 : vector<16xi32>
    %swap3A_111 = arith.constant 144 : index
    %swap3A_112 = tpu.vector_load %arg12[%swap3A_111] {strides = array<i32>} : memref<1024xi32, #tpu.memory_space<vmem>>, vector<16xi32>,
    tpu.vector_store %arg12[%swap3A_111], %add3A_110 {strides = array<i32>} : memref<1024xi32, #tpu.memory_space<vmem>>, vector<16xi32>,
    %add3A_113 = arith.constant 160 : i32
    %add3A_114 = vector.broadcast %add3A_113 : i32 to vector<16xi32>
    %add3A_115 = arith.addi %iota3A, %add3A_114 : vector<16xi32>
    %get3A_116 = arith.constant 160 : index
    %get3A_117 = tpu.vector_load %arg11[%get3A_116] {strides = array<i32>} : memref<1024xi32, #tpu.memory_space<vmem>>, vector<16xi32>,
    %mul3A_118 = arith.constant 512 : i32
    %mul3A_119 = vector.broadcast %mul3A_118 : i32 to vector<16xi32>
    %mul3A_120 = arith.muli %mul3A_119, %get3A_117 : vector<16xi32>
    %add3A_121 = arith.addi %add3A_115, %mul3A_120 : vector<16xi32>
    %swap3A_122 = arith.constant 160 : index
    %swap3A_123 = tpu.vector_load %arg12[%swap3A_122] {strides = array<i32>} : memref<1024xi32, #tpu.memory_space<vmem>>, vector<16xi32>,
    tpu.vector_store %arg12[%swap3A_122], %add3A_121 {strides = array<i32>} : memref<1024xi32, #tpu.memory_space<vmem>>, vector<16xi32>,
    %add3A_124 = arith.constant 176 : i32
    %add3A_125 = vector.broadcast %add3A_124 : i32 to vector<16xi32>
    %add3A_126 = arith.addi %iota3A, %add3A_125 : vector<16xi32>
    %get3A_127 = arith.constant 176 : index
    %get3A_128 = tpu.vector_load %arg11[%get3A_127] {strides = array<i32>} : memref<1024xi32, #tpu.memory_space<vmem>>, vector<16xi32>,
    %mul3A_129 = arith.constant 512 : i32
    %mul3A_130 = vector.broadcast %mul3A_129 : i32 to vector<16xi32>
    %mul3A_131 = arith.muli %mul3A_130, %get3A_128 : vector<16xi32>
    %add3A_132 = arith.addi %add3A_126, %mul3A_131 : vector<16xi32>
    %swap3A_133 = arith.constant 176 : index
    %swap3A_134 = tpu.vector_load %arg12[%swap3A_133] {strides = array<i32>} : memref<1024xi32, #tpu.memory_space<vmem>>, vector<16xi32>,
    tpu.vector_store %arg12[%swap3A_133], %add3A_132 {strides = array<i32>} : memref<1024xi32, #tpu.memory_space<vmem>>, vector<16xi32>,
    %add3A_135 = arith.constant 192 : i32
    %add3A_136 = vector.broadcast %add3A_135 : i32 to vector<16xi32>
    %add3A_137 = arith.addi %iota3A, %add3A_136 : vector<16xi32>
    %get3A_138 = arith.constant 192 : index
    %get3A_139 = tpu.vector_load %arg11[%get3A_138] {strides = array<i32>} : memref<1024xi32, #tpu.memory_space<vmem>>, vector<16xi32>,
    %mul3A_140 = arith.constant 512 : i32
    %mul3A_141 = vector.broadcast %mul3A_140 : i32 to vector<16xi32>
    %mul3A_142 = arith.muli %mul3A_141, %get3A_139 : vector<16xi32>
    %add3A_143 = arith.addi %add3A_137, %mul3A_142 : vector<16xi32>
    %swap3A_144 = arith.constant 192 : index
    %swap3A_145 = tpu.vector_load %arg12[%swap3A_144] {strides = array<i32>} : memref<1024xi32, #tpu.memory_space<vmem>>, vector<16xi32>,
    tpu.vector_store %arg12[%swap3A_144], %add3A_143 {strides = array<i32>} : memref<1024xi32, #tpu.memory_space<vmem>>, vector<16xi32>,
    %add3A_146 = arith.constant 208 : i32
    %add3A_147 = vector.broadcast %add3A_146 : i32 to vector<16xi32>
    %add3A_148 = arith.addi %iota3A, %add3A_147 : vector<16xi32>
    %get3A_149 = arith.constant 208 : index
    %get3A_150 = tpu.vector_load %arg11[%get3A_149] {strides = array<i32>} : memref<1024xi32, #tpu.memory_space<vmem>>, vector<16xi32>,
    %mul3A_151 = arith.constant 512 : i32
    %mul3A_152 = vector.broadcast %mul3A_151 : i32 to vector<16xi32>
    %mul3A_153 = arith.muli %mul3A_152, %get3A_150 : vector<16xi32>
    %add3A_154 = arith.addi %add3A_148, %mul3A_153 : vector<16xi32>
    %swap3A_155 = arith.constant 208 : index
    %swap3A_156 = tpu.vector_load %arg12[%swap3A_155] {strides = array<i32>} : memref<1024xi32, #tpu.memory_space<vmem>>, vector<16xi32>,
    tpu.vector_store %arg12[%swap3A_155], %add3A_154 {strides = array<i32>} : memref<1024xi32, #tpu.memory_space<vmem>>, vector<16xi32>,
    %add3A_157 = arith.constant 224 : i32
    %add3A_158 = vector.broadcast %add3A_157 : i32 to vector<16xi32>
    %add3A_159 = arith.addi %iota3A, %add3A_158 : vector<16xi32>
    %get3A_160 = arith.constant 224 : index
    %get3A_161 = tpu.vector_load %arg11[%get3A_160] {strides = array<i32>} : memref<1024xi32, #tpu.memory_space<vmem>>, vector<16xi32>,
    %mul3A_162 = arith.constant 512 : i32
    %mul3A_163 = vector.broadcast %mul3A_162 : i32 to vector<16xi32>
    %mul3A_164 = arith.muli %mul3A_163, %get3A_161 : vector<16xi32>
    %add3A_165 = arith.addi %add3A_159, %mul3A_164 : vector<16xi32>
    %swap3A_166 = arith.constant 224 : index
    %swap3A_167 = tpu.vector_load %arg12[%swap3A_166] {strides = array<i32>} : memref<1024xi32, #tpu.memory_space<vmem>>, vector<16xi32>,
    tpu.vector_store %arg12[%swap3A_166], %add3A_165 {strides = array<i32>} : memref<1024xi32, #tpu.memory_space<vmem>>, vector<16xi32>,
    %add3A_168 = arith.constant 240 : i32
    %add3A_169 = vector.broadcast %add3A_168 : i32 to vector<16xi32>
    %add3A_170 = arith.addi %iota3A, %add3A_169 : vector<16xi32>
    %get3A_171 = arith.constant 240 : index
    %get3A_172 = tpu.vector_load %arg11[%get3A_171] {strides = array<i32>} : memref<1024xi32, #tpu.memory_space<vmem>>, vector<16xi32>,
    %mul3A_173 = arith.constant 512 : i32
    %mul3A_174 = vector.broadcast %mul3A_173 : i32 to vector<16xi32>
    %mul3A_175 = arith.muli %mul3A_174, %get3A_172 : vector<16xi32>
    %add3A_176 = arith.addi %add3A_170, %mul3A_175 : vector<16xi32>
    %swap3A_177 = arith.constant 240 : index
    %swap3A_178 = tpu.vector_load %arg12[%swap3A_177] {strides = array<i32>} : memref<1024xi32, #tpu.memory_space<vmem>>, vector<16xi32>,
    tpu.vector_store %arg12[%swap3A_177], %add3A_176 {strides = array<i32>} : memref<1024xi32, #tpu.memory_space<vmem>>, vector<16xi32>,
    %add3A_179 = arith.constant 256 : i32
    %add3A_180 = vector.broadcast %add3A_179 : i32 to vector<16xi32>
    %add3A_181 = arith.addi %iota3A, %add3A_180 : vector<16xi32>
    %get3A_182 = arith.constant 256 : index
    %get3A_183 = tpu.vector_load %arg11[%get3A_182] {strides = array<i32>} : memref<1024xi32, #tpu.memory_space<vmem>>, vector<16xi32>,
    %mul3A_184 = arith.constant 512 : i32
    %mul3A_185 = vector.broadcast %mul3A_184 : i32 to vector<16xi32>
    %mul3A_186 = arith.muli %mul3A_185, %get3A_183 : vector<16xi32>
    %add3A_187 = arith.addi %add3A_181, %mul3A_186 : vector<16xi32>
    %swap3A_188 = arith.constant 256 : index
    %swap3A_189 = tpu.vector_load %arg12[%swap3A_188] {strides = array<i32>} : memref<1024xi32, #tpu.memory_space<vmem>>, vector<16xi32>,
    tpu.vector_store %arg12[%swap3A_188], %add3A_187 {strides = array<i32>} : memref<1024xi32, #tpu.memory_space<vmem>>, vector<16xi32>,
    %add3A_190 = arith.constant 272 : i32
    %add3A_191 = vector.broadcast %add3A_190 : i32 to vector<16xi32>
    %add3A_192 = arith.addi %iota3A, %add3A_191 : vector<16xi32>
    %get3A_193 = arith.constant 272 : index
    %get3A_194 = tpu.vector_load %arg11[%get3A_193] {strides = array<i32>} : memref<1024xi32, #tpu.memory_space<vmem>>, vector<16xi32>,
    %mul3A_195 = arith.constant 512 : i32
    %mul3A_196 = vector.broadcast %mul3A_195 : i32 to vector<16xi32>
    %mul3A_197 = arith.muli %mul3A_196, %get3A_194 : vector<16xi32>
    %add3A_198 = arith.addi %add3A_192, %mul3A_197 : vector<16xi32>
    %swap3A_199 = arith.constant 272 : index
    %swap3A_200 = tpu.vector_load %arg12[%swap3A_199] {strides = array<i32>} : memref<1024xi32, #tpu.memory_space<vmem>>, vector<16xi32>,
    tpu.vector_store %arg12[%swap3A_199], %add3A_198 {strides = array<i32>} : memref<1024xi32, #tpu.memory_space<vmem>>, vector<16xi32>,
    %add3A_201 = arith.constant 288 : i32
    %add3A_202 = vector.broadcast %add3A_201 : i32 to vector<16xi32>
    %add3A_203 = arith.addi %iota3A, %add3A_202 : vector<16xi32>
    %get3A_204 = arith.constant 288 : index
    %get3A_205 = tpu.vector_load %arg11[%get3A_204] {strides = array<i32>} : memref<1024xi32, #tpu.memory_space<vmem>>, vector<16xi32>,
    %mul3A_206 = arith.constant 512 : i32
    %mul3A_207 = vector.broadcast %mul3A_206 : i32 to vector<16xi32>
    %mul3A_208 = arith.muli %mul3A_207, %get3A_205 : vector<16xi32>
    %add3A_209 = arith.addi %add3A_203, %mul3A_208 : vector<16xi32>
    %swap3A_210 = arith.constant 288 : index
    %swap3A_211 = tpu.vector_load %arg12[%swap3A_210] {strides = array<i32>} : memref<1024xi32, #tpu.memory_space<vmem>>, vector<16xi32>,
    tpu.vector_store %arg12[%swap3A_210], %add3A_209 {strides = array<i32>} : memref<1024xi32, #tpu.memory_space<vmem>>, vector<16xi32>,
    %add3A_212 = arith.constant 304 : i32
    %add3A_213 = vector.broadcast %add3A_212 : i32 to vector<16xi32>
    %add3A_214 = arith.addi %iota3A, %add3A_213 : vector<16xi32>
    %get3A_215 = arith.constant 304 : index
    %get3A_216 = tpu.vector_load %arg11[%get3A_215] {strides = array<i32>} : memref<1024xi32, #tpu.memory_space<vmem>>, vector<16xi32>,
    %mul3A_217 = arith.constant 512 : i32
    %mul3A_218 = vector.broadcast %mul3A_217 : i32 to vector<16xi32>
    %mul3A_219 = arith.muli %mul3A_218, %get3A_216 : vector<16xi32>
    %add3A_220 = arith.addi %add3A_214, %mul3A_219 : vector<16xi32>
    %swap3A_221 = arith.constant 304 : index
    %swap3A_222 = tpu.vector_load %arg12[%swap3A_221] {strides = array<i32>} : memref<1024xi32, #tpu.memory_space<vmem>>, vector<16xi32>,
    tpu.vector_store %arg12[%swap3A_221], %add3A_220 {strides = array<i32>} : memref<1024xi32, #tpu.memory_space<vmem>>, vector<16xi32>,
    %add3A_223 = arith.constant 320 : i32
    %add3A_224 = vector.broadcast %add3A_223 : i32 to vector<16xi32>
    %add3A_225 = arith.addi %iota3A, %add3A_224 : vector<16xi32>
    %get3A_226 = arith.constant 320 : index
    %get3A_227 = tpu.vector_load %arg11[%get3A_226] {strides = array<i32>} : memref<1024xi32, #tpu.memory_space<vmem>>, vector<16xi32>,
    %mul3A_228 = arith.constant 512 : i32
    %mul3A_229 = vector.broadcast %mul3A_228 : i32 to vector<16xi32>
    %mul3A_230 = arith.muli %mul3A_229, %get3A_227 : vector<16xi32>
    %add3A_231 = arith.addi %add3A_225, %mul3A_230 : vector<16xi32>
    %swap3A_232 = arith.constant 320 : index
    %swap3A_233 = tpu.vector_load %arg12[%swap3A_232] {strides = array<i32>} : memref<1024xi32, #tpu.memory_space<vmem>>, vector<16xi32>,
    tpu.vector_store %arg12[%swap3A_232], %add3A_231 {strides = array<i32>} : memref<1024xi32, #tpu.memory_space<vmem>>, vector<16xi32>,
    %add3A_234 = arith.constant 336 : i32
    %add3A_235 = vector.broadcast %add3A_234 : i32 to vector<16xi32>
    %add3A_236 = arith.addi %iota3A, %add3A_235 : vector<16xi32>
    %get3A_237 = arith.constant 336 : index
    %get3A_238 = tpu.vector_load %arg11[%get3A_237] {strides = array<i32>} : memref<1024xi32, #tpu.memory_space<vmem>>, vector<16xi32>,
    %mul3A_239 = arith.constant 512 : i32
    %mul3A_240 = vector.broadcast %mul3A_239 : i32 to vector<16xi32>
    %mul3A_241 = arith.muli %mul3A_240, %get3A_238 : vector<16xi32>
    %add3A_242 = arith.addi %add3A_236, %mul3A_241 : vector<16xi32>
    %swap3A_243 = arith.constant 336 : index
    %swap3A_244 = tpu.vector_load %arg12[%swap3A_243] {strides = array<i32>} : memref<1024xi32, #tpu.memory_space<vmem>>, vector<16xi32>,
    tpu.vector_store %arg12[%swap3A_243], %add3A_242 {strides = array<i32>} : memref<1024xi32, #tpu.memory_space<vmem>>, vector<16xi32>,
    %add3A_245 = arith.constant 352 : i32
    %add3A_246 = vector.broadcast %add3A_245 : i32 to vector<16xi32>
    %add3A_247 = arith.addi %iota3A, %add3A_246 : vector<16xi32>
    %get3A_248 = arith.constant 352 : index
    %get3A_249 = tpu.vector_load %arg11[%get3A_248] {strides = array<i32>} : memref<1024xi32, #tpu.memory_space<vmem>>, vector<16xi32>,
    %mul3A_250 = arith.constant 512 : i32
    %mul3A_251 = vector.broadcast %mul3A_250 : i32 to vector<16xi32>
    %mul3A_252 = arith.muli %mul3A_251, %get3A_249 : vector<16xi32>
    %add3A_253 = arith.addi %add3A_247, %mul3A_252 : vector<16xi32>
    %swap3A_254 = arith.constant 352 : index
    %swap3A_255 = tpu.vector_load %arg12[%swap3A_254] {strides = array<i32>} : memref<1024xi32, #tpu.memory_space<vmem>>, vector<16xi32>,
    tpu.vector_store %arg12[%swap3A_254], %add3A_253 {strides = array<i32>} : memref<1024xi32, #tpu.memory_space<vmem>>, vector<16xi32>,
    %add3A_256 = arith.constant 368 : i32
    %add3A_257 = vector.broadcast %add3A_256 : i32 to vector<16xi32>
    %add3A_258 = arith.addi %iota3A, %add3A_257 : vector<16xi32>
    %get3A_259 = arith.constant 368 : index
    %get3A_260 = tpu.vector_load %arg11[%get3A_259] {strides = array<i32>} : memref<1024xi32, #tpu.memory_space<vmem>>, vector<16xi32>,
    %mul3A_261 = arith.constant 512 : i32
    %mul3A_262 = vector.broadcast %mul3A_261 : i32 to vector<16xi32>
    %mul3A_263 = arith.muli %mul3A_262, %get3A_260 : vector<16xi32>
    %add3A_264 = arith.addi %add3A_258, %mul3A_263 : vector<16xi32>
    %swap3A_265 = arith.constant 368 : index
    %swap3A_266 = tpu.vector_load %arg12[%swap3A_265] {strides = array<i32>} : memref<1024xi32, #tpu.memory_space<vmem>>, vector<16xi32>,
    tpu.vector_store %arg12[%swap3A_265], %add3A_264 {strides = array<i32>} : memref<1024xi32, #tpu.memory_space<vmem>>, vector<16xi32>,
    %add3A_267 = arith.constant 384 : i32
    %add3A_268 = vector.broadcast %add3A_267 : i32 to vector<16xi32>
    %add3A_269 = arith.addi %iota3A, %add3A_268 : vector<16xi32>
    %get3A_270 = arith.constant 384 : index
    %get3A_271 = tpu.vector_load %arg11[%get3A_270] {strides = array<i32>} : memref<1024xi32, #tpu.memory_space<vmem>>, vector<16xi32>,
    %mul3A_272 = arith.constant 512 : i32
    %mul3A_273 = vector.broadcast %mul3A_272 : i32 to vector<16xi32>
    %mul3A_274 = arith.muli %mul3A_273, %get3A_271 : vector<16xi32>
    %add3A_275 = arith.addi %add3A_269, %mul3A_274 : vector<16xi32>
    %swap3A_276 = arith.constant 384 : index
    %swap3A_277 = tpu.vector_load %arg12[%swap3A_276] {strides = array<i32>} : memref<1024xi32, #tpu.memory_space<vmem>>, vector<16xi32>,
    tpu.vector_store %arg12[%swap3A_276], %add3A_275 {strides = array<i32>} : memref<1024xi32, #tpu.memory_space<vmem>>, vector<16xi32>,
    %add3A_278 = arith.constant 400 : i32
    %add3A_279 = vector.broadcast %add3A_278 : i32 to vector<16xi32>
    %add3A_280 = arith.addi %iota3A, %add3A_279 : vector<16xi32>
    %get3A_281 = arith.constant 400 : index
    %get3A_282 = tpu.vector_load %arg11[%get3A_281] {strides = array<i32>} : memref<1024xi32, #tpu.memory_space<vmem>>, vector<16xi32>,
    %mul3A_283 = arith.constant 512 : i32
    %mul3A_284 = vector.broadcast %mul3A_283 : i32 to vector<16xi32>
    %mul3A_285 = arith.muli %mul3A_284, %get3A_282 : vector<16xi32>
    %add3A_286 = arith.addi %add3A_280, %mul3A_285 : vector<16xi32>
    %swap3A_287 = arith.constant 400 : index
    %swap3A_288 = tpu.vector_load %arg12[%swap3A_287] {strides = array<i32>} : memref<1024xi32, #tpu.memory_space<vmem>>, vector<16xi32>,
    tpu.vector_store %arg12[%swap3A_287], %add3A_286 {strides = array<i32>} : memref<1024xi32, #tpu.memory_space<vmem>>, vector<16xi32>,
    %add3A_289 = arith.constant 416 : i32
    %add3A_290 = vector.broadcast %add3A_289 : i32 to vector<16xi32>
    %add3A_291 = arith.addi %iota3A, %add3A_290 : vector<16xi32>
    %get3A_292 = arith.constant 416 : index
    %get3A_293 = tpu.vector_load %arg11[%get3A_292] {strides = array<i32>} : memref<1024xi32, #tpu.memory_space<vmem>>, vector<16xi32>,
    %mul3A_294 = arith.constant 512 : i32
    %mul3A_295 = vector.broadcast %mul3A_294 : i32 to vector<16xi32>
    %mul3A_296 = arith.muli %mul3A_295, %get3A_293 : vector<16xi32>
    %add3A_297 = arith.addi %add3A_291, %mul3A_296 : vector<16xi32>
    %swap3A_298 = arith.constant 416 : index
    %swap3A_299 = tpu.vector_load %arg12[%swap3A_298] {strides = array<i32>} : memref<1024xi32, #tpu.memory_space<vmem>>, vector<16xi32>,
    tpu.vector_store %arg12[%swap3A_298], %add3A_297 {strides = array<i32>} : memref<1024xi32, #tpu.memory_space<vmem>>, vector<16xi32>,
    %add3A_300 = arith.constant 432 : i32
    %add3A_301 = vector.broadcast %add3A_300 : i32 to vector<16xi32>
    %add3A_302 = arith.addi %iota3A, %add3A_301 : vector<16xi32>
    %get3A_303 = arith.constant 432 : index
    %get3A_304 = tpu.vector_load %arg11[%get3A_303] {strides = array<i32>} : memref<1024xi32, #tpu.memory_space<vmem>>, vector<16xi32>,
    %mul3A_305 = arith.constant 512 : i32
    %mul3A_306 = vector.broadcast %mul3A_305 : i32 to vector<16xi32>
    %mul3A_307 = arith.muli %mul3A_306, %get3A_304 : vector<16xi32>
    %add3A_308 = arith.addi %add3A_302, %mul3A_307 : vector<16xi32>
    %swap3A_309 = arith.constant 432 : index
    %swap3A_310 = tpu.vector_load %arg12[%swap3A_309] {strides = array<i32>} : memref<1024xi32, #tpu.memory_space<vmem>>, vector<16xi32>,
    tpu.vector_store %arg12[%swap3A_309], %add3A_308 {strides = array<i32>} : memref<1024xi32, #tpu.memory_space<vmem>>, vector<16xi32>,
    %add3A_311 = arith.constant 448 : i32
    %add3A_312 = vector.broadcast %add3A_311 : i32 to vector<16xi32>
    %add3A_313 = arith.addi %iota3A, %add3A_312 : vector<16xi32>
    %get3A_314 = arith.constant 448 : index
    %get3A_315 = tpu.vector_load %arg11[%get3A_314] {strides = array<i32>} : memref<1024xi32, #tpu.memory_space<vmem>>, vector<16xi32>,
    %mul3A_316 = arith.constant 512 : i32
    %mul3A_317 = vector.broadcast %mul3A_316 : i32 to vector<16xi32>
    %mul3A_318 = arith.muli %mul3A_317, %get3A_315 : vector<16xi32>
    %add3A_319 = arith.addi %add3A_313, %mul3A_318 : vector<16xi32>
    %swap3A_320 = arith.constant 448 : index
    %swap3A_321 = tpu.vector_load %arg12[%swap3A_320] {strides = array<i32>} : memref<1024xi32, #tpu.memory_space<vmem>>, vector<16xi32>,
    tpu.vector_store %arg12[%swap3A_320], %add3A_319 {strides = array<i32>} : memref<1024xi32, #tpu.memory_space<vmem>>, vector<16xi32>,
    %add3A_322 = arith.constant 464 : i32
    %add3A_323 = vector.broadcast %add3A_322 : i32 to vector<16xi32>
    %add3A_324 = arith.addi %iota3A, %add3A_323 : vector<16xi32>
    %get3A_325 = arith.constant 464 : index
    %get3A_326 = tpu.vector_load %arg11[%get3A_325] {strides = array<i32>} : memref<1024xi32, #tpu.memory_space<vmem>>, vector<16xi32>,
    %mul3A_327 = arith.constant 512 : i32
    %mul3A_328 = vector.broadcast %mul3A_327 : i32 to vector<16xi32>
    %mul3A_329 = arith.muli %mul3A_328, %get3A_326 : vector<16xi32>
    %add3A_330 = arith.addi %add3A_324, %mul3A_329 : vector<16xi32>
    %swap3A_331 = arith.constant 464 : index
    %swap3A_332 = tpu.vector_load %arg12[%swap3A_331] {strides = array<i32>} : memref<1024xi32, #tpu.memory_space<vmem>>, vector<16xi32>,
    tpu.vector_store %arg12[%swap3A_331], %add3A_330 {strides = array<i32>} : memref<1024xi32, #tpu.memory_space<vmem>>, vector<16xi32>,
    %add3A_333 = arith.constant 480 : i32
    %add3A_334 = vector.broadcast %add3A_333 : i32 to vector<16xi32>
    %add3A_335 = arith.addi %iota3A, %add3A_334 : vector<16xi32>
    %get3A_336 = arith.constant 480 : index
    %get3A_337 = tpu.vector_load %arg11[%get3A_336] {strides = array<i32>} : memref<1024xi32, #tpu.memory_space<vmem>>, vector<16xi32>,
    %mul3A_338 = arith.constant 512 : i32
    %mul3A_339 = vector.broadcast %mul3A_338 : i32 to vector<16xi32>
    %mul3A_340 = arith.muli %mul3A_339, %get3A_337 : vector<16xi32>
    %add3A_341 = arith.addi %add3A_335, %mul3A_340 : vector<16xi32>
    %swap3A_342 = arith.constant 480 : index
    %swap3A_343 = tpu.vector_load %arg12[%swap3A_342] {strides = array<i32>} : memref<1024xi32, #tpu.memory_space<vmem>>, vector<16xi32>,
    tpu.vector_store %arg12[%swap3A_342], %add3A_341 {strides = array<i32>} : memref<1024xi32, #tpu.memory_space<vmem>>, vector<16xi32>,
    %add3A_344 = arith.constant 496 : i32
    %add3A_345 = vector.broadcast %add3A_344 : i32 to vector<16xi32>
    %add3A_346 = arith.addi %iota3A, %add3A_345 : vector<16xi32>
    %get3A_347 = arith.constant 496 : index
    %get3A_348 = tpu.vector_load %arg11[%get3A_347] {strides = array<i32>} : memref<1024xi32, #tpu.memory_space<vmem>>, vector<16xi32>,
    %mul3A_349 = arith.constant 512 : i32
    %mul3A_350 = vector.broadcast %mul3A_349 : i32 to vector<16xi32>
    %mul3A_351 = arith.muli %mul3A_350, %get3A_348 : vector<16xi32>
    %add3A_352 = arith.addi %add3A_346, %mul3A_351 : vector<16xi32>
    %swap3A_353 = arith.constant 496 : index
    %swap3A_354 = tpu.vector_load %arg12[%swap3A_353] {strides = array<i32>} : memref<1024xi32, #tpu.memory_space<vmem>>, vector<16xi32>,
    tpu.vector_store %arg12[%swap3A_353], %add3A_352 {strides = array<i32>} : memref<1024xi32, #tpu.memory_space<vmem>>, vector<16xi32>,
    %add3A_355 = arith.constant 0 : i32
    %add3A_356 = vector.broadcast %add3A_355 : i32 to vector<16xi32>
    %add3A_357 = arith.addi %iota3A, %add3A_356 : vector<16xi32>
    %get3A_358 = arith.constant 512 : index
    %get3A_359 = tpu.vector_load %arg11[%get3A_358] {strides = array<i32>} : memref<1024xi32, #tpu.memory_space<vmem>>, vector<16xi32>,
    %mul3A_360 = arith.constant 512 : i32
    %mul3A_361 = vector.broadcast %mul3A_360 : i32 to vector<16xi32>
    %mul3A_362 = arith.muli %mul3A_361, %get3A_359 : vector<16xi32>
    %add3A_363 = arith.addi %add3A_357, %mul3A_362 : vector<16xi32>
    %swap3A_364 = arith.constant 512 : index
    %swap3A_365 = tpu.vector_load %arg12[%swap3A_364] {strides = array<i32>} : memref<1024xi32, #tpu.memory_space<vmem>>, vector<16xi32>,
    tpu.vector_store %arg12[%swap3A_364], %add3A_363 {strides = array<i32>} : memref<1024xi32, #tpu.memory_space<vmem>>, vector<16xi32>,
    %add3A_366 = arith.constant 16 : i32
    %add3A_367 = vector.broadcast %add3A_366 : i32 to vector<16xi32>
    %add3A_368 = arith.addi %iota3A, %add3A_367 : vector<16xi32>
    %get3A_369 = arith.constant 528 : index
    %get3A_370 = tpu.vector_load %arg11[%get3A_369] {strides = array<i32>} : memref<1024xi32, #tpu.memory_space<vmem>>, vector<16xi32>,
    %mul3A_371 = arith.constant 512 : i32
    %mul3A_372 = vector.broadcast %mul3A_371 : i32 to vector<16xi32>
    %mul3A_373 = arith.muli %mul3A_372, %get3A_370 : vector<16xi32>
    %add3A_374 = arith.addi %add3A_368, %mul3A_373 : vector<16xi32>
    %swap3A_375 = arith.constant 528 : index
    %swap3A_376 = tpu.vector_load %arg12[%swap3A_375] {strides = array<i32>} : memref<1024xi32, #tpu.memory_space<vmem>>, vector<16xi32>,
    tpu.vector_store %arg12[%swap3A_375], %add3A_374 {strides = array<i32>} : memref<1024xi32, #tpu.memory_space<vmem>>, vector<16xi32>,
    %add3A_377 = arith.constant 32 : i32
    %add3A_378 = vector.broadcast %add3A_377 : i32 to vector<16xi32>
    %add3A_379 = arith.addi %iota3A, %add3A_378 : vector<16xi32>
    %get3A_380 = arith.constant 544 : index
    %get3A_381 = tpu.vector_load %arg11[%get3A_380] {strides = array<i32>} : memref<1024xi32, #tpu.memory_space<vmem>>, vector<16xi32>,
    %mul3A_382 = arith.constant 512 : i32
    %mul3A_383 = vector.broadcast %mul3A_382 : i32 to vector<16xi32>
    %mul3A_384 = arith.muli %mul3A_383, %get3A_381 : vector<16xi32>
    %add3A_385 = arith.addi %add3A_379, %mul3A_384 : vector<16xi32>
    %swap3A_386 = arith.constant 544 : index
    %swap3A_387 = tpu.vector_load %arg12[%swap3A_386] {strides = array<i32>} : memref<1024xi32, #tpu.memory_space<vmem>>, vector<16xi32>,
    tpu.vector_store %arg12[%swap3A_386], %add3A_385 {strides = array<i32>} : memref<1024xi32, #tpu.memory_space<vmem>>, vector<16xi32>,
    %add3A_388 = arith.constant 48 : i32
    %add3A_389 = vector.broadcast %add3A_388 : i32 to vector<16xi32>
    %add3A_390 = arith.addi %iota3A, %add3A_389 : vector<16xi32>
    %get3A_391 = arith.constant 560 : index
    %get3A_392 = tpu.vector_load %arg11[%get3A_391] {strides = array<i32>} : memref<1024xi32, #tpu.memory_space<vmem>>, vector<16xi32>,
    %mul3A_393 = arith.constant 512 : i32
    %mul3A_394 = vector.broadcast %mul3A_393 : i32 to vector<16xi32>
    %mul3A_395 = arith.muli %mul3A_394, %get3A_392 : vector<16xi32>
    %add3A_396 = arith.addi %add3A_390, %mul3A_395 : vector<16xi32>
    %swap3A_397 = arith.constant 560 : index
    %swap3A_398 = tpu.vector_load %arg12[%swap3A_397] {strides = array<i32>} : memref<1024xi32, #tpu.memory_space<vmem>>, vector<16xi32>,
    tpu.vector_store %arg12[%swap3A_397], %add3A_396 {strides = array<i32>} : memref<1024xi32, #tpu.memory_space<vmem>>, vector<16xi32>,
    %add3A_399 = arith.constant 64 : i32
    %add3A_400 = vector.broadcast %add3A_399 : i32 to vector<16xi32>
    %add3A_401 = arith.addi %iota3A, %add3A_400 : vector<16xi32>
    %get3A_402 = arith.constant 576 : index
    %get3A_403 = tpu.vector_load %arg11[%get3A_402] {strides = array<i32>} : memref<1024xi32, #tpu.memory_space<vmem>>, vector<16xi32>,
    %mul3A_404 = arith.constant 512 : i32
    %mul3A_405 = vector.broadcast %mul3A_404 : i32 to vector<16xi32>
    %mul3A_406 = arith.muli %mul3A_405, %get3A_403 : vector<16xi32>
    %add3A_407 = arith.addi %add3A_401, %mul3A_406 : vector<16xi32>
    %swap3A_408 = arith.constant 576 : index
    %swap3A_409 = tpu.vector_load %arg12[%swap3A_408] {strides = array<i32>} : memref<1024xi32, #tpu.memory_space<vmem>>, vector<16xi32>,
    tpu.vector_store %arg12[%swap3A_408], %add3A_407 {strides = array<i32>} : memref<1024xi32, #tpu.memory_space<vmem>>, vector<16xi32>,
    %add3A_410 = arith.constant 80 : i32
    %add3A_411 = vector.broadcast %add3A_410 : i32 to vector<16xi32>
    %add3A_412 = arith.addi %iota3A, %add3A_411 : vector<16xi32>
    %get3A_413 = arith.constant 592 : index
    %get3A_414 = tpu.vector_load %arg11[%get3A_413] {strides = array<i32>} : memref<1024xi32, #tpu.memory_space<vmem>>, vector<16xi32>,
    %mul3A_415 = arith.constant 512 : i32
    %mul3A_416 = vector.broadcast %mul3A_415 : i32 to vector<16xi32>
    %mul3A_417 = arith.muli %mul3A_416, %get3A_414 : vector<16xi32>
    %add3A_418 = arith.addi %add3A_412, %mul3A_417 : vector<16xi32>
    %swap3A_419 = arith.constant 592 : index
    %swap3A_420 = tpu.vector_load %arg12[%swap3A_419] {strides = array<i32>} : memref<1024xi32, #tpu.memory_space<vmem>>, vector<16xi32>,
    tpu.vector_store %arg12[%swap3A_419], %add3A_418 {strides = array<i32>} : memref<1024xi32, #tpu.memory_space<vmem>>, vector<16xi32>,
    %add3A_421 = arith.constant 96 : i32
    %add3A_422 = vector.broadcast %add3A_421 : i32 to vector<16xi32>
    %add3A_423 = arith.addi %iota3A, %add3A_422 : vector<16xi32>
    %get3A_424 = arith.constant 608 : index
    %get3A_425 = tpu.vector_load %arg11[%get3A_424] {strides = array<i32>} : memref<1024xi32, #tpu.memory_space<vmem>>, vector<16xi32>,
    %mul3A_426 = arith.constant 512 : i32
    %mul3A_427 = vector.broadcast %mul3A_426 : i32 to vector<16xi32>
    %mul3A_428 = arith.muli %mul3A_427, %get3A_425 : vector<16xi32>
    %add3A_429 = arith.addi %add3A_423, %mul3A_428 : vector<16xi32>
    %swap3A_430 = arith.constant 608 : index
    %swap3A_431 = tpu.vector_load %arg12[%swap3A_430] {strides = array<i32>} : memref<1024xi32, #tpu.memory_space<vmem>>, vector<16xi32>,
    tpu.vector_store %arg12[%swap3A_430], %add3A_429 {strides = array<i32>} : memref<1024xi32, #tpu.memory_space<vmem>>, vector<16xi32>,
    %add3A_432 = arith.constant 112 : i32
    %add3A_433 = vector.broadcast %add3A_432 : i32 to vector<16xi32>
    %add3A_434 = arith.addi %iota3A, %add3A_433 : vector<16xi32>
    %get3A_435 = arith.constant 624 : index
    %get3A_436 = tpu.vector_load %arg11[%get3A_435] {strides = array<i32>} : memref<1024xi32, #tpu.memory_space<vmem>>, vector<16xi32>,
    %mul3A_437 = arith.constant 512 : i32
    %mul3A_438 = vector.broadcast %mul3A_437 : i32 to vector<16xi32>
    %mul3A_439 = arith.muli %mul3A_438, %get3A_436 : vector<16xi32>
    %add3A_440 = arith.addi %add3A_434, %mul3A_439 : vector<16xi32>
    %swap3A_441 = arith.constant 624 : index
    %swap3A_442 = tpu.vector_load %arg12[%swap3A_441] {strides = array<i32>} : memref<1024xi32, #tpu.memory_space<vmem>>, vector<16xi32>,
    tpu.vector_store %arg12[%swap3A_441], %add3A_440 {strides = array<i32>} : memref<1024xi32, #tpu.memory_space<vmem>>, vector<16xi32>,
    %add3A_443 = arith.constant 128 : i32
    %add3A_444 = vector.broadcast %add3A_443 : i32 to vector<16xi32>
    %add3A_445 = arith.addi %iota3A, %add3A_444 : vector<16xi32>
    %get3A_446 = arith.constant 640 : index
    %get3A_447 = tpu.vector_load %arg11[%get3A_446] {strides = array<i32>} : memref<1024xi32, #tpu.memory_space<vmem>>, vector<16xi32>,
    %mul3A_448 = arith.constant 512 : i32
    %mul3A_449 = vector.broadcast %mul3A_448 : i32 to vector<16xi32>
    %mul3A_450 = arith.muli %mul3A_449, %get3A_447 : vector<16xi32>
    %add3A_451 = arith.addi %add3A_445, %mul3A_450 : vector<16xi32>
    %swap3A_452 = arith.constant 640 : index
    %swap3A_453 = tpu.vector_load %arg12[%swap3A_452] {strides = array<i32>} : memref<1024xi32, #tpu.memory_space<vmem>>, vector<16xi32>,
    tpu.vector_store %arg12[%swap3A_452], %add3A_451 {strides = array<i32>} : memref<1024xi32, #tpu.memory_space<vmem>>, vector<16xi32>,
    %add3A_454 = arith.constant 144 : i32
    %add3A_455 = vector.broadcast %add3A_454 : i32 to vector<16xi32>
    %add3A_456 = arith.addi %iota3A, %add3A_455 : vector<16xi32>
    %get3A_457 = arith.constant 656 : index
    %get3A_458 = tpu.vector_load %arg11[%get3A_457] {strides = array<i32>} : memref<1024xi32, #tpu.memory_space<vmem>>, vector<16xi32>,
    %mul3A_459 = arith.constant 512 : i32
    %mul3A_460 = vector.broadcast %mul3A_459 : i32 to vector<16xi32>
    %mul3A_461 = arith.muli %mul3A_460, %get3A_458 : vector<16xi32>
    %add3A_462 = arith.addi %add3A_456, %mul3A_461 : vector<16xi32>
    %swap3A_463 = arith.constant 656 : index
    %swap3A_464 = tpu.vector_load %arg12[%swap3A_463] {strides = array<i32>} : memref<1024xi32, #tpu.memory_space<vmem>>, vector<16xi32>,
    tpu.vector_store %arg12[%swap3A_463], %add3A_462 {strides = array<i32>} : memref<1024xi32, #tpu.memory_space<vmem>>, vector<16xi32>,
    %add3A_465 = arith.constant 160 : i32
    %add3A_466 = vector.broadcast %add3A_465 : i32 to vector<16xi32>
    %add3A_467 = arith.addi %iota3A, %add3A_466 : vector<16xi32>
    %get3A_468 = arith.constant 672 : index
    %get3A_469 = tpu.vector_load %arg11[%get3A_468] {strides = array<i32>} : memref<1024xi32, #tpu.memory_space<vmem>>, vector<16xi32>,
    %mul3A_470 = arith.constant 512 : i32
    %mul3A_471 = vector.broadcast %mul3A_470 : i32 to vector<16xi32>
    %mul3A_472 = arith.muli %mul3A_471, %get3A_469 : vector<16xi32>
    %add3A_473 = arith.addi %add3A_467, %mul3A_472 : vector<16xi32>
    %swap3A_474 = arith.constant 672 : index
    %swap3A_475 = tpu.vector_load %arg12[%swap3A_474] {strides = array<i32>} : memref<1024xi32, #tpu.memory_space<vmem>>, vector<16xi32>,
    tpu.vector_store %arg12[%swap3A_474], %add3A_473 {strides = array<i32>} : memref<1024xi32, #tpu.memory_space<vmem>>, vector<16xi32>,
    %add3A_476 = arith.constant 176 : i32
    %add3A_477 = vector.broadcast %add3A_476 : i32 to vector<16xi32>
    %add3A_478 = arith.addi %iota3A, %add3A_477 : vector<16xi32>
    %get3A_479 = arith.constant 688 : index
    %get3A_480 = tpu.vector_load %arg11[%get3A_479] {strides = array<i32>} : memref<1024xi32, #tpu.memory_space<vmem>>, vector<16xi32>,
    %mul3A_481 = arith.constant 512 : i32
    %mul3A_482 = vector.broadcast %mul3A_481 : i32 to vector<16xi32>
    %mul3A_483 = arith.muli %mul3A_482, %get3A_480 : vector<16xi32>
    %add3A_484 = arith.addi %add3A_478, %mul3A_483 : vector<16xi32>
    %swap3A_485 = arith.constant 688 : index
    %swap3A_486 = tpu.vector_load %arg12[%swap3A_485] {strides = array<i32>} : memref<1024xi32, #tpu.memory_space<vmem>>, vector<16xi32>,
    tpu.vector_store %arg12[%swap3A_485], %add3A_484 {strides = array<i32>} : memref<1024xi32, #tpu.memory_space<vmem>>, vector<16xi32>,
    %add3A_487 = arith.constant 192 : i32
    %add3A_488 = vector.broadcast %add3A_487 : i32 to vector<16xi32>
    %add3A_489 = arith.addi %iota3A, %add3A_488 : vector<16xi32>
    %get3A_490 = arith.constant 704 : index
    %get3A_491 = tpu.vector_load %arg11[%get3A_490] {strides = array<i32>} : memref<1024xi32, #tpu.memory_space<vmem>>, vector<16xi32>,
    %mul3A_492 = arith.constant 512 : i32
    %mul3A_493 = vector.broadcast %mul3A_492 : i32 to vector<16xi32>
    %mul3A_494 = arith.muli %mul3A_493, %get3A_491 : vector<16xi32>
    %add3A_495 = arith.addi %add3A_489, %mul3A_494 : vector<16xi32>
    %swap3A_496 = arith.constant 704 : index
    %swap3A_497 = tpu.vector_load %arg12[%swap3A_496] {strides = array<i32>} : memref<1024xi32, #tpu.memory_space<vmem>>, vector<16xi32>,
    tpu.vector_store %arg12[%swap3A_496], %add3A_495 {strides = array<i32>} : memref<1024xi32, #tpu.memory_space<vmem>>, vector<16xi32>,
    %add3A_498 = arith.constant 208 : i32
    %add3A_499 = vector.broadcast %add3A_498 : i32 to vector<16xi32>
    %add3A_500 = arith.addi %iota3A, %add3A_499 : vector<16xi32>
    %get3A_501 = arith.constant 720 : index
    %get3A_502 = tpu.vector_load %arg11[%get3A_501] {strides = array<i32>} : memref<1024xi32, #tpu.memory_space<vmem>>, vector<16xi32>,
    %mul3A_503 = arith.constant 512 : i32
    %mul3A_504 = vector.broadcast %mul3A_503 : i32 to vector<16xi32>
    %mul3A_505 = arith.muli %mul3A_504, %get3A_502 : vector<16xi32>
    %add3A_506 = arith.addi %add3A_500, %mul3A_505 : vector<16xi32>
    %swap3A_507 = arith.constant 720 : index
    %swap3A_508 = tpu.vector_load %arg12[%swap3A_507] {strides = array<i32>} : memref<1024xi32, #tpu.memory_space<vmem>>, vector<16xi32>,
    tpu.vector_store %arg12[%swap3A_507], %add3A_506 {strides = array<i32>} : memref<1024xi32, #tpu.memory_space<vmem>>, vector<16xi32>,
    %add3A_509 = arith.constant 224 : i32
    %add3A_510 = vector.broadcast %add3A_509 : i32 to vector<16xi32>
    %add3A_511 = arith.addi %iota3A, %add3A_510 : vector<16xi32>
    %get3A_512 = arith.constant 736 : index
    %get3A_513 = tpu.vector_load %arg11[%get3A_512] {strides = array<i32>} : memref<1024xi32, #tpu.memory_space<vmem>>, vector<16xi32>,
    %mul3A_514 = arith.constant 512 : i32
    %mul3A_515 = vector.broadcast %mul3A_514 : i32 to vector<16xi32>
    %mul3A_516 = arith.muli %mul3A_515, %get3A_513 : vector<16xi32>
    %add3A_517 = arith.addi %add3A_511, %mul3A_516 : vector<16xi32>
    %swap3A_518 = arith.constant 736 : index
    %swap3A_519 = tpu.vector_load %arg12[%swap3A_518] {strides = array<i32>} : memref<1024xi32, #tpu.memory_space<vmem>>, vector<16xi32>,
    tpu.vector_store %arg12[%swap3A_518], %add3A_517 {strides = array<i32>} : memref<1024xi32, #tpu.memory_space<vmem>>, vector<16xi32>,
    %add3A_520 = arith.constant 240 : i32
    %add3A_521 = vector.broadcast %add3A_520 : i32 to vector<16xi32>
    %add3A_522 = arith.addi %iota3A, %add3A_521 : vector<16xi32>
    %get3A_523 = arith.constant 752 : index
    %get3A_524 = tpu.vector_load %arg11[%get3A_523] {strides = array<i32>} : memref<1024xi32, #tpu.memory_space<vmem>>, vector<16xi32>,
    %mul3A_525 = arith.constant 512 : i32
    %mul3A_526 = vector.broadcast %mul3A_525 : i32 to vector<16xi32>
    %mul3A_527 = arith.muli %mul3A_526, %get3A_524 : vector<16xi32>
    %add3A_528 = arith.addi %add3A_522, %mul3A_527 : vector<16xi32>
    %swap3A_529 = arith.constant 752 : index
    %swap3A_530 = tpu.vector_load %arg12[%swap3A_529] {strides = array<i32>} : memref<1024xi32, #tpu.memory_space<vmem>>, vector<16xi32>,
    tpu.vector_store %arg12[%swap3A_529], %add3A_528 {strides = array<i32>} : memref<1024xi32, #tpu.memory_space<vmem>>, vector<16xi32>,
    %add3A_531 = arith.constant 256 : i32
    %add3A_532 = vector.broadcast %add3A_531 : i32 to vector<16xi32>
    %add3A_533 = arith.addi %iota3A, %add3A_532 : vector<16xi32>
    %get3A_534 = arith.constant 768 : index
    %get3A_535 = tpu.vector_load %arg11[%get3A_534] {strides = array<i32>} : memref<1024xi32, #tpu.memory_space<vmem>>, vector<16xi32>,
    %mul3A_536 = arith.constant 512 : i32
    %mul3A_537 = vector.broadcast %mul3A_536 : i32 to vector<16xi32>
    %mul3A_538 = arith.muli %mul3A_537, %get3A_535 : vector<16xi32>
    %add3A_539 = arith.addi %add3A_533, %mul3A_538 : vector<16xi32>
    %swap3A_540 = arith.constant 768 : index
    %swap3A_541 = tpu.vector_load %arg12[%swap3A_540] {strides = array<i32>} : memref<1024xi32, #tpu.memory_space<vmem>>, vector<16xi32>,
    tpu.vector_store %arg12[%swap3A_540], %add3A_539 {strides = array<i32>} : memref<1024xi32, #tpu.memory_space<vmem>>, vector<16xi32>,
    %add3A_542 = arith.constant 272 : i32
    %add3A_543 = vector.broadcast %add3A_542 : i32 to vector<16xi32>
    %add3A_544 = arith.addi %iota3A, %add3A_543 : vector<16xi32>
    %get3A_545 = arith.constant 784 : index
    %get3A_546 = tpu.vector_load %arg11[%get3A_545] {strides = array<i32>} : memref<1024xi32, #tpu.memory_space<vmem>>, vector<16xi32>,
    %mul3A_547 = arith.constant 512 : i32
    %mul3A_548 = vector.broadcast %mul3A_547 : i32 to vector<16xi32>
    %mul3A_549 = arith.muli %mul3A_548, %get3A_546 : vector<16xi32>
    %add3A_550 = arith.addi %add3A_544, %mul3A_549 : vector<16xi32>
    %swap3A_551 = arith.constant 784 : index
    %swap3A_552 = tpu.vector_load %arg12[%swap3A_551] {strides = array<i32>} : memref<1024xi32, #tpu.memory_space<vmem>>, vector<16xi32>,
    tpu.vector_store %arg12[%swap3A_551], %add3A_550 {strides = array<i32>} : memref<1024xi32, #tpu.memory_space<vmem>>, vector<16xi32>,
    %add3A_553 = arith.constant 288 : i32
    %add3A_554 = vector.broadcast %add3A_553 : i32 to vector<16xi32>
    %add3A_555 = arith.addi %iota3A, %add3A_554 : vector<16xi32>
    %get3A_556 = arith.constant 800 : index
    %get3A_557 = tpu.vector_load %arg11[%get3A_556] {strides = array<i32>} : memref<1024xi32, #tpu.memory_space<vmem>>, vector<16xi32>,
    %mul3A_558 = arith.constant 512 : i32
    %mul3A_559 = vector.broadcast %mul3A_558 : i32 to vector<16xi32>
    %mul3A_560 = arith.muli %mul3A_559, %get3A_557 : vector<16xi32>
    %add3A_561 = arith.addi %add3A_555, %mul3A_560 : vector<16xi32>
    %swap3A_562 = arith.constant 800 : index
    %swap3A_563 = tpu.vector_load %arg12[%swap3A_562] {strides = array<i32>} : memref<1024xi32, #tpu.memory_space<vmem>>, vector<16xi32>,
    tpu.vector_store %arg12[%swap3A_562], %add3A_561 {strides = array<i32>} : memref<1024xi32, #tpu.memory_space<vmem>>, vector<16xi32>,
    %add3A_564 = arith.constant 304 : i32
    %add3A_565 = vector.broadcast %add3A_564 : i32 to vector<16xi32>
    %add3A_566 = arith.addi %iota3A, %add3A_565 : vector<16xi32>
    %get3A_567 = arith.constant 816 : index
    %get3A_568 = tpu.vector_load %arg11[%get3A_567] {strides = array<i32>} : memref<1024xi32, #tpu.memory_space<vmem>>, vector<16xi32>,
    %mul3A_569 = arith.constant 512 : i32
    %mul3A_570 = vector.broadcast %mul3A_569 : i32 to vector<16xi32>
    %mul3A_571 = arith.muli %mul3A_570, %get3A_568 : vector<16xi32>
    %add3A_572 = arith.addi %add3A_566, %mul3A_571 : vector<16xi32>
    %swap3A_573 = arith.constant 816 : index
    %swap3A_574 = tpu.vector_load %arg12[%swap3A_573] {strides = array<i32>} : memref<1024xi32, #tpu.memory_space<vmem>>, vector<16xi32>,
    tpu.vector_store %arg12[%swap3A_573], %add3A_572 {strides = array<i32>} : memref<1024xi32, #tpu.memory_space<vmem>>, vector<16xi32>,
    %add3A_575 = arith.constant 320 : i32
    %add3A_576 = vector.broadcast %add3A_575 : i32 to vector<16xi32>
    %add3A_577 = arith.addi %iota3A, %add3A_576 : vector<16xi32>
    %get3A_578 = arith.constant 832 : index
    %get3A_579 = tpu.vector_load %arg11[%get3A_578] {strides = array<i32>} : memref<1024xi32, #tpu.memory_space<vmem>>, vector<16xi32>,
    %mul3A_580 = arith.constant 512 : i32
    %mul3A_581 = vector.broadcast %mul3A_580 : i32 to vector<16xi32>
    %mul3A_582 = arith.muli %mul3A_581, %get3A_579 : vector<16xi32>
    %add3A_583 = arith.addi %add3A_577, %mul3A_582 : vector<16xi32>
    %swap3A_584 = arith.constant 832 : index
    %swap3A_585 = tpu.vector_load %arg12[%swap3A_584] {strides = array<i32>} : memref<1024xi32, #tpu.memory_space<vmem>>, vector<16xi32>,
    tpu.vector_store %arg12[%swap3A_584], %add3A_583 {strides = array<i32>} : memref<1024xi32, #tpu.memory_space<vmem>>, vector<16xi32>,
    %add3A_586 = arith.constant 336 : i32
    %add3A_587 = vector.broadcast %add3A_586 : i32 to vector<16xi32>
    %add3A_588 = arith.addi %iota3A, %add3A_587 : vector<16xi32>
    %get3A_589 = arith.constant 848 : index
    %get3A_590 = tpu.vector_load %arg11[%get3A_589] {strides = array<i32>} : memref<1024xi32, #tpu.memory_space<vmem>>, vector<16xi32>,
    %mul3A_591 = arith.constant 512 : i32
    %mul3A_592 = vector.broadcast %mul3A_591 : i32 to vector<16xi32>
    %mul3A_593 = arith.muli %mul3A_592, %get3A_590 : vector<16xi32>
    %add3A_594 = arith.addi %add3A_588, %mul3A_593 : vector<16xi32>
    %swap3A_595 = arith.constant 848 : index
    %swap3A_596 = tpu.vector_load %arg12[%swap3A_595] {strides = array<i32>} : memref<1024xi32, #tpu.memory_space<vmem>>, vector<16xi32>,
    tpu.vector_store %arg12[%swap3A_595], %add3A_594 {strides = array<i32>} : memref<1024xi32, #tpu.memory_space<vmem>>, vector<16xi32>,
    %add3A_597 = arith.constant 352 : i32
    %add3A_598 = vector.broadcast %add3A_597 : i32 to vector<16xi32>
    %add3A_599 = arith.addi %iota3A, %add3A_598 : vector<16xi32>
    %get3A_600 = arith.constant 864 : index
    %get3A_601 = tpu.vector_load %arg11[%get3A_600] {strides = array<i32>} : memref<1024xi32, #tpu.memory_space<vmem>>, vector<16xi32>,
    %mul3A_602 = arith.constant 512 : i32
    %mul3A_603 = vector.broadcast %mul3A_602 : i32 to vector<16xi32>
    %mul3A_604 = arith.muli %mul3A_603, %get3A_601 : vector<16xi32>
    %add3A_605 = arith.addi %add3A_599, %mul3A_604 : vector<16xi32>
    %swap3A_606 = arith.constant 864 : index
    %swap3A_607 = tpu.vector_load %arg12[%swap3A_606] {strides = array<i32>} : memref<1024xi32, #tpu.memory_space<vmem>>, vector<16xi32>,
    tpu.vector_store %arg12[%swap3A_606], %add3A_605 {strides = array<i32>} : memref<1024xi32, #tpu.memory_space<vmem>>, vector<16xi32>,
    %add3A_608 = arith.constant 368 : i32
    %add3A_609 = vector.broadcast %add3A_608 : i32 to vector<16xi32>
    %add3A_610 = arith.addi %iota3A, %add3A_609 : vector<16xi32>
    %get3A_611 = arith.constant 880 : index
    %get3A_612 = tpu.vector_load %arg11[%get3A_611] {strides = array<i32>} : memref<1024xi32, #tpu.memory_space<vmem>>, vector<16xi32>,
    %mul3A_613 = arith.constant 512 : i32
    %mul3A_614 = vector.broadcast %mul3A_613 : i32 to vector<16xi32>
    %mul3A_615 = arith.muli %mul3A_614, %get3A_612 : vector<16xi32>
    %add3A_616 = arith.addi %add3A_610, %mul3A_615 : vector<16xi32>
    %swap3A_617 = arith.constant 880 : index
    %swap3A_618 = tpu.vector_load %arg12[%swap3A_617] {strides = array<i32>} : memref<1024xi32, #tpu.memory_space<vmem>>, vector<16xi32>,
    tpu.vector_store %arg12[%swap3A_617], %add3A_616 {strides = array<i32>} : memref<1024xi32, #tpu.memory_space<vmem>>, vector<16xi32>,
    %add3A_619 = arith.constant 384 : i32
    %add3A_620 = vector.broadcast %add3A_619 : i32 to vector<16xi32>
    %add3A_621 = arith.addi %iota3A, %add3A_620 : vector<16xi32>
    %get3A_622 = arith.constant 896 : index
    %get3A_623 = tpu.vector_load %arg11[%get3A_622] {strides = array<i32>} : memref<1024xi32, #tpu.memory_space<vmem>>, vector<16xi32>,
    %mul3A_624 = arith.constant 512 : i32
    %mul3A_625 = vector.broadcast %mul3A_624 : i32 to vector<16xi32>
    %mul3A_626 = arith.muli %mul3A_625, %get3A_623 : vector<16xi32>
    %add3A_627 = arith.addi %add3A_621, %mul3A_626 : vector<16xi32>
    %swap3A_628 = arith.constant 896 : index
    %swap3A_629 = tpu.vector_load %arg12[%swap3A_628] {strides = array<i32>} : memref<1024xi32, #tpu.memory_space<vmem>>, vector<16xi32>,
    tpu.vector_store %arg12[%swap3A_628], %add3A_627 {strides = array<i32>} : memref<1024xi32, #tpu.memory_space<vmem>>, vector<16xi32>,
    %add3A_630 = arith.constant 400 : i32
    %add3A_631 = vector.broadcast %add3A_630 : i32 to vector<16xi32>
    %add3A_632 = arith.addi %iota3A, %add3A_631 : vector<16xi32>
    %get3A_633 = arith.constant 912 : index
    %get3A_634 = tpu.vector_load %arg11[%get3A_633] {strides = array<i32>} : memref<1024xi32, #tpu.memory_space<vmem>>, vector<16xi32>,
    %mul3A_635 = arith.constant 512 : i32
    %mul3A_636 = vector.broadcast %mul3A_635 : i32 to vector<16xi32>
    %mul3A_637 = arith.muli %mul3A_636, %get3A_634 : vector<16xi32>
    %add3A_638 = arith.addi %add3A_632, %mul3A_637 : vector<16xi32>
    %swap3A_639 = arith.constant 912 : index
    %swap3A_640 = tpu.vector_load %arg12[%swap3A_639] {strides = array<i32>} : memref<1024xi32, #tpu.memory_space<vmem>>, vector<16xi32>,
    tpu.vector_store %arg12[%swap3A_639], %add3A_638 {strides = array<i32>} : memref<1024xi32, #tpu.memory_space<vmem>>, vector<16xi32>,
    %add3A_641 = arith.constant 416 : i32
    %add3A_642 = vector.broadcast %add3A_641 : i32 to vector<16xi32>
    %add3A_643 = arith.addi %iota3A, %add3A_642 : vector<16xi32>
    %get3A_644 = arith.constant 928 : index
    %get3A_645 = tpu.vector_load %arg11[%get3A_644] {strides = array<i32>} : memref<1024xi32, #tpu.memory_space<vmem>>, vector<16xi32>,
    %mul3A_646 = arith.constant 512 : i32
    %mul3A_647 = vector.broadcast %mul3A_646 : i32 to vector<16xi32>
    %mul3A_648 = arith.muli %mul3A_647, %get3A_645 : vector<16xi32>
    %add3A_649 = arith.addi %add3A_643, %mul3A_648 : vector<16xi32>
    %swap3A_650 = arith.constant 928 : index
    %swap3A_651 = tpu.vector_load %arg12[%swap3A_650] {strides = array<i32>} : memref<1024xi32, #tpu.memory_space<vmem>>, vector<16xi32>,
    tpu.vector_store %arg12[%swap3A_650], %add3A_649 {strides = array<i32>} : memref<1024xi32, #tpu.memory_space<vmem>>, vector<16xi32>,
    %add3A_652 = arith.constant 432 : i32
    %add3A_653 = vector.broadcast %add3A_652 : i32 to vector<16xi32>
    %add3A_654 = arith.addi %iota3A, %add3A_653 : vector<16xi32>
    %get3A_655 = arith.constant 944 : index
    %get3A_656 = tpu.vector_load %arg11[%get3A_655] {strides = array<i32>} : memref<1024xi32, #tpu.memory_space<vmem>>, vector<16xi32>,
    %mul3A_657 = arith.constant 512 : i32
    %mul3A_658 = vector.broadcast %mul3A_657 : i32 to vector<16xi32>
    %mul3A_659 = arith.muli %mul3A_658, %get3A_656 : vector<16xi32>
    %add3A_660 = arith.addi %add3A_654, %mul3A_659 : vector<16xi32>
    %swap3A_661 = arith.constant 944 : index
    %swap3A_662 = tpu.vector_load %arg12[%swap3A_661] {strides = array<i32>} : memref<1024xi32, #tpu.memory_space<vmem>>, vector<16xi32>,
    tpu.vector_store %arg12[%swap3A_661], %add3A_660 {strides = array<i32>} : memref<1024xi32, #tpu.memory_space<vmem>>, vector<16xi32>,
    %add3A_663 = arith.constant 448 : i32
    %add3A_664 = vector.broadcast %add3A_663 : i32 to vector<16xi32>
    %add3A_665 = arith.addi %iota3A, %add3A_664 : vector<16xi32>
    %get3A_666 = arith.constant 960 : index
    %get3A_667 = tpu.vector_load %arg11[%get3A_666] {strides = array<i32>} : memref<1024xi32, #tpu.memory_space<vmem>>, vector<16xi32>,
    %mul3A_668 = arith.constant 512 : i32
    %mul3A_669 = vector.broadcast %mul3A_668 : i32 to vector<16xi32>
    %mul3A_670 = arith.muli %mul3A_669, %get3A_667 : vector<16xi32>
    %add3A_671 = arith.addi %add3A_665, %mul3A_670 : vector<16xi32>
    %swap3A_672 = arith.constant 960 : index
    %swap3A_673 = tpu.vector_load %arg12[%swap3A_672] {strides = array<i32>} : memref<1024xi32, #tpu.memory_space<vmem>>, vector<16xi32>,
    tpu.vector_store %arg12[%swap3A_672], %add3A_671 {strides = array<i32>} : memref<1024xi32, #tpu.memory_space<vmem>>, vector<16xi32>,
    %add3A_674 = arith.constant 464 : i32
    %add3A_675 = vector.broadcast %add3A_674 : i32 to vector<16xi32>
    %add3A_676 = arith.addi %iota3A, %add3A_675 : vector<16xi32>
    %get3A_677 = arith.constant 976 : index
    %get3A_678 = tpu.vector_load %arg11[%get3A_677] {strides = array<i32>} : memref<1024xi32, #tpu.memory_space<vmem>>, vector<16xi32>,
    %mul3A_679 = arith.constant 512 : i32
    %mul3A_680 = vector.broadcast %mul3A_679 : i32 to vector<16xi32>
    %mul3A_681 = arith.muli %mul3A_680, %get3A_678 : vector<16xi32>
    %add3A_682 = arith.addi %add3A_676, %mul3A_681 : vector<16xi32>
    %swap3A_683 = arith.constant 976 : index
    %swap3A_684 = tpu.vector_load %arg12[%swap3A_683] {strides = array<i32>} : memref<1024xi32, #tpu.memory_space<vmem>>, vector<16xi32>,
    tpu.vector_store %arg12[%swap3A_683], %add3A_682 {strides = array<i32>} : memref<1024xi32, #tpu.memory_space<vmem>>, vector<16xi32>,
    %add3A_685 = arith.constant 480 : i32
    %add3A_686 = vector.broadcast %add3A_685 : i32 to vector<16xi32>
    %add3A_687 = arith.addi %iota3A, %add3A_686 : vector<16xi32>
    %get3A_688 = arith.constant 992 : index
    %get3A_689 = tpu.vector_load %arg11[%get3A_688] {strides = array<i32>} : memref<1024xi32, #tpu.memory_space<vmem>>, vector<16xi32>,
    %mul3A_690 = arith.constant 512 : i32
    %mul3A_691 = vector.broadcast %mul3A_690 : i32 to vector<16xi32>
    %mul3A_692 = arith.muli %mul3A_691, %get3A_689 : vector<16xi32>
    %add3A_693 = arith.addi %add3A_687, %mul3A_692 : vector<16xi32>
    %swap3A_694 = arith.constant 992 : index
    %swap3A_695 = tpu.vector_load %arg12[%swap3A_694] {strides = array<i32>} : memref<1024xi32, #tpu.memory_space<vmem>>, vector<16xi32>,
    tpu.vector_store %arg12[%swap3A_694], %add3A_693 {strides = array<i32>} : memref<1024xi32, #tpu.memory_space<vmem>>, vector<16xi32>,
    %add3A_696 = arith.constant 496 : i32
    %add3A_697 = vector.broadcast %add3A_696 : i32 to vector<16xi32>
    %add3A_698 = arith.addi %iota3A, %add3A_697 : vector<16xi32>
    %get3A_699 = arith.constant 1008 : index
    %get3A_700 = tpu.vector_load %arg11[%get3A_699] {strides = array<i32>} : memref<1024xi32, #tpu.memory_space<vmem>>, vector<16xi32>,
    %mul3A_701 = arith.constant 512 : i32
    %mul3A_702 = vector.broadcast %mul3A_701 : i32 to vector<16xi32>
    %mul3A_703 = arith.muli %mul3A_702, %get3A_700 : vector<16xi32>
    %add3A_704 = arith.addi %add3A_698, %mul3A_703 : vector<16xi32>
    %swap3A_705 = arith.constant 1008 : index
    %swap3A_706 = tpu.vector_load %arg12[%swap3A_705] {strides = array<i32>} : memref<1024xi32, #tpu.memory_space<vmem>>, vector<16xi32>,
    tpu.vector_store %arg12[%swap3A_705], %add3A_704 {strides = array<i32>} : memref<1024xi32, #tpu.memory_space<vmem>>, vector<16xi32>,
    %dma_start3A = arith.constant 0 : i32
    %dma_start3A_707 = tpu.memref_slice %arg10[%dma_start3A] : memref<1024xi32, #tpu.memory_space<vmem>> -> memref<32xi32, #tpu.memory_space<vmem>>
    %dma_start3A_708 = arith.constant 0 : i32
    %dma_start3A_709 = arith.constant 0 : i32
    %dma_start3A_710 = tpu.memref_slice %arg4[%dma_start3A_708, %dma_start3A_709] : memref<30522x768xf32, #tpu.memory_space<hbm>> -> memref<30522x768xf32, #tpu.memory_space<hbm>>
    tpu.enqueue_indirect_dma source(%dma_start3A_710 : memref<30522x768xf32, #tpu.memory_space<hbm>>) target(%arg13 : memref<32x768xf32, #tpu.memory_space<vmem>>) offsets(%dma_start3A_707 : memref<32xi32, #tpu.memory_space<vmem>>) semaphore(%arg19 : memref<!tpu.dma_semaphore, #tpu.memory_space<semaphore_mem>>)
    %dma_start3A_711 = arith.constant 0 : i32
    %dma_start3A_712 = tpu.memref_slice %arg12[%dma_start3A_711] : memref<1024xi32, #tpu.memory_space<vmem>> -> memref<32xi32, #tpu.memory_space<vmem>>
    %dma_start3A_713 = arith.constant 0 : i32
    %dma_start3A_714 = arith.constant 0 : i32
    %dma_start3A_715 = tpu.memref_slice %arg5[%dma_start3A_713, %dma_start3A_714] : memref<1024x768xf32, #tpu.memory_space<hbm>> -> memref<1024x768xf32, #tpu.memory_space<hbm>>
    tpu.enqueue_indirect_dma source(%dma_start3A_715 : memref<1024x768xf32, #tpu.memory_space<hbm>>) target(%arg15 : memref<32x768xf32, #tpu.memory_space<vmem>>) offsets(%dma_start3A_712 : memref<32xi32, #tpu.memory_space<vmem>>) semaphore(%arg19 : memref<!tpu.dma_semaphore, #tpu.memory_space<semaphore_mem>>)
    %scan3A = arith.constant 0 : i32
    %scan3A_716 = arith.constant 0 : i32
    %scan3A_717 = arith.constant 16 : i32
    %scan3A_718 = arith.addi %scan3A_716, %scan3A_717 : i32
    %scan3A_719 = arith.constant 1 : i32
    scf.for %scan3A_726 = %scan3A_716 to %scan3A_718 step %scan3A_719  : i32 {
      %mul3A_727 = arith.constant 2 : i32
      %mul3A_728 = arith.muli %mul3A_727, %scan3A_726 : i32
      %add3A_729 = arith.constant 1 : i32
      %add3A_730 = arith.addi %mul3A_728, %add3A_729 : i32
      %mul3A_731 = arith.constant 32 : i32
      %mul3A_732 = arith.muli %mul3A_728, %mul3A_731 : i32
      %dma_wait3A_733 = tpu.memref_slice %arg10[%mul3A_732] : memref<1024xi32, #tpu.memory_space<vmem>> -> memref<32xi32, #tpu.memory_space<vmem>>
      %dma_wait3A_734 = arith.constant 0 : i32
      %dma_wait3A_735 = arith.constant 0 : i32
      %dma_wait3A_736 = tpu.memref_slice %arg4[%dma_wait3A_734, %dma_wait3A_735] : memref<30522x768xf32, #tpu.memory_space<hbm>> -> memref<30522x768xf32, #tpu.memory_space<hbm>>
      tpu.wait_indirect_dma semaphore(%arg19 : memref<!tpu.dma_semaphore, #tpu.memory_space<semaphore_mem>>) src(%dma_wait3A_736 : memref<30522x768xf32, #tpu.memory_space<hbm>>) dst(%arg13 : memref<32x768xf32, #tpu.memory_space<vmem>>)
      %dma_wait3A_737 = tpu.memref_slice %arg12[%mul3A_732] : memref<1024xi32, #tpu.memory_space<vmem>> -> memref<32xi32, #tpu.memory_space<vmem>>
      %dma_wait3A_738 = arith.constant 0 : i32
      %dma_wait3A_739 = arith.constant 0 : i32
      %dma_wait3A_740 = tpu.memref_slice %arg5[%dma_wait3A_738, %dma_wait3A_739] : memref<1024x768xf32, #tpu.memory_space<hbm>> -> memref<1024x768xf32, #tpu.memory_space<hbm>>
      tpu.wait_indirect_dma semaphore(%arg19 : memref<!tpu.dma_semaphore, #tpu.memory_space<semaphore_mem>>) src(%dma_wait3A_740 : memref<1024x768xf32, #tpu.memory_space<hbm>>) dst(%arg15 : memref<32x768xf32, #tpu.memory_space<vmem>>)
      %gt3A = arith.constant 0 : i32
      %gt3A_741 = arith.cmpi sgt, %scan3A_726, %gt3A : i32
      %convert_element_type3A = arith.extui %gt3A_741 : i1 to i32
      %cond3A = arith.constant 0 : i32
      %cond3A_742 = arith.cmpi ne, %convert_element_type3A, %cond3A : i32
      scf.if %cond3A_742 {
        %sub3A = arith.constant 2 : i32
        %sub3A_800 = arith.subi %add3A_730, %sub3A : i32
        %mul3A_801 = arith.constant 32 : i32
        %mul3A_802 = arith.muli %sub3A_800, %mul3A_801 : i32
        %add3A_803 = arith.addi %mul3A_3, %mul3A_802 : i32
        %dma_wait3A_804 = arith.constant 0 : i32
        %dma_wait3A_805 = tpu.memref_slice %arg9[%add3A_803, %dma_wait3A_804] : memref<32768x768xf32, #tpu.memory_space<hbm>> -> memref<32x768xf32, #tpu.memory_space<hbm>>
        %dma_wait3A_806 = arith.constant 0 : i32
        %dma_wait3A_807 = tpu.memref_slice %arg9[%add3A_803, %dma_wait3A_806] : memref<32768x768xf32, #tpu.memory_space<hbm>> -> memref<32x768xf32, #tpu.memory_space<hbm>>
        tpu.wait_dma2 semaphore(%arg22 : memref<!tpu.dma_semaphore, #tpu.memory_space<semaphore_mem>>) src(%arg14 : memref<32x768xf32, #tpu.memory_space<vmem>>) dst(%dma_wait3A_807 : memref<32x768xf32, #tpu.memory_space<hbm>>)
      } else {
      }
      %mul3A_743 = arith.constant 32 : i32
      %mul3A_744 = arith.muli %add3A_730, %mul3A_743 : i32
      %dma_start3A_745 = tpu.memref_slice %arg10[%mul3A_744] : memref<1024xi32, #tpu.memory_space<vmem>> -> memref<32xi32, #tpu.memory_space<vmem>>
      %dma_start3A_746 = arith.constant 0 : i32
      %dma_start3A_747 = arith.constant 0 : i32
      %dma_start3A_748 = tpu.memref_slice %arg4[%dma_start3A_746, %dma_start3A_747] : memref<30522x768xf32, #tpu.memory_space<hbm>> -> memref<30522x768xf32, #tpu.memory_space<hbm>>
      tpu.enqueue_indirect_dma source(%dma_start3A_748 : memref<30522x768xf32, #tpu.memory_space<hbm>>) target(%arg14 : memref<32x768xf32, #tpu.memory_space<vmem>>) offsets(%dma_start3A_745 : memref<32xi32, #tpu.memory_space<vmem>>) semaphore(%arg20 : memref<!tpu.dma_semaphore, #tpu.memory_space<semaphore_mem>>)
      %dma_start3A_749 = tpu.memref_slice %arg12[%mul3A_744] : memref<1024xi32, #tpu.memory_space<vmem>> -> memref<32xi32, #tpu.memory_space<vmem>>
      %dma_start3A_750 = arith.constant 0 : i32
      %dma_start3A_751 = arith.constant 0 : i32
      %dma_start3A_752 = tpu.memref_slice %arg5[%dma_start3A_750, %dma_start3A_751] : memref<1024x768xf32, #tpu.memory_space<hbm>> -> memref<1024x768xf32, #tpu.memory_space<hbm>>
      tpu.enqueue_indirect_dma source(%dma_start3A_752 : memref<1024x768xf32, #tpu.memory_space<hbm>>) target(%arg16 : memref<32x768xf32, #tpu.memory_space<vmem>>) offsets(%dma_start3A_749 : memref<32xi32, #tpu.memory_space<vmem>>) semaphore(%arg20 : memref<!tpu.dma_semaphore, #tpu.memory_space<semaphore_mem>>)
      %scan3A_753 = arith.constant 0 : i32
      %scan3A_754 = arith.constant 0 : i32
      %scan3A_755 = arith.constant 32 : i32
      %scan3A_756 = arith.addi %scan3A_754, %scan3A_755 : i32
      %scan3A_757 = arith.constant 1 : i32
      scf.for %scan3A_800 = %scan3A_754 to %scan3A_756 step %scan3A_757  : i32 {
        %broadcast_in_dim3A = arith.constant 0.000000e+00 : f32
        %broadcast_in_dim3A_801 = vector.broadcast %broadcast_in_dim3A : f32 to vector<16xf32>
        %broadcast_in_dim3A_802 = arith.constant 0.000000e+00 : f32
        %broadcast_in_dim3A_803 = vector.broadcast %broadcast_in_dim3A_802 : f32 to vector<16xf32>
        %get3A_804 = arith.index_cast %scan3A_800 : i32 to index
        %get3A_805 = arith.constant 0 : index
        %get3A_806 = tpu.vector_load %arg13[%get3A_804, %get3A_805] {strides = array<i32>} : memref<32x768xf32, #tpu.memory_space<vmem>>, vector<16xf32>,
        %get3A_807 = arith.index_cast %scan3A_800 : i32 to index
        %get3A_808 = arith.constant 0 : index
        %get3A_809 = tpu.vector_load %arg15[%get3A_807, %get3A_808] {strides = array<i32>} : memref<32x768xf32, #tpu.memory_space<vmem>>, vector<16xf32>,
        %add3A_810 = arith.addf %get3A_806, %get3A_809 : vector<16xf32>
        %add3A_811 = arith.addf %broadcast_in_dim3A_801, %add3A_810 : vector<16xf32>
        %mul3A_812 = arith.mulf %add3A_810, %add3A_810 : vector<16xf32>
        %add3A_813 = arith.addf %broadcast_in_dim3A_803, %mul3A_812 : vector<16xf32>
        %get3A_814 = arith.index_cast %scan3A_800 : i32 to index
        %get3A_815 = arith.constant 16 : index
        %get3A_816 = tpu.vector_load %arg13[%get3A_814, %get3A_815] {strides = array<i32>} : memref<32x768xf32, #tpu.memory_space<vmem>>, vector<16xf32>,
        %get3A_817 = arith.index_cast %scan3A_800 : i32 to index
        %get3A_818 = arith.constant 16 : index
        %get3A_819 = tpu.vector_load %arg15[%get3A_817, %get3A_818] {strides = array<i32>} : memref<32x768xf32, #tpu.memory_space<vmem>>, vector<16xf32>,
        %add3A_820 = arith.addf %get3A_816, %get3A_819 : vector<16xf32>
        %add3A_821 = arith.addf %add3A_811, %add3A_820 : vector<16xf32>
        %mul3A_822 = arith.mulf %add3A_820, %add3A_820 : vector<16xf32>
        %add3A_823 = arith.addf %add3A_813, %mul3A_822 : vector<16xf32>
        %get3A_824 = arith.index_cast %scan3A_800 : i32 to index
        %get3A_825 = arith.constant 32 : index
        %get3A_826 = tpu.vector_load %arg13[%get3A_824, %get3A_825] {strides = array<i32>} : memref<32x768xf32, #tpu.memory_space<vmem>>, vector<16xf32>,
        %get3A_827 = arith.index_cast %scan3A_800 : i32 to index
        %get3A_828 = arith.constant 32 : index
        %get3A_829 = tpu.vector_load %arg15[%get3A_827, %get3A_828] {strides = array<i32>} : memref<32x768xf32, #tpu.memory_space<vmem>>, vector<16xf32>,
        %add3A_830 = arith.addf %get3A_826, %get3A_829 : vector<16xf32>
        %add3A_831 = arith.addf %add3A_821, %add3A_830 : vector<16xf32>
        %mul3A_832 = arith.mulf %add3A_830, %add3A_830 : vector<16xf32>
        %add3A_833 = arith.addf %add3A_823, %mul3A_832 : vector<16xf32>
        %get3A_834 = arith.index_cast %scan3A_800 : i32 to index
        %get3A_835 = arith.constant 48 : index
        %get3A_836 = tpu.vector_load %arg13[%get3A_834, %get3A_835] {strides = array<i32>} : memref<32x768xf32, #tpu.memory_space<vmem>>, vector<16xf32>,
        %get3A_837 = arith.index_cast %scan3A_800 : i32 to index
        %get3A_838 = arith.constant 48 : index
        %get3A_839 = tpu.vector_load %arg15[%get3A_837, %get3A_838] {strides = array<i32>} : memref<32x768xf32, #tpu.memory_space<vmem>>, vector<16xf32>,
        %add3A_840 = arith.addf %get3A_836, %get3A_839 : vector<16xf32>
        %add3A_841 = arith.addf %add3A_831, %add3A_840 : vector<16xf32>
        %mul3A_842 = arith.mulf %add3A_840, %add3A_840 : vector<16xf32>
        %add3A_843 = arith.addf %add3A_833, %mul3A_842 : vector<16xf32>
        %get3A_844 = arith.index_cast %scan3A_800 : i32 to index
        %get3A_845 = arith.constant 64 : index
        %get3A_846 = tpu.vector_load %arg13[%get3A_844, %get3A_845] {strides = array<i32>} : memref<32x768xf32, #tpu.memory_space<vmem>>, vector<16xf32>,
        %get3A_847 = arith.index_cast %scan3A_800 : i32 to index
        %get3A_848 = arith.constant 64 : index
        %get3A_849 = tpu.vector_load %arg15[%get3A_847, %get3A_848] {strides = array<i32>} : memref<32x768xf32, #tpu.memory_space<vmem>>, vector<16xf32>,
        %add3A_850 = arith.addf %get3A_846, %get3A_849 : vector<16xf32>
        %add3A_851 = arith.addf %add3A_841, %add3A_850 : vector<16xf32>
        %mul3A_852 = arith.mulf %add3A_850, %add3A_850 : vector<16xf32>
        %add3A_853 = arith.addf %add3A_843, %mul3A_852 : vector<16xf32>
        %get3A_854 = arith.index_cast %scan3A_800 : i32 to index
        %get3A_855 = arith.constant 80 : index
        %get3A_856 = tpu.vector_load %arg13[%get3A_854, %get3A_855] {strides = array<i32>} : memref<32x768xf32, #tpu.memory_space<vmem>>, vector<16xf32>,
        %get3A_857 = arith.index_cast %scan3A_800 : i32 to index
        %get3A_858 = arith.constant 80 : index
        %get3A_859 = tpu.vector_load %arg15[%get3A_857, %get3A_858] {strides = array<i32>} : memref<32x768xf32, #tpu.memory_space<vmem>>, vector<16xf32>,
        %add3A_860 = arith.addf %get3A_856, %get3A_859 : vector<16xf32>
        %add3A_861 = arith.addf %add3A_851, %add3A_860 : vector<16xf32>
        %mul3A_862 = arith.mulf %add3A_860, %add3A_860 : vector<16xf32>
        %add3A_863 = arith.addf %add3A_853, %mul3A_862 : vector<16xf32>
        %get3A_864 = arith.index_cast %scan3A_800 : i32 to index
        %get3A_865 = arith.constant 96 : index
        %get3A_866 = tpu.vector_load %arg13[%get3A_864, %get3A_865] {strides = array<i32>} : memref<32x768xf32, #tpu.memory_space<vmem>>, vector<16xf32>,
        %get3A_867 = arith.index_cast %scan3A_800 : i32 to index
        %get3A_868 = arith.constant 96 : index
        %get3A_869 = tpu.vector_load %arg15[%get3A_867, %get3A_868] {strides = array<i32>} : memref<32x768xf32, #tpu.memory_space<vmem>>, vector<16xf32>,
        %add3A_870 = arith.addf %get3A_866, %get3A_869 : vector<16xf32>
        %add3A_871 = arith.addf %add3A_861, %add3A_870 : vector<16xf32>
        %mul3A_872 = arith.mulf %add3A_870, %add3A_870 : vector<16xf32>
        %add3A_873 = arith.addf %add3A_863, %mul3A_872 : vector<16xf32>
        %get3A_874 = arith.index_cast %scan3A_800 : i32 to index
        %get3A_875 = arith.constant 112 : index
        %get3A_876 = tpu.vector_load %arg13[%get3A_874, %get3A_875] {strides = array<i32>} : memref<32x768xf32, #tpu.memory_space<vmem>>, vector<16xf32>,
        %get3A_877 = arith.index_cast %scan3A_800 : i32 to index
        %get3A_878 = arith.constant 112 : index
        %get3A_879 = tpu.vector_load %arg15[%get3A_877, %get3A_878] {strides = array<i32>} : memref<32x768xf32, #tpu.memory_space<vmem>>, vector<16xf32>,
        %add3A_880 = arith.addf %get3A_876, %get3A_879 : vector<16xf32>
        %add3A_881 = arith.addf %add3A_871, %add3A_880 : vector<16xf32>
        %mul3A_882 = arith.mulf %add3A_880, %add3A_880 : vector<16xf32>
        %add3A_883 = arith.addf %add3A_873, %mul3A_882 : vector<16xf32>
        %get3A_884 = arith.index_cast %scan3A_800 : i32 to index
        %get3A_885 = arith.constant 128 : index
        %get3A_886 = tpu.vector_load %arg13[%get3A_884, %get3A_885] {strides = array<i32>} : memref<32x768xf32, #tpu.memory_space<vmem>>, vector<16xf32>,
        %get3A_887 = arith.index_cast %scan3A_800 : i32 to index
        %get3A_888 = arith.constant 128 : index
        %get3A_889 = tpu.vector_load %arg15[%get3A_887, %get3A_888] {strides = array<i32>} : memref<32x768xf32, #tpu.memory_space<vmem>>, vector<16xf32>,
        %add3A_890 = arith.addf %get3A_886, %get3A_889 : vector<16xf32>
        %add3A_891 = arith.addf %add3A_881, %add3A_890 : vector<16xf32>
        %mul3A_892 = arith.mulf %add3A_890, %add3A_890 : vector<16xf32>
        %add3A_893 = arith.addf %add3A_883, %mul3A_892 : vector<16xf32>
        %get3A_894 = arith.index_cast %scan3A_800 : i32 to index
        %get3A_895 = arith.constant 144 : index
        %get3A_896 = tpu.vector_load %arg13[%get3A_894, %get3A_895] {strides = array<i32>} : memref<32x768xf32, #tpu.memory_space<vmem>>, vector<16xf32>,
        %get3A_897 = arith.index_cast %scan3A_800 : i32 to index
        %get3A_898 = arith.constant 144 : index
        %get3A_899 = tpu.vector_load %arg15[%get3A_897, %get3A_898] {strides = array<i32>} : memref<32x768xf32, #tpu.memory_space<vmem>>, vector<16xf32>,
        %add3A_900 = arith.addf %get3A_896, %get3A_899 : vector<16xf32>
        %add3A_901 = arith.addf %add3A_891, %add3A_900 : vector<16xf32>
        %mul3A_902 = arith.mulf %add3A_900, %add3A_900 : vector<16xf32>
        %add3A_903 = arith.addf %add3A_893, %mul3A_902 : vector<16xf32>
        %get3A_904 = arith.index_cast %scan3A_800 : i32 to index
        %get3A_905 = arith.constant 160 : index
        %get3A_906 = tpu.vector_load %arg13[%get3A_904, %get3A_905] {strides = array<i32>} : memref<32x768xf32, #tpu.memory_space<vmem>>, vector<16xf32>,
        %get3A_907 = arith.index_cast %scan3A_800 : i32 to index
        %get3A_908 = arith.constant 160 : index
        %get3A_909 = tpu.vector_load %arg15[%get3A_907, %get3A_908] {strides = array<i32>} : memref<32x768xf32, #tpu.memory_space<vmem>>, vector<16xf32>,
        %add3A_910 = arith.addf %get3A_906, %get3A_909 : vector<16xf32>
        %add3A_911 = arith.addf %add3A_901, %add3A_910 : vector<16xf32>
        %mul3A_912 = arith.mulf %add3A_910, %add3A_910 : vector<16xf32>
        %add3A_913 = arith.addf %add3A_903, %mul3A_912 : vector<16xf32>
        %get3A_914 = arith.index_cast %scan3A_800 : i32 to index
        %get3A_915 = arith.constant 176 : index
        %get3A_916 = tpu.vector_load %arg13[%get3A_914, %get3A_915] {strides = array<i32>} : memref<32x768xf32, #tpu.memory_space<vmem>>, vector<16xf32>,
        %get3A_917 = arith.index_cast %scan3A_800 : i32 to index
        %get3A_918 = arith.constant 176 : index
        %get3A_919 = tpu.vector_load %arg15[%get3A_917, %get3A_918] {strides = array<i32>} : memref<32x768xf32, #tpu.memory_space<vmem>>, vector<16xf32>,
        %add3A_920 = arith.addf %get3A_916, %get3A_919 : vector<16xf32>
        %add3A_921 = arith.addf %add3A_911, %add3A_920 : vector<16xf32>
        %mul3A_922 = arith.mulf %add3A_920, %add3A_920 : vector<16xf32>
        %add3A_923 = arith.addf %add3A_913, %mul3A_922 : vector<16xf32>
        %get3A_924 = arith.index_cast %scan3A_800 : i32 to index
        %get3A_925 = arith.constant 192 : index
        %get3A_926 = tpu.vector_load %arg13[%get3A_924, %get3A_925] {strides = array<i32>} : memref<32x768xf32, #tpu.memory_space<vmem>>, vector<16xf32>,
        %get3A_927 = arith.index_cast %scan3A_800 : i32 to index
        %get3A_928 = arith.constant 192 : index
        %get3A_929 = tpu.vector_load %arg15[%get3A_927, %get3A_928] {strides = array<i32>} : memref<32x768xf32, #tpu.memory_space<vmem>>, vector<16xf32>,
        %add3A_930 = arith.addf %get3A_926, %get3A_929 : vector<16xf32>
        %add3A_931 = arith.addf %add3A_921, %add3A_930 : vector<16xf32>
        %mul3A_932 = arith.mulf %add3A_930, %add3A_930 : vector<16xf32>
        %add3A_933 = arith.addf %add3A_923, %mul3A_932 : vector<16xf32>
        %get3A_934 = arith.index_cast %scan3A_800 : i32 to index
        %get3A_935 = arith.constant 208 : index
        %get3A_936 = tpu.vector_load %arg13[%get3A_934, %get3A_935] {strides = array<i32>} : memref<32x768xf32, #tpu.memory_space<vmem>>, vector<16xf32>,
        %get3A_937 = arith.index_cast %scan3A_800 : i32 to index
        %get3A_938 = arith.constant 208 : index
        %get3A_939 = tpu.vector_load %arg15[%get3A_937, %get3A_938] {strides = array<i32>} : memref<32x768xf32, #tpu.memory_space<vmem>>, vector<16xf32>,
        %add3A_940 = arith.addf %get3A_936, %get3A_939 : vector<16xf32>
        %add3A_941 = arith.addf %add3A_931, %add3A_940 : vector<16xf32>
        %mul3A_942 = arith.mulf %add3A_940, %add3A_940 : vector<16xf32>
        %add3A_943 = arith.addf %add3A_933, %mul3A_942 : vector<16xf32>
        %get3A_944 = arith.index_cast %scan3A_800 : i32 to index
        %get3A_945 = arith.constant 224 : index
        %get3A_946 = tpu.vector_load %arg13[%get3A_944, %get3A_945] {strides = array<i32>} : memref<32x768xf32, #tpu.memory_space<vmem>>, vector<16xf32>,
        %get3A_947 = arith.index_cast %scan3A_800 : i32 to index
        %get3A_948 = arith.constant 224 : index
        %get3A_949 = tpu.vector_load %arg15[%get3A_947, %get3A_948] {strides = array<i32>} : memref<32x768xf32, #tpu.memory_space<vmem>>, vector<16xf32>,
        %add3A_950 = arith.addf %get3A_946, %get3A_949 : vector<16xf32>
        %add3A_951 = arith.addf %add3A_941, %add3A_950 : vector<16xf32>
        %mul3A_952 = arith.mulf %add3A_950, %add3A_950 : vector<16xf32>
        %add3A_953 = arith.addf %add3A_943, %mul3A_952 : vector<16xf32>
        %get3A_954 = arith.index_cast %scan3A_800 : i32 to index
        %get3A_955 = arith.constant 240 : index
        %get3A_956 = tpu.vector_load %arg13[%get3A_954, %get3A_955] {strides = array<i32>} : memref<32x768xf32, #tpu.memory_space<vmem>>, vector<16xf32>,
        %get3A_957 = arith.index_cast %scan3A_800 : i32 to index
        %get3A_958 = arith.constant 240 : index
        %get3A_959 = tpu.vector_load %arg15[%get3A_957, %get3A_958] {strides = array<i32>} : memref<32x768xf32, #tpu.memory_space<vmem>>, vector<16xf32>,
        %add3A_960 = arith.addf %get3A_956, %get3A_959 : vector<16xf32>
        %add3A_961 = arith.addf %add3A_951, %add3A_960 : vector<16xf32>
        %mul3A_962 = arith.mulf %add3A_960, %add3A_960 : vector<16xf32>
        %add3A_963 = arith.addf %add3A_953, %mul3A_962 : vector<16xf32>
        %get3A_964 = arith.index_cast %scan3A_800 : i32 to index
        %get3A_965 = arith.constant 256 : index
        %get3A_966 = tpu.vector_load %arg13[%get3A_964, %get3A_965] {strides = array<i32>} : memref<32x768xf32, #tpu.memory_space<vmem>>, vector<16xf32>,
        %get3A_967 = arith.index_cast %scan3A_800 : i32 to index
        %get3A_968 = arith.constant 256 : index
        %get3A_969 = tpu.vector_load %arg15[%get3A_967, %get3A_968] {strides = array<i32>} : memref<32x768xf32, #tpu.memory_space<vmem>>, vector<16xf32>,
        %add3A_970 = arith.addf %get3A_966, %get3A_969 : vector<16xf32>
        %add3A_971 = arith.addf %add3A_961, %add3A_970 : vector<16xf32>
        %mul3A_972 = arith.mulf %add3A_970, %add3A_970 : vector<16xf32>
        %add3A_973 = arith.addf %add3A_963, %mul3A_972 : vector<16xf32>
        %get3A_974 = arith.index_cast %scan3A_800 : i32 to index
        %get3A_975 = arith.constant 272 : index
        %get3A_976 = tpu.vector_load %arg13[%get3A_974, %get3A_975] {strides = array<i32>} : memref<32x768xf32, #tpu.memory_space<vmem>>, vector<16xf32>,
        %get3A_977 = arith.index_cast %scan3A_800 : i32 to index
        %get3A_978 = arith.constant 272 : index
        %get3A_979 = tpu.vector_load %arg15[%get3A_977, %get3A_978] {strides = array<i32>} : memref<32x768xf32, #tpu.memory_space<vmem>>, vector<16xf32>,
        %add3A_980 = arith.addf %get3A_976, %get3A_979 : vector<16xf32>
        %add3A_981 = arith.addf %add3A_971, %add3A_980 : vector<16xf32>
        %mul3A_982 = arith.mulf %add3A_980, %add3A_980 : vector<16xf32>
        %add3A_983 = arith.addf %add3A_973, %mul3A_982 : vector<16xf32>
        %get3A_984 = arith.index_cast %scan3A_800 : i32 to index
        %get3A_985 = arith.constant 288 : index
        %get3A_986 = tpu.vector_load %arg13[%get3A_984, %get3A_985] {strides = array<i32>} : memref<32x768xf32, #tpu.memory_space<vmem>>, vector<16xf32>,
        %get3A_987 = arith.index_cast %scan3A_800 : i32 to index
        %get3A_988 = arith.constant 288 : index
        %get3A_989 = tpu.vector_load %arg15[%get3A_987, %get3A_988] {strides = array<i32>} : memref<32x768xf32, #tpu.memory_space<vmem>>, vector<16xf32>,
        %add3A_990 = arith.addf %get3A_986, %get3A_989 : vector<16xf32>
        %add3A_991 = arith.addf %add3A_981, %add3A_990 : vector<16xf32>
        %mul3A_992 = arith.mulf %add3A_990, %add3A_990 : vector<16xf32>
        %add3A_993 = arith.addf %add3A_983, %mul3A_992 : vector<16xf32>
        %get3A_994 = arith.index_cast %scan3A_800 : i32 to index
        %get3A_995 = arith.constant 304 : index
        %get3A_996 = tpu.vector_load %arg13[%get3A_994, %get3A_995] {strides = array<i32>} : memref<32x768xf32, #tpu.memory_space<vmem>>, vector<16xf32>,
        %get3A_997 = arith.index_cast %scan3A_800 : i32 to index
        %get3A_998 = arith.constant 304 : index
        %get3A_999 = tpu.vector_load %arg15[%get3A_997, %get3A_998] {strides = array<i32>} : memref<32x768xf32, #tpu.memory_space<vmem>>, vector<16xf32>,
        %add3A_1000 = arith.addf %get3A_996, %get3A_999 : vector<16xf32>
        %add3A_1001 = arith.addf %add3A_991, %add3A_1000 : vector<16xf32>
        %mul3A_1002 = arith.mulf %add3A_1000, %add3A_1000 : vector<16xf32>
        %add3A_1003 = arith.addf %add3A_993, %mul3A_1002 : vector<16xf32>
        %get3A_1004 = arith.index_cast %scan3A_800 : i32 to index
        %get3A_1005 = arith.constant 320 : index
        %get3A_1006 = tpu.vector_load %arg13[%get3A_1004, %get3A_1005] {strides = array<i32>} : memref<32x768xf32, #tpu.memory_space<vmem>>, vector<16xf32>,
        %get3A_1007 = arith.index_cast %scan3A_800 : i32 to index
        %get3A_1008 = arith.constant 320 : index
        %get3A_1009 = tpu.vector_load %arg15[%get3A_1007, %get3A_1008] {strides = array<i32>} : memref<32x768xf32, #tpu.memory_space<vmem>>, vector<16xf32>,
        %add3A_1010 = arith.addf %get3A_1006, %get3A_1009 : vector<16xf32>
        %add3A_1011 = arith.addf %add3A_1001, %add3A_1010 : vector<16xf32>
        %mul3A_1012 = arith.mulf %add3A_1010, %add3A_1010 : vector<16xf32>
        %add3A_1013 = arith.addf %add3A_1003, %mul3A_1012 : vector<16xf32>
        %get3A_1014 = arith.index_cast %scan3A_800 : i32 to index
        %get3A_1015 = arith.constant 336 : index
        %get3A_1016 = tpu.vector_load %arg13[%get3A_1014, %get3A_1015] {strides = array<i32>} : memref<32x768xf32, #tpu.memory_space<vmem>>, vector<16xf32>,
        %get3A_1017 = arith.index_cast %scan3A_800 : i32 to index
        %get3A_1018 = arith.constant 336 : index
        %get3A_1019 = tpu.vector_load %arg15[%get3A_1017, %get3A_1018] {strides = array<i32>} : memref<32x768xf32, #tpu.memory_space<vmem>>, vector<16xf32>,
        %add3A_1020 = arith.addf %get3A_1016, %get3A_1019 : vector<16xf32>
        %add3A_1021 = arith.addf %add3A_1011, %add3A_1020 : vector<16xf32>
        %mul3A_1022 = arith.mulf %add3A_1020, %add3A_1020 : vector<16xf32>
        %add3A_1023 = arith.addf %add3A_1013, %mul3A_1022 : vector<16xf32>
        %get3A_1024 = arith.index_cast %scan3A_800 : i32 to index
        %get3A_1025 = arith.constant 352 : index
        %get3A_1026 = tpu.vector_load %arg13[%get3A_1024, %get3A_1025] {strides = array<i32>} : memref<32x768xf32, #tpu.memory_space<vmem>>, vector<16xf32>,
        %get3A_1027 = arith.index_cast %scan3A_800 : i32 to index
        %get3A_1028 = arith.constant 352 : index
        %get3A_1029 = tpu.vector_load %arg15[%get3A_1027, %get3A_1028] {strides = array<i32>} : memref<32x768xf32, #tpu.memory_space<vmem>>, vector<16xf32>,
        %add3A_1030 = arith.addf %get3A_1026, %get3A_1029 : vector<16xf32>
        %add3A_1031 = arith.addf %add3A_1021, %add3A_1030 : vector<16xf32>
        %mul3A_1032 = arith.mulf %add3A_1030, %add3A_1030 : vector<16xf32>
        %add3A_1033 = arith.addf %add3A_1023, %mul3A_1032 : vector<16xf32>
        %get3A_1034 = arith.index_cast %scan3A_800 : i32 to index
        %get3A_1035 = arith.constant 368 : index
        %get3A_1036 = tpu.vector_load %arg13[%get3A_1034, %get3A_1035] {strides = array<i32>} : memref<32x768xf32, #tpu.memory_space<vmem>>, vector<16xf32>,
        %get3A_1037 = arith.index_cast %scan3A_800 : i32 to index
        %get3A_1038 = arith.constant 368 : index
        %get3A_1039 = tpu.vector_load %arg15[%get3A_1037, %get3A_1038] {strides = array<i32>} : memref<32x768xf32, #tpu.memory_space<vmem>>, vector<16xf32>,
        %add3A_1040 = arith.addf %get3A_1036, %get3A_1039 : vector<16xf32>
        %add3A_1041 = arith.addf %add3A_1031, %add3A_1040 : vector<16xf32>
        %mul3A_1042 = arith.mulf %add3A_1040, %add3A_1040 : vector<16xf32>
        %add3A_1043 = arith.addf %add3A_1033, %mul3A_1042 : vector<16xf32>
        %get3A_1044 = arith.index_cast %scan3A_800 : i32 to index
        %get3A_1045 = arith.constant 384 : index
        %get3A_1046 = tpu.vector_load %arg13[%get3A_1044, %get3A_1045] {strides = array<i32>} : memref<32x768xf32, #tpu.memory_space<vmem>>, vector<16xf32>,
        %get3A_1047 = arith.index_cast %scan3A_800 : i32 to index
        %get3A_1048 = arith.constant 384 : index
        %get3A_1049 = tpu.vector_load %arg15[%get3A_1047, %get3A_1048] {strides = array<i32>} : memref<32x768xf32, #tpu.memory_space<vmem>>, vector<16xf32>,
        %add3A_1050 = arith.addf %get3A_1046, %get3A_1049 : vector<16xf32>
        %add3A_1051 = arith.addf %add3A_1041, %add3A_1050 : vector<16xf32>
        %mul3A_1052 = arith.mulf %add3A_1050, %add3A_1050 : vector<16xf32>
        %add3A_1053 = arith.addf %add3A_1043, %mul3A_1052 : vector<16xf32>
        %get3A_1054 = arith.index_cast %scan3A_800 : i32 to index
        %get3A_1055 = arith.constant 400 : index
        %get3A_1056 = tpu.vector_load %arg13[%get3A_1054, %get3A_1055] {strides = array<i32>} : memref<32x768xf32, #tpu.memory_space<vmem>>, vector<16xf32>,
        %get3A_1057 = arith.index_cast %scan3A_800 : i32 to index
        %get3A_1058 = arith.constant 400 : index
        %get3A_1059 = tpu.vector_load %arg15[%get3A_1057, %get3A_1058] {strides = array<i32>} : memref<32x768xf32, #tpu.memory_space<vmem>>, vector<16xf32>,
        %add3A_1060 = arith.addf %get3A_1056, %get3A_1059 : vector<16xf32>
        %add3A_1061 = arith.addf %add3A_1051, %add3A_1060 : vector<16xf32>
        %mul3A_1062 = arith.mulf %add3A_1060, %add3A_1060 : vector<16xf32>
        %add3A_1063 = arith.addf %add3A_1053, %mul3A_1062 : vector<16xf32>
        %get3A_1064 = arith.index_cast %scan3A_800 : i32 to index
        %get3A_1065 = arith.constant 416 : index
        %get3A_1066 = tpu.vector_load %arg13[%get3A_1064, %get3A_1065] {strides = array<i32>} : memref<32x768xf32, #tpu.memory_space<vmem>>, vector<16xf32>,
        %get3A_1067 = arith.index_cast %scan3A_800 : i32 to index
        %get3A_1068 = arith.constant 416 : index
        %get3A_1069 = tpu.vector_load %arg15[%get3A_1067, %get3A_1068] {strides = array<i32>} : memref<32x768xf32, #tpu.memory_space<vmem>>, vector<16xf32>,
        %add3A_1070 = arith.addf %get3A_1066, %get3A_1069 : vector<16xf32>
        %add3A_1071 = arith.addf %add3A_1061, %add3A_1070 : vector<16xf32>
        %mul3A_1072 = arith.mulf %add3A_1070, %add3A_1070 : vector<16xf32>
        %add3A_1073 = arith.addf %add3A_1063, %mul3A_1072 : vector<16xf32>
        %get3A_1074 = arith.index_cast %scan3A_800 : i32 to index
        %get3A_1075 = arith.constant 432 : index
        %get3A_1076 = tpu.vector_load %arg13[%get3A_1074, %get3A_1075] {strides = array<i32>} : memref<32x768xf32, #tpu.memory_space<vmem>>, vector<16xf32>,
        %get3A_1077 = arith.index_cast %scan3A_800 : i32 to index
        %get3A_1078 = arith.constant 432 : index
        %get3A_1079 = tpu.vector_load %arg15[%get3A_1077, %get3A_1078] {strides = array<i32>} : memref<32x768xf32, #tpu.memory_space<vmem>>, vector<16xf32>,
        %add3A_1080 = arith.addf %get3A_1076, %get3A_1079 : vector<16xf32>
        %add3A_1081 = arith.addf %add3A_1071, %add3A_1080 : vector<16xf32>
        %mul3A_1082 = arith.mulf %add3A_1080, %add3A_1080 : vector<16xf32>
        %add3A_1083 = arith.addf %add3A_1073, %mul3A_1082 : vector<16xf32>
        %get3A_1084 = arith.index_cast %scan3A_800 : i32 to index
        %get3A_1085 = arith.constant 448 : index
        %get3A_1086 = tpu.vector_load %arg13[%get3A_1084, %get3A_1085] {strides = array<i32>} : memref<32x768xf32, #tpu.memory_space<vmem>>, vector<16xf32>,
        %get3A_1087 = arith.index_cast %scan3A_800 : i32 to index
        %get3A_1088 = arith.constant 448 : index
        %get3A_1089 = tpu.vector_load %arg15[%get3A_1087, %get3A_1088] {strides = array<i32>} : memref<32x768xf32, #tpu.memory_space<vmem>>, vector<16xf32>,
        %add3A_1090 = arith.addf %get3A_1086, %get3A_1089 : vector<16xf32>
        %add3A_1091 = arith.addf %add3A_1081, %add3A_1090 : vector<16xf32>
        %mul3A_1092 = arith.mulf %add3A_1090, %add3A_1090 : vector<16xf32>
        %add3A_1093 = arith.addf %add3A_1083, %mul3A_1092 : vector<16xf32>
        %get3A_1094 = arith.index_cast %scan3A_800 : i32 to index
        %get3A_1095 = arith.constant 464 : index
        %get3A_1096 = tpu.vector_load %arg13[%get3A_1094, %get3A_1095] {strides = array<i32>} : memref<32x768xf32, #tpu.memory_space<vmem>>, vector<16xf32>,
        %get3A_1097 = arith.index_cast %scan3A_800 : i32 to index
        %get3A_1098 = arith.constant 464 : index
        %get3A_1099 = tpu.vector_load %arg15[%get3A_1097, %get3A_1098] {strides = array<i32>} : memref<32x768xf32, #tpu.memory_space<vmem>>, vector<16xf32>,
        %add3A_1100 = arith.addf %get3A_1096, %get3A_1099 : vector<16xf32>
        %add3A_1101 = arith.addf %add3A_1091, %add3A_1100 : vector<16xf32>
        %mul3A_1102 = arith.mulf %add3A_1100, %add3A_1100 : vector<16xf32>
        %add3A_1103 = arith.addf %add3A_1093, %mul3A_1102 : vector<16xf32>
        %get3A_1104 = arith.index_cast %scan3A_800 : i32 to index
        %get3A_1105 = arith.constant 480 : index
        %get3A_1106 = tpu.vector_load %arg13[%get3A_1104, %get3A_1105] {strides = array<i32>} : memref<32x768xf32, #tpu.memory_space<vmem>>, vector<16xf32>,
        %get3A_1107 = arith.index_cast %scan3A_800 : i32 to index
        %get3A_1108 = arith.constant 480 : index
        %get3A_1109 = tpu.vector_load %arg15[%get3A_1107, %get3A_1108] {strides = array<i32>} : memref<32x768xf32, #tpu.memory_space<vmem>>, vector<16xf32>,
        %add3A_1110 = arith.addf %get3A_1106, %get3A_1109 : vector<16xf32>
        %add3A_1111 = arith.addf %add3A_1101, %add3A_1110 : vector<16xf32>
        %mul3A_1112 = arith.mulf %add3A_1110, %add3A_1110 : vector<16xf32>
        %add3A_1113 = arith.addf %add3A_1103, %mul3A_1112 : vector<16xf32>
        %get3A_1114 = arith.index_cast %scan3A_800 : i32 to index
        %get3A_1115 = arith.constant 496 : index
        %get3A_1116 = tpu.vector_load %arg13[%get3A_1114, %get3A_1115] {strides = array<i32>} : memref<32x768xf32, #tpu.memory_space<vmem>>, vector<16xf32>,
        %get3A_1117 = arith.index_cast %scan3A_800 : i32 to index
        %get3A_1118 = arith.constant 496 : index
        %get3A_1119 = tpu.vector_load %arg15[%get3A_1117, %get3A_1118] {strides = array<i32>} : memref<32x768xf32, #tpu.memory_space<vmem>>, vector<16xf32>,
        %add3A_1120 = arith.addf %get3A_1116, %get3A_1119 : vector<16xf32>
        %add3A_1121 = arith.addf %add3A_1111, %add3A_1120 : vector<16xf32>
        %mul3A_1122 = arith.mulf %add3A_1120, %add3A_1120 : vector<16xf32>
        %add3A_1123 = arith.addf %add3A_1113, %mul3A_1122 : vector<16xf32>
        %get3A_1124 = arith.index_cast %scan3A_800 : i32 to index
        %get3A_1125 = arith.constant 512 : index
        %get3A_1126 = tpu.vector_load %arg13[%get3A_1124, %get3A_1125] {strides = array<i32>} : memref<32x768xf32, #tpu.memory_space<vmem>>, vector<16xf32>,
        %get3A_1127 = arith.index_cast %scan3A_800 : i32 to index
        %get3A_1128 = arith.constant 512 : index
        %get3A_1129 = tpu.vector_load %arg15[%get3A_1127, %get3A_1128] {strides = array<i32>} : memref<32x768xf32, #tpu.memory_space<vmem>>, vector<16xf32>,
        %add3A_1130 = arith.addf %get3A_1126, %get3A_1129 : vector<16xf32>
        %add3A_1131 = arith.addf %add3A_1121, %add3A_1130 : vector<16xf32>
        %mul3A_1132 = arith.mulf %add3A_1130, %add3A_1130 : vector<16xf32>
        %add3A_1133 = arith.addf %add3A_1123, %mul3A_1132 : vector<16xf32>
        %get3A_1134 = arith.index_cast %scan3A_800 : i32 to index
        %get3A_1135 = arith.constant 528 : index
        %get3A_1136 = tpu.vector_load %arg13[%get3A_1134, %get3A_1135] {strides = array<i32>} : memref<32x768xf32, #tpu.memory_space<vmem>>, vector<16xf32>,
        %get3A_1137 = arith.index_cast %scan3A_800 : i32 to index
        %get3A_1138 = arith.constant 528 : index
        %get3A_1139 = tpu.vector_load %arg15[%get3A_1137, %get3A_1138] {strides = array<i32>} : memref<32x768xf32, #tpu.memory_space<vmem>>, vector<16xf32>,
        %add3A_1140 = arith.addf %get3A_1136, %get3A_1139 : vector<16xf32>
        %add3A_1141 = arith.addf %add3A_1131, %add3A_1140 : vector<16xf32>
        %mul3A_1142 = arith.mulf %add3A_1140, %add3A_1140 : vector<16xf32>
        %add3A_1143 = arith.addf %add3A_1133, %mul3A_1142 : vector<16xf32>
        %get3A_1144 = arith.index_cast %scan3A_800 : i32 to index
        %get3A_1145 = arith.constant 544 : index
        %get3A_1146 = tpu.vector_load %arg13[%get3A_1144, %get3A_1145] {strides = array<i32>} : memref<32x768xf32, #tpu.memory_space<vmem>>, vector<16xf32>,
        %get3A_1147 = arith.index_cast %scan3A_800 : i32 to index
        %get3A_1148 = arith.constant 544 : index
        %get3A_1149 = tpu.vector_load %arg15[%get3A_1147, %get3A_1148] {strides = array<i32>} : memref<32x768xf32, #tpu.memory_space<vmem>>, vector<16xf32>,
        %add3A_1150 = arith.addf %get3A_1146, %get3A_1149 : vector<16xf32>
        %add3A_1151 = arith.addf %add3A_1141, %add3A_1150 : vector<16xf32>
        %mul3A_1152 = arith.mulf %add3A_1150, %add3A_1150 : vector<16xf32>
        %add3A_1153 = arith.addf %add3A_1143, %mul3A_1152 : vector<16xf32>
        %get3A_1154 = arith.index_cast %scan3A_800 : i32 to index
        %get3A_1155 = arith.constant 560 : index
        %get3A_1156 = tpu.vector_load %arg13[%get3A_1154, %get3A_1155] {strides = array<i32>} : memref<32x768xf32, #tpu.memory_space<vmem>>, vector<16xf32>,
        %get3A_1157 = arith.index_cast %scan3A_800 : i32 to index
        %get3A_1158 = arith.constant 560 : index
        %get3A_1159 = tpu.vector_load %arg15[%get3A_1157, %get3A_1158] {strides = array<i32>} : memref<32x768xf32, #tpu.memory_space<vmem>>, vector<16xf32>,
        %add3A_1160 = arith.addf %get3A_1156, %get3A_1159 : vector<16xf32>
        %add3A_1161 = arith.addf %add3A_1151, %add3A_1160 : vector<16xf32>
        %mul3A_1162 = arith.mulf %add3A_1160, %add3A_1160 : vector<16xf32>
        %add3A_1163 = arith.addf %add3A_1153, %mul3A_1162 : vector<16xf32>
        %get3A_1164 = arith.index_cast %scan3A_800 : i32 to index
        %get3A_1165 = arith.constant 576 : index
        %get3A_1166 = tpu.vector_load %arg13[%get3A_1164, %get3A_1165] {strides = array<i32>} : memref<32x768xf32, #tpu.memory_space<vmem>>, vector<16xf32>,
        %get3A_1167 = arith.index_cast %scan3A_800 : i32 to index
        %get3A_1168 = arith.constant 576 : index
        %get3A_1169 = tpu.vector_load %arg15[%get3A_1167, %get3A_1168] {strides = array<i32>} : memref<32x768xf32, #tpu.memory_space<vmem>>, vector<16xf32>,
        %add3A_1170 = arith.addf %get3A_1166, %get3A_1169 : vector<16xf32>
        %add3A_1171 = arith.addf %add3A_1161, %add3A_1170 : vector<16xf32>
        %mul3A_1172 = arith.mulf %add3A_1170, %add3A_1170 : vector<16xf32>
        %add3A_1173 = arith.addf %add3A_1163, %mul3A_1172 : vector<16xf32>
        %get3A_1174 = arith.index_cast %scan3A_800 : i32 to index
        %get3A_1175 = arith.constant 592 : index
        %get3A_1176 = tpu.vector_load %arg13[%get3A_1174, %get3A_1175] {strides = array<i32>} : memref<32x768xf32, #tpu.memory_space<vmem>>, vector<16xf32>,
        %get3A_1177 = arith.index_cast %scan3A_800 : i32 to index
        %get3A_1178 = arith.constant 592 : index
        %get3A_1179 = tpu.vector_load %arg15[%get3A_1177, %get3A_1178] {strides = array<i32>} : memref<32x768xf32, #tpu.memory_space<vmem>>, vector<16xf32>,
        %add3A_1180 = arith.addf %get3A_1176, %get3A_1179 : vector<16xf32>
        %add3A_1181 = arith.addf %add3A_1171, %add3A_1180 : vector<16xf32>
        %mul3A_1182 = arith.mulf %add3A_1180, %add3A_1180 : vector<16xf32>
        %add3A_1183 = arith.addf %add3A_1173, %mul3A_1182 : vector<16xf32>
        %get3A_1184 = arith.index_cast %scan3A_800 : i32 to index
        %get3A_1185 = arith.constant 608 : index
        %get3A_1186 = tpu.vector_load %arg13[%get3A_1184, %get3A_1185] {strides = array<i32>} : memref<32x768xf32, #tpu.memory_space<vmem>>, vector<16xf32>,
        %get3A_1187 = arith.index_cast %scan3A_800 : i32 to index
        %get3A_1188 = arith.constant 608 : index
        %get3A_1189 = tpu.vector_load %arg15[%get3A_1187, %get3A_1188] {strides = array<i32>} : memref<32x768xf32, #tpu.memory_space<vmem>>, vector<16xf32>,
        %add3A_1190 = arith.addf %get3A_1186, %get3A_1189 : vector<16xf32>
        %add3A_1191 = arith.addf %add3A_1181, %add3A_1190 : vector<16xf32>
        %mul3A_1192 = arith.mulf %add3A_1190, %add3A_1190 : vector<16xf32>
        %add3A_1193 = arith.addf %add3A_1183, %mul3A_1192 : vector<16xf32>
        %get3A_1194 = arith.index_cast %scan3A_800 : i32 to index
        %get3A_1195 = arith.constant 624 : index
        %get3A_1196 = tpu.vector_load %arg13[%get3A_1194, %get3A_1195] {strides = array<i32>} : memref<32x768xf32, #tpu.memory_space<vmem>>, vector<16xf32>,
        %get3A_1197 = arith.index_cast %scan3A_800 : i32 to index
        %get3A_1198 = arith.constant 624 : index
        %get3A_1199 = tpu.vector_load %arg15[%get3A_1197, %get3A_1198] {strides = array<i32>} : memref<32x768xf32, #tpu.memory_space<vmem>>, vector<16xf32>,
        %add3A_1200 = arith.addf %get3A_1196, %get3A_1199 : vector<16xf32>
        %add3A_1201 = arith.addf %add3A_1191, %add3A_1200 : vector<16xf32>
        %mul3A_1202 = arith.mulf %add3A_1200, %add3A_1200 : vector<16xf32>
        %add3A_1203 = arith.addf %add3A_1193, %mul3A_1202 : vector<16xf32>
        %get3A_1204 = arith.index_cast %scan3A_800 : i32 to index
        %get3A_1205 = arith.constant 640 : index
        %get3A_1206 = tpu.vector_load %arg13[%get3A_1204, %get3A_1205] {strides = array<i32>} : memref<32x768xf32, #tpu.memory_space<vmem>>, vector<16xf32>,
        %get3A_1207 = arith.index_cast %scan3A_800 : i32 to index
        %get3A_1208 = arith.constant 640 : index
        %get3A_1209 = tpu.vector_load %arg15[%get3A_1207, %get3A_1208] {strides = array<i32>} : memref<32x768xf32, #tpu.memory_space<vmem>>, vector<16xf32>,
        %add3A_1210 = arith.addf %get3A_1206, %get3A_1209 : vector<16xf32>
        %add3A_1211 = arith.addf %add3A_1201, %add3A_1210 : vector<16xf32>
        %mul3A_1212 = arith.mulf %add3A_1210, %add3A_1210 : vector<16xf32>
        %add3A_1213 = arith.addf %add3A_1203, %mul3A_1212 : vector<16xf32>
        %get3A_1214 = arith.index_cast %scan3A_800 : i32 to index
        %get3A_1215 = arith.constant 656 : index
        %get3A_1216 = tpu.vector_load %arg13[%get3A_1214, %get3A_1215] {strides = array<i32>} : memref<32x768xf32, #tpu.memory_space<vmem>>, vector<16xf32>,
        %get3A_1217 = arith.index_cast %scan3A_800 : i32 to index
        %get3A_1218 = arith.constant 656 : index
        %get3A_1219 = tpu.vector_load %arg15[%get3A_1217, %get3A_1218] {strides = array<i32>} : memref<32x768xf32, #tpu.memory_space<vmem>>, vector<16xf32>,
        %add3A_1220 = arith.addf %get3A_1216, %get3A_1219 : vector<16xf32>
        %add3A_1221 = arith.addf %add3A_1211, %add3A_1220 : vector<16xf32>
        %mul3A_1222 = arith.mulf %add3A_1220, %add3A_1220 : vector<16xf32>
        %add3A_1223 = arith.addf %add3A_1213, %mul3A_1222 : vector<16xf32>
        %get3A_1224 = arith.index_cast %scan3A_800 : i32 to index
        %get3A_1225 = arith.constant 672 : index
        %get3A_1226 = tpu.vector_load %arg13[%get3A_1224, %get3A_1225] {strides = array<i32>} : memref<32x768xf32, #tpu.memory_space<vmem>>, vector<16xf32>,
        %get3A_1227 = arith.index_cast %scan3A_800 : i32 to index
        %get3A_1228 = arith.constant 672 : index
        %get3A_1229 = tpu.vector_load %arg15[%get3A_1227, %get3A_1228] {strides = array<i32>} : memref<32x768xf32, #tpu.memory_space<vmem>>, vector<16xf32>,
        %add3A_1230 = arith.addf %get3A_1226, %get3A_1229 : vector<16xf32>
        %add3A_1231 = arith.addf %add3A_1221, %add3A_1230 : vector<16xf32>
        %mul3A_1232 = arith.mulf %add3A_1230, %add3A_1230 : vector<16xf32>
        %add3A_1233 = arith.addf %add3A_1223, %mul3A_1232 : vector<16xf32>
        %get3A_1234 = arith.index_cast %scan3A_800 : i32 to index
        %get3A_1235 = arith.constant 688 : index
        %get3A_1236 = tpu.vector_load %arg13[%get3A_1234, %get3A_1235] {strides = array<i32>} : memref<32x768xf32, #tpu.memory_space<vmem>>, vector<16xf32>,
        %get3A_1237 = arith.index_cast %scan3A_800 : i32 to index
        %get3A_1238 = arith.constant 688 : index
        %get3A_1239 = tpu.vector_load %arg15[%get3A_1237, %get3A_1238] {strides = array<i32>} : memref<32x768xf32, #tpu.memory_space<vmem>>, vector<16xf32>,
        %add3A_1240 = arith.addf %get3A_1236, %get3A_1239 : vector<16xf32>
        %add3A_1241 = arith.addf %add3A_1231, %add3A_1240 : vector<16xf32>
        %mul3A_1242 = arith.mulf %add3A_1240, %add3A_1240 : vector<16xf32>
        %add3A_1243 = arith.addf %add3A_1233, %mul3A_1242 : vector<16xf32>
        %get3A_1244 = arith.index_cast %scan3A_800 : i32 to index
        %get3A_1245 = arith.constant 704 : index
        %get3A_1246 = tpu.vector_load %arg13[%get3A_1244, %get3A_1245] {strides = array<i32>} : memref<32x768xf32, #tpu.memory_space<vmem>>, vector<16xf32>,
        %get3A_1247 = arith.index_cast %scan3A_800 : i32 to index
        %get3A_1248 = arith.constant 704 : index
        %get3A_1249 = tpu.vector_load %arg15[%get3A_1247, %get3A_1248] {strides = array<i32>} : memref<32x768xf32, #tpu.memory_space<vmem>>, vector<16xf32>,
        %add3A_1250 = arith.addf %get3A_1246, %get3A_1249 : vector<16xf32>
        %add3A_1251 = arith.addf %add3A_1241, %add3A_1250 : vector<16xf32>
        %mul3A_1252 = arith.mulf %add3A_1250, %add3A_1250 : vector<16xf32>
        %add3A_1253 = arith.addf %add3A_1243, %mul3A_1252 : vector<16xf32>
        %get3A_1254 = arith.index_cast %scan3A_800 : i32 to index
        %get3A_1255 = arith.constant 720 : index
        %get3A_1256 = tpu.vector_load %arg13[%get3A_1254, %get3A_1255] {strides = array<i32>} : memref<32x768xf32, #tpu.memory_space<vmem>>, vector<16xf32>,
        %get3A_1257 = arith.index_cast %scan3A_800 : i32 to index
        %get3A_1258 = arith.constant 720 : index
        %get3A_1259 = tpu.vector_load %arg15[%get3A_1257, %get3A_1258] {strides = array<i32>} : memref<32x768xf32, #tpu.memory_space<vmem>>, vector<16xf32>,
        %add3A_1260 = arith.addf %get3A_1256, %get3A_1259 : vector<16xf32>
        %add3A_1261 = arith.addf %add3A_1251, %add3A_1260 : vector<16xf32>
        %mul3A_1262 = arith.mulf %add3A_1260, %add3A_1260 : vector<16xf32>
        %add3A_1263 = arith.addf %add3A_1253, %mul3A_1262 : vector<16xf32>
        %get3A_1264 = arith.index_cast %scan3A_800 : i32 to index
        %get3A_1265 = arith.constant 736 : index
        %get3A_1266 = tpu.vector_load %arg13[%get3A_1264, %get3A_1265] {strides = array<i32>} : memref<32x768xf32, #tpu.memory_space<vmem>>, vector<16xf32>,
        %get3A_1267 = arith.index_cast %scan3A_800 : i32 to index
        %get3A_1268 = arith.constant 736 : index
        %get3A_1269 = tpu.vector_load %arg15[%get3A_1267, %get3A_1268] {strides = array<i32>} : memref<32x768xf32, #tpu.memory_space<vmem>>, vector<16xf32>,
        %add3A_1270 = arith.addf %get3A_1266, %get3A_1269 : vector<16xf32>
        %add3A_1271 = arith.addf %add3A_1261, %add3A_1270 : vector<16xf32>
        %mul3A_1272 = arith.mulf %add3A_1270, %add3A_1270 : vector<16xf32>
        %add3A_1273 = arith.addf %add3A_1263, %mul3A_1272 : vector<16xf32>
        %get3A_1274 = arith.index_cast %scan3A_800 : i32 to index
        %get3A_1275 = arith.constant 752 : index
        %get3A_1276 = tpu.vector_load %arg13[%get3A_1274, %get3A_1275] {strides = array<i32>} : memref<32x768xf32, #tpu.memory_space<vmem>>, vector<16xf32>,
        %get3A_1277 = arith.index_cast %scan3A_800 : i32 to index
        %get3A_1278 = arith.constant 752 : index
        %get3A_1279 = tpu.vector_load %arg15[%get3A_1277, %get3A_1278] {strides = array<i32>} : memref<32x768xf32, #tpu.memory_space<vmem>>, vector<16xf32>,
        %add3A_1280 = arith.addf %get3A_1276, %get3A_1279 : vector<16xf32>
        %add3A_1281 = arith.addf %add3A_1271, %add3A_1280 : vector<16xf32>
        %mul3A_1282 = arith.mulf %add3A_1280, %add3A_1280 : vector<16xf32>
        %add3A_1283 = arith.addf %add3A_1273, %mul3A_1282 : vector<16xf32>
        %reduce_sum3A = arith.constant true
        %reduce_sum3A_1284 = vector.broadcast %reduce_sum3A : i1 to vector<16xi1>
        %reduce_sum3A_1285 = tpu.scan <sum>, %add3A_1281 masked %reduce_sum3A_1284 : vector<16xf32>, vector<16xi1> -> vector<16xf32>
        %reduce_sum3A_1286 = vector.extract %reduce_sum3A_1285[15] : f32 from vector<16xf32>
        %mul3A_1287 = arith.mulf %reduce_sum3A_1286, %squeeze3A : f32
        %reduce_sum3A_1288 = arith.constant true
        %reduce_sum3A_1289 = vector.broadcast %reduce_sum3A_1288 : i1 to vector<16xi1>
        %reduce_sum3A_1290 = tpu.scan <sum>, %add3A_1283 masked %reduce_sum3A_1289 : vector<16xf32>, vector<16xi1> -> vector<16xf32>
        %reduce_sum3A_1291 = vector.extract %reduce_sum3A_1290[15] : f32 from vector<16xf32>
        %mul3A_1292 = arith.mulf %reduce_sum3A_1291, %squeeze3A : f32
        %mul3A_1293 = arith.mulf %mul3A_1287, %mul3A_1287 : f32
        %sub3A = arith.subf %mul3A_1292, %mul3A_1293 : f32
        %add3A_1294 = arith.constant 9.99999996E-13 : f32
        %add3A_1295 = arith.addf %sub3A, %add3A_1294 : f32
        %bitcast_convert_type3A = arith.bitcast %add3A_1295 : f32 to i32
        %shift_right_arithmetic3A = arith.constant 1 : i32
        %shift_right_arithmetic3A_1296 = arith.shrsi %bitcast_convert_type3A, %shift_right_arithmetic3A : i32
        %sub3A_1297 = arith.constant 1597463007 : i32
        %sub3A_1298 = arith.subi %sub3A_1297, %shift_right_arithmetic3A_1296 : i32
        %bitcast_convert_type3A_1299 = arith.bitcast %sub3A_1298 : i32 to f32
        %mul3A_1300 = arith.constant 5.000000e-01 : f32
        %mul3A_1301 = arith.mulf %mul3A_1300, %add3A_1295 : f32
        %mul3A_1302 = arith.mulf %mul3A_1301, %bitcast_convert_type3A_1299 : f32
        %mul3A_1303 = arith.mulf %mul3A_1302, %bitcast_convert_type3A_1299 : f32
        %sub3A_1304 = arith.constant 1.500000e+00 : f32
        %sub3A_1305 = arith.subf %sub3A_1304, %mul3A_1303 : f32
        %mul3A_1306 = arith.mulf %bitcast_convert_type3A_1299, %sub3A_1305 : f32
        %mul3A_1307 = arith.constant 5.000000e-01 : f32
        %mul3A_1308 = arith.mulf %mul3A_1307, %add3A_1295 : f32
        %mul3A_1309 = arith.mulf %mul3A_1308, %mul3A_1306 : f32
        %mul3A_1310 = arith.mulf %mul3A_1309, %mul3A_1306 : f32
        %sub3A_1311 = arith.constant 1.500000e+00 : f32
        %sub3A_1312 = arith.subf %sub3A_1311, %mul3A_1310 : f32
        %mul3A_1313 = arith.mulf %mul3A_1306, %sub3A_1312 : f32
        %mul3A_1314 = arith.constant 5.000000e-01 : f32
        %mul3A_1315 = arith.mulf %mul3A_1314, %add3A_1295 : f32
        %mul3A_1316 = arith.mulf %mul3A_1315, %mul3A_1313 : f32
        %mul3A_1317 = arith.mulf %mul3A_1316, %mul3A_1313 : f32
        %sub3A_1318 = arith.constant 1.500000e+00 : f32
        %sub3A_1319 = arith.subf %sub3A_1318, %mul3A_1317 : f32
        %mul3A_1320 = arith.mulf %mul3A_1313, %sub3A_1319 : f32
        %mul3A_1321 = arith.mulf %mul3A_1287, %mul3A_1320 : f32
        %mul3A_1322 = vector.broadcast %mul3A_1320 : f32 to vector<16xf32>
        %mul3A_1323 = arith.mulf %add3A_810, %mul3A_1322 : vector<16xf32>
        %sub3A_1324 = vector.broadcast %mul3A_1321 : f32 to vector<16xf32>
        %sub3A_1325 = arith.subf %mul3A_1323, %sub3A_1324 : vector<16xf32>
        %get3A_1326 = arith.constant 0 : index
        %get3A_1327 = tpu.vector_load %arg17[%get3A_1326] {strides = array<i32>} : memref<768xf32, #tpu.memory_space<vmem>>, vector<16xf32>,
        %mul3A_1328 = arith.mulf %sub3A_1325, %get3A_1327 : vector<16xf32>
        %get3A_1329 = arith.constant 0 : index
        %get3A_1330 = tpu.vector_load %arg18[%get3A_1329] {strides = array<i32>} : memref<768xf32, #tpu.memory_space<vmem>>, vector<16xf32>,
        %add3A_1331 = arith.addf %mul3A_1328, %get3A_1330 : vector<16xf32>
        %swap3A_1332 = arith.index_cast %scan3A_800 : i32 to index
        %swap3A_1333 = arith.constant 0 : index
        %swap3A_1334 = tpu.vector_load %arg13[%swap3A_1332, %swap3A_1333] {strides = array<i32>} : memref<32x768xf32, #tpu.memory_space<vmem>>, vector<16xf32>,
        tpu.vector_store %arg13[%swap3A_1332, %swap3A_1333], %add3A_1331 {strides = array<i32>} : memref<32x768xf32, #tpu.memory_space<vmem>>, vector<16xf32>,
        %mul3A_1335 = vector.broadcast %mul3A_1320 : f32 to vector<16xf32>
        %mul3A_1336 = arith.mulf %add3A_820, %mul3A_1335 : vector<16xf32>
        %sub3A_1337 = vector.broadcast %mul3A_1321 : f32 to vector<16xf32>
        %sub3A_1338 = arith.subf %mul3A_1336, %sub3A_1337 : vector<16xf32>
        %get3A_1339 = arith.constant 16 : index
        %get3A_1340 = tpu.vector_load %arg17[%get3A_1339] {strides = array<i32>} : memref<768xf32, #tpu.memory_space<vmem>>, vector<16xf32>,
        %mul3A_1341 = arith.mulf %sub3A_1338, %get3A_1340 : vector<16xf32>
        %get3A_1342 = arith.constant 16 : index
        %get3A_1343 = tpu.vector_load %arg18[%get3A_1342] {strides = array<i32>} : memref<768xf32, #tpu.memory_space<vmem>>, vector<16xf32>,
        %add3A_1344 = arith.addf %mul3A_1341, %get3A_1343 : vector<16xf32>
        %swap3A_1345 = arith.index_cast %scan3A_800 : i32 to index
        %swap3A_1346 = arith.constant 16 : index
        %swap3A_1347 = tpu.vector_load %arg13[%swap3A_1345, %swap3A_1346] {strides = array<i32>} : memref<32x768xf32, #tpu.memory_space<vmem>>, vector<16xf32>,
        tpu.vector_store %arg13[%swap3A_1345, %swap3A_1346], %add3A_1344 {strides = array<i32>} : memref<32x768xf32, #tpu.memory_space<vmem>>, vector<16xf32>,
        %mul3A_1348 = vector.broadcast %mul3A_1320 : f32 to vector<16xf32>
        %mul3A_1349 = arith.mulf %add3A_830, %mul3A_1348 : vector<16xf32>
        %sub3A_1350 = vector.broadcast %mul3A_1321 : f32 to vector<16xf32>
        %sub3A_1351 = arith.subf %mul3A_1349, %sub3A_1350 : vector<16xf32>
        %get3A_1352 = arith.constant 32 : index
        %get3A_1353 = tpu.vector_load %arg17[%get3A_1352] {strides = array<i32>} : memref<768xf32, #tpu.memory_space<vmem>>, vector<16xf32>,
        %mul3A_1354 = arith.mulf %sub3A_1351, %get3A_1353 : vector<16xf32>
        %get3A_1355 = arith.constant 32 : index
        %get3A_1356 = tpu.vector_load %arg18[%get3A_1355] {strides = array<i32>} : memref<768xf32, #tpu.memory_space<vmem>>, vector<16xf32>,
        %add3A_1357 = arith.addf %mul3A_1354, %get3A_1356 : vector<16xf32>
        %swap3A_1358 = arith.index_cast %scan3A_800 : i32 to index
        %swap3A_1359 = arith.constant 32 : index
        %swap3A_1360 = tpu.vector_load %arg13[%swap3A_1358, %swap3A_1359] {strides = array<i32>} : memref<32x768xf32, #tpu.memory_space<vmem>>, vector<16xf32>,
        tpu.vector_store %arg13[%swap3A_1358, %swap3A_1359], %add3A_1357 {strides = array<i32>} : memref<32x768xf32, #tpu.memory_space<vmem>>, vector<16xf32>,
        %mul3A_1361 = vector.broadcast %mul3A_1320 : f32 to vector<16xf32>
        %mul3A_1362 = arith.mulf %add3A_840, %mul3A_1361 : vector<16xf32>
        %sub3A_1363 = vector.broadcast %mul3A_1321 : f32 to vector<16xf32>
        %sub3A_1364 = arith.subf %mul3A_1362, %sub3A_1363 : vector<16xf32>
        %get3A_1365 = arith.constant 48 : index
        %get3A_1366 = tpu.vector_load %arg17[%get3A_1365] {strides = array<i32>} : memref<768xf32, #tpu.memory_space<vmem>>, vector<16xf32>,
        %mul3A_1367 = arith.mulf %sub3A_1364, %get3A_1366 : vector<16xf32>
        %get3A_1368 = arith.constant 48 : index
        %get3A_1369 = tpu.vector_load %arg18[%get3A_1368] {strides = array<i32>} : memref<768xf32, #tpu.memory_space<vmem>>, vector<16xf32>,
        %add3A_1370 = arith.addf %mul3A_1367, %get3A_1369 : vector<16xf32>
        %swap3A_1371 = arith.index_cast %scan3A_800 : i32 to index
        %swap3A_1372 = arith.constant 48 : index
        %swap3A_1373 = tpu.vector_load %arg13[%swap3A_1371, %swap3A_1372] {strides = array<i32>} : memref<32x768xf32, #tpu.memory_space<vmem>>, vector<16xf32>,
        tpu.vector_store %arg13[%swap3A_1371, %swap3A_1372], %add3A_1370 {strides = array<i32>} : memref<32x768xf32, #tpu.memory_space<vmem>>, vector<16xf32>,
        %mul3A_1374 = vector.broadcast %mul3A_1320 : f32 to vector<16xf32>
        %mul3A_1375 = arith.mulf %add3A_850, %mul3A_1374 : vector<16xf32>
        %sub3A_1376 = vector.broadcast %mul3A_1321 : f32 to vector<16xf32>
        %sub3A_1377 = arith.subf %mul3A_1375, %sub3A_1376 : vector<16xf32>
        %get3A_1378 = arith.constant 64 : index
        %get3A_1379 = tpu.vector_load %arg17[%get3A_1378] {strides = array<i32>} : memref<768xf32, #tpu.memory_space<vmem>>, vector<16xf32>,
        %mul3A_1380 = arith.mulf %sub3A_1377, %get3A_1379 : vector<16xf32>
        %get3A_1381 = arith.constant 64 : index
        %get3A_1382 = tpu.vector_load %arg18[%get3A_1381] {strides = array<i32>} : memref<768xf32, #tpu.memory_space<vmem>>, vector<16xf32>,
        %add3A_1383 = arith.addf %mul3A_1380, %get3A_1382 : vector<16xf32>
        %swap3A_1384 = arith.index_cast %scan3A_800 : i32 to index
        %swap3A_1385 = arith.constant 64 : index
        %swap3A_1386 = tpu.vector_load %arg13[%swap3A_1384, %swap3A_1385] {strides = array<i32>} : memref<32x768xf32, #tpu.memory_space<vmem>>, vector<16xf32>,
        tpu.vector_store %arg13[%swap3A_1384, %swap3A_1385], %add3A_1383 {strides = array<i32>} : memref<32x768xf32, #tpu.memory_space<vmem>>, vector<16xf32>,
        %mul3A_1387 = vector.broadcast %mul3A_1320 : f32 to vector<16xf32>
        %mul3A_1388 = arith.mulf %add3A_860, %mul3A_1387 : vector<16xf32>
        %sub3A_1389 = vector.broadcast %mul3A_1321 : f32 to vector<16xf32>
        %sub3A_1390 = arith.subf %mul3A_1388, %sub3A_1389 : vector<16xf32>
        %get3A_1391 = arith.constant 80 : index
        %get3A_1392 = tpu.vector_load %arg17[%get3A_1391] {strides = array<i32>} : memref<768xf32, #tpu.memory_space<vmem>>, vector<16xf32>,
        %mul3A_1393 = arith.mulf %sub3A_1390, %get3A_1392 : vector<16xf32>
        %get3A_1394 = arith.constant 80 : index
        %get3A_1395 = tpu.vector_load %arg18[%get3A_1394] {strides = array<i32>} : memref<768xf32, #tpu.memory_space<vmem>>, vector<16xf32>,
        %add3A_1396 = arith.addf %mul3A_1393, %get3A_1395 : vector<16xf32>
        %swap3A_1397 = arith.index_cast %scan3A_800 : i32 to index
        %swap3A_1398 = arith.constant 80 : index
        %swap3A_1399 = tpu.vector_load %arg13[%swap3A_1397, %swap3A_1398] {strides = array<i32>} : memref<32x768xf32, #tpu.memory_space<vmem>>, vector<16xf32>,
        tpu.vector_store %arg13[%swap3A_1397, %swap3A_1398], %add3A_1396 {strides = array<i32>} : memref<32x768xf32, #tpu.memory_space<vmem>>, vector<16xf32>,
        %mul3A_1400 = vector.broadcast %mul3A_1320 : f32 to vector<16xf32>
        %mul3A_1401 = arith.mulf %add3A_870, %mul3A_1400 : vector<16xf32>
        %sub3A_1402 = vector.broadcast %mul3A_1321 : f32 to vector<16xf32>
        %sub3A_1403 = arith.subf %mul3A_1401, %sub3A_1402 : vector<16xf32>
        %get3A_1404 = arith.constant 96 : index
        %get3A_1405 = tpu.vector_load %arg17[%get3A_1404] {strides = array<i32>} : memref<768xf32, #tpu.memory_space<vmem>>, vector<16xf32>,
        %mul3A_1406 = arith.mulf %sub3A_1403, %get3A_1405 : vector<16xf32>
        %get3A_1407 = arith.constant 96 : index
        %get3A_1408 = tpu.vector_load %arg18[%get3A_1407] {strides = array<i32>} : memref<768xf32, #tpu.memory_space<vmem>>, vector<16xf32>,
        %add3A_1409 = arith.addf %mul3A_1406, %get3A_1408 : vector<16xf32>
        %swap3A_1410 = arith.index_cast %scan3A_800 : i32 to index
        %swap3A_1411 = arith.constant 96 : index
        %swap3A_1412 = tpu.vector_load %arg13[%swap3A_1410, %swap3A_1411] {strides = array<i32>} : memref<32x768xf32, #tpu.memory_space<vmem>>, vector<16xf32>,
        tpu.vector_store %arg13[%swap3A_1410, %swap3A_1411], %add3A_1409 {strides = array<i32>} : memref<32x768xf32, #tpu.memory_space<vmem>>, vector<16xf32>,
        %mul3A_1413 = vector.broadcast %mul3A_1320 : f32 to vector<16xf32>
        %mul3A_1414 = arith.mulf %add3A_880, %mul3A_1413 : vector<16xf32>
        %sub3A_1415 = vector.broadcast %mul3A_1321 : f32 to vector<16xf32>
        %sub3A_1416 = arith.subf %mul3A_1414, %sub3A_1415 : vector<16xf32>
        %get3A_1417 = arith.constant 112 : index
        %get3A_1418 = tpu.vector_load %arg17[%get3A_1417] {strides = array<i32>} : memref<768xf32, #tpu.memory_space<vmem>>, vector<16xf32>,
        %mul3A_1419 = arith.mulf %sub3A_1416, %get3A_1418 : vector<16xf32>
        %get3A_1420 = arith.constant 112 : index
        %get3A_1421 = tpu.vector_load %arg18[%get3A_1420] {strides = array<i32>} : memref<768xf32, #tpu.memory_space<vmem>>, vector<16xf32>,
        %add3A_1422 = arith.addf %mul3A_1419, %get3A_1421 : vector<16xf32>
        %swap3A_1423 = arith.index_cast %scan3A_800 : i32 to index
        %swap3A_1424 = arith.constant 112 : index
        %swap3A_1425 = tpu.vector_load %arg13[%swap3A_1423, %swap3A_1424] {strides = array<i32>} : memref<32x768xf32, #tpu.memory_space<vmem>>, vector<16xf32>,
        tpu.vector_store %arg13[%swap3A_1423, %swap3A_1424], %add3A_1422 {strides = array<i32>} : memref<32x768xf32, #tpu.memory_space<vmem>>, vector<16xf32>,
        %mul3A_1426 = vector.broadcast %mul3A_1320 : f32 to vector<16xf32>
        %mul3A_1427 = arith.mulf %add3A_890, %mul3A_1426 : vector<16xf32>
        %sub3A_1428 = vector.broadcast %mul3A_1321 : f32 to vector<16xf32>
        %sub3A_1429 = arith.subf %mul3A_1427, %sub3A_1428 : vector<16xf32>
        %get3A_1430 = arith.constant 128 : index
        %get3A_1431 = tpu.vector_load %arg17[%get3A_1430] {strides = array<i32>} : memref<768xf32, #tpu.memory_space<vmem>>, vector<16xf32>,
        %mul3A_1432 = arith.mulf %sub3A_1429, %get3A_1431 : vector<16xf32>
        %get3A_1433 = arith.constant 128 : index
        %get3A_1434 = tpu.vector_load %arg18[%get3A_1433] {strides = array<i32>} : memref<768xf32, #tpu.memory_space<vmem>>, vector<16xf32>,
        %add3A_1435 = arith.addf %mul3A_1432, %get3A_1434 : vector<16xf32>
        %swap3A_1436 = arith.index_cast %scan3A_800 : i32 to index
        %swap3A_1437 = arith.constant 128 : index
        %swap3A_1438 = tpu.vector_load %arg13[%swap3A_1436, %swap3A_1437] {strides = array<i32>} : memref<32x768xf32, #tpu.memory_space<vmem>>, vector<16xf32>,
        tpu.vector_store %arg13[%swap3A_1436, %swap3A_1437], %add3A_1435 {strides = array<i32>} : memref<32x768xf32, #tpu.memory_space<vmem>>, vector<16xf32>,
        %mul3A_1439 = vector.broadcast %mul3A_1320 : f32 to vector<16xf32>
        %mul3A_1440 = arith.mulf %add3A_900, %mul3A_1439 : vector<16xf32>
        %sub3A_1441 = vector.broadcast %mul3A_1321 : f32 to vector<16xf32>
        %sub3A_1442 = arith.subf %mul3A_1440, %sub3A_1441 : vector<16xf32>
        %get3A_1443 = arith.constant 144 : index
        %get3A_1444 = tpu.vector_load %arg17[%get3A_1443] {strides = array<i32>} : memref<768xf32, #tpu.memory_space<vmem>>, vector<16xf32>,
        %mul3A_1445 = arith.mulf %sub3A_1442, %get3A_1444 : vector<16xf32>
        %get3A_1446 = arith.constant 144 : index
        %get3A_1447 = tpu.vector_load %arg18[%get3A_1446] {strides = array<i32>} : memref<768xf32, #tpu.memory_space<vmem>>, vector<16xf32>,
        %add3A_1448 = arith.addf %mul3A_1445, %get3A_1447 : vector<16xf32>
        %swap3A_1449 = arith.index_cast %scan3A_800 : i32 to index
        %swap3A_1450 = arith.constant 144 : index
        %swap3A_1451 = tpu.vector_load %arg13[%swap3A_1449, %swap3A_1450] {strides = array<i32>} : memref<32x768xf32, #tpu.memory_space<vmem>>, vector<16xf32>,
        tpu.vector_store %arg13[%swap3A_1449, %swap3A_1450], %add3A_1448 {strides = array<i32>} : memref<32x768xf32, #tpu.memory_space<vmem>>, vector<16xf32>,
        %mul3A_1452 = vector.broadcast %mul3A_1320 : f32 to vector<16xf32>
        %mul3A_1453 = arith.mulf %add3A_910, %mul3A_1452 : vector<16xf32>
        %sub3A_1454 = vector.broadcast %mul3A_1321 : f32 to vector<16xf32>
        %sub3A_1455 = arith.subf %mul3A_1453, %sub3A_1454 : vector<16xf32>
        %get3A_1456 = arith.constant 160 : index
        %get3A_1457 = tpu.vector_load %arg17[%get3A_1456] {strides = array<i32>} : memref<768xf32, #tpu.memory_space<vmem>>, vector<16xf32>,
        %mul3A_1458 = arith.mulf %sub3A_1455, %get3A_1457 : vector<16xf32>
        %get3A_1459 = arith.constant 160 : index
        %get3A_1460 = tpu.vector_load %arg18[%get3A_1459] {strides = array<i32>} : memref<768xf32, #tpu.memory_space<vmem>>, vector<16xf32>,
        %add3A_1461 = arith.addf %mul3A_1458, %get3A_1460 : vector<16xf32>
        %swap3A_1462 = arith.index_cast %scan3A_800 : i32 to index
        %swap3A_1463 = arith.constant 160 : index
        %swap3A_1464 = tpu.vector_load %arg13[%swap3A_1462, %swap3A_1463] {strides = array<i32>} : memref<32x768xf32, #tpu.memory_space<vmem>>, vector<16xf32>,
        tpu.vector_store %arg13[%swap3A_1462, %swap3A_1463], %add3A_1461 {strides = array<i32>} : memref<32x768xf32, #tpu.memory_space<vmem>>, vector<16xf32>,
        %mul3A_1465 = vector.broadcast %mul3A_1320 : f32 to vector<16xf32>
        %mul3A_1466 = arith.mulf %add3A_920, %mul3A_1465 : vector<16xf32>
        %sub3A_1467 = vector.broadcast %mul3A_1321 : f32 to vector<16xf32>
        %sub3A_1468 = arith.subf %mul3A_1466, %sub3A_1467 : vector<16xf32>
        %get3A_1469 = arith.constant 176 : index
        %get3A_1470 = tpu.vector_load %arg17[%get3A_1469] {strides = array<i32>} : memref<768xf32, #tpu.memory_space<vmem>>, vector<16xf32>,
        %mul3A_1471 = arith.mulf %sub3A_1468, %get3A_1470 : vector<16xf32>
        %get3A_1472 = arith.constant 176 : index
        %get3A_1473 = tpu.vector_load %arg18[%get3A_1472] {strides = array<i32>} : memref<768xf32, #tpu.memory_space<vmem>>, vector<16xf32>,
        %add3A_1474 = arith.addf %mul3A_1471, %get3A_1473 : vector<16xf32>
        %swap3A_1475 = arith.index_cast %scan3A_800 : i32 to index
        %swap3A_1476 = arith.constant 176 : index
        %swap3A_1477 = tpu.vector_load %arg13[%swap3A_1475, %swap3A_1476] {strides = array<i32>} : memref<32x768xf32, #tpu.memory_space<vmem>>, vector<16xf32>,
        tpu.vector_store %arg13[%swap3A_1475, %swap3A_1476], %add3A_1474 {strides = array<i32>} : memref<32x768xf32, #tpu.memory_space<vmem>>, vector<16xf32>,
        %mul3A_1478 = vector.broadcast %mul3A_1320 : f32 to vector<16xf32>
        %mul3A_1479 = arith.mulf %add3A_930, %mul3A_1478 : vector<16xf32>
        %sub3A_1480 = vector.broadcast %mul3A_1321 : f32 to vector<16xf32>
        %sub3A_1481 = arith.subf %mul3A_1479, %sub3A_1480 : vector<16xf32>
        %get3A_1482 = arith.constant 192 : index
        %get3A_1483 = tpu.vector_load %arg17[%get3A_1482] {strides = array<i32>} : memref<768xf32, #tpu.memory_space<vmem>>, vector<16xf32>,
        %mul3A_1484 = arith.mulf %sub3A_1481, %get3A_1483 : vector<16xf32>
        %get3A_1485 = arith.constant 192 : index
        %get3A_1486 = tpu.vector_load %arg18[%get3A_1485] {strides = array<i32>} : memref<768xf32, #tpu.memory_space<vmem>>, vector<16xf32>,
        %add3A_1487 = arith.addf %mul3A_1484, %get3A_1486 : vector<16xf32>
        %swap3A_1488 = arith.index_cast %scan3A_800 : i32 to index
        %swap3A_1489 = arith.constant 192 : index
        %swap3A_1490 = tpu.vector_load %arg13[%swap3A_1488, %swap3A_1489] {strides = array<i32>} : memref<32x768xf32, #tpu.memory_space<vmem>>, vector<16xf32>,
        tpu.vector_store %arg13[%swap3A_1488, %swap3A_1489], %add3A_1487 {strides = array<i32>} : memref<32x768xf32, #tpu.memory_space<vmem>>, vector<16xf32>,
        %mul3A_1491 = vector.broadcast %mul3A_1320 : f32 to vector<16xf32>
        %mul3A_1492 = arith.mulf %add3A_940, %mul3A_1491 : vector<16xf32>
        %sub3A_1493 = vector.broadcast %mul3A_1321 : f32 to vector<16xf32>
        %sub3A_1494 = arith.subf %mul3A_1492, %sub3A_1493 : vector<16xf32>
        %get3A_1495 = arith.constant 208 : index
        %get3A_1496 = tpu.vector_load %arg17[%get3A_1495] {strides = array<i32>} : memref<768xf32, #tpu.memory_space<vmem>>, vector<16xf32>,
        %mul3A_1497 = arith.mulf %sub3A_1494, %get3A_1496 : vector<16xf32>
        %get3A_1498 = arith.constant 208 : index
        %get3A_1499 = tpu.vector_load %arg18[%get3A_1498] {strides = array<i32>} : memref<768xf32, #tpu.memory_space<vmem>>, vector<16xf32>,
        %add3A_1500 = arith.addf %mul3A_1497, %get3A_1499 : vector<16xf32>
        %swap3A_1501 = arith.index_cast %scan3A_800 : i32 to index
        %swap3A_1502 = arith.constant 208 : index
        %swap3A_1503 = tpu.vector_load %arg13[%swap3A_1501, %swap3A_1502] {strides = array<i32>} : memref<32x768xf32, #tpu.memory_space<vmem>>, vector<16xf32>,
        tpu.vector_store %arg13[%swap3A_1501, %swap3A_1502], %add3A_1500 {strides = array<i32>} : memref<32x768xf32, #tpu.memory_space<vmem>>, vector<16xf32>,
        %mul3A_1504 = vector.broadcast %mul3A_1320 : f32 to vector<16xf32>
        %mul3A_1505 = arith.mulf %add3A_950, %mul3A_1504 : vector<16xf32>
        %sub3A_1506 = vector.broadcast %mul3A_1321 : f32 to vector<16xf32>
        %sub3A_1507 = arith.subf %mul3A_1505, %sub3A_1506 : vector<16xf32>
        %get3A_1508 = arith.constant 224 : index
        %get3A_1509 = tpu.vector_load %arg17[%get3A_1508] {strides = array<i32>} : memref<768xf32, #tpu.memory_space<vmem>>, vector<16xf32>,
        %mul3A_1510 = arith.mulf %sub3A_1507, %get3A_1509 : vector<16xf32>
        %get3A_1511 = arith.constant 224 : index
        %get3A_1512 = tpu.vector_load %arg18[%get3A_1511] {strides = array<i32>} : memref<768xf32, #tpu.memory_space<vmem>>, vector<16xf32>,
        %add3A_1513 = arith.addf %mul3A_1510, %get3A_1512 : vector<16xf32>
        %swap3A_1514 = arith.index_cast %scan3A_800 : i32 to index
        %swap3A_1515 = arith.constant 224 : index
        %swap3A_1516 = tpu.vector_load %arg13[%swap3A_1514, %swap3A_1515] {strides = array<i32>} : memref<32x768xf32, #tpu.memory_space<vmem>>, vector<16xf32>,
        tpu.vector_store %arg13[%swap3A_1514, %swap3A_1515], %add3A_1513 {strides = array<i32>} : memref<32x768xf32, #tpu.memory_space<vmem>>, vector<16xf32>,
        %mul3A_1517 = vector.broadcast %mul3A_1320 : f32 to vector<16xf32>
        %mul3A_1518 = arith.mulf %add3A_960, %mul3A_1517 : vector<16xf32>
        %sub3A_1519 = vector.broadcast %mul3A_1321 : f32 to vector<16xf32>
        %sub3A_1520 = arith.subf %mul3A_1518, %sub3A_1519 : vector<16xf32>
        %get3A_1521 = arith.constant 240 : index
        %get3A_1522 = tpu.vector_load %arg17[%get3A_1521] {strides = array<i32>} : memref<768xf32, #tpu.memory_space<vmem>>, vector<16xf32>,
        %mul3A_1523 = arith.mulf %sub3A_1520, %get3A_1522 : vector<16xf32>
        %get3A_1524 = arith.constant 240 : index
        %get3A_1525 = tpu.vector_load %arg18[%get3A_1524] {strides = array<i32>} : memref<768xf32, #tpu.memory_space<vmem>>, vector<16xf32>,
        %add3A_1526 = arith.addf %mul3A_1523, %get3A_1525 : vector<16xf32>
        %swap3A_1527 = arith.index_cast %scan3A_800 : i32 to index
        %swap3A_1528 = arith.constant 240 : index
        %swap3A_1529 = tpu.vector_load %arg13[%swap3A_1527, %swap3A_1528] {strides = array<i32>} : memref<32x768xf32, #tpu.memory_space<vmem>>, vector<16xf32>,
        tpu.vector_store %arg13[%swap3A_1527, %swap3A_1528], %add3A_1526 {strides = array<i32>} : memref<32x768xf32, #tpu.memory_space<vmem>>, vector<16xf32>,
        %mul3A_1530 = vector.broadcast %mul3A_1320 : f32 to vector<16xf32>
        %mul3A_1531 = arith.mulf %add3A_970, %mul3A_1530 : vector<16xf32>
        %sub3A_1532 = vector.broadcast %mul3A_1321 : f32 to vector<16xf32>
        %sub3A_1533 = arith.subf %mul3A_1531, %sub3A_1532 : vector<16xf32>
        %get3A_1534 = arith.constant 256 : index
        %get3A_1535 = tpu.vector_load %arg17[%get3A_1534] {strides = array<i32>} : memref<768xf32, #tpu.memory_space<vmem>>, vector<16xf32>,
        %mul3A_1536 = arith.mulf %sub3A_1533, %get3A_1535 : vector<16xf32>
        %get3A_1537 = arith.constant 256 : index
        %get3A_1538 = tpu.vector_load %arg18[%get3A_1537] {strides = array<i32>} : memref<768xf32, #tpu.memory_space<vmem>>, vector<16xf32>,
        %add3A_1539 = arith.addf %mul3A_1536, %get3A_1538 : vector<16xf32>
        %swap3A_1540 = arith.index_cast %scan3A_800 : i32 to index
        %swap3A_1541 = arith.constant 256 : index
        %swap3A_1542 = tpu.vector_load %arg13[%swap3A_1540, %swap3A_1541] {strides = array<i32>} : memref<32x768xf32, #tpu.memory_space<vmem>>, vector<16xf32>,
        tpu.vector_store %arg13[%swap3A_1540, %swap3A_1541], %add3A_1539 {strides = array<i32>} : memref<32x768xf32, #tpu.memory_space<vmem>>, vector<16xf32>,
        %mul3A_1543 = vector.broadcast %mul3A_1320 : f32 to vector<16xf32>
        %mul3A_1544 = arith.mulf %add3A_980, %mul3A_1543 : vector<16xf32>
        %sub3A_1545 = vector.broadcast %mul3A_1321 : f32 to vector<16xf32>
        %sub3A_1546 = arith.subf %mul3A_1544, %sub3A_1545 : vector<16xf32>
        %get3A_1547 = arith.constant 272 : index
        %get3A_1548 = tpu.vector_load %arg17[%get3A_1547] {strides = array<i32>} : memref<768xf32, #tpu.memory_space<vmem>>, vector<16xf32>,
        %mul3A_1549 = arith.mulf %sub3A_1546, %get3A_1548 : vector<16xf32>
        %get3A_1550 = arith.constant 272 : index
        %get3A_1551 = tpu.vector_load %arg18[%get3A_1550] {strides = array<i32>} : memref<768xf32, #tpu.memory_space<vmem>>, vector<16xf32>,
        %add3A_1552 = arith.addf %mul3A_1549, %get3A_1551 : vector<16xf32>
        %swap3A_1553 = arith.index_cast %scan3A_800 : i32 to index
        %swap3A_1554 = arith.constant 272 : index
        %swap3A_1555 = tpu.vector_load %arg13[%swap3A_1553, %swap3A_1554] {strides = array<i32>} : memref<32x768xf32, #tpu.memory_space<vmem>>, vector<16xf32>,
        tpu.vector_store %arg13[%swap3A_1553, %swap3A_1554], %add3A_1552 {strides = array<i32>} : memref<32x768xf32, #tpu.memory_space<vmem>>, vector<16xf32>,
        %mul3A_1556 = vector.broadcast %mul3A_1320 : f32 to vector<16xf32>
        %mul3A_1557 = arith.mulf %add3A_990, %mul3A_1556 : vector<16xf32>
        %sub3A_1558 = vector.broadcast %mul3A_1321 : f32 to vector<16xf32>
        %sub3A_1559 = arith.subf %mul3A_1557, %sub3A_1558 : vector<16xf32>
        %get3A_1560 = arith.constant 288 : index
        %get3A_1561 = tpu.vector_load %arg17[%get3A_1560] {strides = array<i32>} : memref<768xf32, #tpu.memory_space<vmem>>, vector<16xf32>,
        %mul3A_1562 = arith.mulf %sub3A_1559, %get3A_1561 : vector<16xf32>
        %get3A_1563 = arith.constant 288 : index
        %get3A_1564 = tpu.vector_load %arg18[%get3A_1563] {strides = array<i32>} : memref<768xf32, #tpu.memory_space<vmem>>, vector<16xf32>,
        %add3A_1565 = arith.addf %mul3A_1562, %get3A_1564 : vector<16xf32>
        %swap3A_1566 = arith.index_cast %scan3A_800 : i32 to index
        %swap3A_1567 = arith.constant 288 : index
        %swap3A_1568 = tpu.vector_load %arg13[%swap3A_1566, %swap3A_1567] {strides = array<i32>} : memref<32x768xf32, #tpu.memory_space<vmem>>, vector<16xf32>,
        tpu.vector_store %arg13[%swap3A_1566, %swap3A_1567], %add3A_1565 {strides = array<i32>} : memref<32x768xf32, #tpu.memory_space<vmem>>, vector<16xf32>,
        %mul3A_1569 = vector.broadcast %mul3A_1320 : f32 to vector<16xf32>
        %mul3A_1570 = arith.mulf %add3A_1000, %mul3A_1569 : vector<16xf32>
        %sub3A_1571 = vector.broadcast %mul3A_1321 : f32 to vector<16xf32>
        %sub3A_1572 = arith.subf %mul3A_1570, %sub3A_1571 : vector<16xf32>
        %get3A_1573 = arith.constant 304 : index
        %get3A_1574 = tpu.vector_load %arg17[%get3A_1573] {strides = array<i32>} : memref<768xf32, #tpu.memory_space<vmem>>, vector<16xf32>,
        %mul3A_1575 = arith.mulf %sub3A_1572, %get3A_1574 : vector<16xf32>
        %get3A_1576 = arith.constant 304 : index
        %get3A_1577 = tpu.vector_load %arg18[%get3A_1576] {strides = array<i32>} : memref<768xf32, #tpu.memory_space<vmem>>, vector<16xf32>,
        %add3A_1578 = arith.addf %mul3A_1575, %get3A_1577 : vector<16xf32>
        %swap3A_1579 = arith.index_cast %scan3A_800 : i32 to index
        %swap3A_1580 = arith.constant 304 : index
        %swap3A_1581 = tpu.vector_load %arg13[%swap3A_1579, %swap3A_1580] {strides = array<i32>} : memref<32x768xf32, #tpu.memory_space<vmem>>, vector<16xf32>,
        tpu.vector_store %arg13[%swap3A_1579, %swap3A_1580], %add3A_1578 {strides = array<i32>} : memref<32x768xf32, #tpu.memory_space<vmem>>, vector<16xf32>,
        %mul3A_1582 = vector.broadcast %mul3A_1320 : f32 to vector<16xf32>
        %mul3A_1583 = arith.mulf %add3A_1010, %mul3A_1582 : vector<16xf32>
        %sub3A_1584 = vector.broadcast %mul3A_1321 : f32 to vector<16xf32>
        %sub3A_1585 = arith.subf %mul3A_1583, %sub3A_1584 : vector<16xf32>
        %get3A_1586 = arith.constant 320 : index
        %get3A_1587 = tpu.vector_load %arg17[%get3A_1586] {strides = array<i32>} : memref<768xf32, #tpu.memory_space<vmem>>, vector<16xf32>,
        %mul3A_1588 = arith.mulf %sub3A_1585, %get3A_1587 : vector<16xf32>
        %get3A_1589 = arith.constant 320 : index
        %get3A_1590 = tpu.vector_load %arg18[%get3A_1589] {strides = array<i32>} : memref<768xf32, #tpu.memory_space<vmem>>, vector<16xf32>,
        %add3A_1591 = arith.addf %mul3A_1588, %get3A_1590 : vector<16xf32>
        %swap3A_1592 = arith.index_cast %scan3A_800 : i32 to index
        %swap3A_1593 = arith.constant 320 : index
        %swap3A_1594 = tpu.vector_load %arg13[%swap3A_1592, %swap3A_1593] {strides = array<i32>} : memref<32x768xf32, #tpu.memory_space<vmem>>, vector<16xf32>,
        tpu.vector_store %arg13[%swap3A_1592, %swap3A_1593], %add3A_1591 {strides = array<i32>} : memref<32x768xf32, #tpu.memory_space<vmem>>, vector<16xf32>,
        %mul3A_1595 = vector.broadcast %mul3A_1320 : f32 to vector<16xf32>
        %mul3A_1596 = arith.mulf %add3A_1020, %mul3A_1595 : vector<16xf32>
        %sub3A_1597 = vector.broadcast %mul3A_1321 : f32 to vector<16xf32>
        %sub3A_1598 = arith.subf %mul3A_1596, %sub3A_1597 : vector<16xf32>
        %get3A_1599 = arith.constant 336 : index
        %get3A_1600 = tpu.vector_load %arg17[%get3A_1599] {strides = array<i32>} : memref<768xf32, #tpu.memory_space<vmem>>, vector<16xf32>,
        %mul3A_1601 = arith.mulf %sub3A_1598, %get3A_1600 : vector<16xf32>
        %get3A_1602 = arith.constant 336 : index
        %get3A_1603 = tpu.vector_load %arg18[%get3A_1602] {strides = array<i32>} : memref<768xf32, #tpu.memory_space<vmem>>, vector<16xf32>,
        %add3A_1604 = arith.addf %mul3A_1601, %get3A_1603 : vector<16xf32>
        %swap3A_1605 = arith.index_cast %scan3A_800 : i32 to index
        %swap3A_1606 = arith.constant 336 : index
        %swap3A_1607 = tpu.vector_load %arg13[%swap3A_1605, %swap3A_1606] {strides = array<i32>} : memref<32x768xf32, #tpu.memory_space<vmem>>, vector<16xf32>,
        tpu.vector_store %arg13[%swap3A_1605, %swap3A_1606], %add3A_1604 {strides = array<i32>} : memref<32x768xf32, #tpu.memory_space<vmem>>, vector<16xf32>,
        %mul3A_1608 = vector.broadcast %mul3A_1320 : f32 to vector<16xf32>
        %mul3A_1609 = arith.mulf %add3A_1030, %mul3A_1608 : vector<16xf32>
        %sub3A_1610 = vector.broadcast %mul3A_1321 : f32 to vector<16xf32>
        %sub3A_1611 = arith.subf %mul3A_1609, %sub3A_1610 : vector<16xf32>
        %get3A_1612 = arith.constant 352 : index
        %get3A_1613 = tpu.vector_load %arg17[%get3A_1612] {strides = array<i32>} : memref<768xf32, #tpu.memory_space<vmem>>, vector<16xf32>,
        %mul3A_1614 = arith.mulf %sub3A_1611, %get3A_1613 : vector<16xf32>
        %get3A_1615 = arith.constant 352 : index
        %get3A_1616 = tpu.vector_load %arg18[%get3A_1615] {strides = array<i32>} : memref<768xf32, #tpu.memory_space<vmem>>, vector<16xf32>,
        %add3A_1617 = arith.addf %mul3A_1614, %get3A_1616 : vector<16xf32>
        %swap3A_1618 = arith.index_cast %scan3A_800 : i32 to index
        %swap3A_1619 = arith.constant 352 : index
        %swap3A_1620 = tpu.vector_load %arg13[%swap3A_1618, %swap3A_1619] {strides = array<i32>} : memref<32x768xf32, #tpu.memory_space<vmem>>, vector<16xf32>,
        tpu.vector_store %arg13[%swap3A_1618, %swap3A_1619], %add3A_1617 {strides = array<i32>} : memref<32x768xf32, #tpu.memory_space<vmem>>, vector<16xf32>,
        %mul3A_1621 = vector.broadcast %mul3A_1320 : f32 to vector<16xf32>
        %mul3A_1622 = arith.mulf %add3A_1040, %mul3A_1621 : vector<16xf32>
        %sub3A_1623 = vector.broadcast %mul3A_1321 : f32 to vector<16xf32>
        %sub3A_1624 = arith.subf %mul3A_1622, %sub3A_1623 : vector<16xf32>
        %get3A_1625 = arith.constant 368 : index
        %get3A_1626 = tpu.vector_load %arg17[%get3A_1625] {strides = array<i32>} : memref<768xf32, #tpu.memory_space<vmem>>, vector<16xf32>,
        %mul3A_1627 = arith.mulf %sub3A_1624, %get3A_1626 : vector<16xf32>
        %get3A_1628 = arith.constant 368 : index
        %get3A_1629 = tpu.vector_load %arg18[%get3A_1628] {strides = array<i32>} : memref<768xf32, #tpu.memory_space<vmem>>, vector<16xf32>,
        %add3A_1630 = arith.addf %mul3A_1627, %get3A_1629 : vector<16xf32>
        %swap3A_1631 = arith.index_cast %scan3A_800 : i32 to index
        %swap3A_1632 = arith.constant 368 : index
        %swap3A_1633 = tpu.vector_load %arg13[%swap3A_1631, %swap3A_1632] {strides = array<i32>} : memref<32x768xf32, #tpu.memory_space<vmem>>, vector<16xf32>,
        tpu.vector_store %arg13[%swap3A_1631, %swap3A_1632], %add3A_1630 {strides = array<i32>} : memref<32x768xf32, #tpu.memory_space<vmem>>, vector<16xf32>,
        %mul3A_1634 = vector.broadcast %mul3A_1320 : f32 to vector<16xf32>
        %mul3A_1635 = arith.mulf %add3A_1050, %mul3A_1634 : vector<16xf32>
        %sub3A_1636 = vector.broadcast %mul3A_1321 : f32 to vector<16xf32>
        %sub3A_1637 = arith.subf %mul3A_1635, %sub3A_1636 : vector<16xf32>
        %get3A_1638 = arith.constant 384 : index
        %get3A_1639 = tpu.vector_load %arg17[%get3A_1638] {strides = array<i32>} : memref<768xf32, #tpu.memory_space<vmem>>, vector<16xf32>,
        %mul3A_1640 = arith.mulf %sub3A_1637, %get3A_1639 : vector<16xf32>
        %get3A_1641 = arith.constant 384 : index
        %get3A_1642 = tpu.vector_load %arg18[%get3A_1641] {strides = array<i32>} : memref<768xf32, #tpu.memory_space<vmem>>, vector<16xf32>,
        %add3A_1643 = arith.addf %mul3A_1640, %get3A_1642 : vector<16xf32>
        %swap3A_1644 = arith.index_cast %scan3A_800 : i32 to index
        %swap3A_1645 = arith.constant 384 : index
        %swap3A_1646 = tpu.vector_load %arg13[%swap3A_1644, %swap3A_1645] {strides = array<i32>} : memref<32x768xf32, #tpu.memory_space<vmem>>, vector<16xf32>,
        tpu.vector_store %arg13[%swap3A_1644, %swap3A_1645], %add3A_1643 {strides = array<i32>} : memref<32x768xf32, #tpu.memory_space<vmem>>, vector<16xf32>,
        %mul3A_1647 = vector.broadcast %mul3A_1320 : f32 to vector<16xf32>
        %mul3A_1648 = arith.mulf %add3A_1060, %mul3A_1647 : vector<16xf32>
        %sub3A_1649 = vector.broadcast %mul3A_1321 : f32 to vector<16xf32>
        %sub3A_1650 = arith.subf %mul3A_1648, %sub3A_1649 : vector<16xf32>
        %get3A_1651 = arith.constant 400 : index
        %get3A_1652 = tpu.vector_load %arg17[%get3A_1651] {strides = array<i32>} : memref<768xf32, #tpu.memory_space<vmem>>, vector<16xf32>,
        %mul3A_1653 = arith.mulf %sub3A_1650, %get3A_1652 : vector<16xf32>
        %get3A_1654 = arith.constant 400 : index
        %get3A_1655 = tpu.vector_load %arg18[%get3A_1654] {strides = array<i32>} : memref<768xf32, #tpu.memory_space<vmem>>, vector<16xf32>,
        %add3A_1656 = arith.addf %mul3A_1653, %get3A_1655 : vector<16xf32>
        %swap3A_1657 = arith.index_cast %scan3A_800 : i32 to index
        %swap3A_1658 = arith.constant 400 : index
        %swap3A_1659 = tpu.vector_load %arg13[%swap3A_1657, %swap3A_1658] {strides = array<i32>} : memref<32x768xf32, #tpu.memory_space<vmem>>, vector<16xf32>,
        tpu.vector_store %arg13[%swap3A_1657, %swap3A_1658], %add3A_1656 {strides = array<i32>} : memref<32x768xf32, #tpu.memory_space<vmem>>, vector<16xf32>,
        %mul3A_1660 = vector.broadcast %mul3A_1320 : f32 to vector<16xf32>
        %mul3A_1661 = arith.mulf %add3A_1070, %mul3A_1660 : vector<16xf32>
        %sub3A_1662 = vector.broadcast %mul3A_1321 : f32 to vector<16xf32>
        %sub3A_1663 = arith.subf %mul3A_1661, %sub3A_1662 : vector<16xf32>
        %get3A_1664 = arith.constant 416 : index
        %get3A_1665 = tpu.vector_load %arg17[%get3A_1664] {strides = array<i32>} : memref<768xf32, #tpu.memory_space<vmem>>, vector<16xf32>,
        %mul3A_1666 = arith.mulf %sub3A_1663, %get3A_1665 : vector<16xf32>
        %get3A_1667 = arith.constant 416 : index
        %get3A_1668 = tpu.vector_load %arg18[%get3A_1667] {strides = array<i32>} : memref<768xf32, #tpu.memory_space<vmem>>, vector<16xf32>,
        %add3A_1669 = arith.addf %mul3A_1666, %get3A_1668 : vector<16xf32>
        %swap3A_1670 = arith.index_cast %scan3A_800 : i32 to index
        %swap3A_1671 = arith.constant 416 : index
        %swap3A_1672 = tpu.vector_load %arg13[%swap3A_1670, %swap3A_1671] {strides = array<i32>} : memref<32x768xf32, #tpu.memory_space<vmem>>, vector<16xf32>,
        tpu.vector_store %arg13[%swap3A_1670, %swap3A_1671], %add3A_1669 {strides = array<i32>} : memref<32x768xf32, #tpu.memory_space<vmem>>, vector<16xf32>,
        %mul3A_1673 = vector.broadcast %mul3A_1320 : f32 to vector<16xf32>
        %mul3A_1674 = arith.mulf %add3A_1080, %mul3A_1673 : vector<16xf32>
        %sub3A_1675 = vector.broadcast %mul3A_1321 : f32 to vector<16xf32>
        %sub3A_1676 = arith.subf %mul3A_1674, %sub3A_1675 : vector<16xf32>
        %get3A_1677 = arith.constant 432 : index
        %get3A_1678 = tpu.vector_load %arg17[%get3A_1677] {strides = array<i32>} : memref<768xf32, #tpu.memory_space<vmem>>, vector<16xf32>,
        %mul3A_1679 = arith.mulf %sub3A_1676, %get3A_1678 : vector<16xf32>
        %get3A_1680 = arith.constant 432 : index
        %get3A_1681 = tpu.vector_load %arg18[%get3A_1680] {strides = array<i32>} : memref<768xf32, #tpu.memory_space<vmem>>, vector<16xf32>,
        %add3A_1682 = arith.addf %mul3A_1679, %get3A_1681 : vector<16xf32>
        %swap3A_1683 = arith.index_cast %scan3A_800 : i32 to index
        %swap3A_1684 = arith.constant 432 : index
        %swap3A_1685 = tpu.vector_load %arg13[%swap3A_1683, %swap3A_1684] {strides = array<i32>} : memref<32x768xf32, #tpu.memory_space<vmem>>, vector<16xf32>,
        tpu.vector_store %arg13[%swap3A_1683, %swap3A_1684], %add3A_1682 {strides = array<i32>} : memref<32x768xf32, #tpu.memory_space<vmem>>, vector<16xf32>,
        %mul3A_1686 = vector.broadcast %mul3A_1320 : f32 to vector<16xf32>
        %mul3A_1687 = arith.mulf %add3A_1090, %mul3A_1686 : vector<16xf32>
        %sub3A_1688 = vector.broadcast %mul3A_1321 : f32 to vector<16xf32>
        %sub3A_1689 = arith.subf %mul3A_1687, %sub3A_1688 : vector<16xf32>
        %get3A_1690 = arith.constant 448 : index
        %get3A_1691 = tpu.vector_load %arg17[%get3A_1690] {strides = array<i32>} : memref<768xf32, #tpu.memory_space<vmem>>, vector<16xf32>,
        %mul3A_1692 = arith.mulf %sub3A_1689, %get3A_1691 : vector<16xf32>
        %get3A_1693 = arith.constant 448 : index
        %get3A_1694 = tpu.vector_load %arg18[%get3A_1693] {strides = array<i32>} : memref<768xf32, #tpu.memory_space<vmem>>, vector<16xf32>,
        %add3A_1695 = arith.addf %mul3A_1692, %get3A_1694 : vector<16xf32>
        %swap3A_1696 = arith.index_cast %scan3A_800 : i32 to index
        %swap3A_1697 = arith.constant 448 : index
        %swap3A_1698 = tpu.vector_load %arg13[%swap3A_1696, %swap3A_1697] {strides = array<i32>} : memref<32x768xf32, #tpu.memory_space<vmem>>, vector<16xf32>,
        tpu.vector_store %arg13[%swap3A_1696, %swap3A_1697], %add3A_1695 {strides = array<i32>} : memref<32x768xf32, #tpu.memory_space<vmem>>, vector<16xf32>,
        %mul3A_1699 = vector.broadcast %mul3A_1320 : f32 to vector<16xf32>
        %mul3A_1700 = arith.mulf %add3A_1100, %mul3A_1699 : vector<16xf32>
        %sub3A_1701 = vector.broadcast %mul3A_1321 : f32 to vector<16xf32>
        %sub3A_1702 = arith.subf %mul3A_1700, %sub3A_1701 : vector<16xf32>
        %get3A_1703 = arith.constant 464 : index
        %get3A_1704 = tpu.vector_load %arg17[%get3A_1703] {strides = array<i32>} : memref<768xf32, #tpu.memory_space<vmem>>, vector<16xf32>,
        %mul3A_1705 = arith.mulf %sub3A_1702, %get3A_1704 : vector<16xf32>
        %get3A_1706 = arith.constant 464 : index
        %get3A_1707 = tpu.vector_load %arg18[%get3A_1706] {strides = array<i32>} : memref<768xf32, #tpu.memory_space<vmem>>, vector<16xf32>,
        %add3A_1708 = arith.addf %mul3A_1705, %get3A_1707 : vector<16xf32>
        %swap3A_1709 = arith.index_cast %scan3A_800 : i32 to index
        %swap3A_1710 = arith.constant 464 : index
        %swap3A_1711 = tpu.vector_load %arg13[%swap3A_1709, %swap3A_1710] {strides = array<i32>} : memref<32x768xf32, #tpu.memory_space<vmem>>, vector<16xf32>,
        tpu.vector_store %arg13[%swap3A_1709, %swap3A_1710], %add3A_1708 {strides = array<i32>} : memref<32x768xf32, #tpu.memory_space<vmem>>, vector<16xf32>,
        %mul3A_1712 = vector.broadcast %mul3A_1320 : f32 to vector<16xf32>
        %mul3A_1713 = arith.mulf %add3A_1110, %mul3A_1712 : vector<16xf32>
        %sub3A_1714 = vector.broadcast %mul3A_1321 : f32 to vector<16xf32>
        %sub3A_1715 = arith.subf %mul3A_1713, %sub3A_1714 : vector<16xf32>
        %get3A_1716 = arith.constant 480 : index
        %get3A_1717 = tpu.vector_load %arg17[%get3A_1716] {strides = array<i32>} : memref<768xf32, #tpu.memory_space<vmem>>, vector<16xf32>,
        %mul3A_1718 = arith.mulf %sub3A_1715, %get3A_1717 : vector<16xf32>
        %get3A_1719 = arith.constant 480 : index
        %get3A_1720 = tpu.vector_load %arg18[%get3A_1719] {strides = array<i32>} : memref<768xf32, #tpu.memory_space<vmem>>, vector<16xf32>,
        %add3A_1721 = arith.addf %mul3A_1718, %get3A_1720 : vector<16xf32>
        %swap3A_1722 = arith.index_cast %scan3A_800 : i32 to index
        %swap3A_1723 = arith.constant 480 : index
        %swap3A_1724 = tpu.vector_load %arg13[%swap3A_1722, %swap3A_1723] {strides = array<i32>} : memref<32x768xf32, #tpu.memory_space<vmem>>, vector<16xf32>,
        tpu.vector_store %arg13[%swap3A_1722, %swap3A_1723], %add3A_1721 {strides = array<i32>} : memref<32x768xf32, #tpu.memory_space<vmem>>, vector<16xf32>,
        %mul3A_1725 = vector.broadcast %mul3A_1320 : f32 to vector<16xf32>
        %mul3A_1726 = arith.mulf %add3A_1120, %mul3A_1725 : vector<16xf32>
        %sub3A_1727 = vector.broadcast %mul3A_1321 : f32 to vector<16xf32>
        %sub3A_1728 = arith.subf %mul3A_1726, %sub3A_1727 : vector<16xf32>
        %get3A_1729 = arith.constant 496 : index
        %get3A_1730 = tpu.vector_load %arg17[%get3A_1729] {strides = array<i32>} : memref<768xf32, #tpu.memory_space<vmem>>, vector<16xf32>,
        %mul3A_1731 = arith.mulf %sub3A_1728, %get3A_1730 : vector<16xf32>
        %get3A_1732 = arith.constant 496 : index
        %get3A_1733 = tpu.vector_load %arg18[%get3A_1732] {strides = array<i32>} : memref<768xf32, #tpu.memory_space<vmem>>, vector<16xf32>,
        %add3A_1734 = arith.addf %mul3A_1731, %get3A_1733 : vector<16xf32>
        %swap3A_1735 = arith.index_cast %scan3A_800 : i32 to index
        %swap3A_1736 = arith.constant 496 : index
        %swap3A_1737 = tpu.vector_load %arg13[%swap3A_1735, %swap3A_1736] {strides = array<i32>} : memref<32x768xf32, #tpu.memory_space<vmem>>, vector<16xf32>,
        tpu.vector_store %arg13[%swap3A_1735, %swap3A_1736], %add3A_1734 {strides = array<i32>} : memref<32x768xf32, #tpu.memory_space<vmem>>, vector<16xf32>,
        %mul3A_1738 = vector.broadcast %mul3A_1320 : f32 to vector<16xf32>
        %mul3A_1739 = arith.mulf %add3A_1130, %mul3A_1738 : vector<16xf32>
        %sub3A_1740 = vector.broadcast %mul3A_1321 : f32 to vector<16xf32>
        %sub3A_1741 = arith.subf %mul3A_1739, %sub3A_1740 : vector<16xf32>
        %get3A_1742 = arith.constant 512 : index
        %get3A_1743 = tpu.vector_load %arg17[%get3A_1742] {strides = array<i32>} : memref<768xf32, #tpu.memory_space<vmem>>, vector<16xf32>,
        %mul3A_1744 = arith.mulf %sub3A_1741, %get3A_1743 : vector<16xf32>
        %get3A_1745 = arith.constant 512 : index
        %get3A_1746 = tpu.vector_load %arg18[%get3A_1745] {strides = array<i32>} : memref<768xf32, #tpu.memory_space<vmem>>, vector<16xf32>,
        %add3A_1747 = arith.addf %mul3A_1744, %get3A_1746 : vector<16xf32>
        %swap3A_1748 = arith.index_cast %scan3A_800 : i32 to index
        %swap3A_1749 = arith.constant 512 : index
        %swap3A_1750 = tpu.vector_load %arg13[%swap3A_1748, %swap3A_1749] {strides = array<i32>} : memref<32x768xf32, #tpu.memory_space<vmem>>, vector<16xf32>,
        tpu.vector_store %arg13[%swap3A_1748, %swap3A_1749], %add3A_1747 {strides = array<i32>} : memref<32x768xf32, #tpu.memory_space<vmem>>, vector<16xf32>,
        %mul3A_1751 = vector.broadcast %mul3A_1320 : f32 to vector<16xf32>
        %mul3A_1752 = arith.mulf %add3A_1140, %mul3A_1751 : vector<16xf32>
        %sub3A_1753 = vector.broadcast %mul3A_1321 : f32 to vector<16xf32>
        %sub3A_1754 = arith.subf %mul3A_1752, %sub3A_1753 : vector<16xf32>
        %get3A_1755 = arith.constant 528 : index
        %get3A_1756 = tpu.vector_load %arg17[%get3A_1755] {strides = array<i32>} : memref<768xf32, #tpu.memory_space<vmem>>, vector<16xf32>,
        %mul3A_1757 = arith.mulf %sub3A_1754, %get3A_1756 : vector<16xf32>
        %get3A_1758 = arith.constant 528 : index
        %get3A_1759 = tpu.vector_load %arg18[%get3A_1758] {strides = array<i32>} : memref<768xf32, #tpu.memory_space<vmem>>, vector<16xf32>,
        %add3A_1760 = arith.addf %mul3A_1757, %get3A_1759 : vector<16xf32>
        %swap3A_1761 = arith.index_cast %scan3A_800 : i32 to index
        %swap3A_1762 = arith.constant 528 : index
        %swap3A_1763 = tpu.vector_load %arg13[%swap3A_1761, %swap3A_1762] {strides = array<i32>} : memref<32x768xf32, #tpu.memory_space<vmem>>, vector<16xf32>,
        tpu.vector_store %arg13[%swap3A_1761, %swap3A_1762], %add3A_1760 {strides = array<i32>} : memref<32x768xf32, #tpu.memory_space<vmem>>, vector<16xf32>,
        %mul3A_1764 = vector.broadcast %mul3A_1320 : f32 to vector<16xf32>
        %mul3A_1765 = arith.mulf %add3A_1150, %mul3A_1764 : vector<16xf32>
        %sub3A_1766 = vector.broadcast %mul3A_1321 : f32 to vector<16xf32>
        %sub3A_1767 = arith.subf %mul3A_1765, %sub3A_1766 : vector<16xf32>
        %get3A_1768 = arith.constant 544 : index
        %get3A_1769 = tpu.vector_load %arg17[%get3A_1768] {strides = array<i32>} : memref<768xf32, #tpu.memory_space<vmem>>, vector<16xf32>,
        %mul3A_1770 = arith.mulf %sub3A_1767, %get3A_1769 : vector<16xf32>
        %get3A_1771 = arith.constant 544 : index
        %get3A_1772 = tpu.vector_load %arg18[%get3A_1771] {strides = array<i32>} : memref<768xf32, #tpu.memory_space<vmem>>, vector<16xf32>,
        %add3A_1773 = arith.addf %mul3A_1770, %get3A_1772 : vector<16xf32>
        %swap3A_1774 = arith.index_cast %scan3A_800 : i32 to index
        %swap3A_1775 = arith.constant 544 : index
        %swap3A_1776 = tpu.vector_load %arg13[%swap3A_1774, %swap3A_1775] {strides = array<i32>} : memref<32x768xf32, #tpu.memory_space<vmem>>, vector<16xf32>,
        tpu.vector_store %arg13[%swap3A_1774, %swap3A_1775], %add3A_1773 {strides = array<i32>} : memref<32x768xf32, #tpu.memory_space<vmem>>, vector<16xf32>,
        %mul3A_1777 = vector.broadcast %mul3A_1320 : f32 to vector<16xf32>
        %mul3A_1778 = arith.mulf %add3A_1160, %mul3A_1777 : vector<16xf32>
        %sub3A_1779 = vector.broadcast %mul3A_1321 : f32 to vector<16xf32>
        %sub3A_1780 = arith.subf %mul3A_1778, %sub3A_1779 : vector<16xf32>
        %get3A_1781 = arith.constant 560 : index
        %get3A_1782 = tpu.vector_load %arg17[%get3A_1781] {strides = array<i32>} : memref<768xf32, #tpu.memory_space<vmem>>, vector<16xf32>,
        %mul3A_1783 = arith.mulf %sub3A_1780, %get3A_1782 : vector<16xf32>
        %get3A_1784 = arith.constant 560 : index
        %get3A_1785 = tpu.vector_load %arg18[%get3A_1784] {strides = array<i32>} : memref<768xf32, #tpu.memory_space<vmem>>, vector<16xf32>,
        %add3A_1786 = arith.addf %mul3A_1783, %get3A_1785 : vector<16xf32>
        %swap3A_1787 = arith.index_cast %scan3A_800 : i32 to index
        %swap3A_1788 = arith.constant 560 : index
        %swap3A_1789 = tpu.vector_load %arg13[%swap3A_1787, %swap3A_1788] {strides = array<i32>} : memref<32x768xf32, #tpu.memory_space<vmem>>, vector<16xf32>,
        tpu.vector_store %arg13[%swap3A_1787, %swap3A_1788], %add3A_1786 {strides = array<i32>} : memref<32x768xf32, #tpu.memory_space<vmem>>, vector<16xf32>,
        %mul3A_1790 = vector.broadcast %mul3A_1320 : f32 to vector<16xf32>
        %mul3A_1791 = arith.mulf %add3A_1170, %mul3A_1790 : vector<16xf32>
        %sub3A_1792 = vector.broadcast %mul3A_1321 : f32 to vector<16xf32>
        %sub3A_1793 = arith.subf %mul3A_1791, %sub3A_1792 : vector<16xf32>
        %get3A_1794 = arith.constant 576 : index
        %get3A_1795 = tpu.vector_load %arg17[%get3A_1794] {strides = array<i32>} : memref<768xf32, #tpu.memory_space<vmem>>, vector<16xf32>,
        %mul3A_1796 = arith.mulf %sub3A_1793, %get3A_1795 : vector<16xf32>
        %get3A_1797 = arith.constant 576 : index
        %get3A_1798 = tpu.vector_load %arg18[%get3A_1797] {strides = array<i32>} : memref<768xf32, #tpu.memory_space<vmem>>, vector<16xf32>,
        %add3A_1799 = arith.addf %mul3A_1796, %get3A_1798 : vector<16xf32>
        %swap3A_1800 = arith.index_cast %scan3A_800 : i32 to index
        %swap3A_1801 = arith.constant 576 : index
        %swap3A_1802 = tpu.vector_load %arg13[%swap3A_1800, %swap3A_1801] {strides = array<i32>} : memref<32x768xf32, #tpu.memory_space<vmem>>, vector<16xf32>,
        tpu.vector_store %arg13[%swap3A_1800, %swap3A_1801], %add3A_1799 {strides = array<i32>} : memref<32x768xf32, #tpu.memory_space<vmem>>, vector<16xf32>,
        %mul3A_1803 = vector.broadcast %mul3A_1320 : f32 to vector<16xf32>
        %mul3A_1804 = arith.mulf %add3A_1180, %mul3A_1803 : vector<16xf32>
        %sub3A_1805 = vector.broadcast %mul3A_1321 : f32 to vector<16xf32>
        %sub3A_1806 = arith.subf %mul3A_1804, %sub3A_1805 : vector<16xf32>
        %get3A_1807 = arith.constant 592 : index
        %get3A_1808 = tpu.vector_load %arg17[%get3A_1807] {strides = array<i32>} : memref<768xf32, #tpu.memory_space<vmem>>, vector<16xf32>,
        %mul3A_1809 = arith.mulf %sub3A_1806, %get3A_1808 : vector<16xf32>
        %get3A_1810 = arith.constant 592 : index
        %get3A_1811 = tpu.vector_load %arg18[%get3A_1810] {strides = array<i32>} : memref<768xf32, #tpu.memory_space<vmem>>, vector<16xf32>,
        %add3A_1812 = arith.addf %mul3A_1809, %get3A_1811 : vector<16xf32>
        %swap3A_1813 = arith.index_cast %scan3A_800 : i32 to index
        %swap3A_1814 = arith.constant 592 : index
        %swap3A_1815 = tpu.vector_load %arg13[%swap3A_1813, %swap3A_1814] {strides = array<i32>} : memref<32x768xf32, #tpu.memory_space<vmem>>, vector<16xf32>,
        tpu.vector_store %arg13[%swap3A_1813, %swap3A_1814], %add3A_1812 {strides = array<i32>} : memref<32x768xf32, #tpu.memory_space<vmem>>, vector<16xf32>,
        %mul3A_1816 = vector.broadcast %mul3A_1320 : f32 to vector<16xf32>
        %mul3A_1817 = arith.mulf %add3A_1190, %mul3A_1816 : vector<16xf32>
        %sub3A_1818 = vector.broadcast %mul3A_1321 : f32 to vector<16xf32>
        %sub3A_1819 = arith.subf %mul3A_1817, %sub3A_1818 : vector<16xf32>
        %get3A_1820 = arith.constant 608 : index
        %get3A_1821 = tpu.vector_load %arg17[%get3A_1820] {strides = array<i32>} : memref<768xf32, #tpu.memory_space<vmem>>, vector<16xf32>,
        %mul3A_1822 = arith.mulf %sub3A_1819, %get3A_1821 : vector<16xf32>
        %get3A_1823 = arith.constant 608 : index
        %get3A_1824 = tpu.vector_load %arg18[%get3A_1823] {strides = array<i32>} : memref<768xf32, #tpu.memory_space<vmem>>, vector<16xf32>,
        %add3A_1825 = arith.addf %mul3A_1822, %get3A_1824 : vector<16xf32>
        %swap3A_1826 = arith.index_cast %scan3A_800 : i32 to index
        %swap3A_1827 = arith.constant 608 : index
        %swap3A_1828 = tpu.vector_load %arg13[%swap3A_1826, %swap3A_1827] {strides = array<i32>} : memref<32x768xf32, #tpu.memory_space<vmem>>, vector<16xf32>,
        tpu.vector_store %arg13[%swap3A_1826, %swap3A_1827], %add3A_1825 {strides = array<i32>} : memref<32x768xf32, #tpu.memory_space<vmem>>, vector<16xf32>,
        %mul3A_1829 = vector.broadcast %mul3A_1320 : f32 to vector<16xf32>
        %mul3A_1830 = arith.mulf %add3A_1200, %mul3A_1829 : vector<16xf32>
        %sub3A_1831 = vector.broadcast %mul3A_1321 : f32 to vector<16xf32>
        %sub3A_1832 = arith.subf %mul3A_1830, %sub3A_1831 : vector<16xf32>
        %get3A_1833 = arith.constant 624 : index
        %get3A_1834 = tpu.vector_load %arg17[%get3A_1833] {strides = array<i32>} : memref<768xf32, #tpu.memory_space<vmem>>, vector<16xf32>,
        %mul3A_1835 = arith.mulf %sub3A_1832, %get3A_1834 : vector<16xf32>
        %get3A_1836 = arith.constant 624 : index
        %get3A_1837 = tpu.vector_load %arg18[%get3A_1836] {strides = array<i32>} : memref<768xf32, #tpu.memory_space<vmem>>, vector<16xf32>,
        %add3A_1838 = arith.addf %mul3A_1835, %get3A_1837 : vector<16xf32>
        %swap3A_1839 = arith.index_cast %scan3A_800 : i32 to index
        %swap3A_1840 = arith.constant 624 : index
        %swap3A_1841 = tpu.vector_load %arg13[%swap3A_1839, %swap3A_1840] {strides = array<i32>} : memref<32x768xf32, #tpu.memory_space<vmem>>, vector<16xf32>,
        tpu.vector_store %arg13[%swap3A_1839, %swap3A_1840], %add3A_1838 {strides = array<i32>} : memref<32x768xf32, #tpu.memory_space<vmem>>, vector<16xf32>,
        %mul3A_1842 = vector.broadcast %mul3A_1320 : f32 to vector<16xf32>
        %mul3A_1843 = arith.mulf %add3A_1210, %mul3A_1842 : vector<16xf32>
        %sub3A_1844 = vector.broadcast %mul3A_1321 : f32 to vector<16xf32>
        %sub3A_1845 = arith.subf %mul3A_1843, %sub3A_1844 : vector<16xf32>
        %get3A_1846 = arith.constant 640 : index
        %get3A_1847 = tpu.vector_load %arg17[%get3A_1846] {strides = array<i32>} : memref<768xf32, #tpu.memory_space<vmem>>, vector<16xf32>,
        %mul3A_1848 = arith.mulf %sub3A_1845, %get3A_1847 : vector<16xf32>
        %get3A_1849 = arith.constant 640 : index
        %get3A_1850 = tpu.vector_load %arg18[%get3A_1849] {strides = array<i32>} : memref<768xf32, #tpu.memory_space<vmem>>, vector<16xf32>,
        %add3A_1851 = arith.addf %mul3A_1848, %get3A_1850 : vector<16xf32>
        %swap3A_1852 = arith.index_cast %scan3A_800 : i32 to index
        %swap3A_1853 = arith.constant 640 : index
        %swap3A_1854 = tpu.vector_load %arg13[%swap3A_1852, %swap3A_1853] {strides = array<i32>} : memref<32x768xf32, #tpu.memory_space<vmem>>, vector<16xf32>,
        tpu.vector_store %arg13[%swap3A_1852, %swap3A_1853], %add3A_1851 {strides = array<i32>} : memref<32x768xf32, #tpu.memory_space<vmem>>, vector<16xf32>,
        %mul3A_1855 = vector.broadcast %mul3A_1320 : f32 to vector<16xf32>
        %mul3A_1856 = arith.mulf %add3A_1220, %mul3A_1855 : vector<16xf32>
        %sub3A_1857 = vector.broadcast %mul3A_1321 : f32 to vector<16xf32>
        %sub3A_1858 = arith.subf %mul3A_1856, %sub3A_1857 : vector<16xf32>
        %get3A_1859 = arith.constant 656 : index
        %get3A_1860 = tpu.vector_load %arg17[%get3A_1859] {strides = array<i32>} : memref<768xf32, #tpu.memory_space<vmem>>, vector<16xf32>,
        %mul3A_1861 = arith.mulf %sub3A_1858, %get3A_1860 : vector<16xf32>
        %get3A_1862 = arith.constant 656 : index
        %get3A_1863 = tpu.vector_load %arg18[%get3A_1862] {strides = array<i32>} : memref<768xf32, #tpu.memory_space<vmem>>, vector<16xf32>,
        %add3A_1864 = arith.addf %mul3A_1861, %get3A_1863 : vector<16xf32>
        %swap3A_1865 = arith.index_cast %scan3A_800 : i32 to index
        %swap3A_1866 = arith.constant 656 : index
        %swap3A_1867 = tpu.vector_load %arg13[%swap3A_1865, %swap3A_1866] {strides = array<i32>} : memref<32x768xf32, #tpu.memory_space<vmem>>, vector<16xf32>,
        tpu.vector_store %arg13[%swap3A_1865, %swap3A_1866], %add3A_1864 {strides = array<i32>} : memref<32x768xf32, #tpu.memory_space<vmem>>, vector<16xf32>,
        %mul3A_1868 = vector.broadcast %mul3A_1320 : f32 to vector<16xf32>
        %mul3A_1869 = arith.mulf %add3A_1230, %mul3A_1868 : vector<16xf32>
        %sub3A_1870 = vector.broadcast %mul3A_1321 : f32 to vector<16xf32>
        %sub3A_1871 = arith.subf %mul3A_1869, %sub3A_1870 : vector<16xf32>
        %get3A_1872 = arith.constant 672 : index
        %get3A_1873 = tpu.vector_load %arg17[%get3A_1872] {strides = array<i32>} : memref<768xf32, #tpu.memory_space<vmem>>, vector<16xf32>,
        %mul3A_1874 = arith.mulf %sub3A_1871, %get3A_1873 : vector<16xf32>
        %get3A_1875 = arith.constant 672 : index
        %get3A_1876 = tpu.vector_load %arg18[%get3A_1875] {strides = array<i32>} : memref<768xf32, #tpu.memory_space<vmem>>, vector<16xf32>,
        %add3A_1877 = arith.addf %mul3A_1874, %get3A_1876 : vector<16xf32>
        %swap3A_1878 = arith.index_cast %scan3A_800 : i32 to index
        %swap3A_1879 = arith.constant 672 : index
        %swap3A_1880 = tpu.vector_load %arg13[%swap3A_1878, %swap3A_1879] {strides = array<i32>} : memref<32x768xf32, #tpu.memory_space<vmem>>, vector<16xf32>,
        tpu.vector_store %arg13[%swap3A_1878, %swap3A_1879], %add3A_1877 {strides = array<i32>} : memref<32x768xf32, #tpu.memory_space<vmem>>, vector<16xf32>,
        %mul3A_1881 = vector.broadcast %mul3A_1320 : f32 to vector<16xf32>
        %mul3A_1882 = arith.mulf %add3A_1240, %mul3A_1881 : vector<16xf32>
        %sub3A_1883 = vector.broadcast %mul3A_1321 : f32 to vector<16xf32>
        %sub3A_1884 = arith.subf %mul3A_1882, %sub3A_1883 : vector<16xf32>
        %get3A_1885 = arith.constant 688 : index
        %get3A_1886 = tpu.vector_load %arg17[%get3A_1885] {strides = array<i32>} : memref<768xf32, #tpu.memory_space<vmem>>, vector<16xf32>,
        %mul3A_1887 = arith.mulf %sub3A_1884, %get3A_1886 : vector<16xf32>
        %get3A_1888 = arith.constant 688 : index
        %get3A_1889 = tpu.vector_load %arg18[%get3A_1888] {strides = array<i32>} : memref<768xf32, #tpu.memory_space<vmem>>, vector<16xf32>,
        %add3A_1890 = arith.addf %mul3A_1887, %get3A_1889 : vector<16xf32>
        %swap3A_1891 = arith.index_cast %scan3A_800 : i32 to index
        %swap3A_1892 = arith.constant 688 : index
        %swap3A_1893 = tpu.vector_load %arg13[%swap3A_1891, %swap3A_1892] {strides = array<i32>} : memref<32x768xf32, #tpu.memory_space<vmem>>, vector<16xf32>,
        tpu.vector_store %arg13[%swap3A_1891, %swap3A_1892], %add3A_1890 {strides = array<i32>} : memref<32x768xf32, #tpu.memory_space<vmem>>, vector<16xf32>,
        %mul3A_1894 = vector.broadcast %mul3A_1320 : f32 to vector<16xf32>
        %mul3A_1895 = arith.mulf %add3A_1250, %mul3A_1894 : vector<16xf32>
        %sub3A_1896 = vector.broadcast %mul3A_1321 : f32 to vector<16xf32>
        %sub3A_1897 = arith.subf %mul3A_1895, %sub3A_1896 : vector<16xf32>
        %get3A_1898 = arith.constant 704 : index
        %get3A_1899 = tpu.vector_load %arg17[%get3A_1898] {strides = array<i32>} : memref<768xf32, #tpu.memory_space<vmem>>, vector<16xf32>,
        %mul3A_1900 = arith.mulf %sub3A_1897, %get3A_1899 : vector<16xf32>
        %get3A_1901 = arith.constant 704 : index
        %get3A_1902 = tpu.vector_load %arg18[%get3A_1901] {strides = array<i32>} : memref<768xf32, #tpu.memory_space<vmem>>, vector<16xf32>,
        %add3A_1903 = arith.addf %mul3A_1900, %get3A_1902 : vector<16xf32>
        %swap3A_1904 = arith.index_cast %scan3A_800 : i32 to index
        %swap3A_1905 = arith.constant 704 : index
        %swap3A_1906 = tpu.vector_load %arg13[%swap3A_1904, %swap3A_1905] {strides = array<i32>} : memref<32x768xf32, #tpu.memory_space<vmem>>, vector<16xf32>,
        tpu.vector_store %arg13[%swap3A_1904, %swap3A_1905], %add3A_1903 {strides = array<i32>} : memref<32x768xf32, #tpu.memory_space<vmem>>, vector<16xf32>,
        %mul3A_1907 = vector.broadcast %mul3A_1320 : f32 to vector<16xf32>
        %mul3A_1908 = arith.mulf %add3A_1260, %mul3A_1907 : vector<16xf32>
        %sub3A_1909 = vector.broadcast %mul3A_1321 : f32 to vector<16xf32>
        %sub3A_1910 = arith.subf %mul3A_1908, %sub3A_1909 : vector<16xf32>
        %get3A_1911 = arith.constant 720 : index
        %get3A_1912 = tpu.vector_load %arg17[%get3A_1911] {strides = array<i32>} : memref<768xf32, #tpu.memory_space<vmem>>, vector<16xf32>,
        %mul3A_1913 = arith.mulf %sub3A_1910, %get3A_1912 : vector<16xf32>
        %get3A_1914 = arith.constant 720 : index
        %get3A_1915 = tpu.vector_load %arg18[%get3A_1914] {strides = array<i32>} : memref<768xf32, #tpu.memory_space<vmem>>, vector<16xf32>,
        %add3A_1916 = arith.addf %mul3A_1913, %get3A_1915 : vector<16xf32>
        %swap3A_1917 = arith.index_cast %scan3A_800 : i32 to index
        %swap3A_1918 = arith.constant 720 : index
        %swap3A_1919 = tpu.vector_load %arg13[%swap3A_1917, %swap3A_1918] {strides = array<i32>} : memref<32x768xf32, #tpu.memory_space<vmem>>, vector<16xf32>,
        tpu.vector_store %arg13[%swap3A_1917, %swap3A_1918], %add3A_1916 {strides = array<i32>} : memref<32x768xf32, #tpu.memory_space<vmem>>, vector<16xf32>,
        %mul3A_1920 = vector.broadcast %mul3A_1320 : f32 to vector<16xf32>
        %mul3A_1921 = arith.mulf %add3A_1270, %mul3A_1920 : vector<16xf32>
        %sub3A_1922 = vector.broadcast %mul3A_1321 : f32 to vector<16xf32>
        %sub3A_1923 = arith.subf %mul3A_1921, %sub3A_1922 : vector<16xf32>
        %get3A_1924 = arith.constant 736 : index
        %get3A_1925 = tpu.vector_load %arg17[%get3A_1924] {strides = array<i32>} : memref<768xf32, #tpu.memory_space<vmem>>, vector<16xf32>,
        %mul3A_1926 = arith.mulf %sub3A_1923, %get3A_1925 : vector<16xf32>
        %get3A_1927 = arith.constant 736 : index
        %get3A_1928 = tpu.vector_load %arg18[%get3A_1927] {strides = array<i32>} : memref<768xf32, #tpu.memory_space<vmem>>, vector<16xf32>,
        %add3A_1929 = arith.addf %mul3A_1926, %get3A_1928 : vector<16xf32>
        %swap3A_1930 = arith.index_cast %scan3A_800 : i32 to index
        %swap3A_1931 = arith.constant 736 : index
        %swap3A_1932 = tpu.vector_load %arg13[%swap3A_1930, %swap3A_1931] {strides = array<i32>} : memref<32x768xf32, #tpu.memory_space<vmem>>, vector<16xf32>,
        tpu.vector_store %arg13[%swap3A_1930, %swap3A_1931], %add3A_1929 {strides = array<i32>} : memref<32x768xf32, #tpu.memory_space<vmem>>, vector<16xf32>,
        %mul3A_1933 = vector.broadcast %mul3A_1320 : f32 to vector<16xf32>
        %mul3A_1934 = arith.mulf %add3A_1280, %mul3A_1933 : vector<16xf32>
        %sub3A_1935 = vector.broadcast %mul3A_1321 : f32 to vector<16xf32>
        %sub3A_1936 = arith.subf %mul3A_1934, %sub3A_1935 : vector<16xf32>
        %get3A_1937 = arith.constant 752 : index
        %get3A_1938 = tpu.vector_load %arg17[%get3A_1937] {strides = array<i32>} : memref<768xf32, #tpu.memory_space<vmem>>, vector<16xf32>,
        %mul3A_1939 = arith.mulf %sub3A_1936, %get3A_1938 : vector<16xf32>
        %get3A_1940 = arith.constant 752 : index
        %get3A_1941 = tpu.vector_load %arg18[%get3A_1940] {strides = array<i32>} : memref<768xf32, #tpu.memory_space<vmem>>, vector<16xf32>,
        %add3A_1942 = arith.addf %mul3A_1939, %get3A_1941 : vector<16xf32>
        %swap3A_1943 = arith.index_cast %scan3A_800 : i32 to index
        %swap3A_1944 = arith.constant 752 : index
        %swap3A_1945 = tpu.vector_load %arg13[%swap3A_1943, %swap3A_1944] {strides = array<i32>} : memref<32x768xf32, #tpu.memory_space<vmem>>, vector<16xf32>,
        tpu.vector_store %arg13[%swap3A_1943, %swap3A_1944], %add3A_1942 {strides = array<i32>} : memref<32x768xf32, #tpu.memory_space<vmem>>, vector<16xf32>,
      }
      %scan3A_758 = arith.constant 32 : i32
      %mul3A_759 = arith.constant 32 : i32
      %mul3A_760 = arith.muli %mul3A_728, %mul3A_759 : i32
      %add3A_761 = arith.addi %mul3A_3, %mul3A_760 : i32
      %dma_start3A_762 = arith.constant 0 : i32
      %dma_start3A_763 = tpu.memref_slice %arg9[%add3A_761, %dma_start3A_762] : memref<32768x768xf32, #tpu.memory_space<hbm>> -> memref<32x768xf32, #tpu.memory_space<hbm>>
      %dma_start3A_764 = arith.constant 0 : i32
      %dma_start3A_765 = tpu.memref_slice %arg9[%add3A_761, %dma_start3A_764] : memref<32768x768xf32, #tpu.memory_space<hbm>> -> memref<32x768xf32, #tpu.memory_space<hbm>>
      tpu.enqueue_dma source(%arg13 : memref<32x768xf32, #tpu.memory_space<vmem>>) target(%dma_start3A_765 : memref<32x768xf32, #tpu.memory_space<hbm>>) target_semaphore(%arg21 : memref<!tpu.dma_semaphore, #tpu.memory_space<semaphore_mem>>)
      %mul3A_766 = arith.constant 32 : i32
      %mul3A_767 = arith.muli %add3A_730, %mul3A_766 : i32
      %dma_wait3A_768 = tpu.memref_slice %arg10[%mul3A_767] : memref<1024xi32, #tpu.memory_space<vmem>> -> memref<32xi32, #tpu.memory_space<vmem>>
      %dma_wait3A_769 = arith.constant 0 : i32
      %dma_wait3A_770 = arith.constant 0 : i32
      %dma_wait3A_771 = tpu.memref_slice %arg4[%dma_wait3A_769, %dma_wait3A_770] : memref<30522x768xf32, #tpu.memory_space<hbm>> -> memref<30522x768xf32, #tpu.memory_space<hbm>>
      tpu.wait_indirect_dma semaphore(%arg20 : memref<!tpu.dma_semaphore, #tpu.memory_space<semaphore_mem>>) src(%dma_wait3A_771 : memref<30522x768xf32, #tpu.memory_space<hbm>>) dst(%arg14 : memref<32x768xf32, #tpu.memory_space<vmem>>)
      %dma_wait3A_772 = tpu.memref_slice %arg12[%mul3A_767] : memref<1024xi32, #tpu.memory_space<vmem>> -> memref<32xi32, #tpu.memory_space<vmem>>
      %dma_wait3A_773 = arith.constant 0 : i32
      %dma_wait3A_774 = arith.constant 0 : i32
      %dma_wait3A_775 = tpu.memref_slice %arg5[%dma_wait3A_773, %dma_wait3A_774] : memref<1024x768xf32, #tpu.memory_space<hbm>> -> memref<1024x768xf32, #tpu.memory_space<hbm>>
      tpu.wait_indirect_dma semaphore(%arg20 : memref<!tpu.dma_semaphore, #tpu.memory_space<semaphore_mem>>) src(%dma_wait3A_775 : memref<1024x768xf32, #tpu.memory_space<hbm>>) dst(%arg16 : memref<32x768xf32, #tpu.memory_space<vmem>>)
      %mul3A_776 = arith.constant 32 : i32
      %mul3A_777 = arith.muli %mul3A_728, %mul3A_776 : i32
      %add3A_778 = arith.addi %mul3A_3, %mul3A_777 : i32
      %dma_wait3A_779 = arith.constant 0 : i32
      %dma_wait3A_780 = tpu.memref_slice %arg9[%add3A_778, %dma_wait3A_779] : memref<32768x768xf32, #tpu.memory_space<hbm>> -> memref<32x768xf32, #tpu.memory_space<hbm>>
      %dma_wait3A_781 = arith.constant 0 : i32
      %dma_wait3A_782 = tpu.memref_slice %arg9[%add3A_778, %dma_wait3A_781] : memref<32768x768xf32, #tpu.memory_space<hbm>> -> memref<32x768xf32, #tpu.memory_space<hbm>>
      tpu.wait_dma2 semaphore(%arg21 : memref<!tpu.dma_semaphore, #tpu.memory_space<semaphore_mem>>) src(%arg13 : memref<32x768xf32, #tpu.memory_space<vmem>>) dst(%dma_wait3A_782 : memref<32x768xf32, #tpu.memory_space<hbm>>)
      %lt3A = arith.constant 15 : i32
      %lt3A_783 = arith.cmpi slt, %scan3A_726, %lt3A : i32
      %convert_element_type3A_784 = arith.extui %lt3A_783 : i1 to i32
      %cond3A_785 = arith.constant 0 : i32
      %cond3A_786 = arith.cmpi ne, %convert_element_type3A_784, %cond3A_785 : i32
      scf.if %cond3A_786 {
        %add3A_800 = arith.constant 2 : i32
        %add3A_801 = arith.addi %mul3A_728, %add3A_800 : i32
        %mul3A_802 = arith.constant 32 : i32
        %mul3A_803 = arith.muli %add3A_801, %mul3A_802 : i32
        %dma_start3A_804 = tpu.memref_slice %arg10[%mul3A_803] : memref<1024xi32, #tpu.memory_space<vmem>> -> memref<32xi32, #tpu.memory_space<vmem>>
        %dma_start3A_805 = arith.constant 0 : i32
        %dma_start3A_806 = arith.constant 0 : i32
        %dma_start3A_807 = tpu.memref_slice %arg4[%dma_start3A_805, %dma_start3A_806] : memref<30522x768xf32, #tpu.memory_space<hbm>> -> memref<30522x768xf32, #tpu.memory_space<hbm>>
        tpu.enqueue_indirect_dma source(%dma_start3A_807 : memref<30522x768xf32, #tpu.memory_space<hbm>>) target(%arg13 : memref<32x768xf32, #tpu.memory_space<vmem>>) offsets(%dma_start3A_804 : memref<32xi32, #tpu.memory_space<vmem>>) semaphore(%arg19 : memref<!tpu.dma_semaphore, #tpu.memory_space<semaphore_mem>>)
        %dma_start3A_808 = tpu.memref_slice %arg12[%mul3A_803] : memref<1024xi32, #tpu.memory_space<vmem>> -> memref<32xi32, #tpu.memory_space<vmem>>
        %dma_start3A_809 = arith.constant 0 : i32
        %dma_start3A_810 = arith.constant 0 : i32
        %dma_start3A_811 = tpu.memref_slice %arg5[%dma_start3A_809, %dma_start3A_810] : memref<1024x768xf32, #tpu.memory_space<hbm>> -> memref<1024x768xf32, #tpu.memory_space<hbm>>
        tpu.enqueue_indirect_dma source(%dma_start3A_811 : memref<1024x768xf32, #tpu.memory_space<hbm>>) target(%arg15 : memref<32x768xf32, #tpu.memory_space<vmem>>) offsets(%dma_start3A_808 : memref<32xi32, #tpu.memory_space<vmem>>) semaphore(%arg19 : memref<!tpu.dma_semaphore, #tpu.memory_space<semaphore_mem>>)
      } else {
      }
      %scan3A_787 = arith.constant 0 : i32
      %scan3A_788 = arith.constant 0 : i32
      %scan3A_789 = arith.constant 32 : i32
      %scan3A_790 = arith.addi %scan3A_788, %scan3A_789 : i32
      %scan3A_791 = arith.constant 1 : i32
      scf.for %scan3A_800 = %scan3A_788 to %scan3A_790 step %scan3A_791  : i32 {
        %broadcast_in_dim3A = arith.constant 0.000000e+00 : f32
        %broadcast_in_dim3A_801 = vector.broadcast %broadcast_in_dim3A : f32 to vector<16xf32>
        %broadcast_in_dim3A_802 = arith.constant 0.000000e+00 : f32
        %broadcast_in_dim3A_803 = vector.broadcast %broadcast_in_dim3A_802 : f32 to vector<16xf32>
        %get3A_804 = arith.index_cast %scan3A_800 : i32 to index
        %get3A_805 = arith.constant 0 : index
        %get3A_806 = tpu.vector_load %arg14[%get3A_804, %get3A_805] {strides = array<i32>} : memref<32x768xf32, #tpu.memory_space<vmem>>, vector<16xf32>,
        %get3A_807 = arith.index_cast %scan3A_800 : i32 to index
        %get3A_808 = arith.constant 0 : index
        %get3A_809 = tpu.vector_load %arg16[%get3A_807, %get3A_808] {strides = array<i32>} : memref<32x768xf32, #tpu.memory_space<vmem>>, vector<16xf32>,
        %add3A_810 = arith.addf %get3A_806, %get3A_809 : vector<16xf32>
        %add3A_811 = arith.addf %broadcast_in_dim3A_801, %add3A_810 : vector<16xf32>
        %mul3A_812 = arith.mulf %add3A_810, %add3A_810 : vector<16xf32>
        %add3A_813 = arith.addf %broadcast_in_dim3A_803, %mul3A_812 : vector<16xf32>
        %get3A_814 = arith.index_cast %scan3A_800 : i32 to index
        %get3A_815 = arith.constant 16 : index
        %get3A_816 = tpu.vector_load %arg14[%get3A_814, %get3A_815] {strides = array<i32>} : memref<32x768xf32, #tpu.memory_space<vmem>>, vector<16xf32>,
        %get3A_817 = arith.index_cast %scan3A_800 : i32 to index
        %get3A_818 = arith.constant 16 : index
        %get3A_819 = tpu.vector_load %arg16[%get3A_817, %get3A_818] {strides = array<i32>} : memref<32x768xf32, #tpu.memory_space<vmem>>, vector<16xf32>,
        %add3A_820 = arith.addf %get3A_816, %get3A_819 : vector<16xf32>
        %add3A_821 = arith.addf %add3A_811, %add3A_820 : vector<16xf32>
        %mul3A_822 = arith.mulf %add3A_820, %add3A_820 : vector<16xf32>
        %add3A_823 = arith.addf %add3A_813, %mul3A_822 : vector<16xf32>
        %get3A_824 = arith.index_cast %scan3A_800 : i32 to index
        %get3A_825 = arith.constant 32 : index
        %get3A_826 = tpu.vector_load %arg14[%get3A_824, %get3A_825] {strides = array<i32>} : memref<32x768xf32, #tpu.memory_space<vmem>>, vector<16xf32>,
        %get3A_827 = arith.index_cast %scan3A_800 : i32 to index
        %get3A_828 = arith.constant 32 : index
        %get3A_829 = tpu.vector_load %arg16[%get3A_827, %get3A_828] {strides = array<i32>} : memref<32x768xf32, #tpu.memory_space<vmem>>, vector<16xf32>,
        %add3A_830 = arith.addf %get3A_826, %get3A_829 : vector<16xf32>
        %add3A_831 = arith.addf %add3A_821, %add3A_830 : vector<16xf32>
        %mul3A_832 = arith.mulf %add3A_830, %add3A_830 : vector<16xf32>
        %add3A_833 = arith.addf %add3A_823, %mul3A_832 : vector<16xf32>
        %get3A_834 = arith.index_cast %scan3A_800 : i32 to index
        %get3A_835 = arith.constant 48 : index
        %get3A_836 = tpu.vector_load %arg14[%get3A_834, %get3A_835] {strides = array<i32>} : memref<32x768xf32, #tpu.memory_space<vmem>>, vector<16xf32>,
        %get3A_837 = arith.index_cast %scan3A_800 : i32 to index
        %get3A_838 = arith.constant 48 : index
        %get3A_839 = tpu.vector_load %arg16[%get3A_837, %get3A_838] {strides = array<i32>} : memref<32x768xf32, #tpu.memory_space<vmem>>, vector<16xf32>,
        %add3A_840 = arith.addf %get3A_836, %get3A_839 : vector<16xf32>
        %add3A_841 = arith.addf %add3A_831, %add3A_840 : vector<16xf32>
        %mul3A_842 = arith.mulf %add3A_840, %add3A_840 : vector<16xf32>
        %add3A_843 = arith.addf %add3A_833, %mul3A_842 : vector<16xf32>
        %get3A_844 = arith.index_cast %scan3A_800 : i32 to index
        %get3A_845 = arith.constant 64 : index
        %get3A_846 = tpu.vector_load %arg14[%get3A_844, %get3A_845] {strides = array<i32>} : memref<32x768xf32, #tpu.memory_space<vmem>>, vector<16xf32>,
        %get3A_847 = arith.index_cast %scan3A_800 : i32 to index
        %get3A_848 = arith.constant 64 : index
        %get3A_849 = tpu.vector_load %arg16[%get3A_847, %get3A_848] {strides = array<i32>} : memref<32x768xf32, #tpu.memory_space<vmem>>, vector<16xf32>,
        %add3A_850 = arith.addf %get3A_846, %get3A_849 : vector<16xf32>
        %add3A_851 = arith.addf %add3A_841, %add3A_850 : vector<16xf32>
        %mul3A_852 = arith.mulf %add3A_850, %add3A_850 : vector<16xf32>
        %add3A_853 = arith.addf %add3A_843, %mul3A_852 : vector<16xf32>
        %get3A_854 = arith.index_cast %scan3A_800 : i32 to index
        %get3A_855 = arith.constant 80 : index
        %get3A_856 = tpu.vector_load %arg14[%get3A_854, %get3A_855] {strides = array<i32>} : memref<32x768xf32, #tpu.memory_space<vmem>>, vector<16xf32>,
        %get3A_857 = arith.index_cast %scan3A_800 : i32 to index
        %get3A_858 = arith.constant 80 : index
        %get3A_859 = tpu.vector_load %arg16[%get3A_857, %get3A_858] {strides = array<i32>} : memref<32x768xf32, #tpu.memory_space<vmem>>, vector<16xf32>,
        %add3A_860 = arith.addf %get3A_856, %get3A_859 : vector<16xf32>
        %add3A_861 = arith.addf %add3A_851, %add3A_860 : vector<16xf32>
        %mul3A_862 = arith.mulf %add3A_860, %add3A_860 : vector<16xf32>
        %add3A_863 = arith.addf %add3A_853, %mul3A_862 : vector<16xf32>
        %get3A_864 = arith.index_cast %scan3A_800 : i32 to index
        %get3A_865 = arith.constant 96 : index
        %get3A_866 = tpu.vector_load %arg14[%get3A_864, %get3A_865] {strides = array<i32>} : memref<32x768xf32, #tpu.memory_space<vmem>>, vector<16xf32>,
        %get3A_867 = arith.index_cast %scan3A_800 : i32 to index
        %get3A_868 = arith.constant 96 : index
        %get3A_869 = tpu.vector_load %arg16[%get3A_867, %get3A_868] {strides = array<i32>} : memref<32x768xf32, #tpu.memory_space<vmem>>, vector<16xf32>,
        %add3A_870 = arith.addf %get3A_866, %get3A_869 : vector<16xf32>
        %add3A_871 = arith.addf %add3A_861, %add3A_870 : vector<16xf32>
        %mul3A_872 = arith.mulf %add3A_870, %add3A_870 : vector<16xf32>
        %add3A_873 = arith.addf %add3A_863, %mul3A_872 : vector<16xf32>
        %get3A_874 = arith.index_cast %scan3A_800 : i32 to index
        %get3A_875 = arith.constant 112 : index
        %get3A_876 = tpu.vector_load %arg14[%get3A_874, %get3A_875] {strides = array<i32>} : memref<32x768xf32, #tpu.memory_space<vmem>>, vector<16xf32>,
        %get3A_877 = arith.index_cast %scan3A_800 : i32 to index
        %get3A_878 = arith.constant 112 : index
        %get3A_879 = tpu.vector_load %arg16[%get3A_877, %get3A_878] {strides = array<i32>} : memref<32x768xf32, #tpu.memory_space<vmem>>, vector<16xf32>,
        %add3A_880 = arith.addf %get3A_876, %get3A_879 : vector<16xf32>
        %add3A_881 = arith.addf %add3A_871, %add3A_880 : vector<16xf32>
        %mul3A_882 = arith.mulf %add3A_880, %add3A_880 : vector<16xf32>
        %add3A_883 = arith.addf %add3A_873, %mul3A_882 : vector<16xf32>
        %get3A_884 = arith.index_cast %scan3A_800 : i32 to index
        %get3A_885 = arith.constant 128 : index
        %get3A_886 = tpu.vector_load %arg14[%get3A_884, %get3A_885] {strides = array<i32>} : memref<32x768xf32, #tpu.memory_space<vmem>>, vector<16xf32>,
        %get3A_887 = arith.index_cast %scan3A_800 : i32 to index
        %get3A_888 = arith.constant 128 : index
        %get3A_889 = tpu.vector_load %arg16[%get3A_887, %get3A_888] {strides = array<i32>} : memref<32x768xf32, #tpu.memory_space<vmem>>, vector<16xf32>,
        %add3A_890 = arith.addf %get3A_886, %get3A_889 : vector<16xf32>
        %add3A_891 = arith.addf %add3A_881, %add3A_890 : vector<16xf32>
        %mul3A_892 = arith.mulf %add3A_890, %add3A_890 : vector<16xf32>
        %add3A_893 = arith.addf %add3A_883, %mul3A_892 : vector<16xf32>
        %get3A_894 = arith.index_cast %scan3A_800 : i32 to index
        %get3A_895 = arith.constant 144 : index
        %get3A_896 = tpu.vector_load %arg14[%get3A_894, %get3A_895] {strides = array<i32>} : memref<32x768xf32, #tpu.memory_space<vmem>>, vector<16xf32>,
        %get3A_897 = arith.index_cast %scan3A_800 : i32 to index
        %get3A_898 = arith.constant 144 : index
        %get3A_899 = tpu.vector_load %arg16[%get3A_897, %get3A_898] {strides = array<i32>} : memref<32x768xf32, #tpu.memory_space<vmem>>, vector<16xf32>,
        %add3A_900 = arith.addf %get3A_896, %get3A_899 : vector<16xf32>
        %add3A_901 = arith.addf %add3A_891, %add3A_900 : vector<16xf32>
        %mul3A_902 = arith.mulf %add3A_900, %add3A_900 : vector<16xf32>
        %add3A_903 = arith.addf %add3A_893, %mul3A_902 : vector<16xf32>
        %get3A_904 = arith.index_cast %scan3A_800 : i32 to index
        %get3A_905 = arith.constant 160 : index
        %get3A_906 = tpu.vector_load %arg14[%get3A_904, %get3A_905] {strides = array<i32>} : memref<32x768xf32, #tpu.memory_space<vmem>>, vector<16xf32>,
        %get3A_907 = arith.index_cast %scan3A_800 : i32 to index
        %get3A_908 = arith.constant 160 : index
        %get3A_909 = tpu.vector_load %arg16[%get3A_907, %get3A_908] {strides = array<i32>} : memref<32x768xf32, #tpu.memory_space<vmem>>, vector<16xf32>,
        %add3A_910 = arith.addf %get3A_906, %get3A_909 : vector<16xf32>
        %add3A_911 = arith.addf %add3A_901, %add3A_910 : vector<16xf32>
        %mul3A_912 = arith.mulf %add3A_910, %add3A_910 : vector<16xf32>
        %add3A_913 = arith.addf %add3A_903, %mul3A_912 : vector<16xf32>
        %get3A_914 = arith.index_cast %scan3A_800 : i32 to index
        %get3A_915 = arith.constant 176 : index
        %get3A_916 = tpu.vector_load %arg14[%get3A_914, %get3A_915] {strides = array<i32>} : memref<32x768xf32, #tpu.memory_space<vmem>>, vector<16xf32>,
        %get3A_917 = arith.index_cast %scan3A_800 : i32 to index
        %get3A_918 = arith.constant 176 : index
        %get3A_919 = tpu.vector_load %arg16[%get3A_917, %get3A_918] {strides = array<i32>} : memref<32x768xf32, #tpu.memory_space<vmem>>, vector<16xf32>,
        %add3A_920 = arith.addf %get3A_916, %get3A_919 : vector<16xf32>
        %add3A_921 = arith.addf %add3A_911, %add3A_920 : vector<16xf32>
        %mul3A_922 = arith.mulf %add3A_920, %add3A_920 : vector<16xf32>
        %add3A_923 = arith.addf %add3A_913, %mul3A_922 : vector<16xf32>
        %get3A_924 = arith.index_cast %scan3A_800 : i32 to index
        %get3A_925 = arith.constant 192 : index
        %get3A_926 = tpu.vector_load %arg14[%get3A_924, %get3A_925] {strides = array<i32>} : memref<32x768xf32, #tpu.memory_space<vmem>>, vector<16xf32>,
        %get3A_927 = arith.index_cast %scan3A_800 : i32 to index
        %get3A_928 = arith.constant 192 : index
        %get3A_929 = tpu.vector_load %arg16[%get3A_927, %get3A_928] {strides = array<i32>} : memref<32x768xf32, #tpu.memory_space<vmem>>, vector<16xf32>,
        %add3A_930 = arith.addf %get3A_926, %get3A_929 : vector<16xf32>
        %add3A_931 = arith.addf %add3A_921, %add3A_930 : vector<16xf32>
        %mul3A_932 = arith.mulf %add3A_930, %add3A_930 : vector<16xf32>
        %add3A_933 = arith.addf %add3A_923, %mul3A_932 : vector<16xf32>
        %get3A_934 = arith.index_cast %scan3A_800 : i32 to index
        %get3A_935 = arith.constant 208 : index
        %get3A_936 = tpu.vector_load %arg14[%get3A_934, %get3A_935] {strides = array<i32>} : memref<32x768xf32, #tpu.memory_space<vmem>>, vector<16xf32>,
        %get3A_937 = arith.index_cast %scan3A_800 : i32 to index
        %get3A_938 = arith.constant 208 : index
        %get3A_939 = tpu.vector_load %arg16[%get3A_937, %get3A_938] {strides = array<i32>} : memref<32x768xf32, #tpu.memory_space<vmem>>, vector<16xf32>,
        %add3A_940 = arith.addf %get3A_936, %get3A_939 : vector<16xf32>
        %add3A_941 = arith.addf %add3A_931, %add3A_940 : vector<16xf32>
        %mul3A_942 = arith.mulf %add3A_940, %add3A_940 : vector<16xf32>
        %add3A_943 = arith.addf %add3A_933, %mul3A_942 : vector<16xf32>
        %get3A_944 = arith.index_cast %scan3A_800 : i32 to index
        %get3A_945 = arith.constant 224 : index
        %get3A_946 = tpu.vector_load %arg14[%get3A_944, %get3A_945] {strides = array<i32>} : memref<32x768xf32, #tpu.memory_space<vmem>>, vector<16xf32>,
        %get3A_947 = arith.index_cast %scan3A_800 : i32 to index
        %get3A_948 = arith.constant 224 : index
        %get3A_949 = tpu.vector_load %arg16[%get3A_947, %get3A_948] {strides = array<i32>} : memref<32x768xf32, #tpu.memory_space<vmem>>, vector<16xf32>,
        %add3A_950 = arith.addf %get3A_946, %get3A_949 : vector<16xf32>
        %add3A_951 = arith.addf %add3A_941, %add3A_950 : vector<16xf32>
        %mul3A_952 = arith.mulf %add3A_950, %add3A_950 : vector<16xf32>
        %add3A_953 = arith.addf %add3A_943, %mul3A_952 : vector<16xf32>
        %get3A_954 = arith.index_cast %scan3A_800 : i32 to index
        %get3A_955 = arith.constant 240 : index
        %get3A_956 = tpu.vector_load %arg14[%get3A_954, %get3A_955] {strides = array<i32>} : memref<32x768xf32, #tpu.memory_space<vmem>>, vector<16xf32>,
        %get3A_957 = arith.index_cast %scan3A_800 : i32 to index
        %get3A_958 = arith.constant 240 : index
        %get3A_959 = tpu.vector_load %arg16[%get3A_957, %get3A_958] {strides = array<i32>} : memref<32x768xf32, #tpu.memory_space<vmem>>, vector<16xf32>,
        %add3A_960 = arith.addf %get3A_956, %get3A_959 : vector<16xf32>
        %add3A_961 = arith.addf %add3A_951, %add3A_960 : vector<16xf32>
        %mul3A_962 = arith.mulf %add3A_960, %add3A_960 : vector<16xf32>
        %add3A_963 = arith.addf %add3A_953, %mul3A_962 : vector<16xf32>
        %get3A_964 = arith.index_cast %scan3A_800 : i32 to index
        %get3A_965 = arith.constant 256 : index
        %get3A_966 = tpu.vector_load %arg14[%get3A_964, %get3A_965] {strides = array<i32>} : memref<32x768xf32, #tpu.memory_space<vmem>>, vector<16xf32>,
        %get3A_967 = arith.index_cast %scan3A_800 : i32 to index
        %get3A_968 = arith.constant 256 : index
        %get3A_969 = tpu.vector_load %arg16[%get3A_967, %get3A_968] {strides = array<i32>} : memref<32x768xf32, #tpu.memory_space<vmem>>, vector<16xf32>,
        %add3A_970 = arith.addf %get3A_966, %get3A_969 : vector<16xf32>
        %add3A_971 = arith.addf %add3A_961, %add3A_970 : vector<16xf32>
        %mul3A_972 = arith.mulf %add3A_970, %add3A_970 : vector<16xf32>
        %add3A_973 = arith.addf %add3A_963, %mul3A_972 : vector<16xf32>
        %get3A_974 = arith.index_cast %scan3A_800 : i32 to index
        %get3A_975 = arith.constant 272 : index
        %get3A_976 = tpu.vector_load %arg14[%get3A_974, %get3A_975] {strides = array<i32>} : memref<32x768xf32, #tpu.memory_space<vmem>>, vector<16xf32>,
        %get3A_977 = arith.index_cast %scan3A_800 : i32 to index
        %get3A_978 = arith.constant 272 : index
        %get3A_979 = tpu.vector_load %arg16[%get3A_977, %get3A_978] {strides = array<i32>} : memref<32x768xf32, #tpu.memory_space<vmem>>, vector<16xf32>,
        %add3A_980 = arith.addf %get3A_976, %get3A_979 : vector<16xf32>
        %add3A_981 = arith.addf %add3A_971, %add3A_980 : vector<16xf32>
        %mul3A_982 = arith.mulf %add3A_980, %add3A_980 : vector<16xf32>
        %add3A_983 = arith.addf %add3A_973, %mul3A_982 : vector<16xf32>
        %get3A_984 = arith.index_cast %scan3A_800 : i32 to index
        %get3A_985 = arith.constant 288 : index
        %get3A_986 = tpu.vector_load %arg14[%get3A_984, %get3A_985] {strides = array<i32>} : memref<32x768xf32, #tpu.memory_space<vmem>>, vector<16xf32>,
        %get3A_987 = arith.index_cast %scan3A_800 : i32 to index
        %get3A_988 = arith.constant 288 : index
        %get3A_989 = tpu.vector_load %arg16[%get3A_987, %get3A_988] {strides = array<i32>} : memref<32x768xf32, #tpu.memory_space<vmem>>, vector<16xf32>,
        %add3A_990 = arith.addf %get3A_986, %get3A_989 : vector<16xf32>
        %add3A_991 = arith.addf %add3A_981, %add3A_990 : vector<16xf32>
        %mul3A_992 = arith.mulf %add3A_990, %add3A_990 : vector<16xf32>
        %add3A_993 = arith.addf %add3A_983, %mul3A_992 : vector<16xf32>
        %get3A_994 = arith.index_cast %scan3A_800 : i32 to index
        %get3A_995 = arith.constant 304 : index
        %get3A_996 = tpu.vector_load %arg14[%get3A_994, %get3A_995] {strides = array<i32>} : memref<32x768xf32, #tpu.memory_space<vmem>>, vector<16xf32>,
        %get3A_997 = arith.index_cast %scan3A_800 : i32 to index
        %get3A_998 = arith.constant 304 : index
        %get3A_999 = tpu.vector_load %arg16[%get3A_997, %get3A_998] {strides = array<i32>} : memref<32x768xf32, #tpu.memory_space<vmem>>, vector<16xf32>,
        %add3A_1000 = arith.addf %get3A_996, %get3A_999 : vector<16xf32>
        %add3A_1001 = arith.addf %add3A_991, %add3A_1000 : vector<16xf32>
        %mul3A_1002 = arith.mulf %add3A_1000, %add3A_1000 : vector<16xf32>
        %add3A_1003 = arith.addf %add3A_993, %mul3A_1002 : vector<16xf32>
        %get3A_1004 = arith.index_cast %scan3A_800 : i32 to index
        %get3A_1005 = arith.constant 320 : index
        %get3A_1006 = tpu.vector_load %arg14[%get3A_1004, %get3A_1005] {strides = array<i32>} : memref<32x768xf32, #tpu.memory_space<vmem>>, vector<16xf32>,
        %get3A_1007 = arith.index_cast %scan3A_800 : i32 to index
        %get3A_1008 = arith.constant 320 : index
        %get3A_1009 = tpu.vector_load %arg16[%get3A_1007, %get3A_1008] {strides = array<i32>} : memref<32x768xf32, #tpu.memory_space<vmem>>, vector<16xf32>,
        %add3A_1010 = arith.addf %get3A_1006, %get3A_1009 : vector<16xf32>
        %add3A_1011 = arith.addf %add3A_1001, %add3A_1010 : vector<16xf32>
        %mul3A_1012 = arith.mulf %add3A_1010, %add3A_1010 : vector<16xf32>
        %add3A_1013 = arith.addf %add3A_1003, %mul3A_1012 : vector<16xf32>
        %get3A_1014 = arith.index_cast %scan3A_800 : i32 to index
        %get3A_1015 = arith.constant 336 : index
        %get3A_1016 = tpu.vector_load %arg14[%get3A_1014, %get3A_1015] {strides = array<i32>} : memref<32x768xf32, #tpu.memory_space<vmem>>, vector<16xf32>,
        %get3A_1017 = arith.index_cast %scan3A_800 : i32 to index
        %get3A_1018 = arith.constant 336 : index
        %get3A_1019 = tpu.vector_load %arg16[%get3A_1017, %get3A_1018] {strides = array<i32>} : memref<32x768xf32, #tpu.memory_space<vmem>>, vector<16xf32>,
        %add3A_1020 = arith.addf %get3A_1016, %get3A_1019 : vector<16xf32>
        %add3A_1021 = arith.addf %add3A_1011, %add3A_1020 : vector<16xf32>
        %mul3A_1022 = arith.mulf %add3A_1020, %add3A_1020 : vector<16xf32>
        %add3A_1023 = arith.addf %add3A_1013, %mul3A_1022 : vector<16xf32>
        %get3A_1024 = arith.index_cast %scan3A_800 : i32 to index
        %get3A_1025 = arith.constant 352 : index
        %get3A_1026 = tpu.vector_load %arg14[%get3A_1024, %get3A_1025] {strides = array<i32>} : memref<32x768xf32, #tpu.memory_space<vmem>>, vector<16xf32>,
        %get3A_1027 = arith.index_cast %scan3A_800 : i32 to index
        %get3A_1028 = arith.constant 352 : index
        %get3A_1029 = tpu.vector_load %arg16[%get3A_1027, %get3A_1028] {strides = array<i32>} : memref<32x768xf32, #tpu.memory_space<vmem>>, vector<16xf32>,
        %add3A_1030 = arith.addf %get3A_1026, %get3A_1029 : vector<16xf32>
        %add3A_1031 = arith.addf %add3A_1021, %add3A_1030 : vector<16xf32>
        %mul3A_1032 = arith.mulf %add3A_1030, %add3A_1030 : vector<16xf32>
        %add3A_1033 = arith.addf %add3A_1023, %mul3A_1032 : vector<16xf32>
        %get3A_1034 = arith.index_cast %scan3A_800 : i32 to index
        %get3A_1035 = arith.constant 368 : index
        %get3A_1036 = tpu.vector_load %arg14[%get3A_1034, %get3A_1035] {strides = array<i32>} : memref<32x768xf32, #tpu.memory_space<vmem>>, vector<16xf32>,
        %get3A_1037 = arith.index_cast %scan3A_800 : i32 to index
        %get3A_1038 = arith.constant 368 : index
        %get3A_1039 = tpu.vector_load %arg16[%get3A_1037, %get3A_1038] {strides = array<i32>} : memref<32x768xf32, #tpu.memory_space<vmem>>, vector<16xf32>,
        %add3A_1040 = arith.addf %get3A_1036, %get3A_1039 : vector<16xf32>
        %add3A_1041 = arith.addf %add3A_1031, %add3A_1040 : vector<16xf32>
        %mul3A_1042 = arith.mulf %add3A_1040, %add3A_1040 : vector<16xf32>
        %add3A_1043 = arith.addf %add3A_1033, %mul3A_1042 : vector<16xf32>
        %get3A_1044 = arith.index_cast %scan3A_800 : i32 to index
        %get3A_1045 = arith.constant 384 : index
        %get3A_1046 = tpu.vector_load %arg14[%get3A_1044, %get3A_1045] {strides = array<i32>} : memref<32x768xf32, #tpu.memory_space<vmem>>, vector<16xf32>,
        %get3A_1047 = arith.index_cast %scan3A_800 : i32 to index
        %get3A_1048 = arith.constant 384 : index
        %get3A_1049 = tpu.vector_load %arg16[%get3A_1047, %get3A_1048] {strides = array<i32>} : memref<32x768xf32, #tpu.memory_space<vmem>>, vector<16xf32>,
        %add3A_1050 = arith.addf %get3A_1046, %get3A_1049 : vector<16xf32>
        %add3A_1051 = arith.addf %add3A_1041, %add3A_1050 : vector<16xf32>
        %mul3A_1052 = arith.mulf %add3A_1050, %add3A_1050 : vector<16xf32>
        %add3A_1053 = arith.addf %add3A_1043, %mul3A_1052 : vector<16xf32>
        %get3A_1054 = arith.index_cast %scan3A_800 : i32 to index
        %get3A_1055 = arith.constant 400 : index
        %get3A_1056 = tpu.vector_load %arg14[%get3A_1054, %get3A_1055] {strides = array<i32>} : memref<32x768xf32, #tpu.memory_space<vmem>>, vector<16xf32>,
        %get3A_1057 = arith.index_cast %scan3A_800 : i32 to index
        %get3A_1058 = arith.constant 400 : index
        %get3A_1059 = tpu.vector_load %arg16[%get3A_1057, %get3A_1058] {strides = array<i32>} : memref<32x768xf32, #tpu.memory_space<vmem>>, vector<16xf32>,
        %add3A_1060 = arith.addf %get3A_1056, %get3A_1059 : vector<16xf32>
        %add3A_1061 = arith.addf %add3A_1051, %add3A_1060 : vector<16xf32>
        %mul3A_1062 = arith.mulf %add3A_1060, %add3A_1060 : vector<16xf32>
        %add3A_1063 = arith.addf %add3A_1053, %mul3A_1062 : vector<16xf32>
        %get3A_1064 = arith.index_cast %scan3A_800 : i32 to index
        %get3A_1065 = arith.constant 416 : index
        %get3A_1066 = tpu.vector_load %arg14[%get3A_1064, %get3A_1065] {strides = array<i32>} : memref<32x768xf32, #tpu.memory_space<vmem>>, vector<16xf32>,
        %get3A_1067 = arith.index_cast %scan3A_800 : i32 to index
        %get3A_1068 = arith.constant 416 : index
        %get3A_1069 = tpu.vector_load %arg16[%get3A_1067, %get3A_1068] {strides = array<i32>} : memref<32x768xf32, #tpu.memory_space<vmem>>, vector<16xf32>,
        %add3A_1070 = arith.addf %get3A_1066, %get3A_1069 : vector<16xf32>
        %add3A_1071 = arith.addf %add3A_1061, %add3A_1070 : vector<16xf32>
        %mul3A_1072 = arith.mulf %add3A_1070, %add3A_1070 : vector<16xf32>
        %add3A_1073 = arith.addf %add3A_1063, %mul3A_1072 : vector<16xf32>
        %get3A_1074 = arith.index_cast %scan3A_800 : i32 to index
        %get3A_1075 = arith.constant 432 : index
        %get3A_1076 = tpu.vector_load %arg14[%get3A_1074, %get3A_1075] {strides = array<i32>} : memref<32x768xf32, #tpu.memory_space<vmem>>, vector<16xf32>,
        %get3A_1077 = arith.index_cast %scan3A_800 : i32 to index
        %get3A_1078 = arith.constant 432 : index
        %get3A_1079 = tpu.vector_load %arg16[%get3A_1077, %get3A_1078] {strides = array<i32>} : memref<32x768xf32, #tpu.memory_space<vmem>>, vector<16xf32>,
        %add3A_1080 = arith.addf %get3A_1076, %get3A_1079 : vector<16xf32>
        %add3A_1081 = arith.addf %add3A_1071, %add3A_1080 : vector<16xf32>
        %mul3A_1082 = arith.mulf %add3A_1080, %add3A_1080 : vector<16xf32>
        %add3A_1083 = arith.addf %add3A_1073, %mul3A_1082 : vector<16xf32>
        %get3A_1084 = arith.index_cast %scan3A_800 : i32 to index
        %get3A_1085 = arith.constant 448 : index
        %get3A_1086 = tpu.vector_load %arg14[%get3A_1084, %get3A_1085] {strides = array<i32>} : memref<32x768xf32, #tpu.memory_space<vmem>>, vector<16xf32>,
        %get3A_1087 = arith.index_cast %scan3A_800 : i32 to index
        %get3A_1088 = arith.constant 448 : index
        %get3A_1089 = tpu.vector_load %arg16[%get3A_1087, %get3A_1088] {strides = array<i32>} : memref<32x768xf32, #tpu.memory_space<vmem>>, vector<16xf32>,
        %add3A_1090 = arith.addf %get3A_1086, %get3A_1089 : vector<16xf32>
        %add3A_1091 = arith.addf %add3A_1081, %add3A_1090 : vector<16xf32>
        %mul3A_1092 = arith.mulf %add3A_1090, %add3A_1090 : vector<16xf32>
        %add3A_1093 = arith.addf %add3A_1083, %mul3A_1092 : vector<16xf32>
        %get3A_1094 = arith.index_cast %scan3A_800 : i32 to index
        %get3A_1095 = arith.constant 464 : index
        %get3A_1096 = tpu.vector_load %arg14[%get3A_1094, %get3A_1095] {strides = array<i32>} : memref<32x768xf32, #tpu.memory_space<vmem>>, vector<16xf32>,
        %get3A_1097 = arith.index_cast %scan3A_800 : i32 to index
        %get3A_1098 = arith.constant 464 : index
        %get3A_1099 = tpu.vector_load %arg16[%get3A_1097, %get3A_1098] {strides = array<i32>} : memref<32x768xf32, #tpu.memory_space<vmem>>, vector<16xf32>,
        %add3A_1100 = arith.addf %get3A_1096, %get3A_1099 : vector<16xf32>
        %add3A_1101 = arith.addf %add3A_1091, %add3A_1100 : vector<16xf32>
        %mul3A_1102 = arith.mulf %add3A_1100, %add3A_1100 : vector<16xf32>
        %add3A_1103 = arith.addf %add3A_1093, %mul3A_1102 : vector<16xf32>
        %get3A_1104 = arith.index_cast %scan3A_800 : i32 to index
        %get3A_1105 = arith.constant 480 : index
        %get3A_1106 = tpu.vector_load %arg14[%get3A_1104, %get3A_1105] {strides = array<i32>} : memref<32x768xf32, #tpu.memory_space<vmem>>, vector<16xf32>,
        %get3A_1107 = arith.index_cast %scan3A_800 : i32 to index
        %get3A_1108 = arith.constant 480 : index
        %get3A_1109 = tpu.vector_load %arg16[%get3A_1107, %get3A_1108] {strides = array<i32>} : memref<32x768xf32, #tpu.memory_space<vmem>>, vector<16xf32>,
        %add3A_1110 = arith.addf %get3A_1106, %get3A_1109 : vector<16xf32>
        %add3A_1111 = arith.addf %add3A_1101, %add3A_1110 : vector<16xf32>
        %mul3A_1112 = arith.mulf %add3A_1110, %add3A_1110 : vector<16xf32>
        %add3A_1113 = arith.addf %add3A_1103, %mul3A_1112 : vector<16xf32>
        %get3A_1114 = arith.index_cast %scan3A_800 : i32 to index
        %get3A_1115 = arith.constant 496 : index
        %get3A_1116 = tpu.vector_load %arg14[%get3A_1114, %get3A_1115] {strides = array<i32>} : memref<32x768xf32, #tpu.memory_space<vmem>>, vector<16xf32>,
        %get3A_1117 = arith.index_cast %scan3A_800 : i32 to index
        %get3A_1118 = arith.constant 496 : index
        %get3A_1119 = tpu.vector_load %arg16[%get3A_1117, %get3A_1118] {strides = array<i32>} : memref<32x768xf32, #tpu.memory_space<vmem>>, vector<16xf32>,
        %add3A_1120 = arith.addf %get3A_1116, %get3A_1119 : vector<16xf32>
        %add3A_1121 = arith.addf %add3A_1111, %add3A_1120 : vector<16xf32>
        %mul3A_1122 = arith.mulf %add3A_1120, %add3A_1120 : vector<16xf32>
        %add3A_1123 = arith.addf %add3A_1113, %mul3A_1122 : vector<16xf32>
        %get3A_1124 = arith.index_cast %scan3A_800 : i32 to index
        %get3A_1125 = arith.constant 512 : index
        %get3A_1126 = tpu.vector_load %arg14[%get3A_1124, %get3A_1125] {strides = array<i32>} : memref<32x768xf32, #tpu.memory_space<vmem>>, vector<16xf32>,
        %get3A_1127 = arith.index_cast %scan3A_800 : i32 to index
        %get3A_1128 = arith.constant 512 : index
        %get3A_1129 = tpu.vector_load %arg16[%get3A_1127, %get3A_1128] {strides = array<i32>} : memref<32x768xf32, #tpu.memory_space<vmem>>, vector<16xf32>,
        %add3A_1130 = arith.addf %get3A_1126, %get3A_1129 : vector<16xf32>
        %add3A_1131 = arith.addf %add3A_1121, %add3A_1130 : vector<16xf32>
        %mul3A_1132 = arith.mulf %add3A_1130, %add3A_1130 : vector<16xf32>
        %add3A_1133 = arith.addf %add3A_1123, %mul3A_1132 : vector<16xf32>
        %get3A_1134 = arith.index_cast %scan3A_800 : i32 to index
        %get3A_1135 = arith.constant 528 : index
        %get3A_1136 = tpu.vector_load %arg14[%get3A_1134, %get3A_1135] {strides = array<i32>} : memref<32x768xf32, #tpu.memory_space<vmem>>, vector<16xf32>,
        %get3A_1137 = arith.index_cast %scan3A_800 : i32 to index
        %get3A_1138 = arith.constant 528 : index
        %get3A_1139 = tpu.vector_load %arg16[%get3A_1137, %get3A_1138] {strides = array<i32>} : memref<32x768xf32, #tpu.memory_space<vmem>>, vector<16xf32>,
        %add3A_1140 = arith.addf %get3A_1136, %get3A_1139 : vector<16xf32>
        %add3A_1141 = arith.addf %add3A_1131, %add3A_1140 : vector<16xf32>
        %mul3A_1142 = arith.mulf %add3A_1140, %add3A_1140 : vector<16xf32>
        %add3A_1143 = arith.addf %add3A_1133, %mul3A_1142 : vector<16xf32>
        %get3A_1144 = arith.index_cast %scan3A_800 : i32 to index
        %get3A_1145 = arith.constant 544 : index
        %get3A_1146 = tpu.vector_load %arg14[%get3A_1144, %get3A_1145] {strides = array<i32>} : memref<32x768xf32, #tpu.memory_space<vmem>>, vector<16xf32>,
        %get3A_1147 = arith.index_cast %scan3A_800 : i32 to index
        %get3A_1148 = arith.constant 544 : index
        %get3A_1149 = tpu.vector_load %arg16[%get3A_1147, %get3A_1148] {strides = array<i32>} : memref<32x768xf32, #tpu.memory_space<vmem>>, vector<16xf32>,
        %add3A_1150 = arith.addf %get3A_1146, %get3A_1149 : vector<16xf32>
        %add3A_1151 = arith.addf %add3A_1141, %add3A_1150 : vector<16xf32>
        %mul3A_1152 = arith.mulf %add3A_1150, %add3A_1150 : vector<16xf32>
        %add3A_1153 = arith.addf %add3A_1143, %mul3A_1152 : vector<16xf32>
        %get3A_1154 = arith.index_cast %scan3A_800 : i32 to index
        %get3A_1155 = arith.constant 560 : index
        %get3A_1156 = tpu.vector_load %arg14[%get3A_1154, %get3A_1155] {strides = array<i32>} : memref<32x768xf32, #tpu.memory_space<vmem>>, vector<16xf32>,
        %get3A_1157 = arith.index_cast %scan3A_800 : i32 to index
        %get3A_1158 = arith.constant 560 : index
        %get3A_1159 = tpu.vector_load %arg16[%get3A_1157, %get3A_1158] {strides = array<i32>} : memref<32x768xf32, #tpu.memory_space<vmem>>, vector<16xf32>,
        %add3A_1160 = arith.addf %get3A_1156, %get3A_1159 : vector<16xf32>
        %add3A_1161 = arith.addf %add3A_1151, %add3A_1160 : vector<16xf32>
        %mul3A_1162 = arith.mulf %add3A_1160, %add3A_1160 : vector<16xf32>
        %add3A_1163 = arith.addf %add3A_1153, %mul3A_1162 : vector<16xf32>
        %get3A_1164 = arith.index_cast %scan3A_800 : i32 to index
        %get3A_1165 = arith.constant 576 : index
        %get3A_1166 = tpu.vector_load %arg14[%get3A_1164, %get3A_1165] {strides = array<i32>} : memref<32x768xf32, #tpu.memory_space<vmem>>, vector<16xf32>,
        %get3A_1167 = arith.index_cast %scan3A_800 : i32 to index
        %get3A_1168 = arith.constant 576 : index
        %get3A_1169 = tpu.vector_load %arg16[%get3A_1167, %get3A_1168] {strides = array<i32>} : memref<32x768xf32, #tpu.memory_space<vmem>>, vector<16xf32>,
        %add3A_1170 = arith.addf %get3A_1166, %get3A_1169 : vector<16xf32>
        %add3A_1171 = arith.addf %add3A_1161, %add3A_1170 : vector<16xf32>
        %mul3A_1172 = arith.mulf %add3A_1170, %add3A_1170 : vector<16xf32>
        %add3A_1173 = arith.addf %add3A_1163, %mul3A_1172 : vector<16xf32>
        %get3A_1174 = arith.index_cast %scan3A_800 : i32 to index
        %get3A_1175 = arith.constant 592 : index
        %get3A_1176 = tpu.vector_load %arg14[%get3A_1174, %get3A_1175] {strides = array<i32>} : memref<32x768xf32, #tpu.memory_space<vmem>>, vector<16xf32>,
        %get3A_1177 = arith.index_cast %scan3A_800 : i32 to index
        %get3A_1178 = arith.constant 592 : index
        %get3A_1179 = tpu.vector_load %arg16[%get3A_1177, %get3A_1178] {strides = array<i32>} : memref<32x768xf32, #tpu.memory_space<vmem>>, vector<16xf32>,
        %add3A_1180 = arith.addf %get3A_1176, %get3A_1179 : vector<16xf32>
        %add3A_1181 = arith.addf %add3A_1171, %add3A_1180 : vector<16xf32>
        %mul3A_1182 = arith.mulf %add3A_1180, %add3A_1180 : vector<16xf32>
        %add3A_1183 = arith.addf %add3A_1173, %mul3A_1182 : vector<16xf32>
        %get3A_1184 = arith.index_cast %scan3A_800 : i32 to index
        %get3A_1185 = arith.constant 608 : index
        %get3A_1186 = tpu.vector_load %arg14[%get3A_1184, %get3A_1185] {strides = array<i32>} : memref<32x768xf32, #tpu.memory_space<vmem>>, vector<16xf32>,
        %get3A_1187 = arith.index_cast %scan3A_800 : i32 to index
        %get3A_1188 = arith.constant 608 : index
        %get3A_1189 = tpu.vector_load %arg16[%get3A_1187, %get3A_1188] {strides = array<i32>} : memref<32x768xf32, #tpu.memory_space<vmem>>, vector<16xf32>,
        %add3A_1190 = arith.addf %get3A_1186, %get3A_1189 : vector<16xf32>
        %add3A_1191 = arith.addf %add3A_1181, %add3A_1190 : vector<16xf32>
        %mul3A_1192 = arith.mulf %add3A_1190, %add3A_1190 : vector<16xf32>
        %add3A_1193 = arith.addf %add3A_1183, %mul3A_1192 : vector<16xf32>
        %get3A_1194 = arith.index_cast %scan3A_800 : i32 to index
        %get3A_1195 = arith.constant 624 : index
        %get3A_1196 = tpu.vector_load %arg14[%get3A_1194, %get3A_1195] {strides = array<i32>} : memref<32x768xf32, #tpu.memory_space<vmem>>, vector<16xf32>,
        %get3A_1197 = arith.index_cast %scan3A_800 : i32 to index
        %get3A_1198 = arith.constant 624 : index
        %get3A_1199 = tpu.vector_load %arg16[%get3A_1197, %get3A_1198] {strides = array<i32>} : memref<32x768xf32, #tpu.memory_space<vmem>>, vector<16xf32>,
        %add3A_1200 = arith.addf %get3A_1196, %get3A_1199 : vector<16xf32>
        %add3A_1201 = arith.addf %add3A_1191, %add3A_1200 : vector<16xf32>
        %mul3A_1202 = arith.mulf %add3A_1200, %add3A_1200 : vector<16xf32>
        %add3A_1203 = arith.addf %add3A_1193, %mul3A_1202 : vector<16xf32>
        %get3A_1204 = arith.index_cast %scan3A_800 : i32 to index
        %get3A_1205 = arith.constant 640 : index
        %get3A_1206 = tpu.vector_load %arg14[%get3A_1204, %get3A_1205] {strides = array<i32>} : memref<32x768xf32, #tpu.memory_space<vmem>>, vector<16xf32>,
        %get3A_1207 = arith.index_cast %scan3A_800 : i32 to index
        %get3A_1208 = arith.constant 640 : index
        %get3A_1209 = tpu.vector_load %arg16[%get3A_1207, %get3A_1208] {strides = array<i32>} : memref<32x768xf32, #tpu.memory_space<vmem>>, vector<16xf32>,
        %add3A_1210 = arith.addf %get3A_1206, %get3A_1209 : vector<16xf32>
        %add3A_1211 = arith.addf %add3A_1201, %add3A_1210 : vector<16xf32>
        %mul3A_1212 = arith.mulf %add3A_1210, %add3A_1210 : vector<16xf32>
        %add3A_1213 = arith.addf %add3A_1203, %mul3A_1212 : vector<16xf32>
        %get3A_1214 = arith.index_cast %scan3A_800 : i32 to index
        %get3A_1215 = arith.constant 656 : index
        %get3A_1216 = tpu.vector_load %arg14[%get3A_1214, %get3A_1215] {strides = array<i32>} : memref<32x768xf32, #tpu.memory_space<vmem>>, vector<16xf32>,
        %get3A_1217 = arith.index_cast %scan3A_800 : i32 to index
        %get3A_1218 = arith.constant 656 : index
        %get3A_1219 = tpu.vector_load %arg16[%get3A_1217, %get3A_1218] {strides = array<i32>} : memref<32x768xf32, #tpu.memory_space<vmem>>, vector<16xf32>,
        %add3A_1220 = arith.addf %get3A_1216, %get3A_1219 : vector<16xf32>
        %add3A_1221 = arith.addf %add3A_1211, %add3A_1220 : vector<16xf32>
        %mul3A_1222 = arith.mulf %add3A_1220, %add3A_1220 : vector<16xf32>
        %add3A_1223 = arith.addf %add3A_1213, %mul3A_1222 : vector<16xf32>
        %get3A_1224 = arith.index_cast %scan3A_800 : i32 to index
        %get3A_1225 = arith.constant 672 : index
        %get3A_1226 = tpu.vector_load %arg14[%get3A_1224, %get3A_1225] {strides = array<i32>} : memref<32x768xf32, #tpu.memory_space<vmem>>, vector<16xf32>,
        %get3A_1227 = arith.index_cast %scan3A_800 : i32 to index
        %get3A_1228 = arith.constant 672 : index
        %get3A_1229 = tpu.vector_load %arg16[%get3A_1227, %get3A_1228] {strides = array<i32>} : memref<32x768xf32, #tpu.memory_space<vmem>>, vector<16xf32>,
        %add3A_1230 = arith.addf %get3A_1226, %get3A_1229 : vector<16xf32>
        %add3A_1231 = arith.addf %add3A_1221, %add3A_1230 : vector<16xf32>
        %mul3A_1232 = arith.mulf %add3A_1230, %add3A_1230 : vector<16xf32>
        %add3A_1233 = arith.addf %add3A_1223, %mul3A_1232 : vector<16xf32>
        %get3A_1234 = arith.index_cast %scan3A_800 : i32 to index
        %get3A_1235 = arith.constant 688 : index
        %get3A_1236 = tpu.vector_load %arg14[%get3A_1234, %get3A_1235] {strides = array<i32>} : memref<32x768xf32, #tpu.memory_space<vmem>>, vector<16xf32>,
        %get3A_1237 = arith.index_cast %scan3A_800 : i32 to index
        %get3A_1238 = arith.constant 688 : index
        %get3A_1239 = tpu.vector_load %arg16[%get3A_1237, %get3A_1238] {strides = array<i32>} : memref<32x768xf32, #tpu.memory_space<vmem>>, vector<16xf32>,
        %add3A_1240 = arith.addf %get3A_1236, %get3A_1239 : vector<16xf32>
        %add3A_1241 = arith.addf %add3A_1231, %add3A_1240 : vector<16xf32>
        %mul3A_1242 = arith.mulf %add3A_1240, %add3A_1240 : vector<16xf32>
        %add3A_1243 = arith.addf %add3A_1233, %mul3A_1242 : vector<16xf32>
        %get3A_1244 = arith.index_cast %scan3A_800 : i32 to index
        %get3A_1245 = arith.constant 704 : index
        %get3A_1246 = tpu.vector_load %arg14[%get3A_1244, %get3A_1245] {strides = array<i32>} : memref<32x768xf32, #tpu.memory_space<vmem>>, vector<16xf32>,
        %get3A_1247 = arith.index_cast %scan3A_800 : i32 to index
        %get3A_1248 = arith.constant 704 : index
        %get3A_1249 = tpu.vector_load %arg16[%get3A_1247, %get3A_1248] {strides = array<i32>} : memref<32x768xf32, #tpu.memory_space<vmem>>, vector<16xf32>,
        %add3A_1250 = arith.addf %get3A_1246, %get3A_1249 : vector<16xf32>
        %add3A_1251 = arith.addf %add3A_1241, %add3A_1250 : vector<16xf32>
        %mul3A_1252 = arith.mulf %add3A_1250, %add3A_1250 : vector<16xf32>
        %add3A_1253 = arith.addf %add3A_1243, %mul3A_1252 : vector<16xf32>
        %get3A_1254 = arith.index_cast %scan3A_800 : i32 to index
        %get3A_1255 = arith.constant 720 : index
        %get3A_1256 = tpu.vector_load %arg14[%get3A_1254, %get3A_1255] {strides = array<i32>} : memref<32x768xf32, #tpu.memory_space<vmem>>, vector<16xf32>,
        %get3A_1257 = arith.index_cast %scan3A_800 : i32 to index
        %get3A_1258 = arith.constant 720 : index
        %get3A_1259 = tpu.vector_load %arg16[%get3A_1257, %get3A_1258] {strides = array<i32>} : memref<32x768xf32, #tpu.memory_space<vmem>>, vector<16xf32>,
        %add3A_1260 = arith.addf %get3A_1256, %get3A_1259 : vector<16xf32>
        %add3A_1261 = arith.addf %add3A_1251, %add3A_1260 : vector<16xf32>
        %mul3A_1262 = arith.mulf %add3A_1260, %add3A_1260 : vector<16xf32>
        %add3A_1263 = arith.addf %add3A_1253, %mul3A_1262 : vector<16xf32>
        %get3A_1264 = arith.index_cast %scan3A_800 : i32 to index
        %get3A_1265 = arith.constant 736 : index
        %get3A_1266 = tpu.vector_load %arg14[%get3A_1264, %get3A_1265] {strides = array<i32>} : memref<32x768xf32, #tpu.memory_space<vmem>>, vector<16xf32>,
        %get3A_1267 = arith.index_cast %scan3A_800 : i32 to index
        %get3A_1268 = arith.constant 736 : index
        %get3A_1269 = tpu.vector_load %arg16[%get3A_1267, %get3A_1268] {strides = array<i32>} : memref<32x768xf32, #tpu.memory_space<vmem>>, vector<16xf32>,
        %add3A_1270 = arith.addf %get3A_1266, %get3A_1269 : vector<16xf32>
        %add3A_1271 = arith.addf %add3A_1261, %add3A_1270 : vector<16xf32>
        %mul3A_1272 = arith.mulf %add3A_1270, %add3A_1270 : vector<16xf32>
        %add3A_1273 = arith.addf %add3A_1263, %mul3A_1272 : vector<16xf32>
        %get3A_1274 = arith.index_cast %scan3A_800 : i32 to index
        %get3A_1275 = arith.constant 752 : index
        %get3A_1276 = tpu.vector_load %arg14[%get3A_1274, %get3A_1275] {strides = array<i32>} : memref<32x768xf32, #tpu.memory_space<vmem>>, vector<16xf32>,
        %get3A_1277 = arith.index_cast %scan3A_800 : i32 to index
        %get3A_1278 = arith.constant 752 : index
        %get3A_1279 = tpu.vector_load %arg16[%get3A_1277, %get3A_1278] {strides = array<i32>} : memref<32x768xf32, #tpu.memory_space<vmem>>, vector<16xf32>,
        %add3A_1280 = arith.addf %get3A_1276, %get3A_1279 : vector<16xf32>
        %add3A_1281 = arith.addf %add3A_1271, %add3A_1280 : vector<16xf32>
        %mul3A_1282 = arith.mulf %add3A_1280, %add3A_1280 : vector<16xf32>
        %add3A_1283 = arith.addf %add3A_1273, %mul3A_1282 : vector<16xf32>
        %reduce_sum3A = arith.constant true
        %reduce_sum3A_1284 = vector.broadcast %reduce_sum3A : i1 to vector<16xi1>
        %reduce_sum3A_1285 = tpu.scan <sum>, %add3A_1281 masked %reduce_sum3A_1284 : vector<16xf32>, vector<16xi1> -> vector<16xf32>
        %reduce_sum3A_1286 = vector.extract %reduce_sum3A_1285[15] : f32 from vector<16xf32>
        %mul3A_1287 = arith.mulf %reduce_sum3A_1286, %squeeze3A : f32
        %reduce_sum3A_1288 = arith.constant true
        %reduce_sum3A_1289 = vector.broadcast %reduce_sum3A_1288 : i1 to vector<16xi1>
        %reduce_sum3A_1290 = tpu.scan <sum>, %add3A_1283 masked %reduce_sum3A_1289 : vector<16xf32>, vector<16xi1> -> vector<16xf32>
        %reduce_sum3A_1291 = vector.extract %reduce_sum3A_1290[15] : f32 from vector<16xf32>
        %mul3A_1292 = arith.mulf %reduce_sum3A_1291, %squeeze3A : f32
        %mul3A_1293 = arith.mulf %mul3A_1287, %mul3A_1287 : f32
        %sub3A = arith.subf %mul3A_1292, %mul3A_1293 : f32
        %add3A_1294 = arith.constant 9.99999996E-13 : f32
        %add3A_1295 = arith.addf %sub3A, %add3A_1294 : f32
        %bitcast_convert_type3A = arith.bitcast %add3A_1295 : f32 to i32
        %shift_right_arithmetic3A = arith.constant 1 : i32
        %shift_right_arithmetic3A_1296 = arith.shrsi %bitcast_convert_type3A, %shift_right_arithmetic3A : i32
        %sub3A_1297 = arith.constant 1597463007 : i32
        %sub3A_1298 = arith.subi %sub3A_1297, %shift_right_arithmetic3A_1296 : i32
        %bitcast_convert_type3A_1299 = arith.bitcast %sub3A_1298 : i32 to f32
        %mul3A_1300 = arith.constant 5.000000e-01 : f32
        %mul3A_1301 = arith.mulf %mul3A_1300, %add3A_1295 : f32
        %mul3A_1302 = arith.mulf %mul3A_1301, %bitcast_convert_type3A_1299 : f32
        %mul3A_1303 = arith.mulf %mul3A_1302, %bitcast_convert_type3A_1299 : f32
        %sub3A_1304 = arith.constant 1.500000e+00 : f32
        %sub3A_1305 = arith.subf %sub3A_1304, %mul3A_1303 : f32
        %mul3A_1306 = arith.mulf %bitcast_convert_type3A_1299, %sub3A_1305 : f32
        %mul3A_1307 = arith.constant 5.000000e-01 : f32
        %mul3A_1308 = arith.mulf %mul3A_1307, %add3A_1295 : f32
        %mul3A_1309 = arith.mulf %mul3A_1308, %mul3A_1306 : f32
        %mul3A_1310 = arith.mulf %mul3A_1309, %mul3A_1306 : f32
        %sub3A_1311 = arith.constant 1.500000e+00 : f32
        %sub3A_1312 = arith.subf %sub3A_1311, %mul3A_1310 : f32
        %mul3A_1313 = arith.mulf %mul3A_1306, %sub3A_1312 : f32
        %mul3A_1314 = arith.constant 5.000000e-01 : f32
        %mul3A_1315 = arith.mulf %mul3A_1314, %add3A_1295 : f32
        %mul3A_1316 = arith.mulf %mul3A_1315, %mul3A_1313 : f32
        %mul3A_1317 = arith.mulf %mul3A_1316, %mul3A_1313 : f32
        %sub3A_1318 = arith.constant 1.500000e+00 : f32
        %sub3A_1319 = arith.subf %sub3A_1318, %mul3A_1317 : f32
        %mul3A_1320 = arith.mulf %mul3A_1313, %sub3A_1319 : f32
        %mul3A_1321 = arith.mulf %mul3A_1287, %mul3A_1320 : f32
        %mul3A_1322 = vector.broadcast %mul3A_1320 : f32 to vector<16xf32>
        %mul3A_1323 = arith.mulf %add3A_810, %mul3A_1322 : vector<16xf32>
        %sub3A_1324 = vector.broadcast %mul3A_1321 : f32 to vector<16xf32>
        %sub3A_1325 = arith.subf %mul3A_1323, %sub3A_1324 : vector<16xf32>
        %get3A_1326 = arith.constant 0 : index
        %get3A_1327 = tpu.vector_load %arg17[%get3A_1326] {strides = array<i32>} : memref<768xf32, #tpu.memory_space<vmem>>, vector<16xf32>,
        %mul3A_1328 = arith.mulf %sub3A_1325, %get3A_1327 : vector<16xf32>
        %get3A_1329 = arith.constant 0 : index
        %get3A_1330 = tpu.vector_load %arg18[%get3A_1329] {strides = array<i32>} : memref<768xf32, #tpu.memory_space<vmem>>, vector<16xf32>,
        %add3A_1331 = arith.addf %mul3A_1328, %get3A_1330 : vector<16xf32>
        %swap3A_1332 = arith.index_cast %scan3A_800 : i32 to index
        %swap3A_1333 = arith.constant 0 : index
        %swap3A_1334 = tpu.vector_load %arg14[%swap3A_1332, %swap3A_1333] {strides = array<i32>} : memref<32x768xf32, #tpu.memory_space<vmem>>, vector<16xf32>,
        tpu.vector_store %arg14[%swap3A_1332, %swap3A_1333], %add3A_1331 {strides = array<i32>} : memref<32x768xf32, #tpu.memory_space<vmem>>, vector<16xf32>,
        %mul3A_1335 = vector.broadcast %mul3A_1320 : f32 to vector<16xf32>
        %mul3A_1336 = arith.mulf %add3A_820, %mul3A_1335 : vector<16xf32>
        %sub3A_1337 = vector.broadcast %mul3A_1321 : f32 to vector<16xf32>
        %sub3A_1338 = arith.subf %mul3A_1336, %sub3A_1337 : vector<16xf32>
        %get3A_1339 = arith.constant 16 : index
        %get3A_1340 = tpu.vector_load %arg17[%get3A_1339] {strides = array<i32>} : memref<768xf32, #tpu.memory_space<vmem>>, vector<16xf32>,
        %mul3A_1341 = arith.mulf %sub3A_1338, %get3A_1340 : vector<16xf32>
        %get3A_1342 = arith.constant 16 : index
        %get3A_1343 = tpu.vector_load %arg18[%get3A_1342] {strides = array<i32>} : memref<768xf32, #tpu.memory_space<vmem>>, vector<16xf32>,
        %add3A_1344 = arith.addf %mul3A_1341, %get3A_1343 : vector<16xf32>
        %swap3A_1345 = arith.index_cast %scan3A_800 : i32 to index
        %swap3A_1346 = arith.constant 16 : index
        %swap3A_1347 = tpu.vector_load %arg14[%swap3A_1345, %swap3A_1346] {strides = array<i32>} : memref<32x768xf32, #tpu.memory_space<vmem>>, vector<16xf32>,
        tpu.vector_store %arg14[%swap3A_1345, %swap3A_1346], %add3A_1344 {strides = array<i32>} : memref<32x768xf32, #tpu.memory_space<vmem>>, vector<16xf32>,
        %mul3A_1348 = vector.broadcast %mul3A_1320 : f32 to vector<16xf32>
        %mul3A_1349 = arith.mulf %add3A_830, %mul3A_1348 : vector<16xf32>
        %sub3A_1350 = vector.broadcast %mul3A_1321 : f32 to vector<16xf32>
        %sub3A_1351 = arith.subf %mul3A_1349, %sub3A_1350 : vector<16xf32>
        %get3A_1352 = arith.constant 32 : index
        %get3A_1353 = tpu.vector_load %arg17[%get3A_1352] {strides = array<i32>} : memref<768xf32, #tpu.memory_space<vmem>>, vector<16xf32>,
        %mul3A_1354 = arith.mulf %sub3A_1351, %get3A_1353 : vector<16xf32>
        %get3A_1355 = arith.constant 32 : index
        %get3A_1356 = tpu.vector_load %arg18[%get3A_1355] {strides = array<i32>} : memref<768xf32, #tpu.memory_space<vmem>>, vector<16xf32>,
        %add3A_1357 = arith.addf %mul3A_1354, %get3A_1356 : vector<16xf32>
        %swap3A_1358 = arith.index_cast %scan3A_800 : i32 to index
        %swap3A_1359 = arith.constant 32 : index
        %swap3A_1360 = tpu.vector_load %arg14[%swap3A_1358, %swap3A_1359] {strides = array<i32>} : memref<32x768xf32, #tpu.memory_space<vmem>>, vector<16xf32>,
        tpu.vector_store %arg14[%swap3A_1358, %swap3A_1359], %add3A_1357 {strides = array<i32>} : memref<32x768xf32, #tpu.memory_space<vmem>>, vector<16xf32>,
        %mul3A_1361 = vector.broadcast %mul3A_1320 : f32 to vector<16xf32>
        %mul3A_1362 = arith.mulf %add3A_840, %mul3A_1361 : vector<16xf32>
        %sub3A_1363 = vector.broadcast %mul3A_1321 : f32 to vector<16xf32>
        %sub3A_1364 = arith.subf %mul3A_1362, %sub3A_1363 : vector<16xf32>
        %get3A_1365 = arith.constant 48 : index
        %get3A_1366 = tpu.vector_load %arg17[%get3A_1365] {strides = array<i32>} : memref<768xf32, #tpu.memory_space<vmem>>, vector<16xf32>,
        %mul3A_1367 = arith.mulf %sub3A_1364, %get3A_1366 : vector<16xf32>
        %get3A_1368 = arith.constant 48 : index
        %get3A_1369 = tpu.vector_load %arg18[%get3A_1368] {strides = array<i32>} : memref<768xf32, #tpu.memory_space<vmem>>, vector<16xf32>,
        %add3A_1370 = arith.addf %mul3A_1367, %get3A_1369 : vector<16xf32>
        %swap3A_1371 = arith.index_cast %scan3A_800 : i32 to index
        %swap3A_1372 = arith.constant 48 : index
        %swap3A_1373 = tpu.vector_load %arg14[%swap3A_1371, %swap3A_1372] {strides = array<i32>} : memref<32x768xf32, #tpu.memory_space<vmem>>, vector<16xf32>,
        tpu.vector_store %arg14[%swap3A_1371, %swap3A_1372], %add3A_1370 {strides = array<i32>} : memref<32x768xf32, #tpu.memory_space<vmem>>, vector<16xf32>,
        %mul3A_1374 = vector.broadcast %mul3A_1320 : f32 to vector<16xf32>
        %mul3A_1375 = arith.mulf %add3A_850, %mul3A_1374 : vector<16xf32>
        %sub3A_1376 = vector.broadcast %mul3A_1321 : f32 to vector<16xf32>
        %sub3A_1377 = arith.subf %mul3A_1375, %sub3A_1376 : vector<16xf32>
        %get3A_1378 = arith.constant 64 : index
        %get3A_1379 = tpu.vector_load %arg17[%get3A_1378] {strides = array<i32>} : memref<768xf32, #tpu.memory_space<vmem>>, vector<16xf32>,
        %mul3A_1380 = arith.mulf %sub3A_1377, %get3A_1379 : vector<16xf32>
        %get3A_1381 = arith.constant 64 : index
        %get3A_1382 = tpu.vector_load %arg18[%get3A_1381] {strides = array<i32>} : memref<768xf32, #tpu.memory_space<vmem>>, vector<16xf32>,
        %add3A_1383 = arith.addf %mul3A_1380, %get3A_1382 : vector<16xf32>
        %swap3A_1384 = arith.index_cast %scan3A_800 : i32 to index
        %swap3A_1385 = arith.constant 64 : index
        %swap3A_1386 = tpu.vector_load %arg14[%swap3A_1384, %swap3A_1385] {strides = array<i32>} : memref<32x768xf32, #tpu.memory_space<vmem>>, vector<16xf32>,
        tpu.vector_store %arg14[%swap3A_1384, %swap3A_1385], %add3A_1383 {strides = array<i32>} : memref<32x768xf32, #tpu.memory_space<vmem>>, vector<16xf32>,
        %mul3A_1387 = vector.broadcast %mul3A_1320 : f32 to vector<16xf32>
        %mul3A_1388 = arith.mulf %add3A_860, %mul3A_1387 : vector<16xf32>
        %sub3A_1389 = vector.broadcast %mul3A_1321 : f32 to vector<16xf32>
        %sub3A_1390 = arith.subf %mul3A_1388, %sub3A_1389 : vector<16xf32>
        %get3A_1391 = arith.constant 80 : index
        %get3A_1392 = tpu.vector_load %arg17[%get3A_1391] {strides = array<i32>} : memref<768xf32, #tpu.memory_space<vmem>>, vector<16xf32>,
        %mul3A_1393 = arith.mulf %sub3A_1390, %get3A_1392 : vector<16xf32>
        %get3A_1394 = arith.constant 80 : index
        %get3A_1395 = tpu.vector_load %arg18[%get3A_1394] {strides = array<i32>} : memref<768xf32, #tpu.memory_space<vmem>>, vector<16xf32>,
        %add3A_1396 = arith.addf %mul3A_1393, %get3A_1395 : vector<16xf32>
        %swap3A_1397 = arith.index_cast %scan3A_800 : i32 to index
        %swap3A_1398 = arith.constant 80 : index
        %swap3A_1399 = tpu.vector_load %arg14[%swap3A_1397, %swap3A_1398] {strides = array<i32>} : memref<32x768xf32, #tpu.memory_space<vmem>>, vector<16xf32>,
        tpu.vector_store %arg14[%swap3A_1397, %swap3A_1398], %add3A_1396 {strides = array<i32>} : memref<32x768xf32, #tpu.memory_space<vmem>>, vector<16xf32>,
        %mul3A_1400 = vector.broadcast %mul3A_1320 : f32 to vector<16xf32>
        %mul3A_1401 = arith.mulf %add3A_870, %mul3A_1400 : vector<16xf32>
        %sub3A_1402 = vector.broadcast %mul3A_1321 : f32 to vector<16xf32>
        %sub3A_1403 = arith.subf %mul3A_1401, %sub3A_1402 : vector<16xf32>
        %get3A_1404 = arith.constant 96 : index
        %get3A_1405 = tpu.vector_load %arg17[%get3A_1404] {strides = array<i32>} : memref<768xf32, #tpu.memory_space<vmem>>, vector<16xf32>,
        %mul3A_1406 = arith.mulf %sub3A_1403, %get3A_1405 : vector<16xf32>
        %get3A_1407 = arith.constant 96 : index
        %get3A_1408 = tpu.vector_load %arg18[%get3A_1407] {strides = array<i32>} : memref<768xf32, #tpu.memory_space<vmem>>, vector<16xf32>,
        %add3A_1409 = arith.addf %mul3A_1406, %get3A_1408 : vector<16xf32>
        %swap3A_1410 = arith.index_cast %scan3A_800 : i32 to index
        %swap3A_1411 = arith.constant 96 : index
        %swap3A_1412 = tpu.vector_load %arg14[%swap3A_1410, %swap3A_1411] {strides = array<i32>} : memref<32x768xf32, #tpu.memory_space<vmem>>, vector<16xf32>,
        tpu.vector_store %arg14[%swap3A_1410, %swap3A_1411], %add3A_1409 {strides = array<i32>} : memref<32x768xf32, #tpu.memory_space<vmem>>, vector<16xf32>,
        %mul3A_1413 = vector.broadcast %mul3A_1320 : f32 to vector<16xf32>
        %mul3A_1414 = arith.mulf %add3A_880, %mul3A_1413 : vector<16xf32>
        %sub3A_1415 = vector.broadcast %mul3A_1321 : f32 to vector<16xf32>
        %sub3A_1416 = arith.subf %mul3A_1414, %sub3A_1415 : vector<16xf32>
        %get3A_1417 = arith.constant 112 : index
        %get3A_1418 = tpu.vector_load %arg17[%get3A_1417] {strides = array<i32>} : memref<768xf32, #tpu.memory_space<vmem>>, vector<16xf32>,
        %mul3A_1419 = arith.mulf %sub3A_1416, %get3A_1418 : vector<16xf32>
        %get3A_1420 = arith.constant 112 : index
        %get3A_1421 = tpu.vector_load %arg18[%get3A_1420] {strides = array<i32>} : memref<768xf32, #tpu.memory_space<vmem>>, vector<16xf32>,
        %add3A_1422 = arith.addf %mul3A_1419, %get3A_1421 : vector<16xf32>
        %swap3A_1423 = arith.index_cast %scan3A_800 : i32 to index
        %swap3A_1424 = arith.constant 112 : index
        %swap3A_1425 = tpu.vector_load %arg14[%swap3A_1423, %swap3A_1424] {strides = array<i32>} : memref<32x768xf32, #tpu.memory_space<vmem>>, vector<16xf32>,
        tpu.vector_store %arg14[%swap3A_1423, %swap3A_1424], %add3A_1422 {strides = array<i32>} : memref<32x768xf32, #tpu.memory_space<vmem>>, vector<16xf32>,
        %mul3A_1426 = vector.broadcast %mul3A_1320 : f32 to vector<16xf32>
        %mul3A_1427 = arith.mulf %add3A_890, %mul3A_1426 : vector<16xf32>
        %sub3A_1428 = vector.broadcast %mul3A_1321 : f32 to vector<16xf32>
        %sub3A_1429 = arith.subf %mul3A_1427, %sub3A_1428 : vector<16xf32>
        %get3A_1430 = arith.constant 128 : index
        %get3A_1431 = tpu.vector_load %arg17[%get3A_1430] {strides = array<i32>} : memref<768xf32, #tpu.memory_space<vmem>>, vector<16xf32>,
        %mul3A_1432 = arith.mulf %sub3A_1429, %get3A_1431 : vector<16xf32>
        %get3A_1433 = arith.constant 128 : index
        %get3A_1434 = tpu.vector_load %arg18[%get3A_1433] {strides = array<i32>} : memref<768xf32, #tpu.memory_space<vmem>>, vector<16xf32>,
        %add3A_1435 = arith.addf %mul3A_1432, %get3A_1434 : vector<16xf32>
        %swap3A_1436 = arith.index_cast %scan3A_800 : i32 to index
        %swap3A_1437 = arith.constant 128 : index
        %swap3A_1438 = tpu.vector_load %arg14[%swap3A_1436, %swap3A_1437] {strides = array<i32>} : memref<32x768xf32, #tpu.memory_space<vmem>>, vector<16xf32>,
        tpu.vector_store %arg14[%swap3A_1436, %swap3A_1437], %add3A_1435 {strides = array<i32>} : memref<32x768xf32, #tpu.memory_space<vmem>>, vector<16xf32>,
        %mul3A_1439 = vector.broadcast %mul3A_1320 : f32 to vector<16xf32>
        %mul3A_1440 = arith.mulf %add3A_900, %mul3A_1439 : vector<16xf32>
        %sub3A_1441 = vector.broadcast %mul3A_1321 : f32 to vector<16xf32>
        %sub3A_1442 = arith.subf %mul3A_1440, %sub3A_1441 : vector<16xf32>
        %get3A_1443 = arith.constant 144 : index
        %get3A_1444 = tpu.vector_load %arg17[%get3A_1443] {strides = array<i32>} : memref<768xf32, #tpu.memory_space<vmem>>, vector<16xf32>,
        %mul3A_1445 = arith.mulf %sub3A_1442, %get3A_1444 : vector<16xf32>
        %get3A_1446 = arith.constant 144 : index
        %get3A_1447 = tpu.vector_load %arg18[%get3A_1446] {strides = array<i32>} : memref<768xf32, #tpu.memory_space<vmem>>, vector<16xf32>,
        %add3A_1448 = arith.addf %mul3A_1445, %get3A_1447 : vector<16xf32>
        %swap3A_1449 = arith.index_cast %scan3A_800 : i32 to index
        %swap3A_1450 = arith.constant 144 : index
        %swap3A_1451 = tpu.vector_load %arg14[%swap3A_1449, %swap3A_1450] {strides = array<i32>} : memref<32x768xf32, #tpu.memory_space<vmem>>, vector<16xf32>,
        tpu.vector_store %arg14[%swap3A_1449, %swap3A_1450], %add3A_1448 {strides = array<i32>} : memref<32x768xf32, #tpu.memory_space<vmem>>, vector<16xf32>,
        %mul3A_1452 = vector.broadcast %mul3A_1320 : f32 to vector<16xf32>
        %mul3A_1453 = arith.mulf %add3A_910, %mul3A_1452 : vector<16xf32>
        %sub3A_1454 = vector.broadcast %mul3A_1321 : f32 to vector<16xf32>
        %sub3A_1455 = arith.subf %mul3A_1453, %sub3A_1454 : vector<16xf32>
        %get3A_1456 = arith.constant 160 : index
        %get3A_1457 = tpu.vector_load %arg17[%get3A_1456] {strides = array<i32>} : memref<768xf32, #tpu.memory_space<vmem>>, vector<16xf32>,
        %mul3A_1458 = arith.mulf %sub3A_1455, %get3A_1457 : vector<16xf32>
        %get3A_1459 = arith.constant 160 : index
        %get3A_1460 = tpu.vector_load %arg18[%get3A_1459] {strides = array<i32>} : memref<768xf32, #tpu.memory_space<vmem>>, vector<16xf32>,
        %add3A_1461 = arith.addf %mul3A_1458, %get3A_1460 : vector<16xf32>
        %swap3A_1462 = arith.index_cast %scan3A_800 : i32 to index
        %swap3A_1463 = arith.constant 160 : index
        %swap3A_1464 = tpu.vector_load %arg14[%swap3A_1462, %swap3A_1463] {strides = array<i32>} : memref<32x768xf32, #tpu.memory_space<vmem>>, vector<16xf32>,
        tpu.vector_store %arg14[%swap3A_1462, %swap3A_1463], %add3A_1461 {strides = array<i32>} : memref<32x768xf32, #tpu.memory_space<vmem>>, vector<16xf32>,
        %mul3A_1465 = vector.broadcast %mul3A_1320 : f32 to vector<16xf32>
        %mul3A_1466 = arith.mulf %add3A_920, %mul3A_1465 : vector<16xf32>
        %sub3A_1467 = vector.broadcast %mul3A_1321 : f32 to vector<16xf32>
        %sub3A_1468 = arith.subf %mul3A_1466, %sub3A_1467 : vector<16xf32>
        %get3A_1469 = arith.constant 176 : index
        %get3A_1470 = tpu.vector_load %arg17[%get3A_1469] {strides = array<i32>} : memref<768xf32, #tpu.memory_space<vmem>>, vector<16xf32>,
        %mul3A_1471 = arith.mulf %sub3A_1468, %get3A_1470 : vector<16xf32>
        %get3A_1472 = arith.constant 176 : index
        %get3A_1473 = tpu.vector_load %arg18[%get3A_1472] {strides = array<i32>} : memref<768xf32, #tpu.memory_space<vmem>>, vector<16xf32>,
        %add3A_1474 = arith.addf %mul3A_1471, %get3A_1473 : vector<16xf32>
        %swap3A_1475 = arith.index_cast %scan3A_800 : i32 to index
        %swap3A_1476 = arith.constant 176 : index
        %swap3A_1477 = tpu.vector_load %arg14[%swap3A_1475, %swap3A_1476] {strides = array<i32>} : memref<32x768xf32, #tpu.memory_space<vmem>>, vector<16xf32>,
        tpu.vector_store %arg14[%swap3A_1475, %swap3A_1476], %add3A_1474 {strides = array<i32>} : memref<32x768xf32, #tpu.memory_space<vmem>>, vector<16xf32>,
        %mul3A_1478 = vector.broadcast %mul3A_1320 : f32 to vector<16xf32>
        %mul3A_1479 = arith.mulf %add3A_930, %mul3A_1478 : vector<16xf32>
        %sub3A_1480 = vector.broadcast %mul3A_1321 : f32 to vector<16xf32>
        %sub3A_1481 = arith.subf %mul3A_1479, %sub3A_1480 : vector<16xf32>
        %get3A_1482 = arith.constant 192 : index
        %get3A_1483 = tpu.vector_load %arg17[%get3A_1482] {strides = array<i32>} : memref<768xf32, #tpu.memory_space<vmem>>, vector<16xf32>,
        %mul3A_1484 = arith.mulf %sub3A_1481, %get3A_1483 : vector<16xf32>
        %get3A_1485 = arith.constant 192 : index
        %get3A_1486 = tpu.vector_load %arg18[%get3A_1485] {strides = array<i32>} : memref<768xf32, #tpu.memory_space<vmem>>, vector<16xf32>,
        %add3A_1487 = arith.addf %mul3A_1484, %get3A_1486 : vector<16xf32>
        %swap3A_1488 = arith.index_cast %scan3A_800 : i32 to index
        %swap3A_1489 = arith.constant 192 : index
        %swap3A_1490 = tpu.vector_load %arg14[%swap3A_1488, %swap3A_1489] {strides = array<i32>} : memref<32x768xf32, #tpu.memory_space<vmem>>, vector<16xf32>,
        tpu.vector_store %arg14[%swap3A_1488, %swap3A_1489], %add3A_1487 {strides = array<i32>} : memref<32x768xf32, #tpu.memory_space<vmem>>, vector<16xf32>,
        %mul3A_1491 = vector.broadcast %mul3A_1320 : f32 to vector<16xf32>
        %mul3A_1492 = arith.mulf %add3A_940, %mul3A_1491 : vector<16xf32>
        %sub3A_1493 = vector.broadcast %mul3A_1321 : f32 to vector<16xf32>
        %sub3A_1494 = arith.subf %mul3A_1492, %sub3A_1493 : vector<16xf32>
        %get3A_1495 = arith.constant 208 : index
        %get3A_1496 = tpu.vector_load %arg17[%get3A_1495] {strides = array<i32>} : memref<768xf32, #tpu.memory_space<vmem>>, vector<16xf32>,
        %mul3A_1497 = arith.mulf %sub3A_1494, %get3A_1496 : vector<16xf32>
        %get3A_1498 = arith.constant 208 : index
        %get3A_1499 = tpu.vector_load %arg18[%get3A_1498] {strides = array<i32>} : memref<768xf32, #tpu.memory_space<vmem>>, vector<16xf32>,
        %add3A_1500 = arith.addf %mul3A_1497, %get3A_1499 : vector<16xf32>
        %swap3A_1501 = arith.index_cast %scan3A_800 : i32 to index
        %swap3A_1502 = arith.constant 208 : index
        %swap3A_1503 = tpu.vector_load %arg14[%swap3A_1501, %swap3A_1502] {strides = array<i32>} : memref<32x768xf32, #tpu.memory_space<vmem>>, vector<16xf32>,
        tpu.vector_store %arg14[%swap3A_1501, %swap3A_1502], %add3A_1500 {strides = array<i32>} : memref<32x768xf32, #tpu.memory_space<vmem>>, vector<16xf32>,
        %mul3A_1504 = vector.broadcast %mul3A_1320 : f32 to vector<16xf32>
        %mul3A_1505 = arith.mulf %add3A_950, %mul3A_1504 : vector<16xf32>
        %sub3A_1506 = vector.broadcast %mul3A_1321 : f32 to vector<16xf32>
        %sub3A_1507 = arith.subf %mul3A_1505, %sub3A_1506 : vector<16xf32>
        %get3A_1508 = arith.constant 224 : index
        %get3A_1509 = tpu.vector_load %arg17[%get3A_1508] {strides = array<i32>} : memref<768xf32, #tpu.memory_space<vmem>>, vector<16xf32>,
        %mul3A_1510 = arith.mulf %sub3A_1507, %get3A_1509 : vector<16xf32>
        %get3A_1511 = arith.constant 224 : index
        %get3A_1512 = tpu.vector_load %arg18[%get3A_1511] {strides = array<i32>} : memref<768xf32, #tpu.memory_space<vmem>>, vector<16xf32>,
        %add3A_1513 = arith.addf %mul3A_1510, %get3A_1512 : vector<16xf32>
        %swap3A_1514 = arith.index_cast %scan3A_800 : i32 to index
        %swap3A_1515 = arith.constant 224 : index
        %swap3A_1516 = tpu.vector_load %arg14[%swap3A_1514, %swap3A_1515] {strides = array<i32>} : memref<32x768xf32, #tpu.memory_space<vmem>>, vector<16xf32>,
        tpu.vector_store %arg14[%swap3A_1514, %swap3A_1515], %add3A_1513 {strides = array<i32>} : memref<32x768xf32, #tpu.memory_space<vmem>>, vector<16xf32>,
        %mul3A_1517 = vector.broadcast %mul3A_1320 : f32 to vector<16xf32>
        %mul3A_1518 = arith.mulf %add3A_960, %mul3A_1517 : vector<16xf32>
        %sub3A_1519 = vector.broadcast %mul3A_1321 : f32 to vector<16xf32>
        %sub3A_1520 = arith.subf %mul3A_1518, %sub3A_1519 : vector<16xf32>
        %get3A_1521 = arith.constant 240 : index
        %get3A_1522 = tpu.vector_load %arg17[%get3A_1521] {strides = array<i32>} : memref<768xf32, #tpu.memory_space<vmem>>, vector<16xf32>,
        %mul3A_1523 = arith.mulf %sub3A_1520, %get3A_1522 : vector<16xf32>
        %get3A_1524 = arith.constant 240 : index
        %get3A_1525 = tpu.vector_load %arg18[%get3A_1524] {strides = array<i32>} : memref<768xf32, #tpu.memory_space<vmem>>, vector<16xf32>,
        %add3A_1526 = arith.addf %mul3A_1523, %get3A_1525 : vector<16xf32>
        %swap3A_1527 = arith.index_cast %scan3A_800 : i32 to index
        %swap3A_1528 = arith.constant 240 : index
        %swap3A_1529 = tpu.vector_load %arg14[%swap3A_1527, %swap3A_1528] {strides = array<i32>} : memref<32x768xf32, #tpu.memory_space<vmem>>, vector<16xf32>,
        tpu.vector_store %arg14[%swap3A_1527, %swap3A_1528], %add3A_1526 {strides = array<i32>} : memref<32x768xf32, #tpu.memory_space<vmem>>, vector<16xf32>,
        %mul3A_1530 = vector.broadcast %mul3A_1320 : f32 to vector<16xf32>
        %mul3A_1531 = arith.mulf %add3A_970, %mul3A_1530 : vector<16xf32>
        %sub3A_1532 = vector.broadcast %mul3A_1321 : f32 to vector<16xf32>
        %sub3A_1533 = arith.subf %mul3A_1531, %sub3A_1532 : vector<16xf32>
        %get3A_1534 = arith.constant 256 : index
        %get3A_1535 = tpu.vector_load %arg17[%get3A_1534] {strides = array<i32>} : memref<768xf32, #tpu.memory_space<vmem>>, vector<16xf32>,
        %mul3A_1536 = arith.mulf %sub3A_1533, %get3A_1535 : vector<16xf32>
        %get3A_1537 = arith.constant 256 : index
        %get3A_1538 = tpu.vector_load %arg18[%get3A_1537] {strides = array<i32>} : memref<768xf32, #tpu.memory_space<vmem>>, vector<16xf32>,
        %add3A_1539 = arith.addf %mul3A_1536, %get3A_1538 : vector<16xf32>
        %swap3A_1540 = arith.index_cast %scan3A_800 : i32 to index
        %swap3A_1541 = arith.constant 256 : index
        %swap3A_1542 = tpu.vector_load %arg14[%swap3A_1540, %swap3A_1541] {strides = array<i32>} : memref<32x768xf32, #tpu.memory_space<vmem>>, vector<16xf32>,
        tpu.vector_store %arg14[%swap3A_1540, %swap3A_1541], %add3A_1539 {strides = array<i32>} : memref<32x768xf32, #tpu.memory_space<vmem>>, vector<16xf32>,
        %mul3A_1543 = vector.broadcast %mul3A_1320 : f32 to vector<16xf32>
        %mul3A_1544 = arith.mulf %add3A_980, %mul3A_1543 : vector<16xf32>
        %sub3A_1545 = vector.broadcast %mul3A_1321 : f32 to vector<16xf32>
        %sub3A_1546 = arith.subf %mul3A_1544, %sub3A_1545 : vector<16xf32>
        %get3A_1547 = arith.constant 272 : index
        %get3A_1548 = tpu.vector_load %arg17[%get3A_1547] {strides = array<i32>} : memref<768xf32, #tpu.memory_space<vmem>>, vector<16xf32>,
        %mul3A_1549 = arith.mulf %sub3A_1546, %get3A_1548 : vector<16xf32>
        %get3A_1550 = arith.constant 272 : index
        %get3A_1551 = tpu.vector_load %arg18[%get3A_1550] {strides = array<i32>} : memref<768xf32, #tpu.memory_space<vmem>>, vector<16xf32>,
        %add3A_1552 = arith.addf %mul3A_1549, %get3A_1551 : vector<16xf32>
        %swap3A_1553 = arith.index_cast %scan3A_800 : i32 to index
        %swap3A_1554 = arith.constant 272 : index
        %swap3A_1555 = tpu.vector_load %arg14[%swap3A_1553, %swap3A_1554] {strides = array<i32>} : memref<32x768xf32, #tpu.memory_space<vmem>>, vector<16xf32>,
        tpu.vector_store %arg14[%swap3A_1553, %swap3A_1554], %add3A_1552 {strides = array<i32>} : memref<32x768xf32, #tpu.memory_space<vmem>>, vector<16xf32>,
        %mul3A_1556 = vector.broadcast %mul3A_1320 : f32 to vector<16xf32>
        %mul3A_1557 = arith.mulf %add3A_990, %mul3A_1556 : vector<16xf32>
        %sub3A_1558 = vector.broadcast %mul3A_1321 : f32 to vector<16xf32>
        %sub3A_1559 = arith.subf %mul3A_1557, %sub3A_1558 : vector<16xf32>
        %get3A_1560 = arith.constant 288 : index
        %get3A_1561 = tpu.vector_load %arg17[%get3A_1560] {strides = array<i32>} : memref<768xf32, #tpu.memory_space<vmem>>, vector<16xf32>,
        %mul3A_1562 = arith.mulf %sub3A_1559, %get3A_1561 : vector<16xf32>
        %get3A_1563 = arith.constant 288 : index
        %get3A_1564 = tpu.vector_load %arg18[%get3A_1563] {strides = array<i32>} : memref<768xf32, #tpu.memory_space<vmem>>, vector<16xf32>,
        %add3A_1565 = arith.addf %mul3A_1562, %get3A_1564 : vector<16xf32>
        %swap3A_1566 = arith.index_cast %scan3A_800 : i32 to index
        %swap3A_1567 = arith.constant 288 : index
        %swap3A_1568 = tpu.vector_load %arg14[%swap3A_1566, %swap3A_1567] {strides = array<i32>} : memref<32x768xf32, #tpu.memory_space<vmem>>, vector<16xf32>,
        tpu.vector_store %arg14[%swap3A_1566, %swap3A_1567], %add3A_1565 {strides = array<i32>} : memref<32x768xf32, #tpu.memory_space<vmem>>, vector<16xf32>,
        %mul3A_1569 = vector.broadcast %mul3A_1320 : f32 to vector<16xf32>
        %mul3A_1570 = arith.mulf %add3A_1000, %mul3A_1569 : vector<16xf32>
        %sub3A_1571 = vector.broadcast %mul3A_1321 : f32 to vector<16xf32>
        %sub3A_1572 = arith.subf %mul3A_1570, %sub3A_1571 : vector<16xf32>
        %get3A_1573 = arith.constant 304 : index
        %get3A_1574 = tpu.vector_load %arg17[%get3A_1573] {strides = array<i32>} : memref<768xf32, #tpu.memory_space<vmem>>, vector<16xf32>,
        %mul3A_1575 = arith.mulf %sub3A_1572, %get3A_1574 : vector<16xf32>
        %get3A_1576 = arith.constant 304 : index
        %get3A_1577 = tpu.vector_load %arg18[%get3A_1576] {strides = array<i32>} : memref<768xf32, #tpu.memory_space<vmem>>, vector<16xf32>,
        %add3A_1578 = arith.addf %mul3A_1575, %get3A_1577 : vector<16xf32>
        %swap3A_1579 = arith.index_cast %scan3A_800 : i32 to index
        %swap3A_1580 = arith.constant 304 : index
        %swap3A_1581 = tpu.vector_load %arg14[%swap3A_1579, %swap3A_1580] {strides = array<i32>} : memref<32x768xf32, #tpu.memory_space<vmem>>, vector<16xf32>,
        tpu.vector_store %arg14[%swap3A_1579, %swap3A_1580], %add3A_1578 {strides = array<i32>} : memref<32x768xf32, #tpu.memory_space<vmem>>, vector<16xf32>,
        %mul3A_1582 = vector.broadcast %mul3A_1320 : f32 to vector<16xf32>
        %mul3A_1583 = arith.mulf %add3A_1010, %mul3A_1582 : vector<16xf32>
        %sub3A_1584 = vector.broadcast %mul3A_1321 : f32 to vector<16xf32>
        %sub3A_1585 = arith.subf %mul3A_1583, %sub3A_1584 : vector<16xf32>
        %get3A_1586 = arith.constant 320 : index
        %get3A_1587 = tpu.vector_load %arg17[%get3A_1586] {strides = array<i32>} : memref<768xf32, #tpu.memory_space<vmem>>, vector<16xf32>,
        %mul3A_1588 = arith.mulf %sub3A_1585, %get3A_1587 : vector<16xf32>
        %get3A_1589 = arith.constant 320 : index
        %get3A_1590 = tpu.vector_load %arg18[%get3A_1589] {strides = array<i32>} : memref<768xf32, #tpu.memory_space<vmem>>, vector<16xf32>,
        %add3A_1591 = arith.addf %mul3A_1588, %get3A_1590 : vector<16xf32>
        %swap3A_1592 = arith.index_cast %scan3A_800 : i32 to index
        %swap3A_1593 = arith.constant 320 : index
        %swap3A_1594 = tpu.vector_load %arg14[%swap3A_1592, %swap3A_1593] {strides = array<i32>} : memref<32x768xf32, #tpu.memory_space<vmem>>, vector<16xf32>,
        tpu.vector_store %arg14[%swap3A_1592, %swap3A_1593], %add3A_1591 {strides = array<i32>} : memref<32x768xf32, #tpu.memory_space<vmem>>, vector<16xf32>,
        %mul3A_1595 = vector.broadcast %mul3A_1320 : f32 to vector<16xf32>
        %mul3A_1596 = arith.mulf %add3A_1020, %mul3A_1595 : vector<16xf32>
        %sub3A_1597 = vector.broadcast %mul3A_1321 : f32 to vector<16xf32>
        %sub3A_1598 = arith.subf %mul3A_1596, %sub3A_1597 : vector<16xf32>
        %get3A_1599 = arith.constant 336 : index
        %get3A_1600 = tpu.vector_load %arg17[%get3A_1599] {strides = array<i32>} : memref<768xf32, #tpu.memory_space<vmem>>, vector<16xf32>,
        %mul3A_1601 = arith.mulf %sub3A_1598, %get3A_1600 : vector<16xf32>
        %get3A_1602 = arith.constant 336 : index
        %get3A_1603 = tpu.vector_load %arg18[%get3A_1602] {strides = array<i32>} : memref<768xf32, #tpu.memory_space<vmem>>, vector<16xf32>,
        %add3A_1604 = arith.addf %mul3A_1601, %get3A_1603 : vector<16xf32>
        %swap3A_1605 = arith.index_cast %scan3A_800 : i32 to index
        %swap3A_1606 = arith.constant 336 : index
        %swap3A_1607 = tpu.vector_load %arg14[%swap3A_1605, %swap3A_1606] {strides = array<i32>} : memref<32x768xf32, #tpu.memory_space<vmem>>, vector<16xf32>,
        tpu.vector_store %arg14[%swap3A_1605, %swap3A_1606], %add3A_1604 {strides = array<i32>} : memref<32x768xf32, #tpu.memory_space<vmem>>, vector<16xf32>,
        %mul3A_1608 = vector.broadcast %mul3A_1320 : f32 to vector<16xf32>
        %mul3A_1609 = arith.mulf %add3A_1030, %mul3A_1608 : vector<16xf32>
        %sub3A_1610 = vector.broadcast %mul3A_1321 : f32 to vector<16xf32>
        %sub3A_1611 = arith.subf %mul3A_1609, %sub3A_1610 : vector<16xf32>
        %get3A_1612 = arith.constant 352 : index
        %get3A_1613 = tpu.vector_load %arg17[%get3A_1612] {strides = array<i32>} : memref<768xf32, #tpu.memory_space<vmem>>, vector<16xf32>,
        %mul3A_1614 = arith.mulf %sub3A_1611, %get3A_1613 : vector<16xf32>
        %get3A_1615 = arith.constant 352 : index
        %get3A_1616 = tpu.vector_load %arg18[%get3A_1615] {strides = array<i32>} : memref<768xf32, #tpu.memory_space<vmem>>, vector<16xf32>,
        %add3A_1617 = arith.addf %mul3A_1614, %get3A_1616 : vector<16xf32>
        %swap3A_1618 = arith.index_cast %scan3A_800 : i32 to index
        %swap3A_1619 = arith.constant 352 : index
        %swap3A_1620 = tpu.vector_load %arg14[%swap3A_1618, %swap3A_1619] {strides = array<i32>} : memref<32x768xf32, #tpu.memory_space<vmem>>, vector<16xf32>,
        tpu.vector_store %arg14[%swap3A_1618, %swap3A_1619], %add3A_1617 {strides = array<i32>} : memref<32x768xf32, #tpu.memory_space<vmem>>, vector<16xf32>,
        %mul3A_1621 = vector.broadcast %mul3A_1320 : f32 to vector<16xf32>
        %mul3A_1622 = arith.mulf %add3A_1040, %mul3A_1621 : vector<16xf32>
        %sub3A_1623 = vector.broadcast %mul3A_1321 : f32 to vector<16xf32>
        %sub3A_1624 = arith.subf %mul3A_1622, %sub3A_1623 : vector<16xf32>
        %get3A_1625 = arith.constant 368 : index
        %get3A_1626 = tpu.vector_load %arg17[%get3A_1625] {strides = array<i32>} : memref<768xf32, #tpu.memory_space<vmem>>, vector<16xf32>,
        %mul3A_1627 = arith.mulf %sub3A_1624, %get3A_1626 : vector<16xf32>
        %get3A_1628 = arith.constant 368 : index
        %get3A_1629 = tpu.vector_load %arg18[%get3A_1628] {strides = array<i32>} : memref<768xf32, #tpu.memory_space<vmem>>, vector<16xf32>,
        %add3A_1630 = arith.addf %mul3A_1627, %get3A_1629 : vector<16xf32>
        %swap3A_1631 = arith.index_cast %scan3A_800 : i32 to index
        %swap3A_1632 = arith.constant 368 : index
        %swap3A_1633 = tpu.vector_load %arg14[%swap3A_1631, %swap3A_1632] {strides = array<i32>} : memref<32x768xf32, #tpu.memory_space<vmem>>, vector<16xf32>,
        tpu.vector_store %arg14[%swap3A_1631, %swap3A_1632], %add3A_1630 {strides = array<i32>} : memref<32x768xf32, #tpu.memory_space<vmem>>, vector<16xf32>,
        %mul3A_1634 = vector.broadcast %mul3A_1320 : f32 to vector<16xf32>
        %mul3A_1635 = arith.mulf %add3A_1050, %mul3A_1634 : vector<16xf32>
        %sub3A_1636 = vector.broadcast %mul3A_1321 : f32 to vector<16xf32>
        %sub3A_1637 = arith.subf %mul3A_1635, %sub3A_1636 : vector<16xf32>
        %get3A_1638 = arith.constant 384 : index
        %get3A_1639 = tpu.vector_load %arg17[%get3A_1638] {strides = array<i32>} : memref<768xf32, #tpu.memory_space<vmem>>, vector<16xf32>,
        %mul3A_1640 = arith.mulf %sub3A_1637, %get3A_1639 : vector<16xf32>
        %get3A_1641 = arith.constant 384 : index
        %get3A_1642 = tpu.vector_load %arg18[%get3A_1641] {strides = array<i32>} : memref<768xf32, #tpu.memory_space<vmem>>, vector<16xf32>,
        %add3A_1643 = arith.addf %mul3A_1640, %get3A_1642 : vector<16xf32>
        %swap3A_1644 = arith.index_cast %scan3A_800 : i32 to index
        %swap3A_1645 = arith.constant 384 : index
        %swap3A_1646 = tpu.vector_load %arg14[%swap3A_1644, %swap3A_1645] {strides = array<i32>} : memref<32x768xf32, #tpu.memory_space<vmem>>, vector<16xf32>,
        tpu.vector_store %arg14[%swap3A_1644, %swap3A_1645], %add3A_1643 {strides = array<i32>} : memref<32x768xf32, #tpu.memory_space<vmem>>, vector<16xf32>,
        %mul3A_1647 = vector.broadcast %mul3A_1320 : f32 to vector<16xf32>
        %mul3A_1648 = arith.mulf %add3A_1060, %mul3A_1647 : vector<16xf32>
        %sub3A_1649 = vector.broadcast %mul3A_1321 : f32 to vector<16xf32>
        %sub3A_1650 = arith.subf %mul3A_1648, %sub3A_1649 : vector<16xf32>
        %get3A_1651 = arith.constant 400 : index
        %get3A_1652 = tpu.vector_load %arg17[%get3A_1651] {strides = array<i32>} : memref<768xf32, #tpu.memory_space<vmem>>, vector<16xf32>,
        %mul3A_1653 = arith.mulf %sub3A_1650, %get3A_1652 : vector<16xf32>
        %get3A_1654 = arith.constant 400 : index
        %get3A_1655 = tpu.vector_load %arg18[%get3A_1654] {strides = array<i32>} : memref<768xf32, #tpu.memory_space<vmem>>, vector<16xf32>,
        %add3A_1656 = arith.addf %mul3A_1653, %get3A_1655 : vector<16xf32>
        %swap3A_1657 = arith.index_cast %scan3A_800 : i32 to index
        %swap3A_1658 = arith.constant 400 : index
        %swap3A_1659 = tpu.vector_load %arg14[%swap3A_1657, %swap3A_1658] {strides = array<i32>} : memref<32x768xf32, #tpu.memory_space<vmem>>, vector<16xf32>,
        tpu.vector_store %arg14[%swap3A_1657, %swap3A_1658], %add3A_1656 {strides = array<i32>} : memref<32x768xf32, #tpu.memory_space<vmem>>, vector<16xf32>,
        %mul3A_1660 = vector.broadcast %mul3A_1320 : f32 to vector<16xf32>
        %mul3A_1661 = arith.mulf %add3A_1070, %mul3A_1660 : vector<16xf32>
        %sub3A_1662 = vector.broadcast %mul3A_1321 : f32 to vector<16xf32>
        %sub3A_1663 = arith.subf %mul3A_1661, %sub3A_1662 : vector<16xf32>
        %get3A_1664 = arith.constant 416 : index
        %get3A_1665 = tpu.vector_load %arg17[%get3A_1664] {strides = array<i32>} : memref<768xf32, #tpu.memory_space<vmem>>, vector<16xf32>,
        %mul3A_1666 = arith.mulf %sub3A_1663, %get3A_1665 : vector<16xf32>
        %get3A_1667 = arith.constant 416 : index
        %get3A_1668 = tpu.vector_load %arg18[%get3A_1667] {strides = array<i32>} : memref<768xf32, #tpu.memory_space<vmem>>, vector<16xf32>,
        %add3A_1669 = arith.addf %mul3A_1666, %get3A_1668 : vector<16xf32>
        %swap3A_1670 = arith.index_cast %scan3A_800 : i32 to index
        %swap3A_1671 = arith.constant 416 : index
        %swap3A_1672 = tpu.vector_load %arg14[%swap3A_1670, %swap3A_1671] {strides = array<i32>} : memref<32x768xf32, #tpu.memory_space<vmem>>, vector<16xf32>,
        tpu.vector_store %arg14[%swap3A_1670, %swap3A_1671], %add3A_1669 {strides = array<i32>} : memref<32x768xf32, #tpu.memory_space<vmem>>, vector<16xf32>,
        %mul3A_1673 = vector.broadcast %mul3A_1320 : f32 to vector<16xf32>
        %mul3A_1674 = arith.mulf %add3A_1080, %mul3A_1673 : vector<16xf32>
        %sub3A_1675 = vector.broadcast %mul3A_1321 : f32 to vector<16xf32>
        %sub3A_1676 = arith.subf %mul3A_1674, %sub3A_1675 : vector<16xf32>
        %get3A_1677 = arith.constant 432 : index
        %get3A_1678 = tpu.vector_load %arg17[%get3A_1677] {strides = array<i32>} : memref<768xf32, #tpu.memory_space<vmem>>, vector<16xf32>,
        %mul3A_1679 = arith.mulf %sub3A_1676, %get3A_1678 : vector<16xf32>
        %get3A_1680 = arith.constant 432 : index
        %get3A_1681 = tpu.vector_load %arg18[%get3A_1680] {strides = array<i32>} : memref<768xf32, #tpu.memory_space<vmem>>, vector<16xf32>,
        %add3A_1682 = arith.addf %mul3A_1679, %get3A_1681 : vector<16xf32>
        %swap3A_1683 = arith.index_cast %scan3A_800 : i32 to index
        %swap3A_1684 = arith.constant 432 : index
        %swap3A_1685 = tpu.vector_load %arg14[%swap3A_1683, %swap3A_1684] {strides = array<i32>} : memref<32x768xf32, #tpu.memory_space<vmem>>, vector<16xf32>,
        tpu.vector_store %arg14[%swap3A_1683, %swap3A_1684], %add3A_1682 {strides = array<i32>} : memref<32x768xf32, #tpu.memory_space<vmem>>, vector<16xf32>,
        %mul3A_1686 = vector.broadcast %mul3A_1320 : f32 to vector<16xf32>
        %mul3A_1687 = arith.mulf %add3A_1090, %mul3A_1686 : vector<16xf32>
        %sub3A_1688 = vector.broadcast %mul3A_1321 : f32 to vector<16xf32>
        %sub3A_1689 = arith.subf %mul3A_1687, %sub3A_1688 : vector<16xf32>
        %get3A_1690 = arith.constant 448 : index
        %get3A_1691 = tpu.vector_load %arg17[%get3A_1690] {strides = array<i32>} : memref<768xf32, #tpu.memory_space<vmem>>, vector<16xf32>,
        %mul3A_1692 = arith.mulf %sub3A_1689, %get3A_1691 : vector<16xf32>
        %get3A_1693 = arith.constant 448 : index
        %get3A_1694 = tpu.vector_load %arg18[%get3A_1693] {strides = array<i32>} : memref<768xf32, #tpu.memory_space<vmem>>, vector<16xf32>,
        %add3A_1695 = arith.addf %mul3A_1692, %get3A_1694 : vector<16xf32>
        %swap3A_1696 = arith.index_cast %scan3A_800 : i32 to index
        %swap3A_1697 = arith.constant 448 : index
        %swap3A_1698 = tpu.vector_load %arg14[%swap3A_1696, %swap3A_1697] {strides = array<i32>} : memref<32x768xf32, #tpu.memory_space<vmem>>, vector<16xf32>,
        tpu.vector_store %arg14[%swap3A_1696, %swap3A_1697], %add3A_1695 {strides = array<i32>} : memref<32x768xf32, #tpu.memory_space<vmem>>, vector<16xf32>,
        %mul3A_1699 = vector.broadcast %mul3A_1320 : f32 to vector<16xf32>
        %mul3A_1700 = arith.mulf %add3A_1100, %mul3A_1699 : vector<16xf32>
        %sub3A_1701 = vector.broadcast %mul3A_1321 : f32 to vector<16xf32>
        %sub3A_1702 = arith.subf %mul3A_1700, %sub3A_1701 : vector<16xf32>
        %get3A_1703 = arith.constant 464 : index
        %get3A_1704 = tpu.vector_load %arg17[%get3A_1703] {strides = array<i32>} : memref<768xf32, #tpu.memory_space<vmem>>, vector<16xf32>,
        %mul3A_1705 = arith.mulf %sub3A_1702, %get3A_1704 : vector<16xf32>
        %get3A_1706 = arith.constant 464 : index
        %get3A_1707 = tpu.vector_load %arg18[%get3A_1706] {strides = array<i32>} : memref<768xf32, #tpu.memory_space<vmem>>, vector<16xf32>,
        %add3A_1708 = arith.addf %mul3A_1705, %get3A_1707 : vector<16xf32>
        %swap3A_1709 = arith.index_cast %scan3A_800 : i32 to index
        %swap3A_1710 = arith.constant 464 : index
        %swap3A_1711 = tpu.vector_load %arg14[%swap3A_1709, %swap3A_1710] {strides = array<i32>} : memref<32x768xf32, #tpu.memory_space<vmem>>, vector<16xf32>,
        tpu.vector_store %arg14[%swap3A_1709, %swap3A_1710], %add3A_1708 {strides = array<i32>} : memref<32x768xf32, #tpu.memory_space<vmem>>, vector<16xf32>,
        %mul3A_1712 = vector.broadcast %mul3A_1320 : f32 to vector<16xf32>
        %mul3A_1713 = arith.mulf %add3A_1110, %mul3A_1712 : vector<16xf32>
        %sub3A_1714 = vector.broadcast %mul3A_1321 : f32 to vector<16xf32>
        %sub3A_1715 = arith.subf %mul3A_1713, %sub3A_1714 : vector<16xf32>
        %get3A_1716 = arith.constant 480 : index
        %get3A_1717 = tpu.vector_load %arg17[%get3A_1716] {strides = array<i32>} : memref<768xf32, #tpu.memory_space<vmem>>, vector<16xf32>,
        %mul3A_1718 = arith.mulf %sub3A_1715, %get3A_1717 : vector<16xf32>
        %get3A_1719 = arith.constant 480 : index
        %get3A_1720 = tpu.vector_load %arg18[%get3A_1719] {strides = array<i32>} : memref<768xf32, #tpu.memory_space<vmem>>, vector<16xf32>,
        %add3A_1721 = arith.addf %mul3A_1718, %get3A_1720 : vector<16xf32>
        %swap3A_1722 = arith.index_cast %scan3A_800 : i32 to index
        %swap3A_1723 = arith.constant 480 : index
        %swap3A_1724 = tpu.vector_load %arg14[%swap3A_1722, %swap3A_1723] {strides = array<i32>} : memref<32x768xf32, #tpu.memory_space<vmem>>, vector<16xf32>,
        tpu.vector_store %arg14[%swap3A_1722, %swap3A_1723], %add3A_1721 {strides = array<i32>} : memref<32x768xf32, #tpu.memory_space<vmem>>, vector<16xf32>,
        %mul3A_1725 = vector.broadcast %mul3A_1320 : f32 to vector<16xf32>
        %mul3A_1726 = arith.mulf %add3A_1120, %mul3A_1725 : vector<16xf32>
        %sub3A_1727 = vector.broadcast %mul3A_1321 : f32 to vector<16xf32>
        %sub3A_1728 = arith.subf %mul3A_1726, %sub3A_1727 : vector<16xf32>
        %get3A_1729 = arith.constant 496 : index
        %get3A_1730 = tpu.vector_load %arg17[%get3A_1729] {strides = array<i32>} : memref<768xf32, #tpu.memory_space<vmem>>, vector<16xf32>,
        %mul3A_1731 = arith.mulf %sub3A_1728, %get3A_1730 : vector<16xf32>
        %get3A_1732 = arith.constant 496 : index
        %get3A_1733 = tpu.vector_load %arg18[%get3A_1732] {strides = array<i32>} : memref<768xf32, #tpu.memory_space<vmem>>, vector<16xf32>,
        %add3A_1734 = arith.addf %mul3A_1731, %get3A_1733 : vector<16xf32>
        %swap3A_1735 = arith.index_cast %scan3A_800 : i32 to index
        %swap3A_1736 = arith.constant 496 : index
        %swap3A_1737 = tpu.vector_load %arg14[%swap3A_1735, %swap3A_1736] {strides = array<i32>} : memref<32x768xf32, #tpu.memory_space<vmem>>, vector<16xf32>,
        tpu.vector_store %arg14[%swap3A_1735, %swap3A_1736], %add3A_1734 {strides = array<i32>} : memref<32x768xf32, #tpu.memory_space<vmem>>, vector<16xf32>,
        %mul3A_1738 = vector.broadcast %mul3A_1320 : f32 to vector<16xf32>
        %mul3A_1739 = arith.mulf %add3A_1130, %mul3A_1738 : vector<16xf32>
        %sub3A_1740 = vector.broadcast %mul3A_1321 : f32 to vector<16xf32>
        %sub3A_1741 = arith.subf %mul3A_1739, %sub3A_1740 : vector<16xf32>
        %get3A_1742 = arith.constant 512 : index
        %get3A_1743 = tpu.vector_load %arg17[%get3A_1742] {strides = array<i32>} : memref<768xf32, #tpu.memory_space<vmem>>, vector<16xf32>,
        %mul3A_1744 = arith.mulf %sub3A_1741, %get3A_1743 : vector<16xf32>
        %get3A_1745 = arith.constant 512 : index
        %get3A_1746 = tpu.vector_load %arg18[%get3A_1745] {strides = array<i32>} : memref<768xf32, #tpu.memory_space<vmem>>, vector<16xf32>,
        %add3A_1747 = arith.addf %mul3A_1744, %get3A_1746 : vector<16xf32>
        %swap3A_1748 = arith.index_cast %scan3A_800 : i32 to index
        %swap3A_1749 = arith.constant 512 : index
        %swap3A_1750 = tpu.vector_load %arg14[%swap3A_1748, %swap3A_1749] {strides = array<i32>} : memref<32x768xf32, #tpu.memory_space<vmem>>, vector<16xf32>,
        tpu.vector_store %arg14[%swap3A_1748, %swap3A_1749], %add3A_1747 {strides = array<i32>} : memref<32x768xf32, #tpu.memory_space<vmem>>, vector<16xf32>,
        %mul3A_1751 = vector.broadcast %mul3A_1320 : f32 to vector<16xf32>
        %mul3A_1752 = arith.mulf %add3A_1140, %mul3A_1751 : vector<16xf32>
        %sub3A_1753 = vector.broadcast %mul3A_1321 : f32 to vector<16xf32>
        %sub3A_1754 = arith.subf %mul3A_1752, %sub3A_1753 : vector<16xf32>
        %get3A_1755 = arith.constant 528 : index
        %get3A_1756 = tpu.vector_load %arg17[%get3A_1755] {strides = array<i32>} : memref<768xf32, #tpu.memory_space<vmem>>, vector<16xf32>,
        %mul3A_1757 = arith.mulf %sub3A_1754, %get3A_1756 : vector<16xf32>
        %get3A_1758 = arith.constant 528 : index
        %get3A_1759 = tpu.vector_load %arg18[%get3A_1758] {strides = array<i32>} : memref<768xf32, #tpu.memory_space<vmem>>, vector<16xf32>,
        %add3A_1760 = arith.addf %mul3A_1757, %get3A_1759 : vector<16xf32>
        %swap3A_1761 = arith.index_cast %scan3A_800 : i32 to index
        %swap3A_1762 = arith.constant 528 : index
        %swap3A_1763 = tpu.vector_load %arg14[%swap3A_1761, %swap3A_1762] {strides = array<i32>} : memref<32x768xf32, #tpu.memory_space<vmem>>, vector<16xf32>,
        tpu.vector_store %arg14[%swap3A_1761, %swap3A_1762], %add3A_1760 {strides = array<i32>} : memref<32x768xf32, #tpu.memory_space<vmem>>, vector<16xf32>,
        %mul3A_1764 = vector.broadcast %mul3A_1320 : f32 to vector<16xf32>
        %mul3A_1765 = arith.mulf %add3A_1150, %mul3A_1764 : vector<16xf32>
        %sub3A_1766 = vector.broadcast %mul3A_1321 : f32 to vector<16xf32>
        %sub3A_1767 = arith.subf %mul3A_1765, %sub3A_1766 : vector<16xf32>
        %get3A_1768 = arith.constant 544 : index
        %get3A_1769 = tpu.vector_load %arg17[%get3A_1768] {strides = array<i32>} : memref<768xf32, #tpu.memory_space<vmem>>, vector<16xf32>,
        %mul3A_1770 = arith.mulf %sub3A_1767, %get3A_1769 : vector<16xf32>
        %get3A_1771 = arith.constant 544 : index
        %get3A_1772 = tpu.vector_load %arg18[%get3A_1771] {strides = array<i32>} : memref<768xf32, #tpu.memory_space<vmem>>, vector<16xf32>,
        %add3A_1773 = arith.addf %mul3A_1770, %get3A_1772 : vector<16xf32>
        %swap3A_1774 = arith.index_cast %scan3A_800 : i32 to index
        %swap3A_1775 = arith.constant 544 : index
        %swap3A_1776 = tpu.vector_load %arg14[%swap3A_1774, %swap3A_1775] {strides = array<i32>} : memref<32x768xf32, #tpu.memory_space<vmem>>, vector<16xf32>,
        tpu.vector_store %arg14[%swap3A_1774, %swap3A_1775], %add3A_1773 {strides = array<i32>} : memref<32x768xf32, #tpu.memory_space<vmem>>, vector<16xf32>,
        %mul3A_1777 = vector.broadcast %mul3A_1320 : f32 to vector<16xf32>
        %mul3A_1778 = arith.mulf %add3A_1160, %mul3A_1777 : vector<16xf32>
        %sub3A_1779 = vector.broadcast %mul3A_1321 : f32 to vector<16xf32>
        %sub3A_1780 = arith.subf %mul3A_1778, %sub3A_1779 : vector<16xf32>
        %get3A_1781 = arith.constant 560 : index
        %get3A_1782 = tpu.vector_load %arg17[%get3A_1781] {strides = array<i32>} : memref<768xf32, #tpu.memory_space<vmem>>, vector<16xf32>,
        %mul3A_1783 = arith.mulf %sub3A_1780, %get3A_1782 : vector<16xf32>
        %get3A_1784 = arith.constant 560 : index
        %get3A_1785 = tpu.vector_load %arg18[%get3A_1784] {strides = array<i32>} : memref<768xf32, #tpu.memory_space<vmem>>, vector<16xf32>,
        %add3A_1786 = arith.addf %mul3A_1783, %get3A_1785 : vector<16xf32>
        %swap3A_1787 = arith.index_cast %scan3A_800 : i32 to index
        %swap3A_1788 = arith.constant 560 : index
        %swap3A_1789 = tpu.vector_load %arg14[%swap3A_1787, %swap3A_1788] {strides = array<i32>} : memref<32x768xf32, #tpu.memory_space<vmem>>, vector<16xf32>,
        tpu.vector_store %arg14[%swap3A_1787, %swap3A_1788], %add3A_1786 {strides = array<i32>} : memref<32x768xf32, #tpu.memory_space<vmem>>, vector<16xf32>,
        %mul3A_1790 = vector.broadcast %mul3A_1320 : f32 to vector<16xf32>
        %mul3A_1791 = arith.mulf %add3A_1170, %mul3A_1790 : vector<16xf32>
        %sub3A_1792 = vector.broadcast %mul3A_1321 : f32 to vector<16xf32>
        %sub3A_1793 = arith.subf %mul3A_1791, %sub3A_1792 : vector<16xf32>
        %get3A_1794 = arith.constant 576 : index
        %get3A_1795 = tpu.vector_load %arg17[%get3A_1794] {strides = array<i32>} : memref<768xf32, #tpu.memory_space<vmem>>, vector<16xf32>,
        %mul3A_1796 = arith.mulf %sub3A_1793, %get3A_1795 : vector<16xf32>
        %get3A_1797 = arith.constant 576 : index
        %get3A_1798 = tpu.vector_load %arg18[%get3A_1797] {strides = array<i32>} : memref<768xf32, #tpu.memory_space<vmem>>, vector<16xf32>,
        %add3A_1799 = arith.addf %mul3A_1796, %get3A_1798 : vector<16xf32>
        %swap3A_1800 = arith.index_cast %scan3A_800 : i32 to index
        %swap3A_1801 = arith.constant 576 : index
        %swap3A_1802 = tpu.vector_load %arg14[%swap3A_1800, %swap3A_1801] {strides = array<i32>} : memref<32x768xf32, #tpu.memory_space<vmem>>, vector<16xf32>,
        tpu.vector_store %arg14[%swap3A_1800, %swap3A_1801], %add3A_1799 {strides = array<i32>} : memref<32x768xf32, #tpu.memory_space<vmem>>, vector<16xf32>,
        %mul3A_1803 = vector.broadcast %mul3A_1320 : f32 to vector<16xf32>
        %mul3A_1804 = arith.mulf %add3A_1180, %mul3A_1803 : vector<16xf32>
        %sub3A_1805 = vector.broadcast %mul3A_1321 : f32 to vector<16xf32>
        %sub3A_1806 = arith.subf %mul3A_1804, %sub3A_1805 : vector<16xf32>
        %get3A_1807 = arith.constant 592 : index
        %get3A_1808 = tpu.vector_load %arg17[%get3A_1807] {strides = array<i32>} : memref<768xf32, #tpu.memory_space<vmem>>, vector<16xf32>,
        %mul3A_1809 = arith.mulf %sub3A_1806, %get3A_1808 : vector<16xf32>
        %get3A_1810 = arith.constant 592 : index
        %get3A_1811 = tpu.vector_load %arg18[%get3A_1810] {strides = array<i32>} : memref<768xf32, #tpu.memory_space<vmem>>, vector<16xf32>,
        %add3A_1812 = arith.addf %mul3A_1809, %get3A_1811 : vector<16xf32>
        %swap3A_1813 = arith.index_cast %scan3A_800 : i32 to index
        %swap3A_1814 = arith.constant 592 : index
        %swap3A_1815 = tpu.vector_load %arg14[%swap3A_1813, %swap3A_1814] {strides = array<i32>} : memref<32x768xf32, #tpu.memory_space<vmem>>, vector<16xf32>,
        tpu.vector_store %arg14[%swap3A_1813, %swap3A_1814], %add3A_1812 {strides = array<i32>} : memref<32x768xf32, #tpu.memory_space<vmem>>, vector<16xf32>,
        %mul3A_1816 = vector.broadcast %mul3A_1320 : f32 to vector<16xf32>
        %mul3A_1817 = arith.mulf %add3A_1190, %mul3A_1816 : vector<16xf32>
        %sub3A_1818 = vector.broadcast %mul3A_1321 : f32 to vector<16xf32>
        %sub3A_1819 = arith.subf %mul3A_1817, %sub3A_1818 : vector<16xf32>
        %get3A_1820 = arith.constant 608 : index
        %get3A_1821 = tpu.vector_load %arg17[%get3A_1820] {strides = array<i32>} : memref<768xf32, #tpu.memory_space<vmem>>, vector<16xf32>,
        %mul3A_1822 = arith.mulf %sub3A_1819, %get3A_1821 : vector<16xf32>
        %get3A_1823 = arith.constant 608 : index
        %get3A_1824 = tpu.vector_load %arg18[%get3A_1823] {strides = array<i32>} : memref<768xf32, #tpu.memory_space<vmem>>, vector<16xf32>,
        %add3A_1825 = arith.addf %mul3A_1822, %get3A_1824 : vector<16xf32>
        %swap3A_1826 = arith.index_cast %scan3A_800 : i32 to index
        %swap3A_1827 = arith.constant 608 : index
        %swap3A_1828 = tpu.vector_load %arg14[%swap3A_1826, %swap3A_1827] {strides = array<i32>} : memref<32x768xf32, #tpu.memory_space<vmem>>, vector<16xf32>,
        tpu.vector_store %arg14[%swap3A_1826, %swap3A_1827], %add3A_1825 {strides = array<i32>} : memref<32x768xf32, #tpu.memory_space<vmem>>, vector<16xf32>,
        %mul3A_1829 = vector.broadcast %mul3A_1320 : f32 to vector<16xf32>
        %mul3A_1830 = arith.mulf %add3A_1200, %mul3A_1829 : vector<16xf32>
        %sub3A_1831 = vector.broadcast %mul3A_1321 : f32 to vector<16xf32>
        %sub3A_1832 = arith.subf %mul3A_1830, %sub3A_1831 : vector<16xf32>
        %get3A_1833 = arith.constant 624 : index
        %get3A_1834 = tpu.vector_load %arg17[%get3A_1833] {strides = array<i32>} : memref<768xf32, #tpu.memory_space<vmem>>, vector<16xf32>,
        %mul3A_1835 = arith.mulf %sub3A_1832, %get3A_1834 : vector<16xf32>
        %get3A_1836 = arith.constant 624 : index
        %get3A_1837 = tpu.vector_load %arg18[%get3A_1836] {strides = array<i32>} : memref<768xf32, #tpu.memory_space<vmem>>, vector<16xf32>,
        %add3A_1838 = arith.addf %mul3A_1835, %get3A_1837 : vector<16xf32>
        %swap3A_1839 = arith.index_cast %scan3A_800 : i32 to index
        %swap3A_1840 = arith.constant 624 : index
        %swap3A_1841 = tpu.vector_load %arg14[%swap3A_1839, %swap3A_1840] {strides = array<i32>} : memref<32x768xf32, #tpu.memory_space<vmem>>, vector<16xf32>,
        tpu.vector_store %arg14[%swap3A_1839, %swap3A_1840], %add3A_1838 {strides = array<i32>} : memref<32x768xf32, #tpu.memory_space<vmem>>, vector<16xf32>,
        %mul3A_1842 = vector.broadcast %mul3A_1320 : f32 to vector<16xf32>
        %mul3A_1843 = arith.mulf %add3A_1210, %mul3A_1842 : vector<16xf32>
        %sub3A_1844 = vector.broadcast %mul3A_1321 : f32 to vector<16xf32>
        %sub3A_1845 = arith.subf %mul3A_1843, %sub3A_1844 : vector<16xf32>
        %get3A_1846 = arith.constant 640 : index
        %get3A_1847 = tpu.vector_load %arg17[%get3A_1846] {strides = array<i32>} : memref<768xf32, #tpu.memory_space<vmem>>, vector<16xf32>,
        %mul3A_1848 = arith.mulf %sub3A_1845, %get3A_1847 : vector<16xf32>
        %get3A_1849 = arith.constant 640 : index
        %get3A_1850 = tpu.vector_load %arg18[%get3A_1849] {strides = array<i32>} : memref<768xf32, #tpu.memory_space<vmem>>, vector<16xf32>,
        %add3A_1851 = arith.addf %mul3A_1848, %get3A_1850 : vector<16xf32>
        %swap3A_1852 = arith.index_cast %scan3A_800 : i32 to index
        %swap3A_1853 = arith.constant 640 : index
        %swap3A_1854 = tpu.vector_load %arg14[%swap3A_1852, %swap3A_1853] {strides = array<i32>} : memref<32x768xf32, #tpu.memory_space<vmem>>, vector<16xf32>,
        tpu.vector_store %arg14[%swap3A_1852, %swap3A_1853], %add3A_1851 {strides = array<i32>} : memref<32x768xf32, #tpu.memory_space<vmem>>, vector<16xf32>,
        %mul3A_1855 = vector.broadcast %mul3A_1320 : f32 to vector<16xf32>
        %mul3A_1856 = arith.mulf %add3A_1220, %mul3A_1855 : vector<16xf32>
        %sub3A_1857 = vector.broadcast %mul3A_1321 : f32 to vector<16xf32>
        %sub3A_1858 = arith.subf %mul3A_1856, %sub3A_1857 : vector<16xf32>
        %get3A_1859 = arith.constant 656 : index
        %get3A_1860 = tpu.vector_load %arg17[%get3A_1859] {strides = array<i32>} : memref<768xf32, #tpu.memory_space<vmem>>, vector<16xf32>,
        %mul3A_1861 = arith.mulf %sub3A_1858, %get3A_1860 : vector<16xf32>
        %get3A_1862 = arith.constant 656 : index
        %get3A_1863 = tpu.vector_load %arg18[%get3A_1862] {strides = array<i32>} : memref<768xf32, #tpu.memory_space<vmem>>, vector<16xf32>,
        %add3A_1864 = arith.addf %mul3A_1861, %get3A_1863 : vector<16xf32>
        %swap3A_1865 = arith.index_cast %scan3A_800 : i32 to index
        %swap3A_1866 = arith.constant 656 : index
        %swap3A_1867 = tpu.vector_load %arg14[%swap3A_1865, %swap3A_1866] {strides = array<i32>} : memref<32x768xf32, #tpu.memory_space<vmem>>, vector<16xf32>,
        tpu.vector_store %arg14[%swap3A_1865, %swap3A_1866], %add3A_1864 {strides = array<i32>} : memref<32x768xf32, #tpu.memory_space<vmem>>, vector<16xf32>,
        %mul3A_1868 = vector.broadcast %mul3A_1320 : f32 to vector<16xf32>
        %mul3A_1869 = arith.mulf %add3A_1230, %mul3A_1868 : vector<16xf32>
        %sub3A_1870 = vector.broadcast %mul3A_1321 : f32 to vector<16xf32>
        %sub3A_1871 = arith.subf %mul3A_1869, %sub3A_1870 : vector<16xf32>
        %get3A_1872 = arith.constant 672 : index
        %get3A_1873 = tpu.vector_load %arg17[%get3A_1872] {strides = array<i32>} : memref<768xf32, #tpu.memory_space<vmem>>, vector<16xf32>,
        %mul3A_1874 = arith.mulf %sub3A_1871, %get3A_1873 : vector<16xf32>
        %get3A_1875 = arith.constant 672 : index
        %get3A_1876 = tpu.vector_load %arg18[%get3A_1875] {strides = array<i32>} : memref<768xf32, #tpu.memory_space<vmem>>, vector<16xf32>,
        %add3A_1877 = arith.addf %mul3A_1874, %get3A_1876 : vector<16xf32>
        %swap3A_1878 = arith.index_cast %scan3A_800 : i32 to index
        %swap3A_1879 = arith.constant 672 : index
        %swap3A_1880 = tpu.vector_load %arg14[%swap3A_1878, %swap3A_1879] {strides = array<i32>} : memref<32x768xf32, #tpu.memory_space<vmem>>, vector<16xf32>,
        tpu.vector_store %arg14[%swap3A_1878, %swap3A_1879], %add3A_1877 {strides = array<i32>} : memref<32x768xf32, #tpu.memory_space<vmem>>, vector<16xf32>,
        %mul3A_1881 = vector.broadcast %mul3A_1320 : f32 to vector<16xf32>
        %mul3A_1882 = arith.mulf %add3A_1240, %mul3A_1881 : vector<16xf32>
        %sub3A_1883 = vector.broadcast %mul3A_1321 : f32 to vector<16xf32>
        %sub3A_1884 = arith.subf %mul3A_1882, %sub3A_1883 : vector<16xf32>
        %get3A_1885 = arith.constant 688 : index
        %get3A_1886 = tpu.vector_load %arg17[%get3A_1885] {strides = array<i32>} : memref<768xf32, #tpu.memory_space<vmem>>, vector<16xf32>,
        %mul3A_1887 = arith.mulf %sub3A_1884, %get3A_1886 : vector<16xf32>
        %get3A_1888 = arith.constant 688 : index
        %get3A_1889 = tpu.vector_load %arg18[%get3A_1888] {strides = array<i32>} : memref<768xf32, #tpu.memory_space<vmem>>, vector<16xf32>,
        %add3A_1890 = arith.addf %mul3A_1887, %get3A_1889 : vector<16xf32>
        %swap3A_1891 = arith.index_cast %scan3A_800 : i32 to index
        %swap3A_1892 = arith.constant 688 : index
        %swap3A_1893 = tpu.vector_load %arg14[%swap3A_1891, %swap3A_1892] {strides = array<i32>} : memref<32x768xf32, #tpu.memory_space<vmem>>, vector<16xf32>,
        tpu.vector_store %arg14[%swap3A_1891, %swap3A_1892], %add3A_1890 {strides = array<i32>} : memref<32x768xf32, #tpu.memory_space<vmem>>, vector<16xf32>,
        %mul3A_1894 = vector.broadcast %mul3A_1320 : f32 to vector<16xf32>
        %mul3A_1895 = arith.mulf %add3A_1250, %mul3A_1894 : vector<16xf32>
        %sub3A_1896 = vector.broadcast %mul3A_1321 : f32 to vector<16xf32>
        %sub3A_1897 = arith.subf %mul3A_1895, %sub3A_1896 : vector<16xf32>
        %get3A_1898 = arith.constant 704 : index
        %get3A_1899 = tpu.vector_load %arg17[%get3A_1898] {strides = array<i32>} : memref<768xf32, #tpu.memory_space<vmem>>, vector<16xf32>,
        %mul3A_1900 = arith.mulf %sub3A_1897, %get3A_1899 : vector<16xf32>
        %get3A_1901 = arith.constant 704 : index
        %get3A_1902 = tpu.vector_load %arg18[%get3A_1901] {strides = array<i32>} : memref<768xf32, #tpu.memory_space<vmem>>, vector<16xf32>,
        %add3A_1903 = arith.addf %mul3A_1900, %get3A_1902 : vector<16xf32>
        %swap3A_1904 = arith.index_cast %scan3A_800 : i32 to index
        %swap3A_1905 = arith.constant 704 : index
        %swap3A_1906 = tpu.vector_load %arg14[%swap3A_1904, %swap3A_1905] {strides = array<i32>} : memref<32x768xf32, #tpu.memory_space<vmem>>, vector<16xf32>,
        tpu.vector_store %arg14[%swap3A_1904, %swap3A_1905], %add3A_1903 {strides = array<i32>} : memref<32x768xf32, #tpu.memory_space<vmem>>, vector<16xf32>,
        %mul3A_1907 = vector.broadcast %mul3A_1320 : f32 to vector<16xf32>
        %mul3A_1908 = arith.mulf %add3A_1260, %mul3A_1907 : vector<16xf32>
        %sub3A_1909 = vector.broadcast %mul3A_1321 : f32 to vector<16xf32>
        %sub3A_1910 = arith.subf %mul3A_1908, %sub3A_1909 : vector<16xf32>
        %get3A_1911 = arith.constant 720 : index
        %get3A_1912 = tpu.vector_load %arg17[%get3A_1911] {strides = array<i32>} : memref<768xf32, #tpu.memory_space<vmem>>, vector<16xf32>,
        %mul3A_1913 = arith.mulf %sub3A_1910, %get3A_1912 : vector<16xf32>
        %get3A_1914 = arith.constant 720 : index
        %get3A_1915 = tpu.vector_load %arg18[%get3A_1914] {strides = array<i32>} : memref<768xf32, #tpu.memory_space<vmem>>, vector<16xf32>,
        %add3A_1916 = arith.addf %mul3A_1913, %get3A_1915 : vector<16xf32>
        %swap3A_1917 = arith.index_cast %scan3A_800 : i32 to index
        %swap3A_1918 = arith.constant 720 : index
        %swap3A_1919 = tpu.vector_load %arg14[%swap3A_1917, %swap3A_1918] {strides = array<i32>} : memref<32x768xf32, #tpu.memory_space<vmem>>, vector<16xf32>,
        tpu.vector_store %arg14[%swap3A_1917, %swap3A_1918], %add3A_1916 {strides = array<i32>} : memref<32x768xf32, #tpu.memory_space<vmem>>, vector<16xf32>,
        %mul3A_1920 = vector.broadcast %mul3A_1320 : f32 to vector<16xf32>
        %mul3A_1921 = arith.mulf %add3A_1270, %mul3A_1920 : vector<16xf32>
        %sub3A_1922 = vector.broadcast %mul3A_1321 : f32 to vector<16xf32>
        %sub3A_1923 = arith.subf %mul3A_1921, %sub3A_1922 : vector<16xf32>
        %get3A_1924 = arith.constant 736 : index
        %get3A_1925 = tpu.vector_load %arg17[%get3A_1924] {strides = array<i32>} : memref<768xf32, #tpu.memory_space<vmem>>, vector<16xf32>,
        %mul3A_1926 = arith.mulf %sub3A_1923, %get3A_1925 : vector<16xf32>
        %get3A_1927 = arith.constant 736 : index
        %get3A_1928 = tpu.vector_load %arg18[%get3A_1927] {strides = array<i32>} : memref<768xf32, #tpu.memory_space<vmem>>, vector<16xf32>,
        %add3A_1929 = arith.addf %mul3A_1926, %get3A_1928 : vector<16xf32>
        %swap3A_1930 = arith.index_cast %scan3A_800 : i32 to index
        %swap3A_1931 = arith.constant 736 : index
        %swap3A_1932 = tpu.vector_load %arg14[%swap3A_1930, %swap3A_1931] {strides = array<i32>} : memref<32x768xf32, #tpu.memory_space<vmem>>, vector<16xf32>,
        tpu.vector_store %arg14[%swap3A_1930, %swap3A_1931], %add3A_1929 {strides = array<i32>} : memref<32x768xf32, #tpu.memory_space<vmem>>, vector<16xf32>,
        %mul3A_1933 = vector.broadcast %mul3A_1320 : f32 to vector<16xf32>
        %mul3A_1934 = arith.mulf %add3A_1280, %mul3A_1933 : vector<16xf32>
        %sub3A_1935 = vector.broadcast %mul3A_1321 : f32 to vector<16xf32>
        %sub3A_1936 = arith.subf %mul3A_1934, %sub3A_1935 : vector<16xf32>
        %get3A_1937 = arith.constant 752 : index
        %get3A_1938 = tpu.vector_load %arg17[%get3A_1937] {strides = array<i32>} : memref<768xf32, #tpu.memory_space<vmem>>, vector<16xf32>,
        %mul3A_1939 = arith.mulf %sub3A_1936, %get3A_1938 : vector<16xf32>
        %get3A_1940 = arith.constant 752 : index
        %get3A_1941 = tpu.vector_load %arg18[%get3A_1940] {strides = array<i32>} : memref<768xf32, #tpu.memory_space<vmem>>, vector<16xf32>,
        %add3A_1942 = arith.addf %mul3A_1939, %get3A_1941 : vector<16xf32>
        %swap3A_1943 = arith.index_cast %scan3A_800 : i32 to index
        %swap3A_1944 = arith.constant 752 : index
        %swap3A_1945 = tpu.vector_load %arg14[%swap3A_1943, %swap3A_1944] {strides = array<i32>} : memref<32x768xf32, #tpu.memory_space<vmem>>, vector<16xf32>,
        tpu.vector_store %arg14[%swap3A_1943, %swap3A_1944], %add3A_1942 {strides = array<i32>} : memref<32x768xf32, #tpu.memory_space<vmem>>, vector<16xf32>,
      }
      %scan3A_792 = arith.constant 32 : i32
      %mul3A_793 = arith.constant 32 : i32
      %mul3A_794 = arith.muli %add3A_730, %mul3A_793 : i32
      %add3A_795 = arith.addi %mul3A_3, %mul3A_794 : i32
      %dma_start3A_796 = arith.constant 0 : i32
      %dma_start3A_797 = tpu.memref_slice %arg9[%add3A_795, %dma_start3A_796] : memref<32768x768xf32, #tpu.memory_space<hbm>> -> memref<32x768xf32, #tpu.memory_space<hbm>>
      %dma_start3A_798 = arith.constant 0 : i32
      %dma_start3A_799 = tpu.memref_slice %arg9[%add3A_795, %dma_start3A_798] : memref<32768x768xf32, #tpu.memory_space<hbm>> -> memref<32x768xf32, #tpu.memory_space<hbm>>
      tpu.enqueue_dma source(%arg14 : memref<32x768xf32, #tpu.memory_space<vmem>>) target(%dma_start3A_799 : memref<32x768xf32, #tpu.memory_space<hbm>>) target_semaphore(%arg22 : memref<!tpu.dma_semaphore, #tpu.memory_space<semaphore_mem>>)
    }
    %scan3A_720 = arith.constant 16 : i32
    %add3A_721 = arith.constant 992 : i32
    %add3A_722 = arith.addi %mul3A_3, %add3A_721 : i32
    %dma_wait3A = arith.constant 0 : i32
    %dma_wait3A_723 = tpu.memref_slice %arg9[%add3A_722, %dma_wait3A] : memref<32768x768xf32, #tpu.memory_space<hbm>> -> memref<32x768xf32, #tpu.memory_space<hbm>>
    %dma_wait3A_724 = arith.constant 0 : i32
    %dma_wait3A_725 = tpu.memref_slice %arg9[%add3A_722, %dma_wait3A_724] : memref<32768x768xf32, #tpu.memory_space<hbm>> -> memref<32x768xf32, #tpu.memory_space<hbm>>
    tpu.wait_dma2 semaphore(%arg22 : memref<!tpu.dma_semaphore, #tpu.memory_space<semaphore_mem>>) src(%arg14 : memref<32x768xf32, #tpu.memory_space<vmem>>) dst(%dma_wait3A_725 : memref<32x768xf32, #tpu.memory_space<hbm>>)
    return
  }
}

#map = affine_map<(d0, d1) -> (0)>
#map1 = affine_map<(d0, d1) -> (0, 0)>
module attributes {stable_mosaic.version = 14 : i64} {
  func.func @pt_kernel(%arg0: i32, %arg1: i32, %arg2: memref<1536xf32, #tpu.memory_space<hbm>>, %arg3: memref<512x768xf32, #tpu.memory_space<hbm>>, %arg4: memref<1024x768xf32, #tpu.memory_space<hbm>>, %arg5: memref<32x768xf32, #tpu.memory_space<vmem>>, %arg6: memref<1536xf32, #tpu.memory_space<vmem>>) attributes {dimension_semantics = [#tpu.dimension_semantics<core_parallel>, #tpu.dimension_semantics<subcore_parallel>], iteration_bounds = array<i64: 2, 16>, scalar_prefetch = 0 : i64, scratch_operands = 2 : i64, tpu.core_type = #tpu.core_type<sc_vector_subcore>, window_params = [{transform_indices = #map}, {transform_indices = #map1}, {transform_indices = #map1}]} {
    %mul3A = arith.constant 2 : i32
    %mul3A_0 = arith.muli %arg1, %mul3A : i32
    %add3A = arith.addi %mul3A_0, %arg0 : i32
    %mul3A_1 = arith.constant 32 : i32
    %mul3A_2 = arith.muli %add3A, %mul3A_1 : i32
    %rem3A = arith.constant 512 : i32
    %rem3A_3 = arith.remsi %mul3A_2, %rem3A : i32
    %jit3A = arith.constant 512 : i32
    %div3A = arith.divsi %mul3A_2, %jit3A : i32
    %sign3A = arith.constant 0 : i32
    %sign3A_4 = arith.cmpi sgt, %mul3A_2, %sign3A : i32
    %sign3A_5 = arith.extui %sign3A_4 : i1 to i32
    %sign3A_6 = arith.constant 0 : i32
    %sign3A_7 = arith.cmpi slt, %mul3A_2, %sign3A_6 : i32
    %sign3A_8 = arith.extui %sign3A_7 : i1 to i32
    %sign3A_9 = arith.subi %sign3A_5, %sign3A_8 : i32
    %sign3A_10 = arith.constant 0 : i32
    %sign3A_11 = arith.cmpi sgt, %jit3A, %sign3A_10 : i32
    %sign3A_12 = arith.extui %sign3A_11 : i1 to i32
    %sign3A_13 = arith.constant 0 : i32
    %sign3A_14 = arith.cmpi slt, %jit3A, %sign3A_13 : i32
    %sign3A_15 = arith.extui %sign3A_14 : i1 to i32
    %sign3A_16 = arith.subi %sign3A_12, %sign3A_15 : i32
    %ne3A = arith.cmpi ne, %sign3A_9, %sign3A_16 : i32
    %rem3A_17 = arith.remsi %mul3A_2, %jit3A : i32
    %ne3A_18 = arith.constant 0 : i32
    %ne3A_19 = arith.cmpi ne, %rem3A_17, %ne3A_18 : i32
    %and3A = arith.andi %ne3A, %ne3A_19 : i1
    %sub3A = arith.constant 1 : i32
    %sub3A_20 = arith.subi %div3A, %sub3A : i32
    %select_n3A = arith.select %and3A, %sub3A_20, %div3A : i32
    "tpu.region"() ({
      %run_scoped3A = tpu.sem_alloc : memref<!tpu.dma_semaphore, #tpu.memory_space<semaphore_mem>>
      %dma_start3A = arith.constant 0 : i32
      %dma_start3A_26 = tpu.memref_slice %arg3[%rem3A_3, %dma_start3A] : memref<512x768xf32, #tpu.memory_space<hbm>> -> memref<32x768xf32, #tpu.memory_space<hbm>>
      %dma_start3A_27 = arith.constant 0 : i32
      %dma_start3A_28 = tpu.memref_slice %arg3[%rem3A_3, %dma_start3A_27] : memref<512x768xf32, #tpu.memory_space<hbm>> -> memref<32x768xf32, #tpu.memory_space<hbm>>
      tpu.enqueue_dma source(%dma_start3A_28 : memref<32x768xf32, #tpu.memory_space<hbm>>) target(%arg5 : memref<32x768xf32, #tpu.memory_space<vmem>>) target_semaphore(%run_scoped3A : memref<!tpu.dma_semaphore, #tpu.memory_space<semaphore_mem>>)
      %dma_wait3A = arith.constant 0 : i32
      %dma_wait3A_29 = tpu.memref_slice %arg3[%rem3A_3, %dma_wait3A] : memref<512x768xf32, #tpu.memory_space<hbm>> -> memref<32x768xf32, #tpu.memory_space<hbm>>
      %dma_wait3A_30 = arith.constant 0 : i32
      %dma_wait3A_31 = tpu.memref_slice %arg3[%rem3A_3, %dma_wait3A_30] : memref<512x768xf32, #tpu.memory_space<hbm>> -> memref<32x768xf32, #tpu.memory_space<hbm>>
      tpu.wait_dma2 semaphore(%run_scoped3A : memref<!tpu.dma_semaphore, #tpu.memory_space<semaphore_mem>>) src(%dma_wait3A_31 : memref<32x768xf32, #tpu.memory_space<hbm>>) dst(%arg5 : memref<32x768xf32, #tpu.memory_space<vmem>>)
      tpu.yield
    }) : () -> ()
    "tpu.region"() ({
      %run_scoped3A = tpu.sem_alloc : memref<!tpu.dma_semaphore, #tpu.memory_space<semaphore_mem>>
      tpu.enqueue_dma source(%arg2 : memref<1536xf32, #tpu.memory_space<hbm>>) target(%arg6 : memref<1536xf32, #tpu.memory_space<vmem>>) target_semaphore(%run_scoped3A : memref<!tpu.dma_semaphore, #tpu.memory_space<semaphore_mem>>)
      tpu.wait_dma2 semaphore(%run_scoped3A : memref<!tpu.dma_semaphore, #tpu.memory_space<semaphore_mem>>) src(%arg2 : memref<1536xf32, #tpu.memory_space<hbm>>) dst(%arg6 : memref<1536xf32, #tpu.memory_space<vmem>>)
      tpu.yield
    }) : () -> ()
    %scan3A = arith.constant 0 : i32
    %scan3A_21 = arith.constant 0 : i32
    %scan3A_22 = arith.constant 32 : i32
    %scan3A_23 = arith.addi %scan3A_21, %scan3A_22 : i32
    %scan3A_24 = arith.constant 1 : i32
    scf.for %scan3A_26 = %scan3A_21 to %scan3A_23 step %scan3A_24  : i32 {
      %mul3A_27 = arith.constant 768 : i32
      %mul3A_28 = arith.muli %select_n3A, %mul3A_27 : i32
      %add3A_29 = arith.constant 0 : i32
      %add3A_30 = arith.addi %mul3A_28, %add3A_29 : i32
      %get3A = arith.index_cast %add3A_30 : i32 to index
      %get3A_31 = tpu.vector_load %arg6[%get3A] {strides = array<i32>} : memref<1536xf32, #tpu.memory_space<vmem>>, vector<16xf32>,
      %get3A_32 = arith.index_cast %scan3A_26 : i32 to index
      %get3A_33 = arith.constant 0 : index
      %get3A_34 = tpu.vector_load %arg5[%get3A_32, %get3A_33] {strides = array<i32>} : memref<32x768xf32, #tpu.memory_space<vmem>>, vector<16xf32>,
      %add3A_35 = arith.addf %get3A_34, %get3A_31 : vector<16xf32>
      %swap3A = arith.index_cast %scan3A_26 : i32 to index
      %swap3A_36 = arith.constant 0 : index
      %swap3A_37 = tpu.vector_load %arg5[%swap3A, %swap3A_36] {strides = array<i32>} : memref<32x768xf32, #tpu.memory_space<vmem>>, vector<16xf32>,
      tpu.vector_store %arg5[%swap3A, %swap3A_36], %add3A_35 {strides = array<i32>} : memref<32x768xf32, #tpu.memory_space<vmem>>, vector<16xf32>,
      %mul3A_38 = arith.constant 768 : i32
      %mul3A_39 = arith.muli %select_n3A, %mul3A_38 : i32
      %add3A_40 = arith.constant 16 : i32
      %add3A_41 = arith.addi %mul3A_39, %add3A_40 : i32
      %get3A_42 = arith.index_cast %add3A_41 : i32 to index
      %get3A_43 = tpu.vector_load %arg6[%get3A_42] {strides = array<i32>} : memref<1536xf32, #tpu.memory_space<vmem>>, vector<16xf32>,
      %get3A_44 = arith.index_cast %scan3A_26 : i32 to index
      %get3A_45 = arith.constant 16 : index
      %get3A_46 = tpu.vector_load %arg5[%get3A_44, %get3A_45] {strides = array<i32>} : memref<32x768xf32, #tpu.memory_space<vmem>>, vector<16xf32>,
      %add3A_47 = arith.addf %get3A_46, %get3A_43 : vector<16xf32>
      %swap3A_48 = arith.index_cast %scan3A_26 : i32 to index
      %swap3A_49 = arith.constant 16 : index
      %swap3A_50 = tpu.vector_load %arg5[%swap3A_48, %swap3A_49] {strides = array<i32>} : memref<32x768xf32, #tpu.memory_space<vmem>>, vector<16xf32>,
      tpu.vector_store %arg5[%swap3A_48, %swap3A_49], %add3A_47 {strides = array<i32>} : memref<32x768xf32, #tpu.memory_space<vmem>>, vector<16xf32>,
      %mul3A_51 = arith.constant 768 : i32
      %mul3A_52 = arith.muli %select_n3A, %mul3A_51 : i32
      %add3A_53 = arith.constant 32 : i32
      %add3A_54 = arith.addi %mul3A_52, %add3A_53 : i32
      %get3A_55 = arith.index_cast %add3A_54 : i32 to index
      %get3A_56 = tpu.vector_load %arg6[%get3A_55] {strides = array<i32>} : memref<1536xf32, #tpu.memory_space<vmem>>, vector<16xf32>,
      %get3A_57 = arith.index_cast %scan3A_26 : i32 to index
      %get3A_58 = arith.constant 32 : index
      %get3A_59 = tpu.vector_load %arg5[%get3A_57, %get3A_58] {strides = array<i32>} : memref<32x768xf32, #tpu.memory_space<vmem>>, vector<16xf32>,
      %add3A_60 = arith.addf %get3A_59, %get3A_56 : vector<16xf32>
      %swap3A_61 = arith.index_cast %scan3A_26 : i32 to index
      %swap3A_62 = arith.constant 32 : index
      %swap3A_63 = tpu.vector_load %arg5[%swap3A_61, %swap3A_62] {strides = array<i32>} : memref<32x768xf32, #tpu.memory_space<vmem>>, vector<16xf32>,
      tpu.vector_store %arg5[%swap3A_61, %swap3A_62], %add3A_60 {strides = array<i32>} : memref<32x768xf32, #tpu.memory_space<vmem>>, vector<16xf32>,
      %mul3A_64 = arith.constant 768 : i32
      %mul3A_65 = arith.muli %select_n3A, %mul3A_64 : i32
      %add3A_66 = arith.constant 48 : i32
      %add3A_67 = arith.addi %mul3A_65, %add3A_66 : i32
      %get3A_68 = arith.index_cast %add3A_67 : i32 to index
      %get3A_69 = tpu.vector_load %arg6[%get3A_68] {strides = array<i32>} : memref<1536xf32, #tpu.memory_space<vmem>>, vector<16xf32>,
      %get3A_70 = arith.index_cast %scan3A_26 : i32 to index
      %get3A_71 = arith.constant 48 : index
      %get3A_72 = tpu.vector_load %arg5[%get3A_70, %get3A_71] {strides = array<i32>} : memref<32x768xf32, #tpu.memory_space<vmem>>, vector<16xf32>,
      %add3A_73 = arith.addf %get3A_72, %get3A_69 : vector<16xf32>
      %swap3A_74 = arith.index_cast %scan3A_26 : i32 to index
      %swap3A_75 = arith.constant 48 : index
      %swap3A_76 = tpu.vector_load %arg5[%swap3A_74, %swap3A_75] {strides = array<i32>} : memref<32x768xf32, #tpu.memory_space<vmem>>, vector<16xf32>,
      tpu.vector_store %arg5[%swap3A_74, %swap3A_75], %add3A_73 {strides = array<i32>} : memref<32x768xf32, #tpu.memory_space<vmem>>, vector<16xf32>,
      %mul3A_77 = arith.constant 768 : i32
      %mul3A_78 = arith.muli %select_n3A, %mul3A_77 : i32
      %add3A_79 = arith.constant 64 : i32
      %add3A_80 = arith.addi %mul3A_78, %add3A_79 : i32
      %get3A_81 = arith.index_cast %add3A_80 : i32 to index
      %get3A_82 = tpu.vector_load %arg6[%get3A_81] {strides = array<i32>} : memref<1536xf32, #tpu.memory_space<vmem>>, vector<16xf32>,
      %get3A_83 = arith.index_cast %scan3A_26 : i32 to index
      %get3A_84 = arith.constant 64 : index
      %get3A_85 = tpu.vector_load %arg5[%get3A_83, %get3A_84] {strides = array<i32>} : memref<32x768xf32, #tpu.memory_space<vmem>>, vector<16xf32>,
      %add3A_86 = arith.addf %get3A_85, %get3A_82 : vector<16xf32>
      %swap3A_87 = arith.index_cast %scan3A_26 : i32 to index
      %swap3A_88 = arith.constant 64 : index
      %swap3A_89 = tpu.vector_load %arg5[%swap3A_87, %swap3A_88] {strides = array<i32>} : memref<32x768xf32, #tpu.memory_space<vmem>>, vector<16xf32>,
      tpu.vector_store %arg5[%swap3A_87, %swap3A_88], %add3A_86 {strides = array<i32>} : memref<32x768xf32, #tpu.memory_space<vmem>>, vector<16xf32>,
      %mul3A_90 = arith.constant 768 : i32
      %mul3A_91 = arith.muli %select_n3A, %mul3A_90 : i32
      %add3A_92 = arith.constant 80 : i32
      %add3A_93 = arith.addi %mul3A_91, %add3A_92 : i32
      %get3A_94 = arith.index_cast %add3A_93 : i32 to index
      %get3A_95 = tpu.vector_load %arg6[%get3A_94] {strides = array<i32>} : memref<1536xf32, #tpu.memory_space<vmem>>, vector<16xf32>,
      %get3A_96 = arith.index_cast %scan3A_26 : i32 to index
      %get3A_97 = arith.constant 80 : index
      %get3A_98 = tpu.vector_load %arg5[%get3A_96, %get3A_97] {strides = array<i32>} : memref<32x768xf32, #tpu.memory_space<vmem>>, vector<16xf32>,
      %add3A_99 = arith.addf %get3A_98, %get3A_95 : vector<16xf32>
      %swap3A_100 = arith.index_cast %scan3A_26 : i32 to index
      %swap3A_101 = arith.constant 80 : index
      %swap3A_102 = tpu.vector_load %arg5[%swap3A_100, %swap3A_101] {strides = array<i32>} : memref<32x768xf32, #tpu.memory_space<vmem>>, vector<16xf32>,
      tpu.vector_store %arg5[%swap3A_100, %swap3A_101], %add3A_99 {strides = array<i32>} : memref<32x768xf32, #tpu.memory_space<vmem>>, vector<16xf32>,
      %mul3A_103 = arith.constant 768 : i32
      %mul3A_104 = arith.muli %select_n3A, %mul3A_103 : i32
      %add3A_105 = arith.constant 96 : i32
      %add3A_106 = arith.addi %mul3A_104, %add3A_105 : i32
      %get3A_107 = arith.index_cast %add3A_106 : i32 to index
      %get3A_108 = tpu.vector_load %arg6[%get3A_107] {strides = array<i32>} : memref<1536xf32, #tpu.memory_space<vmem>>, vector<16xf32>,
      %get3A_109 = arith.index_cast %scan3A_26 : i32 to index
      %get3A_110 = arith.constant 96 : index
      %get3A_111 = tpu.vector_load %arg5[%get3A_109, %get3A_110] {strides = array<i32>} : memref<32x768xf32, #tpu.memory_space<vmem>>, vector<16xf32>,
      %add3A_112 = arith.addf %get3A_111, %get3A_108 : vector<16xf32>
      %swap3A_113 = arith.index_cast %scan3A_26 : i32 to index
      %swap3A_114 = arith.constant 96 : index
      %swap3A_115 = tpu.vector_load %arg5[%swap3A_113, %swap3A_114] {strides = array<i32>} : memref<32x768xf32, #tpu.memory_space<vmem>>, vector<16xf32>,
      tpu.vector_store %arg5[%swap3A_113, %swap3A_114], %add3A_112 {strides = array<i32>} : memref<32x768xf32, #tpu.memory_space<vmem>>, vector<16xf32>,
      %mul3A_116 = arith.constant 768 : i32
      %mul3A_117 = arith.muli %select_n3A, %mul3A_116 : i32
      %add3A_118 = arith.constant 112 : i32
      %add3A_119 = arith.addi %mul3A_117, %add3A_118 : i32
      %get3A_120 = arith.index_cast %add3A_119 : i32 to index
      %get3A_121 = tpu.vector_load %arg6[%get3A_120] {strides = array<i32>} : memref<1536xf32, #tpu.memory_space<vmem>>, vector<16xf32>,
      %get3A_122 = arith.index_cast %scan3A_26 : i32 to index
      %get3A_123 = arith.constant 112 : index
      %get3A_124 = tpu.vector_load %arg5[%get3A_122, %get3A_123] {strides = array<i32>} : memref<32x768xf32, #tpu.memory_space<vmem>>, vector<16xf32>,
      %add3A_125 = arith.addf %get3A_124, %get3A_121 : vector<16xf32>
      %swap3A_126 = arith.index_cast %scan3A_26 : i32 to index
      %swap3A_127 = arith.constant 112 : index
      %swap3A_128 = tpu.vector_load %arg5[%swap3A_126, %swap3A_127] {strides = array<i32>} : memref<32x768xf32, #tpu.memory_space<vmem>>, vector<16xf32>,
      tpu.vector_store %arg5[%swap3A_126, %swap3A_127], %add3A_125 {strides = array<i32>} : memref<32x768xf32, #tpu.memory_space<vmem>>, vector<16xf32>,
      %mul3A_129 = arith.constant 768 : i32
      %mul3A_130 = arith.muli %select_n3A, %mul3A_129 : i32
      %add3A_131 = arith.constant 128 : i32
      %add3A_132 = arith.addi %mul3A_130, %add3A_131 : i32
      %get3A_133 = arith.index_cast %add3A_132 : i32 to index
      %get3A_134 = tpu.vector_load %arg6[%get3A_133] {strides = array<i32>} : memref<1536xf32, #tpu.memory_space<vmem>>, vector<16xf32>,
      %get3A_135 = arith.index_cast %scan3A_26 : i32 to index
      %get3A_136 = arith.constant 128 : index
      %get3A_137 = tpu.vector_load %arg5[%get3A_135, %get3A_136] {strides = array<i32>} : memref<32x768xf32, #tpu.memory_space<vmem>>, vector<16xf32>,
      %add3A_138 = arith.addf %get3A_137, %get3A_134 : vector<16xf32>
      %swap3A_139 = arith.index_cast %scan3A_26 : i32 to index
      %swap3A_140 = arith.constant 128 : index
      %swap3A_141 = tpu.vector_load %arg5[%swap3A_139, %swap3A_140] {strides = array<i32>} : memref<32x768xf32, #tpu.memory_space<vmem>>, vector<16xf32>,
      tpu.vector_store %arg5[%swap3A_139, %swap3A_140], %add3A_138 {strides = array<i32>} : memref<32x768xf32, #tpu.memory_space<vmem>>, vector<16xf32>,
      %mul3A_142 = arith.constant 768 : i32
      %mul3A_143 = arith.muli %select_n3A, %mul3A_142 : i32
      %add3A_144 = arith.constant 144 : i32
      %add3A_145 = arith.addi %mul3A_143, %add3A_144 : i32
      %get3A_146 = arith.index_cast %add3A_145 : i32 to index
      %get3A_147 = tpu.vector_load %arg6[%get3A_146] {strides = array<i32>} : memref<1536xf32, #tpu.memory_space<vmem>>, vector<16xf32>,
      %get3A_148 = arith.index_cast %scan3A_26 : i32 to index
      %get3A_149 = arith.constant 144 : index
      %get3A_150 = tpu.vector_load %arg5[%get3A_148, %get3A_149] {strides = array<i32>} : memref<32x768xf32, #tpu.memory_space<vmem>>, vector<16xf32>,
      %add3A_151 = arith.addf %get3A_150, %get3A_147 : vector<16xf32>
      %swap3A_152 = arith.index_cast %scan3A_26 : i32 to index
      %swap3A_153 = arith.constant 144 : index
      %swap3A_154 = tpu.vector_load %arg5[%swap3A_152, %swap3A_153] {strides = array<i32>} : memref<32x768xf32, #tpu.memory_space<vmem>>, vector<16xf32>,
      tpu.vector_store %arg5[%swap3A_152, %swap3A_153], %add3A_151 {strides = array<i32>} : memref<32x768xf32, #tpu.memory_space<vmem>>, vector<16xf32>,
      %mul3A_155 = arith.constant 768 : i32
      %mul3A_156 = arith.muli %select_n3A, %mul3A_155 : i32
      %add3A_157 = arith.constant 160 : i32
      %add3A_158 = arith.addi %mul3A_156, %add3A_157 : i32
      %get3A_159 = arith.index_cast %add3A_158 : i32 to index
      %get3A_160 = tpu.vector_load %arg6[%get3A_159] {strides = array<i32>} : memref<1536xf32, #tpu.memory_space<vmem>>, vector<16xf32>,
      %get3A_161 = arith.index_cast %scan3A_26 : i32 to index
      %get3A_162 = arith.constant 160 : index
      %get3A_163 = tpu.vector_load %arg5[%get3A_161, %get3A_162] {strides = array<i32>} : memref<32x768xf32, #tpu.memory_space<vmem>>, vector<16xf32>,
      %add3A_164 = arith.addf %get3A_163, %get3A_160 : vector<16xf32>
      %swap3A_165 = arith.index_cast %scan3A_26 : i32 to index
      %swap3A_166 = arith.constant 160 : index
      %swap3A_167 = tpu.vector_load %arg5[%swap3A_165, %swap3A_166] {strides = array<i32>} : memref<32x768xf32, #tpu.memory_space<vmem>>, vector<16xf32>,
      tpu.vector_store %arg5[%swap3A_165, %swap3A_166], %add3A_164 {strides = array<i32>} : memref<32x768xf32, #tpu.memory_space<vmem>>, vector<16xf32>,
      %mul3A_168 = arith.constant 768 : i32
      %mul3A_169 = arith.muli %select_n3A, %mul3A_168 : i32
      %add3A_170 = arith.constant 176 : i32
      %add3A_171 = arith.addi %mul3A_169, %add3A_170 : i32
      %get3A_172 = arith.index_cast %add3A_171 : i32 to index
      %get3A_173 = tpu.vector_load %arg6[%get3A_172] {strides = array<i32>} : memref<1536xf32, #tpu.memory_space<vmem>>, vector<16xf32>,
      %get3A_174 = arith.index_cast %scan3A_26 : i32 to index
      %get3A_175 = arith.constant 176 : index
      %get3A_176 = tpu.vector_load %arg5[%get3A_174, %get3A_175] {strides = array<i32>} : memref<32x768xf32, #tpu.memory_space<vmem>>, vector<16xf32>,
      %add3A_177 = arith.addf %get3A_176, %get3A_173 : vector<16xf32>
      %swap3A_178 = arith.index_cast %scan3A_26 : i32 to index
      %swap3A_179 = arith.constant 176 : index
      %swap3A_180 = tpu.vector_load %arg5[%swap3A_178, %swap3A_179] {strides = array<i32>} : memref<32x768xf32, #tpu.memory_space<vmem>>, vector<16xf32>,
      tpu.vector_store %arg5[%swap3A_178, %swap3A_179], %add3A_177 {strides = array<i32>} : memref<32x768xf32, #tpu.memory_space<vmem>>, vector<16xf32>,
      %mul3A_181 = arith.constant 768 : i32
      %mul3A_182 = arith.muli %select_n3A, %mul3A_181 : i32
      %add3A_183 = arith.constant 192 : i32
      %add3A_184 = arith.addi %mul3A_182, %add3A_183 : i32
      %get3A_185 = arith.index_cast %add3A_184 : i32 to index
      %get3A_186 = tpu.vector_load %arg6[%get3A_185] {strides = array<i32>} : memref<1536xf32, #tpu.memory_space<vmem>>, vector<16xf32>,
      %get3A_187 = arith.index_cast %scan3A_26 : i32 to index
      %get3A_188 = arith.constant 192 : index
      %get3A_189 = tpu.vector_load %arg5[%get3A_187, %get3A_188] {strides = array<i32>} : memref<32x768xf32, #tpu.memory_space<vmem>>, vector<16xf32>,
      %add3A_190 = arith.addf %get3A_189, %get3A_186 : vector<16xf32>
      %swap3A_191 = arith.index_cast %scan3A_26 : i32 to index
      %swap3A_192 = arith.constant 192 : index
      %swap3A_193 = tpu.vector_load %arg5[%swap3A_191, %swap3A_192] {strides = array<i32>} : memref<32x768xf32, #tpu.memory_space<vmem>>, vector<16xf32>,
      tpu.vector_store %arg5[%swap3A_191, %swap3A_192], %add3A_190 {strides = array<i32>} : memref<32x768xf32, #tpu.memory_space<vmem>>, vector<16xf32>,
      %mul3A_194 = arith.constant 768 : i32
      %mul3A_195 = arith.muli %select_n3A, %mul3A_194 : i32
      %add3A_196 = arith.constant 208 : i32
      %add3A_197 = arith.addi %mul3A_195, %add3A_196 : i32
      %get3A_198 = arith.index_cast %add3A_197 : i32 to index
      %get3A_199 = tpu.vector_load %arg6[%get3A_198] {strides = array<i32>} : memref<1536xf32, #tpu.memory_space<vmem>>, vector<16xf32>,
      %get3A_200 = arith.index_cast %scan3A_26 : i32 to index
      %get3A_201 = arith.constant 208 : index
      %get3A_202 = tpu.vector_load %arg5[%get3A_200, %get3A_201] {strides = array<i32>} : memref<32x768xf32, #tpu.memory_space<vmem>>, vector<16xf32>,
      %add3A_203 = arith.addf %get3A_202, %get3A_199 : vector<16xf32>
      %swap3A_204 = arith.index_cast %scan3A_26 : i32 to index
      %swap3A_205 = arith.constant 208 : index
      %swap3A_206 = tpu.vector_load %arg5[%swap3A_204, %swap3A_205] {strides = array<i32>} : memref<32x768xf32, #tpu.memory_space<vmem>>, vector<16xf32>,
      tpu.vector_store %arg5[%swap3A_204, %swap3A_205], %add3A_203 {strides = array<i32>} : memref<32x768xf32, #tpu.memory_space<vmem>>, vector<16xf32>,
      %mul3A_207 = arith.constant 768 : i32
      %mul3A_208 = arith.muli %select_n3A, %mul3A_207 : i32
      %add3A_209 = arith.constant 224 : i32
      %add3A_210 = arith.addi %mul3A_208, %add3A_209 : i32
      %get3A_211 = arith.index_cast %add3A_210 : i32 to index
      %get3A_212 = tpu.vector_load %arg6[%get3A_211] {strides = array<i32>} : memref<1536xf32, #tpu.memory_space<vmem>>, vector<16xf32>,
      %get3A_213 = arith.index_cast %scan3A_26 : i32 to index
      %get3A_214 = arith.constant 224 : index
      %get3A_215 = tpu.vector_load %arg5[%get3A_213, %get3A_214] {strides = array<i32>} : memref<32x768xf32, #tpu.memory_space<vmem>>, vector<16xf32>,
      %add3A_216 = arith.addf %get3A_215, %get3A_212 : vector<16xf32>
      %swap3A_217 = arith.index_cast %scan3A_26 : i32 to index
      %swap3A_218 = arith.constant 224 : index
      %swap3A_219 = tpu.vector_load %arg5[%swap3A_217, %swap3A_218] {strides = array<i32>} : memref<32x768xf32, #tpu.memory_space<vmem>>, vector<16xf32>,
      tpu.vector_store %arg5[%swap3A_217, %swap3A_218], %add3A_216 {strides = array<i32>} : memref<32x768xf32, #tpu.memory_space<vmem>>, vector<16xf32>,
      %mul3A_220 = arith.constant 768 : i32
      %mul3A_221 = arith.muli %select_n3A, %mul3A_220 : i32
      %add3A_222 = arith.constant 240 : i32
      %add3A_223 = arith.addi %mul3A_221, %add3A_222 : i32
      %get3A_224 = arith.index_cast %add3A_223 : i32 to index
      %get3A_225 = tpu.vector_load %arg6[%get3A_224] {strides = array<i32>} : memref<1536xf32, #tpu.memory_space<vmem>>, vector<16xf32>,
      %get3A_226 = arith.index_cast %scan3A_26 : i32 to index
      %get3A_227 = arith.constant 240 : index
      %get3A_228 = tpu.vector_load %arg5[%get3A_226, %get3A_227] {strides = array<i32>} : memref<32x768xf32, #tpu.memory_space<vmem>>, vector<16xf32>,
      %add3A_229 = arith.addf %get3A_228, %get3A_225 : vector<16xf32>
      %swap3A_230 = arith.index_cast %scan3A_26 : i32 to index
      %swap3A_231 = arith.constant 240 : index
      %swap3A_232 = tpu.vector_load %arg5[%swap3A_230, %swap3A_231] {strides = array<i32>} : memref<32x768xf32, #tpu.memory_space<vmem>>, vector<16xf32>,
      tpu.vector_store %arg5[%swap3A_230, %swap3A_231], %add3A_229 {strides = array<i32>} : memref<32x768xf32, #tpu.memory_space<vmem>>, vector<16xf32>,
      %mul3A_233 = arith.constant 768 : i32
      %mul3A_234 = arith.muli %select_n3A, %mul3A_233 : i32
      %add3A_235 = arith.constant 256 : i32
      %add3A_236 = arith.addi %mul3A_234, %add3A_235 : i32
      %get3A_237 = arith.index_cast %add3A_236 : i32 to index
      %get3A_238 = tpu.vector_load %arg6[%get3A_237] {strides = array<i32>} : memref<1536xf32, #tpu.memory_space<vmem>>, vector<16xf32>,
      %get3A_239 = arith.index_cast %scan3A_26 : i32 to index
      %get3A_240 = arith.constant 256 : index
      %get3A_241 = tpu.vector_load %arg5[%get3A_239, %get3A_240] {strides = array<i32>} : memref<32x768xf32, #tpu.memory_space<vmem>>, vector<16xf32>,
      %add3A_242 = arith.addf %get3A_241, %get3A_238 : vector<16xf32>
      %swap3A_243 = arith.index_cast %scan3A_26 : i32 to index
      %swap3A_244 = arith.constant 256 : index
      %swap3A_245 = tpu.vector_load %arg5[%swap3A_243, %swap3A_244] {strides = array<i32>} : memref<32x768xf32, #tpu.memory_space<vmem>>, vector<16xf32>,
      tpu.vector_store %arg5[%swap3A_243, %swap3A_244], %add3A_242 {strides = array<i32>} : memref<32x768xf32, #tpu.memory_space<vmem>>, vector<16xf32>,
      %mul3A_246 = arith.constant 768 : i32
      %mul3A_247 = arith.muli %select_n3A, %mul3A_246 : i32
      %add3A_248 = arith.constant 272 : i32
      %add3A_249 = arith.addi %mul3A_247, %add3A_248 : i32
      %get3A_250 = arith.index_cast %add3A_249 : i32 to index
      %get3A_251 = tpu.vector_load %arg6[%get3A_250] {strides = array<i32>} : memref<1536xf32, #tpu.memory_space<vmem>>, vector<16xf32>,
      %get3A_252 = arith.index_cast %scan3A_26 : i32 to index
      %get3A_253 = arith.constant 272 : index
      %get3A_254 = tpu.vector_load %arg5[%get3A_252, %get3A_253] {strides = array<i32>} : memref<32x768xf32, #tpu.memory_space<vmem>>, vector<16xf32>,
      %add3A_255 = arith.addf %get3A_254, %get3A_251 : vector<16xf32>
      %swap3A_256 = arith.index_cast %scan3A_26 : i32 to index
      %swap3A_257 = arith.constant 272 : index
      %swap3A_258 = tpu.vector_load %arg5[%swap3A_256, %swap3A_257] {strides = array<i32>} : memref<32x768xf32, #tpu.memory_space<vmem>>, vector<16xf32>,
      tpu.vector_store %arg5[%swap3A_256, %swap3A_257], %add3A_255 {strides = array<i32>} : memref<32x768xf32, #tpu.memory_space<vmem>>, vector<16xf32>,
      %mul3A_259 = arith.constant 768 : i32
      %mul3A_260 = arith.muli %select_n3A, %mul3A_259 : i32
      %add3A_261 = arith.constant 288 : i32
      %add3A_262 = arith.addi %mul3A_260, %add3A_261 : i32
      %get3A_263 = arith.index_cast %add3A_262 : i32 to index
      %get3A_264 = tpu.vector_load %arg6[%get3A_263] {strides = array<i32>} : memref<1536xf32, #tpu.memory_space<vmem>>, vector<16xf32>,
      %get3A_265 = arith.index_cast %scan3A_26 : i32 to index
      %get3A_266 = arith.constant 288 : index
      %get3A_267 = tpu.vector_load %arg5[%get3A_265, %get3A_266] {strides = array<i32>} : memref<32x768xf32, #tpu.memory_space<vmem>>, vector<16xf32>,
      %add3A_268 = arith.addf %get3A_267, %get3A_264 : vector<16xf32>
      %swap3A_269 = arith.index_cast %scan3A_26 : i32 to index
      %swap3A_270 = arith.constant 288 : index
      %swap3A_271 = tpu.vector_load %arg5[%swap3A_269, %swap3A_270] {strides = array<i32>} : memref<32x768xf32, #tpu.memory_space<vmem>>, vector<16xf32>,
      tpu.vector_store %arg5[%swap3A_269, %swap3A_270], %add3A_268 {strides = array<i32>} : memref<32x768xf32, #tpu.memory_space<vmem>>, vector<16xf32>,
      %mul3A_272 = arith.constant 768 : i32
      %mul3A_273 = arith.muli %select_n3A, %mul3A_272 : i32
      %add3A_274 = arith.constant 304 : i32
      %add3A_275 = arith.addi %mul3A_273, %add3A_274 : i32
      %get3A_276 = arith.index_cast %add3A_275 : i32 to index
      %get3A_277 = tpu.vector_load %arg6[%get3A_276] {strides = array<i32>} : memref<1536xf32, #tpu.memory_space<vmem>>, vector<16xf32>,
      %get3A_278 = arith.index_cast %scan3A_26 : i32 to index
      %get3A_279 = arith.constant 304 : index
      %get3A_280 = tpu.vector_load %arg5[%get3A_278, %get3A_279] {strides = array<i32>} : memref<32x768xf32, #tpu.memory_space<vmem>>, vector<16xf32>,
      %add3A_281 = arith.addf %get3A_280, %get3A_277 : vector<16xf32>
      %swap3A_282 = arith.index_cast %scan3A_26 : i32 to index
      %swap3A_283 = arith.constant 304 : index
      %swap3A_284 = tpu.vector_load %arg5[%swap3A_282, %swap3A_283] {strides = array<i32>} : memref<32x768xf32, #tpu.memory_space<vmem>>, vector<16xf32>,
      tpu.vector_store %arg5[%swap3A_282, %swap3A_283], %add3A_281 {strides = array<i32>} : memref<32x768xf32, #tpu.memory_space<vmem>>, vector<16xf32>,
      %mul3A_285 = arith.constant 768 : i32
      %mul3A_286 = arith.muli %select_n3A, %mul3A_285 : i32
      %add3A_287 = arith.constant 320 : i32
      %add3A_288 = arith.addi %mul3A_286, %add3A_287 : i32
      %get3A_289 = arith.index_cast %add3A_288 : i32 to index
      %get3A_290 = tpu.vector_load %arg6[%get3A_289] {strides = array<i32>} : memref<1536xf32, #tpu.memory_space<vmem>>, vector<16xf32>,
      %get3A_291 = arith.index_cast %scan3A_26 : i32 to index
      %get3A_292 = arith.constant 320 : index
      %get3A_293 = tpu.vector_load %arg5[%get3A_291, %get3A_292] {strides = array<i32>} : memref<32x768xf32, #tpu.memory_space<vmem>>, vector<16xf32>,
      %add3A_294 = arith.addf %get3A_293, %get3A_290 : vector<16xf32>
      %swap3A_295 = arith.index_cast %scan3A_26 : i32 to index
      %swap3A_296 = arith.constant 320 : index
      %swap3A_297 = tpu.vector_load %arg5[%swap3A_295, %swap3A_296] {strides = array<i32>} : memref<32x768xf32, #tpu.memory_space<vmem>>, vector<16xf32>,
      tpu.vector_store %arg5[%swap3A_295, %swap3A_296], %add3A_294 {strides = array<i32>} : memref<32x768xf32, #tpu.memory_space<vmem>>, vector<16xf32>,
      %mul3A_298 = arith.constant 768 : i32
      %mul3A_299 = arith.muli %select_n3A, %mul3A_298 : i32
      %add3A_300 = arith.constant 336 : i32
      %add3A_301 = arith.addi %mul3A_299, %add3A_300 : i32
      %get3A_302 = arith.index_cast %add3A_301 : i32 to index
      %get3A_303 = tpu.vector_load %arg6[%get3A_302] {strides = array<i32>} : memref<1536xf32, #tpu.memory_space<vmem>>, vector<16xf32>,
      %get3A_304 = arith.index_cast %scan3A_26 : i32 to index
      %get3A_305 = arith.constant 336 : index
      %get3A_306 = tpu.vector_load %arg5[%get3A_304, %get3A_305] {strides = array<i32>} : memref<32x768xf32, #tpu.memory_space<vmem>>, vector<16xf32>,
      %add3A_307 = arith.addf %get3A_306, %get3A_303 : vector<16xf32>
      %swap3A_308 = arith.index_cast %scan3A_26 : i32 to index
      %swap3A_309 = arith.constant 336 : index
      %swap3A_310 = tpu.vector_load %arg5[%swap3A_308, %swap3A_309] {strides = array<i32>} : memref<32x768xf32, #tpu.memory_space<vmem>>, vector<16xf32>,
      tpu.vector_store %arg5[%swap3A_308, %swap3A_309], %add3A_307 {strides = array<i32>} : memref<32x768xf32, #tpu.memory_space<vmem>>, vector<16xf32>,
      %mul3A_311 = arith.constant 768 : i32
      %mul3A_312 = arith.muli %select_n3A, %mul3A_311 : i32
      %add3A_313 = arith.constant 352 : i32
      %add3A_314 = arith.addi %mul3A_312, %add3A_313 : i32
      %get3A_315 = arith.index_cast %add3A_314 : i32 to index
      %get3A_316 = tpu.vector_load %arg6[%get3A_315] {strides = array<i32>} : memref<1536xf32, #tpu.memory_space<vmem>>, vector<16xf32>,
      %get3A_317 = arith.index_cast %scan3A_26 : i32 to index
      %get3A_318 = arith.constant 352 : index
      %get3A_319 = tpu.vector_load %arg5[%get3A_317, %get3A_318] {strides = array<i32>} : memref<32x768xf32, #tpu.memory_space<vmem>>, vector<16xf32>,
      %add3A_320 = arith.addf %get3A_319, %get3A_316 : vector<16xf32>
      %swap3A_321 = arith.index_cast %scan3A_26 : i32 to index
      %swap3A_322 = arith.constant 352 : index
      %swap3A_323 = tpu.vector_load %arg5[%swap3A_321, %swap3A_322] {strides = array<i32>} : memref<32x768xf32, #tpu.memory_space<vmem>>, vector<16xf32>,
      tpu.vector_store %arg5[%swap3A_321, %swap3A_322], %add3A_320 {strides = array<i32>} : memref<32x768xf32, #tpu.memory_space<vmem>>, vector<16xf32>,
      %mul3A_324 = arith.constant 768 : i32
      %mul3A_325 = arith.muli %select_n3A, %mul3A_324 : i32
      %add3A_326 = arith.constant 368 : i32
      %add3A_327 = arith.addi %mul3A_325, %add3A_326 : i32
      %get3A_328 = arith.index_cast %add3A_327 : i32 to index
      %get3A_329 = tpu.vector_load %arg6[%get3A_328] {strides = array<i32>} : memref<1536xf32, #tpu.memory_space<vmem>>, vector<16xf32>,
      %get3A_330 = arith.index_cast %scan3A_26 : i32 to index
      %get3A_331 = arith.constant 368 : index
      %get3A_332 = tpu.vector_load %arg5[%get3A_330, %get3A_331] {strides = array<i32>} : memref<32x768xf32, #tpu.memory_space<vmem>>, vector<16xf32>,
      %add3A_333 = arith.addf %get3A_332, %get3A_329 : vector<16xf32>
      %swap3A_334 = arith.index_cast %scan3A_26 : i32 to index
      %swap3A_335 = arith.constant 368 : index
      %swap3A_336 = tpu.vector_load %arg5[%swap3A_334, %swap3A_335] {strides = array<i32>} : memref<32x768xf32, #tpu.memory_space<vmem>>, vector<16xf32>,
      tpu.vector_store %arg5[%swap3A_334, %swap3A_335], %add3A_333 {strides = array<i32>} : memref<32x768xf32, #tpu.memory_space<vmem>>, vector<16xf32>,
      %mul3A_337 = arith.constant 768 : i32
      %mul3A_338 = arith.muli %select_n3A, %mul3A_337 : i32
      %add3A_339 = arith.constant 384 : i32
      %add3A_340 = arith.addi %mul3A_338, %add3A_339 : i32
      %get3A_341 = arith.index_cast %add3A_340 : i32 to index
      %get3A_342 = tpu.vector_load %arg6[%get3A_341] {strides = array<i32>} : memref<1536xf32, #tpu.memory_space<vmem>>, vector<16xf32>,
      %get3A_343 = arith.index_cast %scan3A_26 : i32 to index
      %get3A_344 = arith.constant 384 : index
      %get3A_345 = tpu.vector_load %arg5[%get3A_343, %get3A_344] {strides = array<i32>} : memref<32x768xf32, #tpu.memory_space<vmem>>, vector<16xf32>,
      %add3A_346 = arith.addf %get3A_345, %get3A_342 : vector<16xf32>
      %swap3A_347 = arith.index_cast %scan3A_26 : i32 to index
      %swap3A_348 = arith.constant 384 : index
      %swap3A_349 = tpu.vector_load %arg5[%swap3A_347, %swap3A_348] {strides = array<i32>} : memref<32x768xf32, #tpu.memory_space<vmem>>, vector<16xf32>,
      tpu.vector_store %arg5[%swap3A_347, %swap3A_348], %add3A_346 {strides = array<i32>} : memref<32x768xf32, #tpu.memory_space<vmem>>, vector<16xf32>,
      %mul3A_350 = arith.constant 768 : i32
      %mul3A_351 = arith.muli %select_n3A, %mul3A_350 : i32
      %add3A_352 = arith.constant 400 : i32
      %add3A_353 = arith.addi %mul3A_351, %add3A_352 : i32
      %get3A_354 = arith.index_cast %add3A_353 : i32 to index
      %get3A_355 = tpu.vector_load %arg6[%get3A_354] {strides = array<i32>} : memref<1536xf32, #tpu.memory_space<vmem>>, vector<16xf32>,
      %get3A_356 = arith.index_cast %scan3A_26 : i32 to index
      %get3A_357 = arith.constant 400 : index
      %get3A_358 = tpu.vector_load %arg5[%get3A_356, %get3A_357] {strides = array<i32>} : memref<32x768xf32, #tpu.memory_space<vmem>>, vector<16xf32>,
      %add3A_359 = arith.addf %get3A_358, %get3A_355 : vector<16xf32>
      %swap3A_360 = arith.index_cast %scan3A_26 : i32 to index
      %swap3A_361 = arith.constant 400 : index
      %swap3A_362 = tpu.vector_load %arg5[%swap3A_360, %swap3A_361] {strides = array<i32>} : memref<32x768xf32, #tpu.memory_space<vmem>>, vector<16xf32>,
      tpu.vector_store %arg5[%swap3A_360, %swap3A_361], %add3A_359 {strides = array<i32>} : memref<32x768xf32, #tpu.memory_space<vmem>>, vector<16xf32>,
      %mul3A_363 = arith.constant 768 : i32
      %mul3A_364 = arith.muli %select_n3A, %mul3A_363 : i32
      %add3A_365 = arith.constant 416 : i32
      %add3A_366 = arith.addi %mul3A_364, %add3A_365 : i32
      %get3A_367 = arith.index_cast %add3A_366 : i32 to index
      %get3A_368 = tpu.vector_load %arg6[%get3A_367] {strides = array<i32>} : memref<1536xf32, #tpu.memory_space<vmem>>, vector<16xf32>,
      %get3A_369 = arith.index_cast %scan3A_26 : i32 to index
      %get3A_370 = arith.constant 416 : index
      %get3A_371 = tpu.vector_load %arg5[%get3A_369, %get3A_370] {strides = array<i32>} : memref<32x768xf32, #tpu.memory_space<vmem>>, vector<16xf32>,
      %add3A_372 = arith.addf %get3A_371, %get3A_368 : vector<16xf32>
      %swap3A_373 = arith.index_cast %scan3A_26 : i32 to index
      %swap3A_374 = arith.constant 416 : index
      %swap3A_375 = tpu.vector_load %arg5[%swap3A_373, %swap3A_374] {strides = array<i32>} : memref<32x768xf32, #tpu.memory_space<vmem>>, vector<16xf32>,
      tpu.vector_store %arg5[%swap3A_373, %swap3A_374], %add3A_372 {strides = array<i32>} : memref<32x768xf32, #tpu.memory_space<vmem>>, vector<16xf32>,
      %mul3A_376 = arith.constant 768 : i32
      %mul3A_377 = arith.muli %select_n3A, %mul3A_376 : i32
      %add3A_378 = arith.constant 432 : i32
      %add3A_379 = arith.addi %mul3A_377, %add3A_378 : i32
      %get3A_380 = arith.index_cast %add3A_379 : i32 to index
      %get3A_381 = tpu.vector_load %arg6[%get3A_380] {strides = array<i32>} : memref<1536xf32, #tpu.memory_space<vmem>>, vector<16xf32>,
      %get3A_382 = arith.index_cast %scan3A_26 : i32 to index
      %get3A_383 = arith.constant 432 : index
      %get3A_384 = tpu.vector_load %arg5[%get3A_382, %get3A_383] {strides = array<i32>} : memref<32x768xf32, #tpu.memory_space<vmem>>, vector<16xf32>,
      %add3A_385 = arith.addf %get3A_384, %get3A_381 : vector<16xf32>
      %swap3A_386 = arith.index_cast %scan3A_26 : i32 to index
      %swap3A_387 = arith.constant 432 : index
      %swap3A_388 = tpu.vector_load %arg5[%swap3A_386, %swap3A_387] {strides = array<i32>} : memref<32x768xf32, #tpu.memory_space<vmem>>, vector<16xf32>,
      tpu.vector_store %arg5[%swap3A_386, %swap3A_387], %add3A_385 {strides = array<i32>} : memref<32x768xf32, #tpu.memory_space<vmem>>, vector<16xf32>,
      %mul3A_389 = arith.constant 768 : i32
      %mul3A_390 = arith.muli %select_n3A, %mul3A_389 : i32
      %add3A_391 = arith.constant 448 : i32
      %add3A_392 = arith.addi %mul3A_390, %add3A_391 : i32
      %get3A_393 = arith.index_cast %add3A_392 : i32 to index
      %get3A_394 = tpu.vector_load %arg6[%get3A_393] {strides = array<i32>} : memref<1536xf32, #tpu.memory_space<vmem>>, vector<16xf32>,
      %get3A_395 = arith.index_cast %scan3A_26 : i32 to index
      %get3A_396 = arith.constant 448 : index
      %get3A_397 = tpu.vector_load %arg5[%get3A_395, %get3A_396] {strides = array<i32>} : memref<32x768xf32, #tpu.memory_space<vmem>>, vector<16xf32>,
      %add3A_398 = arith.addf %get3A_397, %get3A_394 : vector<16xf32>
      %swap3A_399 = arith.index_cast %scan3A_26 : i32 to index
      %swap3A_400 = arith.constant 448 : index
      %swap3A_401 = tpu.vector_load %arg5[%swap3A_399, %swap3A_400] {strides = array<i32>} : memref<32x768xf32, #tpu.memory_space<vmem>>, vector<16xf32>,
      tpu.vector_store %arg5[%swap3A_399, %swap3A_400], %add3A_398 {strides = array<i32>} : memref<32x768xf32, #tpu.memory_space<vmem>>, vector<16xf32>,
      %mul3A_402 = arith.constant 768 : i32
      %mul3A_403 = arith.muli %select_n3A, %mul3A_402 : i32
      %add3A_404 = arith.constant 464 : i32
      %add3A_405 = arith.addi %mul3A_403, %add3A_404 : i32
      %get3A_406 = arith.index_cast %add3A_405 : i32 to index
      %get3A_407 = tpu.vector_load %arg6[%get3A_406] {strides = array<i32>} : memref<1536xf32, #tpu.memory_space<vmem>>, vector<16xf32>,
      %get3A_408 = arith.index_cast %scan3A_26 : i32 to index
      %get3A_409 = arith.constant 464 : index
      %get3A_410 = tpu.vector_load %arg5[%get3A_408, %get3A_409] {strides = array<i32>} : memref<32x768xf32, #tpu.memory_space<vmem>>, vector<16xf32>,
      %add3A_411 = arith.addf %get3A_410, %get3A_407 : vector<16xf32>
      %swap3A_412 = arith.index_cast %scan3A_26 : i32 to index
      %swap3A_413 = arith.constant 464 : index
      %swap3A_414 = tpu.vector_load %arg5[%swap3A_412, %swap3A_413] {strides = array<i32>} : memref<32x768xf32, #tpu.memory_space<vmem>>, vector<16xf32>,
      tpu.vector_store %arg5[%swap3A_412, %swap3A_413], %add3A_411 {strides = array<i32>} : memref<32x768xf32, #tpu.memory_space<vmem>>, vector<16xf32>,
      %mul3A_415 = arith.constant 768 : i32
      %mul3A_416 = arith.muli %select_n3A, %mul3A_415 : i32
      %add3A_417 = arith.constant 480 : i32
      %add3A_418 = arith.addi %mul3A_416, %add3A_417 : i32
      %get3A_419 = arith.index_cast %add3A_418 : i32 to index
      %get3A_420 = tpu.vector_load %arg6[%get3A_419] {strides = array<i32>} : memref<1536xf32, #tpu.memory_space<vmem>>, vector<16xf32>,
      %get3A_421 = arith.index_cast %scan3A_26 : i32 to index
      %get3A_422 = arith.constant 480 : index
      %get3A_423 = tpu.vector_load %arg5[%get3A_421, %get3A_422] {strides = array<i32>} : memref<32x768xf32, #tpu.memory_space<vmem>>, vector<16xf32>,
      %add3A_424 = arith.addf %get3A_423, %get3A_420 : vector<16xf32>
      %swap3A_425 = arith.index_cast %scan3A_26 : i32 to index
      %swap3A_426 = arith.constant 480 : index
      %swap3A_427 = tpu.vector_load %arg5[%swap3A_425, %swap3A_426] {strides = array<i32>} : memref<32x768xf32, #tpu.memory_space<vmem>>, vector<16xf32>,
      tpu.vector_store %arg5[%swap3A_425, %swap3A_426], %add3A_424 {strides = array<i32>} : memref<32x768xf32, #tpu.memory_space<vmem>>, vector<16xf32>,
      %mul3A_428 = arith.constant 768 : i32
      %mul3A_429 = arith.muli %select_n3A, %mul3A_428 : i32
      %add3A_430 = arith.constant 496 : i32
      %add3A_431 = arith.addi %mul3A_429, %add3A_430 : i32
      %get3A_432 = arith.index_cast %add3A_431 : i32 to index
      %get3A_433 = tpu.vector_load %arg6[%get3A_432] {strides = array<i32>} : memref<1536xf32, #tpu.memory_space<vmem>>, vector<16xf32>,
      %get3A_434 = arith.index_cast %scan3A_26 : i32 to index
      %get3A_435 = arith.constant 496 : index
      %get3A_436 = tpu.vector_load %arg5[%get3A_434, %get3A_435] {strides = array<i32>} : memref<32x768xf32, #tpu.memory_space<vmem>>, vector<16xf32>,
      %add3A_437 = arith.addf %get3A_436, %get3A_433 : vector<16xf32>
      %swap3A_438 = arith.index_cast %scan3A_26 : i32 to index
      %swap3A_439 = arith.constant 496 : index
      %swap3A_440 = tpu.vector_load %arg5[%swap3A_438, %swap3A_439] {strides = array<i32>} : memref<32x768xf32, #tpu.memory_space<vmem>>, vector<16xf32>,
      tpu.vector_store %arg5[%swap3A_438, %swap3A_439], %add3A_437 {strides = array<i32>} : memref<32x768xf32, #tpu.memory_space<vmem>>, vector<16xf32>,
      %mul3A_441 = arith.constant 768 : i32
      %mul3A_442 = arith.muli %select_n3A, %mul3A_441 : i32
      %add3A_443 = arith.constant 512 : i32
      %add3A_444 = arith.addi %mul3A_442, %add3A_443 : i32
      %get3A_445 = arith.index_cast %add3A_444 : i32 to index
      %get3A_446 = tpu.vector_load %arg6[%get3A_445] {strides = array<i32>} : memref<1536xf32, #tpu.memory_space<vmem>>, vector<16xf32>,
      %get3A_447 = arith.index_cast %scan3A_26 : i32 to index
      %get3A_448 = arith.constant 512 : index
      %get3A_449 = tpu.vector_load %arg5[%get3A_447, %get3A_448] {strides = array<i32>} : memref<32x768xf32, #tpu.memory_space<vmem>>, vector<16xf32>,
      %add3A_450 = arith.addf %get3A_449, %get3A_446 : vector<16xf32>
      %swap3A_451 = arith.index_cast %scan3A_26 : i32 to index
      %swap3A_452 = arith.constant 512 : index
      %swap3A_453 = tpu.vector_load %arg5[%swap3A_451, %swap3A_452] {strides = array<i32>} : memref<32x768xf32, #tpu.memory_space<vmem>>, vector<16xf32>,
      tpu.vector_store %arg5[%swap3A_451, %swap3A_452], %add3A_450 {strides = array<i32>} : memref<32x768xf32, #tpu.memory_space<vmem>>, vector<16xf32>,
      %mul3A_454 = arith.constant 768 : i32
      %mul3A_455 = arith.muli %select_n3A, %mul3A_454 : i32
      %add3A_456 = arith.constant 528 : i32
      %add3A_457 = arith.addi %mul3A_455, %add3A_456 : i32
      %get3A_458 = arith.index_cast %add3A_457 : i32 to index
      %get3A_459 = tpu.vector_load %arg6[%get3A_458] {strides = array<i32>} : memref<1536xf32, #tpu.memory_space<vmem>>, vector<16xf32>,
      %get3A_460 = arith.index_cast %scan3A_26 : i32 to index
      %get3A_461 = arith.constant 528 : index
      %get3A_462 = tpu.vector_load %arg5[%get3A_460, %get3A_461] {strides = array<i32>} : memref<32x768xf32, #tpu.memory_space<vmem>>, vector<16xf32>,
      %add3A_463 = arith.addf %get3A_462, %get3A_459 : vector<16xf32>
      %swap3A_464 = arith.index_cast %scan3A_26 : i32 to index
      %swap3A_465 = arith.constant 528 : index
      %swap3A_466 = tpu.vector_load %arg5[%swap3A_464, %swap3A_465] {strides = array<i32>} : memref<32x768xf32, #tpu.memory_space<vmem>>, vector<16xf32>,
      tpu.vector_store %arg5[%swap3A_464, %swap3A_465], %add3A_463 {strides = array<i32>} : memref<32x768xf32, #tpu.memory_space<vmem>>, vector<16xf32>,
      %mul3A_467 = arith.constant 768 : i32
      %mul3A_468 = arith.muli %select_n3A, %mul3A_467 : i32
      %add3A_469 = arith.constant 544 : i32
      %add3A_470 = arith.addi %mul3A_468, %add3A_469 : i32
      %get3A_471 = arith.index_cast %add3A_470 : i32 to index
      %get3A_472 = tpu.vector_load %arg6[%get3A_471] {strides = array<i32>} : memref<1536xf32, #tpu.memory_space<vmem>>, vector<16xf32>,
      %get3A_473 = arith.index_cast %scan3A_26 : i32 to index
      %get3A_474 = arith.constant 544 : index
      %get3A_475 = tpu.vector_load %arg5[%get3A_473, %get3A_474] {strides = array<i32>} : memref<32x768xf32, #tpu.memory_space<vmem>>, vector<16xf32>,
      %add3A_476 = arith.addf %get3A_475, %get3A_472 : vector<16xf32>
      %swap3A_477 = arith.index_cast %scan3A_26 : i32 to index
      %swap3A_478 = arith.constant 544 : index
      %swap3A_479 = tpu.vector_load %arg5[%swap3A_477, %swap3A_478] {strides = array<i32>} : memref<32x768xf32, #tpu.memory_space<vmem>>, vector<16xf32>,
      tpu.vector_store %arg5[%swap3A_477, %swap3A_478], %add3A_476 {strides = array<i32>} : memref<32x768xf32, #tpu.memory_space<vmem>>, vector<16xf32>,
      %mul3A_480 = arith.constant 768 : i32
      %mul3A_481 = arith.muli %select_n3A, %mul3A_480 : i32
      %add3A_482 = arith.constant 560 : i32
      %add3A_483 = arith.addi %mul3A_481, %add3A_482 : i32
      %get3A_484 = arith.index_cast %add3A_483 : i32 to index
      %get3A_485 = tpu.vector_load %arg6[%get3A_484] {strides = array<i32>} : memref<1536xf32, #tpu.memory_space<vmem>>, vector<16xf32>,
      %get3A_486 = arith.index_cast %scan3A_26 : i32 to index
      %get3A_487 = arith.constant 560 : index
      %get3A_488 = tpu.vector_load %arg5[%get3A_486, %get3A_487] {strides = array<i32>} : memref<32x768xf32, #tpu.memory_space<vmem>>, vector<16xf32>,
      %add3A_489 = arith.addf %get3A_488, %get3A_485 : vector<16xf32>
      %swap3A_490 = arith.index_cast %scan3A_26 : i32 to index
      %swap3A_491 = arith.constant 560 : index
      %swap3A_492 = tpu.vector_load %arg5[%swap3A_490, %swap3A_491] {strides = array<i32>} : memref<32x768xf32, #tpu.memory_space<vmem>>, vector<16xf32>,
      tpu.vector_store %arg5[%swap3A_490, %swap3A_491], %add3A_489 {strides = array<i32>} : memref<32x768xf32, #tpu.memory_space<vmem>>, vector<16xf32>,
      %mul3A_493 = arith.constant 768 : i32
      %mul3A_494 = arith.muli %select_n3A, %mul3A_493 : i32
      %add3A_495 = arith.constant 576 : i32
      %add3A_496 = arith.addi %mul3A_494, %add3A_495 : i32
      %get3A_497 = arith.index_cast %add3A_496 : i32 to index
      %get3A_498 = tpu.vector_load %arg6[%get3A_497] {strides = array<i32>} : memref<1536xf32, #tpu.memory_space<vmem>>, vector<16xf32>,
      %get3A_499 = arith.index_cast %scan3A_26 : i32 to index
      %get3A_500 = arith.constant 576 : index
      %get3A_501 = tpu.vector_load %arg5[%get3A_499, %get3A_500] {strides = array<i32>} : memref<32x768xf32, #tpu.memory_space<vmem>>, vector<16xf32>,
      %add3A_502 = arith.addf %get3A_501, %get3A_498 : vector<16xf32>
      %swap3A_503 = arith.index_cast %scan3A_26 : i32 to index
      %swap3A_504 = arith.constant 576 : index
      %swap3A_505 = tpu.vector_load %arg5[%swap3A_503, %swap3A_504] {strides = array<i32>} : memref<32x768xf32, #tpu.memory_space<vmem>>, vector<16xf32>,
      tpu.vector_store %arg5[%swap3A_503, %swap3A_504], %add3A_502 {strides = array<i32>} : memref<32x768xf32, #tpu.memory_space<vmem>>, vector<16xf32>,
      %mul3A_506 = arith.constant 768 : i32
      %mul3A_507 = arith.muli %select_n3A, %mul3A_506 : i32
      %add3A_508 = arith.constant 592 : i32
      %add3A_509 = arith.addi %mul3A_507, %add3A_508 : i32
      %get3A_510 = arith.index_cast %add3A_509 : i32 to index
      %get3A_511 = tpu.vector_load %arg6[%get3A_510] {strides = array<i32>} : memref<1536xf32, #tpu.memory_space<vmem>>, vector<16xf32>,
      %get3A_512 = arith.index_cast %scan3A_26 : i32 to index
      %get3A_513 = arith.constant 592 : index
      %get3A_514 = tpu.vector_load %arg5[%get3A_512, %get3A_513] {strides = array<i32>} : memref<32x768xf32, #tpu.memory_space<vmem>>, vector<16xf32>,
      %add3A_515 = arith.addf %get3A_514, %get3A_511 : vector<16xf32>
      %swap3A_516 = arith.index_cast %scan3A_26 : i32 to index
      %swap3A_517 = arith.constant 592 : index
      %swap3A_518 = tpu.vector_load %arg5[%swap3A_516, %swap3A_517] {strides = array<i32>} : memref<32x768xf32, #tpu.memory_space<vmem>>, vector<16xf32>,
      tpu.vector_store %arg5[%swap3A_516, %swap3A_517], %add3A_515 {strides = array<i32>} : memref<32x768xf32, #tpu.memory_space<vmem>>, vector<16xf32>,
      %mul3A_519 = arith.constant 768 : i32
      %mul3A_520 = arith.muli %select_n3A, %mul3A_519 : i32
      %add3A_521 = arith.constant 608 : i32
      %add3A_522 = arith.addi %mul3A_520, %add3A_521 : i32
      %get3A_523 = arith.index_cast %add3A_522 : i32 to index
      %get3A_524 = tpu.vector_load %arg6[%get3A_523] {strides = array<i32>} : memref<1536xf32, #tpu.memory_space<vmem>>, vector<16xf32>,
      %get3A_525 = arith.index_cast %scan3A_26 : i32 to index
      %get3A_526 = arith.constant 608 : index
      %get3A_527 = tpu.vector_load %arg5[%get3A_525, %get3A_526] {strides = array<i32>} : memref<32x768xf32, #tpu.memory_space<vmem>>, vector<16xf32>,
      %add3A_528 = arith.addf %get3A_527, %get3A_524 : vector<16xf32>
      %swap3A_529 = arith.index_cast %scan3A_26 : i32 to index
      %swap3A_530 = arith.constant 608 : index
      %swap3A_531 = tpu.vector_load %arg5[%swap3A_529, %swap3A_530] {strides = array<i32>} : memref<32x768xf32, #tpu.memory_space<vmem>>, vector<16xf32>,
      tpu.vector_store %arg5[%swap3A_529, %swap3A_530], %add3A_528 {strides = array<i32>} : memref<32x768xf32, #tpu.memory_space<vmem>>, vector<16xf32>,
      %mul3A_532 = arith.constant 768 : i32
      %mul3A_533 = arith.muli %select_n3A, %mul3A_532 : i32
      %add3A_534 = arith.constant 624 : i32
      %add3A_535 = arith.addi %mul3A_533, %add3A_534 : i32
      %get3A_536 = arith.index_cast %add3A_535 : i32 to index
      %get3A_537 = tpu.vector_load %arg6[%get3A_536] {strides = array<i32>} : memref<1536xf32, #tpu.memory_space<vmem>>, vector<16xf32>,
      %get3A_538 = arith.index_cast %scan3A_26 : i32 to index
      %get3A_539 = arith.constant 624 : index
      %get3A_540 = tpu.vector_load %arg5[%get3A_538, %get3A_539] {strides = array<i32>} : memref<32x768xf32, #tpu.memory_space<vmem>>, vector<16xf32>,
      %add3A_541 = arith.addf %get3A_540, %get3A_537 : vector<16xf32>
      %swap3A_542 = arith.index_cast %scan3A_26 : i32 to index
      %swap3A_543 = arith.constant 624 : index
      %swap3A_544 = tpu.vector_load %arg5[%swap3A_542, %swap3A_543] {strides = array<i32>} : memref<32x768xf32, #tpu.memory_space<vmem>>, vector<16xf32>,
      tpu.vector_store %arg5[%swap3A_542, %swap3A_543], %add3A_541 {strides = array<i32>} : memref<32x768xf32, #tpu.memory_space<vmem>>, vector<16xf32>,
      %mul3A_545 = arith.constant 768 : i32
      %mul3A_546 = arith.muli %select_n3A, %mul3A_545 : i32
      %add3A_547 = arith.constant 640 : i32
      %add3A_548 = arith.addi %mul3A_546, %add3A_547 : i32
      %get3A_549 = arith.index_cast %add3A_548 : i32 to index
      %get3A_550 = tpu.vector_load %arg6[%get3A_549] {strides = array<i32>} : memref<1536xf32, #tpu.memory_space<vmem>>, vector<16xf32>,
      %get3A_551 = arith.index_cast %scan3A_26 : i32 to index
      %get3A_552 = arith.constant 640 : index
      %get3A_553 = tpu.vector_load %arg5[%get3A_551, %get3A_552] {strides = array<i32>} : memref<32x768xf32, #tpu.memory_space<vmem>>, vector<16xf32>,
      %add3A_554 = arith.addf %get3A_553, %get3A_550 : vector<16xf32>
      %swap3A_555 = arith.index_cast %scan3A_26 : i32 to index
      %swap3A_556 = arith.constant 640 : index
      %swap3A_557 = tpu.vector_load %arg5[%swap3A_555, %swap3A_556] {strides = array<i32>} : memref<32x768xf32, #tpu.memory_space<vmem>>, vector<16xf32>,
      tpu.vector_store %arg5[%swap3A_555, %swap3A_556], %add3A_554 {strides = array<i32>} : memref<32x768xf32, #tpu.memory_space<vmem>>, vector<16xf32>,
      %mul3A_558 = arith.constant 768 : i32
      %mul3A_559 = arith.muli %select_n3A, %mul3A_558 : i32
      %add3A_560 = arith.constant 656 : i32
      %add3A_561 = arith.addi %mul3A_559, %add3A_560 : i32
      %get3A_562 = arith.index_cast %add3A_561 : i32 to index
      %get3A_563 = tpu.vector_load %arg6[%get3A_562] {strides = array<i32>} : memref<1536xf32, #tpu.memory_space<vmem>>, vector<16xf32>,
      %get3A_564 = arith.index_cast %scan3A_26 : i32 to index
      %get3A_565 = arith.constant 656 : index
      %get3A_566 = tpu.vector_load %arg5[%get3A_564, %get3A_565] {strides = array<i32>} : memref<32x768xf32, #tpu.memory_space<vmem>>, vector<16xf32>,
      %add3A_567 = arith.addf %get3A_566, %get3A_563 : vector<16xf32>
      %swap3A_568 = arith.index_cast %scan3A_26 : i32 to index
      %swap3A_569 = arith.constant 656 : index
      %swap3A_570 = tpu.vector_load %arg5[%swap3A_568, %swap3A_569] {strides = array<i32>} : memref<32x768xf32, #tpu.memory_space<vmem>>, vector<16xf32>,
      tpu.vector_store %arg5[%swap3A_568, %swap3A_569], %add3A_567 {strides = array<i32>} : memref<32x768xf32, #tpu.memory_space<vmem>>, vector<16xf32>,
      %mul3A_571 = arith.constant 768 : i32
      %mul3A_572 = arith.muli %select_n3A, %mul3A_571 : i32
      %add3A_573 = arith.constant 672 : i32
      %add3A_574 = arith.addi %mul3A_572, %add3A_573 : i32
      %get3A_575 = arith.index_cast %add3A_574 : i32 to index
      %get3A_576 = tpu.vector_load %arg6[%get3A_575] {strides = array<i32>} : memref<1536xf32, #tpu.memory_space<vmem>>, vector<16xf32>,
      %get3A_577 = arith.index_cast %scan3A_26 : i32 to index
      %get3A_578 = arith.constant 672 : index
      %get3A_579 = tpu.vector_load %arg5[%get3A_577, %get3A_578] {strides = array<i32>} : memref<32x768xf32, #tpu.memory_space<vmem>>, vector<16xf32>,
      %add3A_580 = arith.addf %get3A_579, %get3A_576 : vector<16xf32>
      %swap3A_581 = arith.index_cast %scan3A_26 : i32 to index
      %swap3A_582 = arith.constant 672 : index
      %swap3A_583 = tpu.vector_load %arg5[%swap3A_581, %swap3A_582] {strides = array<i32>} : memref<32x768xf32, #tpu.memory_space<vmem>>, vector<16xf32>,
      tpu.vector_store %arg5[%swap3A_581, %swap3A_582], %add3A_580 {strides = array<i32>} : memref<32x768xf32, #tpu.memory_space<vmem>>, vector<16xf32>,
      %mul3A_584 = arith.constant 768 : i32
      %mul3A_585 = arith.muli %select_n3A, %mul3A_584 : i32
      %add3A_586 = arith.constant 688 : i32
      %add3A_587 = arith.addi %mul3A_585, %add3A_586 : i32
      %get3A_588 = arith.index_cast %add3A_587 : i32 to index
      %get3A_589 = tpu.vector_load %arg6[%get3A_588] {strides = array<i32>} : memref<1536xf32, #tpu.memory_space<vmem>>, vector<16xf32>,
      %get3A_590 = arith.index_cast %scan3A_26 : i32 to index
      %get3A_591 = arith.constant 688 : index
      %get3A_592 = tpu.vector_load %arg5[%get3A_590, %get3A_591] {strides = array<i32>} : memref<32x768xf32, #tpu.memory_space<vmem>>, vector<16xf32>,
      %add3A_593 = arith.addf %get3A_592, %get3A_589 : vector<16xf32>
      %swap3A_594 = arith.index_cast %scan3A_26 : i32 to index
      %swap3A_595 = arith.constant 688 : index
      %swap3A_596 = tpu.vector_load %arg5[%swap3A_594, %swap3A_595] {strides = array<i32>} : memref<32x768xf32, #tpu.memory_space<vmem>>, vector<16xf32>,
      tpu.vector_store %arg5[%swap3A_594, %swap3A_595], %add3A_593 {strides = array<i32>} : memref<32x768xf32, #tpu.memory_space<vmem>>, vector<16xf32>,
      %mul3A_597 = arith.constant 768 : i32
      %mul3A_598 = arith.muli %select_n3A, %mul3A_597 : i32
      %add3A_599 = arith.constant 704 : i32
      %add3A_600 = arith.addi %mul3A_598, %add3A_599 : i32
      %get3A_601 = arith.index_cast %add3A_600 : i32 to index
      %get3A_602 = tpu.vector_load %arg6[%get3A_601] {strides = array<i32>} : memref<1536xf32, #tpu.memory_space<vmem>>, vector<16xf32>,
      %get3A_603 = arith.index_cast %scan3A_26 : i32 to index
      %get3A_604 = arith.constant 704 : index
      %get3A_605 = tpu.vector_load %arg5[%get3A_603, %get3A_604] {strides = array<i32>} : memref<32x768xf32, #tpu.memory_space<vmem>>, vector<16xf32>,
      %add3A_606 = arith.addf %get3A_605, %get3A_602 : vector<16xf32>
      %swap3A_607 = arith.index_cast %scan3A_26 : i32 to index
      %swap3A_608 = arith.constant 704 : index
      %swap3A_609 = tpu.vector_load %arg5[%swap3A_607, %swap3A_608] {strides = array<i32>} : memref<32x768xf32, #tpu.memory_space<vmem>>, vector<16xf32>,
      tpu.vector_store %arg5[%swap3A_607, %swap3A_608], %add3A_606 {strides = array<i32>} : memref<32x768xf32, #tpu.memory_space<vmem>>, vector<16xf32>,
      %mul3A_610 = arith.constant 768 : i32
      %mul3A_611 = arith.muli %select_n3A, %mul3A_610 : i32
      %add3A_612 = arith.constant 720 : i32
      %add3A_613 = arith.addi %mul3A_611, %add3A_612 : i32
      %get3A_614 = arith.index_cast %add3A_613 : i32 to index
      %get3A_615 = tpu.vector_load %arg6[%get3A_614] {strides = array<i32>} : memref<1536xf32, #tpu.memory_space<vmem>>, vector<16xf32>,
      %get3A_616 = arith.index_cast %scan3A_26 : i32 to index
      %get3A_617 = arith.constant 720 : index
      %get3A_618 = tpu.vector_load %arg5[%get3A_616, %get3A_617] {strides = array<i32>} : memref<32x768xf32, #tpu.memory_space<vmem>>, vector<16xf32>,
      %add3A_619 = arith.addf %get3A_618, %get3A_615 : vector<16xf32>
      %swap3A_620 = arith.index_cast %scan3A_26 : i32 to index
      %swap3A_621 = arith.constant 720 : index
      %swap3A_622 = tpu.vector_load %arg5[%swap3A_620, %swap3A_621] {strides = array<i32>} : memref<32x768xf32, #tpu.memory_space<vmem>>, vector<16xf32>,
      tpu.vector_store %arg5[%swap3A_620, %swap3A_621], %add3A_619 {strides = array<i32>} : memref<32x768xf32, #tpu.memory_space<vmem>>, vector<16xf32>,
      %mul3A_623 = arith.constant 768 : i32
      %mul3A_624 = arith.muli %select_n3A, %mul3A_623 : i32
      %add3A_625 = arith.constant 736 : i32
      %add3A_626 = arith.addi %mul3A_624, %add3A_625 : i32
      %get3A_627 = arith.index_cast %add3A_626 : i32 to index
      %get3A_628 = tpu.vector_load %arg6[%get3A_627] {strides = array<i32>} : memref<1536xf32, #tpu.memory_space<vmem>>, vector<16xf32>,
      %get3A_629 = arith.index_cast %scan3A_26 : i32 to index
      %get3A_630 = arith.constant 736 : index
      %get3A_631 = tpu.vector_load %arg5[%get3A_629, %get3A_630] {strides = array<i32>} : memref<32x768xf32, #tpu.memory_space<vmem>>, vector<16xf32>,
      %add3A_632 = arith.addf %get3A_631, %get3A_628 : vector<16xf32>
      %swap3A_633 = arith.index_cast %scan3A_26 : i32 to index
      %swap3A_634 = arith.constant 736 : index
      %swap3A_635 = tpu.vector_load %arg5[%swap3A_633, %swap3A_634] {strides = array<i32>} : memref<32x768xf32, #tpu.memory_space<vmem>>, vector<16xf32>,
      tpu.vector_store %arg5[%swap3A_633, %swap3A_634], %add3A_632 {strides = array<i32>} : memref<32x768xf32, #tpu.memory_space<vmem>>, vector<16xf32>,
      %mul3A_636 = arith.constant 768 : i32
      %mul3A_637 = arith.muli %select_n3A, %mul3A_636 : i32
      %add3A_638 = arith.constant 752 : i32
      %add3A_639 = arith.addi %mul3A_637, %add3A_638 : i32
      %get3A_640 = arith.index_cast %add3A_639 : i32 to index
      %get3A_641 = tpu.vector_load %arg6[%get3A_640] {strides = array<i32>} : memref<1536xf32, #tpu.memory_space<vmem>>, vector<16xf32>,
      %get3A_642 = arith.index_cast %scan3A_26 : i32 to index
      %get3A_643 = arith.constant 752 : index
      %get3A_644 = tpu.vector_load %arg5[%get3A_642, %get3A_643] {strides = array<i32>} : memref<32x768xf32, #tpu.memory_space<vmem>>, vector<16xf32>,
      %add3A_645 = arith.addf %get3A_644, %get3A_641 : vector<16xf32>
      %swap3A_646 = arith.index_cast %scan3A_26 : i32 to index
      %swap3A_647 = arith.constant 752 : index
      %swap3A_648 = tpu.vector_load %arg5[%swap3A_646, %swap3A_647] {strides = array<i32>} : memref<32x768xf32, #tpu.memory_space<vmem>>, vector<16xf32>,
      tpu.vector_store %arg5[%swap3A_646, %swap3A_647], %add3A_645 {strides = array<i32>} : memref<32x768xf32, #tpu.memory_space<vmem>>, vector<16xf32>,
    }
    %scan3A_25 = arith.constant 32 : i32
    "tpu.region"() ({
      %run_scoped3A = tpu.sem_alloc : memref<!tpu.dma_semaphore, #tpu.memory_space<semaphore_mem>>
      %dma_start3A = arith.constant 0 : i32
      %dma_start3A_26 = tpu.memref_slice %arg4[%mul3A_2, %dma_start3A] : memref<1024x768xf32, #tpu.memory_space<hbm>> -> memref<32x768xf32, #tpu.memory_space<hbm>>
      %dma_start3A_27 = arith.constant 0 : i32
      %dma_start3A_28 = tpu.memref_slice %arg4[%mul3A_2, %dma_start3A_27] : memref<1024x768xf32, #tpu.memory_space<hbm>> -> memref<32x768xf32, #tpu.memory_space<hbm>>
      tpu.enqueue_dma source(%arg5 : memref<32x768xf32, #tpu.memory_space<vmem>>) target(%dma_start3A_28 : memref<32x768xf32, #tpu.memory_space<hbm>>) target_semaphore(%run_scoped3A : memref<!tpu.dma_semaphore, #tpu.memory_space<semaphore_mem>>)
      %dma_wait3A = arith.constant 0 : i32
      %dma_wait3A_29 = tpu.memref_slice %arg4[%mul3A_2, %dma_wait3A] : memref<1024x768xf32, #tpu.memory_space<hbm>> -> memref<32x768xf32, #tpu.memory_space<hbm>>
      %dma_wait3A_30 = arith.constant 0 : i32
      %dma_wait3A_31 = tpu.memref_slice %arg4[%mul3A_2, %dma_wait3A_30] : memref<1024x768xf32, #tpu.memory_space<hbm>> -> memref<32x768xf32, #tpu.memory_space<hbm>>
      tpu.wait_dma2 semaphore(%run_scoped3A : memref<!tpu.dma_semaphore, #tpu.memory_space<semaphore_mem>>) src(%arg5 : memref<32x768xf32, #tpu.memory_space<vmem>>) dst(%dma_wait3A_31 : memref<32x768xf32, #tpu.memory_space<hbm>>)
      tpu.yield
    }) : () -> ()
    return
  }
}

</mosaic_0001>

<sc_bundles>
// kernel: kernel.4.cloned.1.call-start
scs
__scs_entry_jumppad:
0x0: {  	(pc) =	sbr.rel $0x88, $3  }
0x1: {  	(tag) =	ssettag $0x0;
	lr =	simm.s32 $0x1  }
0x2: {  	[smem:$0x3F9A] =	sst lr;
	_ =	strace $0xD0000000  }
0x3: {  	_ = 	snop  }
0x4: {  	_ = 	snop  }
0x5: {  	_ = 	snop  }
0x6: {  	_ = 	snop  }
0x7: {  	_ = 	snop  }
__scs_overlays_trampoline_lowered:
0x8: {  	[smem:$0x3FA9] =	sst s0  }
0x9: {  	[smem:$0x3FAA] =	sst s1  }
0xa: {  	[smem:$0x3FAB] =	sst s2  }
0xb: {  	[smem:$0x3FAC] =	sst s3  }
0xc: {  	[smem:$0x3FAD] =	sst s4  }
0xd: {  	[smem:$0x3FAE] =	sst s5  }
0xe: {  	[smem:$0x3FAF] =	sst s6  }
0xf: {  	[smem:$0x3FB0] =	sst s7  }
0x10: {  	[smem:$0x3FB1] =	sst s8  }
0x11: {  	[smem:$0x3FB2] =	sst s9;
	s0 =	simm.s32 @!p0 $0x0  }
0x12: {  	s1 =	sld [smem:$0x3F98];
	s0 =	simm.s32 @p0 $0x1  }
0x13: {  	[smem:$0x3FB3] =	sst s0;
	s0 =	simm.s32 @!p1 $0x0  }
0x14: {  	s2 =	sld [smem:$0x3F97];
	s0 =	simm.s32 @p1 $0x1  }
0x15: {  	[smem:$0x3FB4] =	sst s0;
	s0 =	simm.s32 @!p2 $0x0  }
0x16: {  	s3 =	sld [smem:$0x3FDB];
	s0 =	simm.s32 @p2 $0x1  }
0x17: {  	s4 =	simm.s32 $0x1BF5;
	[smem:$0x3FB6] =	sst s0  }
0x18: {  	s0 =	sld [smem:$0x3F99];
	_ =	swait.ge [sflag:s4], $0x0  }
0x19: {  	s7 =	sld [smem:$0x3F9A]  }
0x1a: {  	s8 =	sadd.s32 $0xFFFFE003, lr  }
0x1b: {  	s9 =	sadd.s32 $0xFFFFFEF7, lr;
	s5 =	simm.s32 $0xFFFFFFFF;
	p2 =	slt.u32 s8, $0xFFFFF086  }
0x1c: {  	p1 =	slt.u32 s9, $0xF7A;
	s5 =	simm.s32 @!p2 $0x0  }
0x1d: {  	s5 =	simm.s32 @p1 $0x1;
	p0 =	seq.s32 s7, s2  }
0x1e: {  	s7 =	smul.u32 @!p0 $0xF7A, s2;
	p2 =	seq.s32 @!p0 s5, $0x0  }
0x1f: {  	s9 =	smul.u32 $0xF7A, s1;
	s8 =	simm.s32 @!p0 $0x1BF5;
	p2 =	por !p2, p0  }
0x20: {  	[sflag:s8] =	ssyncset.s32 @!p0 $0xFFFFF086;
	s6 =	sadd.s32 @!p0 s3, s7;
	s7 =	simm.s32 @!p0 $0x108  }
0x21: {  	s3 =	sadd.s32 s3, s9;
	s6 =	sadd.s32 @!p0 $0x88, s6;
	s7 =	simm.s32 @p2 $0x1082  }
0x22: {  	[simem:s7], [sflag:s8] =	dma.local @!p0 [hbm:s6], $0xF7A  }
0x23: {  	s9 =	sor.u32 $0xD0000000, s2;
	s6 =	simm.s32 $0x108;
	_ =	swait.ge @!p0 [sflag:s8], $0x0  }
0x24: {  	s3 =	sadd.s32 $0x88, s3;
	s6 =	simm.s32 @!p1 $0x1082;
	[sflag:s4] =	ssyncset.s32 $0xFFFFF086  }
0x25: {  	[simem:s6], [sflag:s4] =	dma.local [hbm:s3], $0xF7A  }
0x26: {  	[smem:$0x3F9A] =	sst s1;
	(tag) =	ssettag s2;
	_ =	strace s9  }
0x27: {  	s1 =	sld [smem:$0x3FAA]  }
0x28: {  	s2 =	sld [smem:$0x3FAB]  }
0x29: {  	s4 =	sld [smem:$0x3FAD]  }
0x2a: {  	p0 =	seq.s32 s5, $0x0;
	s5 =	sld [smem:$0x3FAE]  }
0x2b: {  	s6 =	sld [smem:$0x3FAF]  }
0x2c: {  	s7 =	sld [smem:$0x3FB0]  }
0x2d: {  	s3 =	simm.s32 $0x108;
	s8 =	sld [smem:$0x3FB1]  }
0x2e: {  	s3 =	simm.s32 @!p0 $0x1082;
	s9 =	sld [smem:$0x3FB2]  }
0x2f: {  	lr =	sadd.s32 s0, s3;
	s0 =	sld [smem:$0x3FA9]  }
0x30: {  	s3 =	sld [smem:$0x3FAC]  }
0x31: {  	[smem:$0x3FB5] =	sst s10  }
0x32: {  	s10 =	sld [smem:$0x3FB3];
	_ =	sdelay $0x3  }
0x33: {  	p0 =	seq.s32 s10, $0x1;
	s10 =	sld [smem:$0x3FB5];
	_ =	sdelay $0x3  }
0x34: {  	[smem:$0x3FB5] =	sst s10  }
0x35: {  	s10 =	sld [smem:$0x3FB4];
	_ =	sdelay $0x3  }
0x36: {  	p1 =	seq.s32 s10, $0x1;
	s10 =	sld [smem:$0x3FB5];
	_ =	sdelay $0x3  }
0x37: {  	[smem:$0x3FB5] =	sst s10  }
0x38: {  	s10 =	sld [smem:$0x3FB6]  }
0x39: {  	_ = 	snop;
	(pc) =	sbr.ind lr, $3  }
0x3a: {  	_ = 	snop  }
0x3b: {  	_ = 	snop  }
0x3c: {  	p2 =	seq.s32 s10, $0x1;
	s10 =	sld [smem:$0x3FB5]  }
0x3d: {  	_ =	shalt  }
0x3e: {  	_ =	shalt  }
0x3f: {  	_ =	shalt  }
0x40: {  	_ =	shalt  }
0x41: {  	_ =	shalt  }
0x42: {  	_ =	shalt  }
0x43: {  	_ =	shalt  }
0x44: {  	_ =	shalt  }
0x45: {  	_ =	shalt  }
0x46: {  	_ =	shalt  }
0x47: {  	_ =	shalt  }
0x48: {  	_ =	shalt  }
0x49: {  	_ =	shalt  }
0x4a: {  	_ =	shalt  }
0x4b: {  	_ =	shalt  }
0x4c: {  	_ =	shalt  }
0x4d: {  	_ =	shalt  }
0x4e: {  	_ =	shalt  }
0x4f: {  	_ =	shalt  }
0x50: {  	_ =	shalt  }
0x51: {  	_ =	shalt  }
0x52: {  	_ =	shalt  }
0x53: {  	_ =	shalt  }
0x54: {  	_ =	shalt  }
0x55: {  	_ =	shalt  }
0x56: {  	_ =	shalt  }
0x57: {  	_ =	shalt  }
0x58: {  	_ =	shalt  }
0x59: {  	_ =	shalt  }
0x5a: {  	_ =	shalt  }
0x5b: {  	_ =	shalt  }
0x5c: {  	_ =	shalt  }
0x5d: {  	_ =	shalt  }
0x5e: {  	_ =	shalt  }
0x5f: {  	_ =	shalt  }
0x60: {  	_ =	shalt  }
0x61: {  	_ =	shalt  }
0x62: {  	_ =	shalt  }
0x63: {  	_ =	shalt  }
0x64: {  	_ =	shalt  }
0x65: {  	_ =	shalt  }
0x66: {  	_ =	shalt  }
0x67: {  	_ =	shalt  }
0x68: {  	_ =	shalt  }
0x69: {  	_ =	shalt  }
0x6a: {  	_ =	shalt  }
0x6b: {  	_ =	shalt  }
0x6c: {  	_ =	shalt  }
0x6d: {  	_ =	shalt  }
0x6e: {  	_ =	shalt  }
0x6f: {  	_ =	shalt  }
0x70: {  	_ =	shalt  }
0x71: {  	_ =	shalt  }
0x72: {  	_ =	shalt  }
0x73: {  	_ =	shalt  }
0x74: {  	_ =	shalt  }
0x75: {  	_ =	shalt  }
0x76: {  	_ =	shalt  }
0x77: {  	_ =	shalt  }
0x78: {  	_ =	shalt  }
0x79: {  	_ =	shalt  }
0x7a: {  	_ =	shalt  }
0x7b: {  	_ =	shalt  }
0x7c: {  	_ =	shalt  }
0x7d: {  	_ =	shalt  }
0x7e: {  	_ =	shalt  }
0x7f: {  	_ =	shalt  }
0x80: {  	_ =	shalt  }
0x81: {  	_ =	shalt  }
0x82: {  	_ =	shalt  }
0x83: {  	_ =	shalt  }
0x84: {  	_ =	shalt  }
0x85: {  	_ =	shalt  }
0x86: {  	_ =	shalt  }
0x87: {  	_ =	shalt  }
.Lfunc_end0:
.L_simem_size_0:
called_computation_lowered:
.L_overlay_start_0:
0x88: {  	s2 =	sld [smem:$0x3FD9]  }
0x89: {  	s3 =	sld [smem:$0x3FFE];
	_ =	sdelay $0x1  }
0x8a: {  	s1 =	srdreg.scid  }
0x8b: {  	s0 =	sand.u32 $0x1, s1  }
0x8c: {  	s17 =	sshll.u32 s0, $0xA;
	s2 =	sadd.s32 s3, s2  }
0x8d: {  	s2 =	sadd.s32 s2, s17  }
0x8e: {  	[smem:$0x3FC1] =	sst s2  }
0x8f: {  	_ = 	snop  }
0x90: {  	s2 =	sld [smem:$0x3FC5]  }
0x91: {  	s18 =	sld [smem:$0x3FD0];
	(tm) =	ssettm $0x1  }
0x92: {  	s4 =	sld [smem:$0x3FFB];
	_ =	sdelay $0x3  }
0x93: {  	_ =	strace s4  }
0x94: {  	s4 =	sld [smem:$0x3FFC];
	_ =	sdelay $0x3  }
0x95: {  	_ =	strace s4  }
0x96: {  	s4 =	sld [smem:$0x3FFD];
	_ =	sdelay $0x3  }
0x97: {  	_ =	strace s4  }
0x98: {  	_ =	strace $0x8FFFFFFF  }
0x99: {  	s19 =	sld [smem:$0x3FDB];
	_ =	sdelay $0x1  }
0x9a: {  	s5 =	simm.s32 $_scs_section_size  }
0x9b: {  	s6 =	simm.s32 $_size__tile_overlayer_lowered;
	s7 =	simm.s32 $_tile_overlayer_lowered  }
0x9c: {  	s22 =	simm.s32 $0x1BFF;
	s21 =	sshll.u32 s7, $0x1;
	s4 =	sadd.s32 s5, s19  }
0x9d: {  	s8 =	simm.s32 $0x0;
	s20 =	sshll.u32 s6, $0x1;
	s6 =	sadd.s32 s21, s4  }
0x9e: {  	[timem:s8], [sflag:s22] =	dma.local [hbm:s6], s20  }
0x9f: {  	_ =	swait.ge [sflag:s22], s20  }
0xa0: {  	s5 =	ssub.s32 $0x0, s20;
	[sflag:s22] =	ssyncset.done $0x0  }
0xa1: {  	[sflag:s22] =	ssyncadd.s32 s5;
	_ =	sdelay $0x1  }
0xa2: {  	s23 =	simm.s32 $0x1B8B  }
0xa3: {  	_ =	swait.ge [sflag:s23], $0x1  }
0xa4: {  	[sflag:s23] =	ssyncset.done $0x0  }
0xa5: {  	s25 =	simm.s32 $0x1B8E;
	s24 =	sld [smem:$0x3FFE];
	[sflag:s23] =	ssyncadd.s32 $0xFFFFFFFF  }
0xa6: {  	s26 =	simm.s32 $execute0_lowered;
	[smem:$0x3FD2] =	sst s25  }
0xa7: {  	s6 =	sshll.u32 s26, $0x1;
	_ =	strace $0x80000046;
	[dreg:$0x1] =	wrdreg $0xFFFFFFFF  }
0xa8: {  	s28 =	simm.s32 $_size_execute0_lowered;
	s4 =	sadd.s32 s4, s6;
	[dreg:$0x0] =	wrdreg $0x0  }
0xa9: {  	s6 =	sshll.u32 s28, $0x1;
	[dreg:$0x2] =	wrdreg s4  }
0xaa: {  	[dreg:$0x3] =	wrdreg s6  }
0xab: {  	[dreg:$0x4] =	wrdreg $0xC0  }
0xac: {  	_ =	task [dreg:s8], $0x5FFFF  }
0xad: {  	[dreg:$0x1] =	wrdreg $0xFFFFFFFF  }
0xae: {  	[dreg:$0x0] =	wrdreg $0x60  }
0xaf: {  	[dreg:$0x2] =	wrdreg s18  }
0xb0: {  	[dreg:$0x3] =	wrdreg s2  }
0xb1: {  	[dreg:$0x4] =	wrdreg s24  }
0xb2: {  	[dreg:$0x5] =	wrdreg $0x9  }
0xb3: {  	_ =	task.clear_ibuf [dreg:s8], $0x6FFFF;
	_ =	strace $0x90000046  }
0xb4: {  	s29 =	simm.s32 $0x9;
	_ =	strace $0x80000048  }
0xb5: {  	_ =	swait.ge [sflag:s29], $0x1  }
0xb6: {  	[sflag:s29] =	ssyncadd.s32 $0xFFFFFFFF  }
0xb7: {  	_ =	strace $0x90000048  }
0xb8: {  	_ =	sfence  }
0xb9: {  	s30 =	sld [smem:$0x0];
	_ =	sdelay $0x2  }
0xba: {  	s31 =	sshll.u32 s1, $0xD;
	s1 =	sshrl.u32 s1, $0x2  }
0xbb: {  	s3 =	sand.u32 $0x4000, s31;
	s1 =	sadd.s32 s1, s30  }
0xbc: {  	s0 =	sor.u32 s3, s0;
	s1 =	sshll.u32 s1, $0x11  }
0xbd: {  	s0 =	sor.u32 s1, s0  }
0xbe: {  	s0 =	sadd.s32 $0x8F2B, s0  }
0xbf: {  	[sflag:s0] =	ssyncadd.remote.s32 $0x1  }
0xc0: {  	_ =	sfence.sel $0xFFFF  }
0xc1: {  	[dreg:$0x0] =	wrdreg $0xFFFFFFFF;
	(pc) =	sbr.abs _section_cstart, $3  }
0xc2: {  	[dreg:$0x1] =	wrdreg $0xFFFFFFFF  }
0xc3: {  	_ =	task.clear_ibuf [dreg:s8], $0x2FFFF;
	_ =	strace $0x9FFFFFFF  }
0xc4: {  	(tm) =	ssettm $0x7FFFFFFF  }
0xc5: {  	_ =	shalt  }
tec
execute0_lowered:
.L_overlay_start_1:
0x0: {  	(tag) =	ssettag $0x1  }
0x1: {  	s1 =	rddreg [dreg:$0x0]  }
0x2: {  	s2 =	srdreg.scid;
	s4 =	rddreg [dreg:$0x1]  }
0x3: {  	s0 =	stileid.u32;
	s6 =	rddreg [dreg:$0x2]  }
0x4: {  	s3 =	simm.s32 $0x0;
	s5 =	sand.u32 $0x1, s2;
	s2 =	rddreg [dreg:$0x3]  }
0x5: {  	s7 =	sshll.u32 s0, $0x3;
	[smem:$0x7FF] =	sst s3;
	s9 =	sshrl.u32 s0, $0x3  }
0x6: {  	s8 =	sshll.u32 s5, $0x2;
	s5 =	ssub.s32 $0x2, s5;
	_ =	strace $0x80000047  }
0x7: {  	s9 =	smul.u32 $0xC00, s9;
	s7 =	sor.u32 s8, s7;
	s10 =	sshrl.u32 s5, $0x1  }
0x8: {  	s8 =	smul.u32 $0x300, s7;
	s7 =	sand.u32 $0x3C, s7;
	s31 =	ssub.s32 s5, s10  }
0x9: {  	s5 =	sshrl.u32 s9, $0x2;
	s9 =	simm.s32 $0x6000;
	s7 =	smul.u32 $0x300, s7  }
0xa: {  	s10 =	simm.s32 $0x0;
	s6 =	sadd.s32 s8, s6;
	s8 =	simm.s32 $0x1  }
0xb: {  	s4 =	sadd.s32 s4, s7;
	s6 =	sadd.s32 $0x800, s6;
	s7 =	smax.u32 s31, $0x1  }
.LBB2_1:
0xc: {  	[tilespmem:s3], [sflag:$0x1] =	stream.linear.gather [hbm4b:s4+s3], $0x6000, $0x38;
	[tilespmem:$0x6600] =	vst v63  }
0xd: {  	_ =	swait.ge [sflag:s8], $0x6000  }
0xe: {  	s11 =	simm.s32 $0x0;
	[sflag:s8] =	ssyncset.done $0x0  }
0xf: {  	s11 =	smul.u32 $0x6000, s11;
	[sflag:s8] =	ssyncadd.s32 $0xFFFFA000  }
0x10: {  	[tilespmem:s9], [sflag:$0x1] =	stream.linear.gather [hbm4b:s1+s3], $0x600, $0x38;
	[tilespmem:$0x6600] =	vst v63  }
0x11: {  	_ =	swait.ge [sflag:s8], $0x600  }
0x12: {  	s12 =	sand.u32 $0x380, s3;
	s11 =	sshra.s32 s11, $0x2;
	[sflag:s8] =	ssyncset.done $0x0  }
0x13: {  	s11 =	sor.u32 s12, s11;
	[sflag:s8] =	ssyncadd.s32 $0xFFFFFA00  }
0x14: {  	v0 =	vld [tilespmem:s11+$0x0]  }
0x15: {  	v1 =	vld [tilespmem:s5+$0x6000];
	_ =	sdelay $0x4  }
0x16: {  	v0 =	vadd.f32 v0, v1;
	_ =	sdelay $0x1  }
0x17: {  	[tilespmem:s11+$0x0] =	vst v0;
	v0 =	vld [tilespmem:s11+$0x10]  }
0x18: {  	v1 =	vld [tilespmem:s5+$0x6010];
	_ =	sdelay $0x4  }
0x19: {  	v0 =	vadd.f32 v0, v1;
	_ =	sdelay $0x1  }
0x1a: {  	[tilespmem:s11+$0x10] =	vst v0;
	v0 =	vld [tilespmem:s11+$0x20]  }
0x1b: {  	v1 =	vld [tilespmem:s5+$0x6020];
	_ =	sdelay $0x4  }
0x1c: {  	v0 =	vadd.f32 v0, v1;
	_ =	sdelay $0x1  }
0x1d: {  	[tilespmem:s11+$0x20] =	vst v0;
	v0 =	vld [tilespmem:s11+$0x30]  }
0x1e: {  	v1 =	vld [tilespmem:s5+$0x6030];
	_ =	sdelay $0x4  }
0x1f: {  	v0 =	vadd.f32 v0, v1;
	_ =	sdelay $0x1  }
0x20: {  	[tilespmem:s11+$0x30] =	vst v0;
	v0 =	vld [tilespmem:s11+$0x40]  }
0x21: {  	v1 =	vld [tilespmem:s5+$0x6040];
	_ =	sdelay $0x4  }
0x22: {  	v0 =	vadd.f32 v0, v1;
	_ =	sdelay $0x1  }
0x23: {  	[tilespmem:s11+$0x40] =	vst v0;
	v0 =	vld [tilespmem:s11+$0x50]  }
0x24: {  	v1 =	vld [tilespmem:s5+$0x6050];
	_ =	sdelay $0x4  }
0x25: {  	v0 =	vadd.f32 v0, v1;
	_ =	sdelay $0x1  }
0x26: {  	[tilespmem:s11+$0x50] =	vst v0;
	v0 =	vld [tilespmem:s11+$0x60]  }
0x27: {  	v1 =	vld [tilespmem:s5+$0x6060];
	_ =	sdelay $0x4  }
0x28: {  	v0 =	vadd.f32 v0, v1;
	_ =	sdelay $0x1  }
0x29: {  	[tilespmem:s11+$0x60] =	vst v0;
	v0 =	vld [tilespmem:s11+$0x70]  }
0x2a: {  	v1 =	vld [tilespmem:s5+$0x6070];
	_ =	sdelay $0x4  }
0x2b: {  	v0 =	vadd.f32 v0, v1;
	_ =	sdelay $0x1  }
0x2c: {  	[tilespmem:s11+$0x70] =	vst v0;
	v0 =	vld [tilespmem:s11+$0x400]  }
0x2d: {  	v1 =	vld [tilespmem:s5+$0x6080];
	_ =	sdelay $0x4  }
0x2e: {  	v0 =	vadd.f32 v0, v1;
	_ =	sdelay $0x1  }
0x2f: {  	[tilespmem:s11+$0x400] =	vst v0;
	v0 =	vld [tilespmem:s11+$0x410]  }
0x30: {  	v1 =	vld [tilespmem:s5+$0x6090];
	_ =	sdelay $0x4  }
0x31: {  	v0 =	vadd.f32 v0, v1;
	_ =	sdelay $0x1  }
0x32: {  	[tilespmem:s11+$0x410] =	vst v0;
	v0 =	vld [tilespmem:s11+$0x420]  }
0x33: {  	v1 =	vld [tilespmem:s5+$0x60A0];
	_ =	sdelay $0x4  }
0x34: {  	v0 =	vadd.f32 v0, v1;
	_ =	sdelay $0x1  }
0x35: {  	[tilespmem:s11+$0x420] =	vst v0;
	v0 =	vld [tilespmem:s11+$0x430]  }
0x36: {  	v1 =	vld [tilespmem:s5+$0x60B0];
	_ =	sdelay $0x4  }
0x37: {  	v0 =	vadd.f32 v0, v1;
	_ =	sdelay $0x1  }
0x38: {  	[tilespmem:s11+$0x430] =	vst v0;
	v0 =	vld [tilespmem:s11+$0x440]  }
0x39: {  	v1 =	vld [tilespmem:s5+$0x60C0];
	_ =	sdelay $0x4  }
0x3a: {  	v0 =	vadd.f32 v0, v1;
	_ =	sdelay $0x1  }
0x3b: {  	[tilespmem:s11+$0x440] =	vst v0;
	v0 =	vld [tilespmem:s11+$0x450]  }
0x3c: {  	v1 =	vld [tilespmem:s5+$0x60D0];
	_ =	sdelay $0x4  }
0x3d: {  	v0 =	vadd.f32 v0, v1;
	_ =	sdelay $0x1  }
0x3e: {  	[tilespmem:s11+$0x450] =	vst v0;
	v0 =	vld [tilespmem:s11+$0x460]  }
0x3f: {  	v1 =	vld [tilespmem:s5+$0x60E0];
	_ =	sdelay $0x4  }
0x40: {  	v0 =	vadd.f32 v0, v1;
	_ =	sdelay $0x1  }
0x41: {  	[tilespmem:s11+$0x460] =	vst v0;
	v0 =	vld [tilespmem:s11+$0x470]  }
0x42: {  	v1 =	vld [tilespmem:s5+$0x60F0];
	_ =	sdelay $0x4  }
0x43: {  	v0 =	vadd.f32 v0, v1;
	_ =	sdelay $0x1  }
0x44: {  	[tilespmem:s11+$0x470] =	vst v0;
	v0 =	vld [tilespmem:s11+$0x800]  }
0x45: {  	v1 =	vld [tilespmem:s5+$0x6100];
	_ =	sdelay $0x4  }
0x46: {  	v0 =	vadd.f32 v0, v1;
	_ =	sdelay $0x1  }
0x47: {  	[tilespmem:s11+$0x800] =	vst v0;
	v0 =	vld [tilespmem:s11+$0x810]  }
0x48: {  	v1 =	vld [tilespmem:s5+$0x6110];
	_ =	sdelay $0x4  }
0x49: {  	v0 =	vadd.f32 v0, v1;
	_ =	sdelay $0x1  }
0x4a: {  	[tilespmem:s11+$0x810] =	vst v0;
	v0 =	vld [tilespmem:s11+$0x820]  }
0x4b: {  	v1 =	vld [tilespmem:s5+$0x6120];
	_ =	sdelay $0x4  }
0x4c: {  	v0 =	vadd.f32 v0, v1;
	_ =	sdelay $0x1  }
0x4d: {  	[tilespmem:s11+$0x820] =	vst v0;
	v0 =	vld [tilespmem:s11+$0x830]  }
0x4e: {  	v1 =	vld [tilespmem:s5+$0x6130];
	_ =	sdelay $0x4  }
0x4f: {  	v0 =	vadd.f32 v0, v1;
	_ =	sdelay $0x1  }
0x50: {  	[tilespmem:s11+$0x830] =	vst v0;
	v0 =	vld [tilespmem:s11+$0x840]  }
0x51: {  	v1 =	vld [tilespmem:s5+$0x6140];
	_ =	sdelay $0x4  }
0x52: {  	v0 =	vadd.f32 v0, v1;
	_ =	sdelay $0x1  }
0x53: {  	[tilespmem:s11+$0x840] =	vst v0;
	v0 =	vld [tilespmem:s11+$0x850]  }
0x54: {  	v1 =	vld [tilespmem:s5+$0x6150];
	_ =	sdelay $0x4  }
0x55: {  	v0 =	vadd.f32 v0, v1;
	_ =	sdelay $0x1  }
0x56: {  	[tilespmem:s11+$0x850] =	vst v0;
	v0 =	vld [tilespmem:s11+$0x860]  }
0x57: {  	v1 =	vld [tilespmem:s5+$0x6160];
	_ =	sdelay $0x4  }
0x58: {  	v0 =	vadd.f32 v0, v1;
	_ =	sdelay $0x1  }
0x59: {  	[tilespmem:s11+$0x860] =	vst v0;
	v0 =	vld [tilespmem:s11+$0x870]  }
0x5a: {  	v1 =	vld [tilespmem:s5+$0x6170];
	_ =	sdelay $0x4  }
0x5b: {  	v0 =	vadd.f32 v0, v1;
	_ =	sdelay $0x1  }
0x5c: {  	[tilespmem:s11+$0x870] =	vst v0;
	v0 =	vld [tilespmem:s11+$0xC00]  }
0x5d: {  	v1 =	vld [tilespmem:s5+$0x6180];
	_ =	sdelay $0x4  }
0x5e: {  	v0 =	vadd.f32 v0, v1;
	_ =	sdelay $0x1  }
0x5f: {  	[tilespmem:s11+$0xC00] =	vst v0;
	v0 =	vld [tilespmem:s11+$0xC10]  }
0x60: {  	v1 =	vld [tilespmem:s5+$0x6190];
	_ =	sdelay $0x4  }
0x61: {  	v0 =	vadd.f32 v0, v1;
	_ =	sdelay $0x1  }
0x62: {  	[tilespmem:s11+$0xC10] =	vst v0;
	v0 =	vld [tilespmem:s11+$0xC20]  }
0x63: {  	v1 =	vld [tilespmem:s5+$0x61A0];
	_ =	sdelay $0x4  }
0x64: {  	v0 =	vadd.f32 v0, v1;
	_ =	sdelay $0x1  }
0x65: {  	[tilespmem:s11+$0xC20] =	vst v0;
	v0 =	vld [tilespmem:s11+$0xC30]  }
0x66: {  	v1 =	vld [tilespmem:s5+$0x61B0];
	_ =	sdelay $0x4  }
0x67: {  	v0 =	vadd.f32 v0, v1;
	_ =	sdelay $0x1  }
0x68: {  	[tilespmem:s11+$0xC30] =	vst v0;
	v0 =	vld [tilespmem:s11+$0xC40]  }
0x69: {  	v1 =	vld [tilespmem:s5+$0x61C0];
	_ =	sdelay $0x4  }
0x6a: {  	v0 =	vadd.f32 v0, v1;
	_ =	sdelay $0x1  }
0x6b: {  	[tilespmem:s11+$0xC40] =	vst v0;
	v0 =	vld [tilespmem:s11+$0xC50]  }
0x6c: {  	v1 =	vld [tilespmem:s5+$0x61D0];
	_ =	sdelay $0x4  }
0x6d: {  	v0 =	vadd.f32 v0, v1;
	_ =	sdelay $0x1  }
0x6e: {  	[tilespmem:s11+$0xC50] =	vst v0;
	v0 =	vld [tilespmem:s11+$0xC60]  }
0x6f: {  	v1 =	vld [tilespmem:s5+$0x61E0];
	_ =	sdelay $0x4  }
0x70: {  	v0 =	vadd.f32 v0, v1;
	_ =	sdelay $0x1  }
0x71: {  	[tilespmem:s11+$0xC60] =	vst v0;
	v0 =	vld [tilespmem:s11+$0xC70]  }
0x72: {  	v1 =	vld [tilespmem:s5+$0x61F0];
	_ =	sdelay $0x4  }
0x73: {  	v0 =	vadd.f32 v0, v1;
	_ =	sdelay $0x1  }
0x74: {  	[tilespmem:s11+$0xC70] =	vst v0;
	v0 =	vld [tilespmem:s11+$0x1000]  }
0x75: {  	v1 =	vld [tilespmem:s5+$0x6200];
	_ =	sdelay $0x4  }
0x76: {  	v0 =	vadd.f32 v0, v1;
	_ =	sdelay $0x1  }
0x77: {  	[tilespmem:s11+$0x1000] =	vst v0;
	v0 =	vld [tilespmem:s11+$0x1010]  }
0x78: {  	v1 =	vld [tilespmem:s5+$0x6210];
	_ =	sdelay $0x4  }
0x79: {  	v0 =	vadd.f32 v0, v1;
	_ =	sdelay $0x1  }
0x7a: {  	[tilespmem:s11+$0x1010] =	vst v0;
	v0 =	vld [tilespmem:s11+$0x1020]  }
0x7b: {  	v1 =	vld [tilespmem:s5+$0x6220];
	_ =	sdelay $0x4  }
0x7c: {  	v0 =	vadd.f32 v0, v1;
	_ =	sdelay $0x1  }
0x7d: {  	[tilespmem:s11+$0x1020] =	vst v0;
	v0 =	vld [tilespmem:s11+$0x1030]  }
0x7e: {  	v1 =	vld [tilespmem:s5+$0x6230];
	_ =	sdelay $0x4  }
0x7f: {  	v0 =	vadd.f32 v0, v1;
	_ =	sdelay $0x1  }
0x80: {  	[tilespmem:s11+$0x1030] =	vst v0;
	v0 =	vld [tilespmem:s11+$0x1040]  }
0x81: {  	v1 =	vld [tilespmem:s5+$0x6240];
	_ =	sdelay $0x4  }
0x82: {  	v0 =	vadd.f32 v0, v1;
	_ =	sdelay $0x1  }
0x83: {  	[tilespmem:s11+$0x1040] =	vst v0;
	v0 =	vld [tilespmem:s11+$0x1050]  }
0x84: {  	v1 =	vld [tilespmem:s5+$0x6250];
	_ =	sdelay $0x4  }
0x85: {  	v0 =	vadd.f32 v0, v1;
	_ =	sdelay $0x1  }
0x86: {  	[tilespmem:s11+$0x1050] =	vst v0;
	v0 =	vld [tilespmem:s11+$0x1060]  }
0x87: {  	v1 =	vld [tilespmem:s5+$0x6260];
	_ =	sdelay $0x4  }
0x88: {  	v0 =	vadd.f32 v0, v1;
	_ =	sdelay $0x1  }
0x89: {  	[tilespmem:s11+$0x1060] =	vst v0;
	v0 =	vld [tilespmem:s11+$0x1070]  }
0x8a: {  	v1 =	vld [tilespmem:s5+$0x6270];
	_ =	sdelay $0x4  }
0x8b: {  	v0 =	vadd.f32 v0, v1;
	_ =	sdelay $0x1  }
0x8c: {  	[tilespmem:s11+$0x1070] =	vst v0;
	v0 =	vld [tilespmem:s11+$0x1400]  }
0x8d: {  	v1 =	vld [tilespmem:s5+$0x6280];
	_ =	sdelay $0x4  }
0x8e: {  	v0 =	vadd.f32 v0, v1;
	_ =	sdelay $0x1  }
0x8f: {  	[tilespmem:s11+$0x1400] =	vst v0;
	v0 =	vld [tilespmem:s11+$0x1410]  }
0x90: {  	v1 =	vld [tilespmem:s5+$0x6290];
	_ =	sdelay $0x4  }
0x91: {  	v0 =	vadd.f32 v0, v1;
	_ =	sdelay $0x1  }
0x92: {  	[tilespmem:s11+$0x1410] =	vst v0;
	v0 =	vld [tilespmem:s11+$0x1420]  }
0x93: {  	v1 =	vld [tilespmem:s5+$0x62A0];
	_ =	sdelay $0x4  }
0x94: {  	v0 =	vadd.f32 v0, v1;
	_ =	sdelay $0x1  }
0x95: {  	[tilespmem:s11+$0x1420] =	vst v0;
	v0 =	vld [tilespmem:s11+$0x1430]  }
0x96: {  	v1 =	vld [tilespmem:s5+$0x62B0];
	_ =	sdelay $0x4  }
0x97: {  	v0 =	vadd.f32 v0, v1;
	_ =	sdelay $0x1  }
0x98: {  	[tilespmem:s11+$0x1430] =	vst v0;
	v0 =	vld [tilespmem:s11+$0x1440]  }
0x99: {  	v1 =	vld [tilespmem:s5+$0x62C0];
	_ =	sdelay $0x4  }
0x9a: {  	v0 =	vadd.f32 v0, v1;
	_ =	sdelay $0x1  }
0x9b: {  	[tilespmem:s11+$0x1440] =	vst v0;
	v0 =	vld [tilespmem:s11+$0x1450]  }
0x9c: {  	v1 =	vld [tilespmem:s5+$0x62D0];
	_ =	sdelay $0x4  }
0x9d: {  	v0 =	vadd.f32 v0, v1;
	_ =	sdelay $0x1  }
0x9e: {  	[tilespmem:s11+$0x1450] =	vst v0;
	v0 =	vld [tilespmem:s11+$0x1460]  }
0x9f: {  	v1 =	vld [tilespmem:s5+$0x62E0];
	_ =	sdelay $0x4  }
0xa0: {  	v0 =	vadd.f32 v0, v1;
	_ =	sdelay $0x1  }
0xa1: {  	[tilespmem:s11+$0x1460] =	vst v0;
	v0 =	vld [tilespmem:s11+$0x1470]  }
0xa2: {  	v1 =	vld [tilespmem:s5+$0x62F0];
	_ =	sdelay $0x1  }
0xa3: {  	s31 =	simm.s32 $0x0  }
0xa4: {  	s13 =	simm.s32 $0x2;
	s14 =	smul.u32 $0x6000, s31;
	s12 =	simm.s32 $0x0  }
.LBB2_2:
0xa5: {  	p0 =	sne.s32 s13, $0x1F;
	s12 =	sadd.s32 $0x80, s12  }
0xa6: {  	s15 =	sand.u32 $0x380, s12;
	s14 =	sshra.s32 s14, $0x2;
	v0 =	vadd.f32 v0, v1  }
0xa7: {  	s14 =	sor.u32 s15, s14  }
0xa8: {  	v1 =	vld [tilespmem:s14+$0x0];
	[tilespmem:s11+$0x1470] =	vst v0;
	s11 =	smov.u32 s14  }
0xa9: {  	v0 =	vld [tilespmem:s5+$0x6000];
	_ =	sdelay $0x4  }
0xaa: {  	v0 =	vadd.f32 v1, v0;
	_ =	sdelay $0x1  }
0xab: {  	[tilespmem:s11+$0x0] =	vst v0;
	v0 =	vld [tilespmem:s11+$0x10]  }
0xac: {  	v1 =	vld [tilespmem:s5+$0x6010];
	_ =	sdelay $0x4  }
0xad: {  	v0 =	vadd.f32 v0, v1;
	_ =	sdelay $0x1  }
0xae: {  	[tilespmem:s11+$0x10] =	vst v0;
	v0 =	vld [tilespmem:s11+$0x20]  }
0xaf: {  	v1 =	vld [tilespmem:s5+$0x6020];
	_ =	sdelay $0x4  }
0xb0: {  	v0 =	vadd.f32 v0, v1;
	_ =	sdelay $0x1  }
0xb1: {  	[tilespmem:s11+$0x20] =	vst v0;
	v0 =	vld [tilespmem:s11+$0x30]  }
0xb2: {  	v1 =	vld [tilespmem:s5+$0x6030];
	_ =	sdelay $0x4  }
0xb3: {  	v0 =	vadd.f32 v0, v1;
	_ =	sdelay $0x1  }
0xb4: {  	[tilespmem:s11+$0x30] =	vst v0;
	v0 =	vld [tilespmem:s11+$0x40]  }
0xb5: {  	v1 =	vld [tilespmem:s5+$0x6040];
	_ =	sdelay $0x4  }
0xb6: {  	v0 =	vadd.f32 v0, v1;
	_ =	sdelay $0x1  }
0xb7: {  	[tilespmem:s11+$0x40] =	vst v0;
	v0 =	vld [tilespmem:s11+$0x50]  }
0xb8: {  	v1 =	vld [tilespmem:s5+$0x6050];
	_ =	sdelay $0x4  }
0xb9: {  	v0 =	vadd.f32 v0, v1;
	_ =	sdelay $0x1  }
0xba: {  	[tilespmem:s11+$0x50] =	vst v0;
	v0 =	vld [tilespmem:s11+$0x60]  }
0xbb: {  	v1 =	vld [tilespmem:s5+$0x6060];
	_ =	sdelay $0x4  }
0xbc: {  	v0 =	vadd.f32 v0, v1;
	_ =	sdelay $0x1  }
0xbd: {  	[tilespmem:s11+$0x60] =	vst v0;
	v0 =	vld [tilespmem:s11+$0x70]  }
0xbe: {  	v1 =	vld [tilespmem:s5+$0x6070];
	_ =	sdelay $0x4  }
0xbf: {  	v0 =	vadd.f32 v0, v1;
	_ =	sdelay $0x1  }
0xc0: {  	[tilespmem:s11+$0x70] =	vst v0;
	v0 =	vld [tilespmem:s11+$0x400]  }
0xc1: {  	v1 =	vld [tilespmem:s5+$0x6080];
	_ =	sdelay $0x4  }
0xc2: {  	v0 =	vadd.f32 v0, v1;
	_ =	sdelay $0x1  }
0xc3: {  	[tilespmem:s11+$0x400] =	vst v0;
	v0 =	vld [tilespmem:s11+$0x410]  }
0xc4: {  	v1 =	vld [tilespmem:s5+$0x6090];
	_ =	sdelay $0x4  }
0xc5: {  	v0 =	vadd.f32 v0, v1;
	_ =	sdelay $0x1  }
0xc6: {  	[tilespmem:s11+$0x410] =	vst v0;
	v0 =	vld [tilespmem:s11+$0x420]  }
0xc7: {  	v1 =	vld [tilespmem:s5+$0x60A0];
	_ =	sdelay $0x4  }
0xc8: {  	v0 =	vadd.f32 v0, v1;
	_ =	sdelay $0x1  }
0xc9: {  	[tilespmem:s11+$0x420] =	vst v0;
	v0 =	vld [tilespmem:s11+$0x430]  }
0xca: {  	v1 =	vld [tilespmem:s5+$0x60B0];
	_ =	sdelay $0x4  }
0xcb: {  	v0 =	vadd.f32 v0, v1;
	_ =	sdelay $0x1  }
0xcc: {  	[tilespmem:s11+$0x430] =	vst v0;
	v0 =	vld [tilespmem:s11+$0x440]  }
0xcd: {  	v1 =	vld [tilespmem:s5+$0x60C0];
	_ =	sdelay $0x4  }
0xce: {  	v0 =	vadd.f32 v0, v1;
	_ =	sdelay $0x1  }
0xcf: {  	[tilespmem:s11+$0x440] =	vst v0;
	v0 =	vld [tilespmem:s11+$0x450]  }
0xd0: {  	v1 =	vld [tilespmem:s5+$0x60D0];
	_ =	sdelay $0x4  }
0xd1: {  	v0 =	vadd.f32 v0, v1;
	_ =	sdelay $0x1  }
0xd2: {  	[tilespmem:s11+$0x450] =	vst v0;
	v0 =	vld [tilespmem:s11+$0x460]  }
0xd3: {  	v1 =	vld [tilespmem:s5+$0x60E0];
	_ =	sdelay $0x4  }
0xd4: {  	v0 =	vadd.f32 v0, v1;
	_ =	sdelay $0x1  }
0xd5: {  	[tilespmem:s11+$0x460] =	vst v0;
	v0 =	vld [tilespmem:s11+$0x470]  }
0xd6: {  	v1 =	vld [tilespmem:s5+$0x60F0];
	_ =	sdelay $0x4  }
0xd7: {  	v0 =	vadd.f32 v0, v1;
	_ =	sdelay $0x1  }
0xd8: {  	[tilespmem:s11+$0x470] =	vst v0;
	v0 =	vld [tilespmem:s11+$0x800]  }
0xd9: {  	v1 =	vld [tilespmem:s5+$0x6100];
	_ =	sdelay $0x4  }
0xda: {  	v0 =	vadd.f32 v0, v1;
	_ =	sdelay $0x1  }
0xdb: {  	[tilespmem:s11+$0x800] =	vst v0;
	v0 =	vld [tilespmem:s11+$0x810]  }
0xdc: {  	v1 =	vld [tilespmem:s5+$0x6110];
	_ =	sdelay $0x4  }
0xdd: {  	v0 =	vadd.f32 v0, v1;
	_ =	sdelay $0x1  }
0xde: {  	[tilespmem:s11+$0x810] =	vst v0;
	v0 =	vld [tilespmem:s11+$0x820]  }
0xdf: {  	v1 =	vld [tilespmem:s5+$0x6120];
	_ =	sdelay $0x4  }
0xe0: {  	v0 =	vadd.f32 v0, v1;
	_ =	sdelay $0x1  }
0xe1: {  	[tilespmem:s11+$0x820] =	vst v0;
	v0 =	vld [tilespmem:s11+$0x830]  }
0xe2: {  	v1 =	vld [tilespmem:s5+$0x6130];
	_ =	sdelay $0x4  }
0xe3: {  	v0 =	vadd.f32 v0, v1;
	_ =	sdelay $0x1  }
0xe4: {  	[tilespmem:s11+$0x830] =	vst v0;
	v0 =	vld [tilespmem:s11+$0x840]  }
0xe5: {  	v1 =	vld [tilespmem:s5+$0x6140];
	_ =	sdelay $0x4  }
0xe6: {  	v0 =	vadd.f32 v0, v1;
	_ =	sdelay $0x1  }
0xe7: {  	[tilespmem:s11+$0x840] =	vst v0;
	v0 =	vld [tilespmem:s11+$0x850]  }
0xe8: {  	v1 =	vld [tilespmem:s5+$0x6150];
	_ =	sdelay $0x4  }
0xe9: {  	v0 =	vadd.f32 v0, v1;
	_ =	sdelay $0x1  }
0xea: {  	[tilespmem:s11+$0x850] =	vst v0;
	v0 =	vld [tilespmem:s11+$0x860]  }
0xeb: {  	v1 =	vld [tilespmem:s5+$0x6160];
	_ =	sdelay $0x4  }
0xec: {  	v0 =	vadd.f32 v0, v1;
	_ =	sdelay $0x1  }
0xed: {  	[tilespmem:s11+$0x860] =	vst v0;
	v0 =	vld [tilespmem:s11+$0x870]  }
0xee: {  	v1 =	vld [tilespmem:s5+$0x6170];
	_ =	sdelay $0x4  }
0xef: {  	v0 =	vadd.f32 v0, v1;
	_ =	sdelay $0x1  }
0xf0: {  	[tilespmem:s11+$0x870] =	vst v0;
	v0 =	vld [tilespmem:s11+$0xC00]  }
0xf1: {  	v1 =	vld [tilespmem:s5+$0x6180];
	_ =	sdelay $0x4  }
0xf2: {  	v0 =	vadd.f32 v0, v1;
	_ =	sdelay $0x1  }
0xf3: {  	[tilespmem:s11+$0xC00] =	vst v0;
	v0 =	vld [tilespmem:s11+$0xC10]  }
0xf4: {  	v1 =	vld [tilespmem:s5+$0x6190];
	_ =	sdelay $0x4  }
0xf5: {  	v0 =	vadd.f32 v0, v1;
	_ =	sdelay $0x1  }
0xf6: {  	[tilespmem:s11+$0xC10] =	vst v0;
	v0 =	vld [tilespmem:s11+$0xC20]  }
0xf7: {  	v1 =	vld [tilespmem:s5+$0x61A0];
	_ =	sdelay $0x4  }
0xf8: {  	v0 =	vadd.f32 v0, v1;
	_ =	sdelay $0x1  }
0xf9: {  	[tilespmem:s11+$0xC20] =	vst v0;
	v0 =	vld [tilespmem:s11+$0xC30]  }
0xfa: {  	v1 =	vld [tilespmem:s5+$0x61B0];
	_ =	sdelay $0x4  }
0xfb: {  	v0 =	vadd.f32 v0, v1;
	_ =	sdelay $0x1  }
0xfc: {  	[tilespmem:s11+$0xC30] =	vst v0;
	v0 =	vld [tilespmem:s11+$0xC40]  }
0xfd: {  	v1 =	vld [tilespmem:s5+$0x61C0];
	_ =	sdelay $0x4  }
0xfe: {  	v0 =	vadd.f32 v0, v1;
	_ =	sdelay $0x1  }
0xff: {  	[tilespmem:s11+$0xC40] =	vst v0;
	v0 =	vld [tilespmem:s11+$0xC50]  }
0x100: {  	v1 =	vld [tilespmem:s5+$0x61D0];
	_ =	sdelay $0x4  }
0x101: {  	v0 =	vadd.f32 v0, v1;
	_ =	sdelay $0x1  }
0x102: {  	[tilespmem:s11+$0xC50] =	vst v0;
	v0 =	vld [tilespmem:s11+$0xC60]  }
0x103: {  	v1 =	vld [tilespmem:s5+$0x61E0];
	_ =	sdelay $0x4  }
0x104: {  	v0 =	vadd.f32 v0, v1;
	_ =	sdelay $0x1  }
0x105: {  	[tilespmem:s11+$0xC60] =	vst v0;
	v0 =	vld [tilespmem:s11+$0xC70]  }
0x106: {  	v1 =	vld [tilespmem:s5+$0x61F0];
	_ =	sdelay $0x4  }
0x107: {  	v0 =	vadd.f32 v0, v1;
	_ =	sdelay $0x1  }
0x108: {  	[tilespmem:s11+$0xC70] =	vst v0;
	v0 =	vld [tilespmem:s11+$0x1000]  }
0x109: {  	v1 =	vld [tilespmem:s5+$0x6200];
	_ =	sdelay $0x4  }
0x10a: {  	v0 =	vadd.f32 v0, v1;
	_ =	sdelay $0x1  }
0x10b: {  	[tilespmem:s11+$0x1000] =	vst v0;
	v0 =	vld [tilespmem:s11+$0x1010]  }
0x10c: {  	v1 =	vld [tilespmem:s5+$0x6210];
	_ =	sdelay $0x4  }
0x10d: {  	v0 =	vadd.f32 v0, v1;
	_ =	sdelay $0x1  }
0x10e: {  	[tilespmem:s11+$0x1010] =	vst v0;
	v0 =	vld [tilespmem:s11+$0x1020]  }
0x10f: {  	v1 =	vld [tilespmem:s5+$0x6220];
	_ =	sdelay $0x4  }
0x110: {  	v0 =	vadd.f32 v0, v1;
	_ =	sdelay $0x1  }
0x111: {  	[tilespmem:s11+$0x1020] =	vst v0;
	v0 =	vld [tilespmem:s11+$0x1030]  }
0x112: {  	v1 =	vld [tilespmem:s5+$0x6230];
	_ =	sdelay $0x4  }
0x113: {  	v0 =	vadd.f32 v0, v1;
	_ =	sdelay $0x1  }
0x114: {  	[tilespmem:s11+$0x1030] =	vst v0;
	v0 =	vld [tilespmem:s11+$0x1040]  }
0x115: {  	v1 =	vld [tilespmem:s5+$0x6240];
	_ =	sdelay $0x4  }
0x116: {  	v0 =	vadd.f32 v0, v1;
	_ =	sdelay $0x1  }
0x117: {  	[tilespmem:s11+$0x1040] =	vst v0;
	v0 =	vld [tilespmem:s11+$0x1050]  }
0x118: {  	v1 =	vld [tilespmem:s5+$0x6250];
	_ =	sdelay $0x4  }
0x119: {  	v0 =	vadd.f32 v0, v1;
	_ =	sdelay $0x1  }
0x11a: {  	[tilespmem:s11+$0x1050] =	vst v0;
	v0 =	vld [tilespmem:s11+$0x1060]  }
0x11b: {  	v1 =	vld [tilespmem:s5+$0x6260];
	_ =	sdelay $0x4  }
0x11c: {  	v0 =	vadd.f32 v0, v1;
	_ =	sdelay $0x1  }
0x11d: {  	[tilespmem:s11+$0x1060] =	vst v0;
	v0 =	vld [tilespmem:s11+$0x1070]  }
0x11e: {  	v1 =	vld [tilespmem:s5+$0x6270];
	_ =	sdelay $0x4  }
0x11f: {  	v0 =	vadd.f32 v0, v1;
	_ =	sdelay $0x1  }
0x120: {  	[tilespmem:s11+$0x1070] =	vst v0;
	v0 =	vld [tilespmem:s11+$0x1400]  }
0x121: {  	v1 =	vld [tilespmem:s5+$0x6280];
	_ =	sdelay $0x4  }
0x122: {  	v0 =	vadd.f32 v0, v1;
	_ =	sdelay $0x1  }
0x123: {  	[tilespmem:s11+$0x1400] =	vst v0;
	v0 =	vld [tilespmem:s11+$0x1410]  }
0x124: {  	v1 =	vld [tilespmem:s5+$0x6290];
	_ =	sdelay $0x4  }
0x125: {  	v0 =	vadd.f32 v0, v1;
	_ =	sdelay $0x1  }
0x126: {  	[tilespmem:s11+$0x1410] =	vst v0;
	v0 =	vld [tilespmem:s11+$0x1420]  }
0x127: {  	v1 =	vld [tilespmem:s5+$0x62A0];
	_ =	sdelay $0x4  }
0x128: {  	v0 =	vadd.f32 v0, v1;
	_ =	sdelay $0x1  }
0x129: {  	[tilespmem:s11+$0x1420] =	vst v0;
	v0 =	vld [tilespmem:s11+$0x1430]  }
0x12a: {  	v1 =	vld [tilespmem:s5+$0x62B0];
	_ =	sdelay $0x4  }
0x12b: {  	v0 =	vadd.f32 v0, v1;
	_ =	sdelay $0x1  }
0x12c: {  	[tilespmem:s11+$0x1430] =	vst v0;
	v0 =	vld [tilespmem:s11+$0x1440]  }
0x12d: {  	v1 =	vld [tilespmem:s5+$0x62C0];
	_ =	sdelay $0x4  }
0x12e: {  	v0 =	vadd.f32 v0, v1;
	_ =	sdelay $0x1  }
0x12f: {  	[tilespmem:s11+$0x1440] =	vst v0;
	v0 =	vld [tilespmem:s11+$0x1450]  }
0x130: {  	v1 =	vld [tilespmem:s5+$0x62D0];
	_ =	sdelay $0x4  }
0x131: {  	v0 =	vadd.f32 v0, v1;
	_ =	sdelay $0x1  }
0x132: {  	[tilespmem:s11+$0x1450] =	vst v0;
	v0 =	vld [tilespmem:s11+$0x1460]  }
0x133: {  	v1 =	vld [tilespmem:s5+$0x62E0];
	_ =	sdelay $0x4  }
0x134: {  	v0 =	vadd.f32 v0, v1;
	_ =	sdelay $0x1  }
.Ltmp0:
0x135: {  	[tilespmem:s11+$0x1460] =	vst v0;
	v0 =	vld [tilespmem:s11+$0x1470];
	(pc) =	sbr.rel @p0 .LBB2_2-.Ltmp0, $3  }
0x136: {  	v1 =	vld [tilespmem:s5+$0x62F0];
	_ =	sdelay $0x1  }
0x137: {  	s14 =	sshrl.u32 s13, $0x3  }
0x138: {  	s13 =	sadd.s32 $0x1, s13;
	s14 =	smul.u32 $0x6000, s14  }
0x139: {  	s12 =	sadd.s32 $0x80, s12  }
0x13a: {  	s12 =	sand.u32 $0x380, s12;
	s13 =	sshra.s32 s14, $0x2;
	v0 =	vadd.f32 v0, v1  }
0x13b: {  	s12 =	sor.u32 s12, s13  }
0x13c: {  	v29 =	vld [tilespmem:s12+$0x0];
	[tilespmem:s11+$0x1470] =	vst v0  }
0x13d: {  	v0 =	vld [tilespmem:s5+$0x6000];
	_ =	sdelay $0x4  }
0x13e: {  	v0 =	vadd.f32 v29, v0;
	_ =	sdelay $0x1  }
0x13f: {  	v30 =	vld [tilespmem:s12+$0x10];
	[tilespmem:s12+$0x0] =	vst v0  }
0x140: {  	v31 =	vld [tilespmem:s5+$0x6010];
	_ =	sdelay $0x4  }
0x141: {  	v0 =	vadd.f32 v30, v31;
	_ =	sdelay $0x1  }
0x142: {  	v32 =	vld [tilespmem:s12+$0x20];
	[tilespmem:s12+$0x10] =	vst v0  }
0x143: {  	v33 =	vld [tilespmem:s5+$0x6020];
	_ =	sdelay $0x4  }
0x144: {  	v0 =	vadd.f32 v32, v33;
	_ =	sdelay $0x1  }
0x145: {  	v34 =	vld [tilespmem:s12+$0x30];
	[tilespmem:s12+$0x20] =	vst v0  }
0x146: {  	v35 =	vld [tilespmem:s5+$0x6030];
	_ =	sdelay $0x4  }
0x147: {  	v0 =	vadd.f32 v34, v35;
	_ =	sdelay $0x1  }
0x148: {  	v36 =	vld [tilespmem:s12+$0x40];
	[tilespmem:s12+$0x30] =	vst v0  }
0x149: {  	v37 =	vld [tilespmem:s5+$0x6040];
	_ =	sdelay $0x4  }
0x14a: {  	v0 =	vadd.f32 v36, v37;
	_ =	sdelay $0x1  }
0x14b: {  	v38 =	vld [tilespmem:s12+$0x50];
	[tilespmem:s12+$0x40] =	vst v0  }
0x14c: {  	v39 =	vld [tilespmem:s5+$0x6050];
	_ =	sdelay $0x4  }
0x14d: {  	v0 =	vadd.f32 v38, v39;
	_ =	sdelay $0x1  }
0x14e: {  	v40 =	vld [tilespmem:s12+$0x60];
	[tilespmem:s12+$0x50] =	vst v0  }
0x14f: {  	v41 =	vld [tilespmem:s5+$0x6060];
	_ =	sdelay $0x4  }
0x150: {  	v0 =	vadd.f32 v40, v41;
	_ =	sdelay $0x1  }
0x151: {  	v42 =	vld [tilespmem:s12+$0x70];
	[tilespmem:s12+$0x60] =	vst v0  }
0x152: {  	v43 =	vld [tilespmem:s5+$0x6070];
	_ =	sdelay $0x4  }
0x153: {  	v0 =	vadd.f32 v42, v43;
	_ =	sdelay $0x1  }
0x154: {  	v44 =	vld [tilespmem:s12+$0x400];
	[tilespmem:s12+$0x70] =	vst v0  }
0x155: {  	v45 =	vld [tilespmem:s5+$0x6080];
	_ =	sdelay $0x4  }
0x156: {  	v0 =	vadd.f32 v44, v45;
	_ =	sdelay $0x1  }
0x157: {  	v46 =	vld [tilespmem:s12+$0x410];
	[tilespmem:s12+$0x400] =	vst v0  }
0x158: {  	v47 =	vld [tilespmem:s5+$0x6090];
	_ =	sdelay $0x4  }
0x159: {  	v0 =	vadd.f32 v46, v47;
	_ =	sdelay $0x1  }
0x15a: {  	v48 =	vld [tilespmem:s12+$0x420];
	[tilespmem:s12+$0x410] =	vst v0  }
0x15b: {  	v49 =	vld [tilespmem:s5+$0x60A0];
	_ =	sdelay $0x4  }
0x15c: {  	v0 =	vadd.f32 v48, v49;
	_ =	sdelay $0x1  }
0x15d: {  	v50 =	vld [tilespmem:s12+$0x430];
	[tilespmem:s12+$0x420] =	vst v0  }
0x15e: {  	v51 =	vld [tilespmem:s5+$0x60B0];
	_ =	sdelay $0x4  }
0x15f: {  	v0 =	vadd.f32 v50, v51;
	_ =	sdelay $0x1  }
0x160: {  	v52 =	vld [tilespmem:s12+$0x440];
	[tilespmem:s12+$0x430] =	vst v0  }
0x161: {  	v53 =	vld [tilespmem:s5+$0x60C0];
	_ =	sdelay $0x4  }
0x162: {  	v0 =	vadd.f32 v52, v53;
	_ =	sdelay $0x1  }
0x163: {  	v54 =	vld [tilespmem:s12+$0x450];
	[tilespmem:s12+$0x440] =	vst v0  }
0x164: {  	v55 =	vld [tilespmem:s5+$0x60D0];
	_ =	sdelay $0x4  }
0x165: {  	v0 =	vadd.f32 v54, v55;
	_ =	sdelay $0x1  }
0x166: {  	v56 =	vld [tilespmem:s12+$0x460];
	[tilespmem:s12+$0x450] =	vst v0  }
0x167: {  	v57 =	vld [tilespmem:s5+$0x60E0];
	_ =	sdelay $0x4  }
0x168: {  	v0 =	vadd.f32 v56, v57;
	_ =	sdelay $0x1  }
0x169: {  	v58 =	vld [tilespmem:s12+$0x470];
	[tilespmem:s12+$0x460] =	vst v0  }
0x16a: {  	v59 =	vld [tilespmem:s5+$0x60F0];
	_ =	sdelay $0x4  }
0x16b: {  	v0 =	vadd.f32 v58, v59;
	_ =	sdelay $0x1  }
0x16c: {  	v60 =	vld [tilespmem:s12+$0x800];
	[tilespmem:s12+$0x470] =	vst v0  }
0x16d: {  	v61 =	vld [tilespmem:s5+$0x6100];
	_ =	sdelay $0x4  }
0x16e: {  	v0 =	vadd.f32 v60, v61;
	_ =	sdelay $0x1  }
0x16f: {  	v62 =	vld [tilespmem:s12+$0x810];
	[tilespmem:s12+$0x800] =	vst v0  }
0x170: {  	v63 =	vld [tilespmem:s5+$0x6110];
	_ =	sdelay $0x4  }
0x171: {  	v0 =	vadd.f32 v62, v63;
	_ =	sdelay $0x1  }
0x172: {  	v4 =	vld [tilespmem:s12+$0x820];
	[tilespmem:s12+$0x810] =	vst v0  }
0x173: {  	v5 =	vld [tilespmem:s5+$0x6120];
	_ =	sdelay $0x4  }
0x174: {  	v0 =	vadd.f32 v4, v5;
	_ =	sdelay $0x1  }
0x175: {  	v6 =	vld [tilespmem:s12+$0x830];
	[tilespmem:s12+$0x820] =	vst v0  }
0x176: {  	v7 =	vld [tilespmem:s5+$0x6130];
	_ =	sdelay $0x4  }
0x177: {  	v0 =	vadd.f32 v6, v7;
	_ =	sdelay $0x1  }
0x178: {  	v8 =	vld [tilespmem:s12+$0x840];
	[tilespmem:s12+$0x830] =	vst v0  }
0x179: {  	v9 =	vld [tilespmem:s5+$0x6140];
	_ =	sdelay $0x4  }
0x17a: {  	v0 =	vadd.f32 v8, v9;
	_ =	sdelay $0x1  }
0x17b: {  	v10 =	vld [tilespmem:s12+$0x850];
	[tilespmem:s12+$0x840] =	vst v0  }
0x17c: {  	v11 =	vld [tilespmem:s5+$0x6150];
	_ =	sdelay $0x4  }
0x17d: {  	v0 =	vadd.f32 v10, v11;
	_ =	sdelay $0x1  }
0x17e: {  	v12 =	vld [tilespmem:s12+$0x860];
	[tilespmem:s12+$0x850] =	vst v0  }
0x17f: {  	v13 =	vld [tilespmem:s5+$0x6160];
	_ =	sdelay $0x4  }
0x180: {  	v0 =	vadd.f32 v12, v13;
	_ =	sdelay $0x1  }
0x181: {  	v14 =	vld [tilespmem:s12+$0x870];
	[tilespmem:s12+$0x860] =	vst v0  }
0x182: {  	v15 =	vld [tilespmem:s5+$0x6170];
	_ =	sdelay $0x4  }
0x183: {  	v0 =	vadd.f32 v14, v15;
	_ =	sdelay $0x1  }
0x184: {  	v16 =	vld [tilespmem:s12+$0xC00];
	[tilespmem:s12+$0x870] =	vst v0  }
0x185: {  	v17 =	vld [tilespmem:s5+$0x6180];
	_ =	sdelay $0x4  }
0x186: {  	v0 =	vadd.f32 v16, v17;
	_ =	sdelay $0x1  }
0x187: {  	v18 =	vld [tilespmem:s12+$0xC10];
	[tilespmem:s12+$0xC00] =	vst v0  }
0x188: {  	v19 =	vld [tilespmem:s5+$0x6190];
	_ =	sdelay $0x4  }
0x189: {  	v0 =	vadd.f32 v18, v19;
	_ =	sdelay $0x1  }
0x18a: {  	v20 =	vld [tilespmem:s12+$0xC20];
	[tilespmem:s12+$0xC10] =	vst v0  }
0x18b: {  	v21 =	vld [tilespmem:s5+$0x61A0];
	_ =	sdelay $0x4  }
0x18c: {  	v0 =	vadd.f32 v20, v21;
	_ =	sdelay $0x1  }
0x18d: {  	v22 =	vld [tilespmem:s12+$0xC30];
	[tilespmem:s12+$0xC20] =	vst v0  }
0x18e: {  	v23 =	vld [tilespmem:s5+$0x61B0];
	_ =	sdelay $0x4  }
0x18f: {  	v0 =	vadd.f32 v22, v23;
	_ =	sdelay $0x1  }
0x190: {  	v24 =	vld [tilespmem:s12+$0xC40];
	[tilespmem:s12+$0xC30] =	vst v0  }
0x191: {  	v25 =	vld [tilespmem:s5+$0x61C0];
	_ =	sdelay $0x4  }
0x192: {  	v0 =	vadd.f32 v24, v25;
	_ =	sdelay $0x1  }
0x193: {  	v26 =	vld [tilespmem:s12+$0xC50];
	[tilespmem:s12+$0xC40] =	vst v0  }
0x194: {  	v27 =	vld [tilespmem:s5+$0x61D0];
	_ =	sdelay $0x4  }
0x195: {  	v0 =	vadd.f32 v26, v27;
	_ =	sdelay $0x1  }
0x196: {  	v28 =	vld [tilespmem:s12+$0xC60];
	[tilespmem:s12+$0xC50] =	vst v0  }
0x197: {  	v29 =	vld [tilespmem:s5+$0x61E0];
	_ =	sdelay $0x4  }
0x198: {  	v0 =	vadd.f32 v28, v29;
	_ =	sdelay $0x1  }
0x199: {  	v30 =	vld [tilespmem:s12+$0xC70];
	[tilespmem:s12+$0xC60] =	vst v0  }
0x19a: {  	v31 =	vld [tilespmem:s5+$0x61F0];
	_ =	sdelay $0x4  }
0x19b: {  	v0 =	vadd.f32 v30, v31;
	_ =	sdelay $0x1  }
0x19c: {  	v32 =	vld [tilespmem:s12+$0x1000];
	[tilespmem:s12+$0xC70] =	vst v0  }
0x19d: {  	v33 =	vld [tilespmem:s5+$0x6200];
	_ =	sdelay $0x4  }
0x19e: {  	v0 =	vadd.f32 v32, v33;
	_ =	sdelay $0x1  }
0x19f: {  	v34 =	vld [tilespmem:s12+$0x1010];
	[tilespmem:s12+$0x1000] =	vst v0  }
0x1a0: {  	v35 =	vld [tilespmem:s5+$0x6210];
	_ =	sdelay $0x4  }
0x1a1: {  	v0 =	vadd.f32 v34, v35;
	_ =	sdelay $0x1  }
0x1a2: {  	v36 =	vld [tilespmem:s12+$0x1020];
	[tilespmem:s12+$0x1010] =	vst v0  }
0x1a3: {  	v37 =	vld [tilespmem:s5+$0x6220];
	_ =	sdelay $0x4  }
0x1a4: {  	v0 =	vadd.f32 v36, v37;
	_ =	sdelay $0x1  }
0x1a5: {  	v38 =	vld [tilespmem:s12+$0x1030];
	[tilespmem:s12+$0x1020] =	vst v0  }
0x1a6: {  	v39 =	vld [tilespmem:s5+$0x6230];
	_ =	sdelay $0x4  }
0x1a7: {  	v0 =	vadd.f32 v38, v39;
	_ =	sdelay $0x1  }
0x1a8: {  	v40 =	vld [tilespmem:s12+$0x1040];
	[tilespmem:s12+$0x1030] =	vst v0  }
0x1a9: {  	v41 =	vld [tilespmem:s5+$0x6240];
	_ =	sdelay $0x4  }
0x1aa: {  	v0 =	vadd.f32 v40, v41;
	_ =	sdelay $0x1  }
0x1ab: {  	v42 =	vld [tilespmem:s12+$0x1050];
	[tilespmem:s12+$0x1040] =	vst v0  }
0x1ac: {  	v43 =	vld [tilespmem:s5+$0x6250];
	_ =	sdelay $0x4  }
0x1ad: {  	v0 =	vadd.f32 v42, v43;
	_ =	sdelay $0x1  }
0x1ae: {  	v44 =	vld [tilespmem:s12+$0x1060];
	[tilespmem:s12+$0x1050] =	vst v0  }
0x1af: {  	v45 =	vld [tilespmem:s5+$0x6260];
	_ =	sdelay $0x4  }
0x1b0: {  	v0 =	vadd.f32 v44, v45;
	_ =	sdelay $0x1  }
0x1b1: {  	v46 =	vld [tilespmem:s12+$0x1070];
	[tilespmem:s12+$0x1060] =	vst v0  }
0x1b2: {  	v47 =	vld [tilespmem:s5+$0x6270];
	_ =	sdelay $0x4  }
0x1b3: {  	v0 =	vadd.f32 v46, v47;
	_ =	sdelay $0x1  }
0x1b4: {  	v48 =	vld [tilespmem:s12+$0x1400];
	[tilespmem:s12+$0x1070] =	vst v0  }
0x1b5: {  	v49 =	vld [tilespmem:s5+$0x6280];
	_ =	sdelay $0x4  }
0x1b6: {  	v0 =	vadd.f32 v48, v49;
	_ =	sdelay $0x1  }
0x1b7: {  	v50 =	vld [tilespmem:s12+$0x1410];
	[tilespmem:s12+$0x1400] =	vst v0  }
0x1b8: {  	v51 =	vld [tilespmem:s5+$0x6290];
	_ =	sdelay $0x4  }
0x1b9: {  	v0 =	vadd.f32 v50, v51;
	_ =	sdelay $0x1  }
0x1ba: {  	v52 =	vld [tilespmem:s12+$0x1420];
	[tilespmem:s12+$0x1410] =	vst v0  }
0x1bb: {  	v53 =	vld [tilespmem:s5+$0x62A0];
	_ =	sdelay $0x4  }
0x1bc: {  	v0 =	vadd.f32 v52, v53;
	_ =	sdelay $0x1  }
0x1bd: {  	v54 =	vld [tilespmem:s12+$0x1430];
	[tilespmem:s12+$0x1420] =	vst v0  }
0x1be: {  	v55 =	vld [tilespmem:s5+$0x62B0];
	_ =	sdelay $0x4  }
0x1bf: {  	v0 =	vadd.f32 v54, v55;
	_ =	sdelay $0x1  }
0x1c0: {  	v56 =	vld [tilespmem:s12+$0x1440];
	[tilespmem:s12+$0x1430] =	vst v0  }
0x1c1: {  	v57 =	vld [tilespmem:s5+$0x62C0];
	_ =	sdelay $0x4  }
0x1c2: {  	v0 =	vadd.f32 v56, v57;
	_ =	sdelay $0x1  }
0x1c3: {  	v58 =	vld [tilespmem:s12+$0x1450];
	[tilespmem:s12+$0x1440] =	vst v0  }
0x1c4: {  	v59 =	vld [tilespmem:s5+$0x62D0];
	_ =	sdelay $0x4  }
0x1c5: {  	v0 =	vadd.f32 v58, v59;
	_ =	sdelay $0x1  }
0x1c6: {  	v60 =	vld [tilespmem:s12+$0x1460];
	[tilespmem:s12+$0x1450] =	vst v0  }
0x1c7: {  	v61 =	vld [tilespmem:s5+$0x62E0];
	_ =	sdelay $0x4  }
0x1c8: {  	v0 =	vadd.f32 v60, v61;
	_ =	sdelay $0x1  }
0x1c9: {  	v62 =	vld [tilespmem:s12+$0x1470];
	[tilespmem:s12+$0x1460] =	vst v0  }
0x1ca: {  	v63 =	vld [tilespmem:s5+$0x62F0];
	_ =	sdelay $0x4  }
0x1cb: {  	s10 =	sadd.s32 $0x1, s10;
	v0 =	vadd.f32 v62, v63  }
0x1cc: {  	p0 =	sne.s32 s10, s7  }
.Ltmp1:
0x1cd: {  	[tilespmem:s12+$0x1470] =	vst v0;
	(pc) =	sbr.rel @p0 .LBB2_1-.Ltmp1, $4  }
0x1ce: {  	[hbm4b:s6+s3] =	stream.linear.scatter [tilespmem:s3], [sflag:$0x1], $0x6000, $0x38;
	[tilespmem:$0x6600] =	vst v63  }
0x1cf: {  	_ =	swait.ge [sflag:s8], $0x6000  }
0x1d0: {  	[sflag:s8] =	ssyncset.done $0x0  }
0x1d1: {  	[sflag:s8] =	ssyncadd.s32 $0xFFFFA000  }
0x1d2: {  	_ =	sfence.sel $0x180000  }
0x1d3: {  	[bflag:$0x0] =	sbarrier.arrive $0xFFFF  }
0x1d4: {  	p0 =	sne.s32 s0, $0x0;
	_ =	strace $0x90000047  }
0x1d5: {  	s0 =	sadd.s32 @!p0 $0x100000, s2;
	[bflag:$0x2] =	sbarrier.arrive $0xFFFF  }
0x1d6: {  	[sflag:s0] =	ssyncadd.tile.s32 @!p0 $0x1;
	_ =	shalt  }
.Lfunc_end2:
_tile_overlayer_lowered:
.L_overlay_start_2:
0x1d7: {  	(tag) =	ssettag $0x2  }
0x1d8: {  	s0 =	rddreg [dreg:$0x0];
	s2 =	stileid.u32  }
0x1d9: {  	s1 =	rddreg [dreg:$0x1];
	p0 =	sne.s32 s2, $0x0  }
0x1da: {  	s3 =	rddreg [dreg:$0x2];
	[bflag:$0x3] =	sbarrier.arrive $0xFFFF;
	s2 =	simm.s32 @!p0 $0x1C01  }
0x1db: {  	[timem:s3], [sflag:s2] =	dma.local @!p0 [hbm:s0], s1  }
0x1dc: {  	s0 =	simm.s32 @!p0 $0x1  }
0x1dd: {  	_ =	swait.ge @!p0 [sflag:s0], s1  }
0x1de: {  	s1 =	ssub.s32 @!p0 $0x0, s1;
	[sflag:s0] =	ssyncset.done @!p0 $0x0  }
0x1df: {  	[sflag:s0] =	ssyncadd.s32 @!p0 s1  }
0x1e0: {  	[bflag:$0x3] =	sbarrier.arrive $0xFFFF  }
0x1e1: {  	_ =	shalt  }

// kernel: kernel.7.cloned.1.call-start
scs
__scs_entry_jumppad:
0x0: {  	(pc) =	sbr.rel $0x88, $3  }
0x1: {  	(tag) =	ssettag $0x0;
	lr =	simm.s32 $0x1  }
0x2: {  	[smem:$0x3F9A] =	sst lr;
	_ =	strace $0xD0000000  }
0x3: {  	_ = 	snop  }
0x4: {  	_ = 	snop  }
0x5: {  	_ = 	snop  }
0x6: {  	_ = 	snop  }
0x7: {  	_ = 	snop  }
__scs_overlays_trampoline_lowered:
0x8: {  	[smem:$0x3FA9] =	sst s0  }
0x9: {  	[smem:$0x3FAA] =	sst s1  }
0xa: {  	[smem:$0x3FAB] =	sst s2  }
0xb: {  	[smem:$0x3FAC] =	sst s3  }
0xc: {  	[smem:$0x3FAD] =	sst s4  }
0xd: {  	[smem:$0x3FAE] =	sst s5  }
0xe: {  	[smem:$0x3FAF] =	sst s6  }
0xf: {  	[smem:$0x3FB0] =	sst s7  }
0x10: {  	[smem:$0x3FB1] =	sst s8  }
0x11: {  	[smem:$0x3FB2] =	sst s9;
	s0 =	simm.s32 @!p0 $0x0  }
0x12: {  	s1 =	sld [smem:$0x3F98];
	s0 =	simm.s32 @p0 $0x1  }
0x13: {  	[smem:$0x3FB3] =	sst s0;
	s0 =	simm.s32 @!p1 $0x0  }
0x14: {  	s2 =	sld [smem:$0x3F97];
	s0 =	simm.s32 @p1 $0x1  }
0x15: {  	[smem:$0x3FB4] =	sst s0;
	s0 =	simm.s32 @!p2 $0x0  }
0x16: {  	s3 =	sld [smem:$0x3FDB];
	s0 =	simm.s32 @p2 $0x1  }
0x17: {  	s4 =	simm.s32 $0x1BF5;
	[smem:$0x3FB6] =	sst s0  }
0x18: {  	s0 =	sld [smem:$0x3F99];
	_ =	swait.ge [sflag:s4], $0x0  }
0x19: {  	s7 =	sld [smem:$0x3F9A]  }
0x1a: {  	s8 =	sadd.s32 $0xFFFFE003, lr  }
0x1b: {  	s9 =	sadd.s32 $0xFFFFFEF7, lr;
	s5 =	simm.s32 $0xFFFFFFFF;
	p2 =	slt.u32 s8, $0xFFFFF086  }
0x1c: {  	p1 =	slt.u32 s9, $0xF7A;
	s5 =	simm.s32 @!p2 $0x0  }
0x1d: {  	s5 =	simm.s32 @p1 $0x1;
	p0 =	seq.s32 s7, s2  }
0x1e: {  	s7 =	smul.u32 @!p0 $0xF7A, s2;
	p2 =	seq.s32 @!p0 s5, $0x0  }
0x1f: {  	s9 =	smul.u32 $0xF7A, s1;
	s8 =	simm.s32 @!p0 $0x1BF5;
	p2 =	por !p2, p0  }
0x20: {  	[sflag:s8] =	ssyncset.s32 @!p0 $0xFFFFF086;
	s6 =	sadd.s32 @!p0 s3, s7;
	s7 =	simm.s32 @!p0 $0x108  }
0x21: {  	s3 =	sadd.s32 s3, s9;
	s6 =	sadd.s32 @!p0 $0x88, s6;
	s7 =	simm.s32 @p2 $0x1082  }
0x22: {  	[simem:s7], [sflag:s8] =	dma.local @!p0 [hbm:s6], $0xF7A  }
0x23: {  	s9 =	sor.u32 $0xD0000000, s2;
	s6 =	simm.s32 $0x108;
	_ =	swait.ge @!p0 [sflag:s8], $0x0  }
0x24: {  	s3 =	sadd.s32 $0x88, s3;
	s6 =	simm.s32 @!p1 $0x1082;
	[sflag:s4] =	ssyncset.s32 $0xFFFFF086  }
0x25: {  	[simem:s6], [sflag:s4] =	dma.local [hbm:s3], $0xF7A  }
0x26: {  	[smem:$0x3F9A] =	sst s1;
	(tag) =	ssettag s2;
	_ =	strace s9  }
0x27: {  	s1 =	sld [smem:$0x3FAA]  }
0x28: {  	s2 =	sld [smem:$0x3FAB]  }
0x29: {  	s4 =	sld [smem:$0x3FAD]  }
0x2a: {  	p0 =	seq.s32 s5, $0x0;
	s5 =	sld [smem:$0x3FAE]  }
0x2b: {  	s6 =	sld [smem:$0x3FAF]  }
0x2c: {  	s7 =	sld [smem:$0x3FB0]  }
0x2d: {  	s3 =	simm.s32 $0x108;
	s8 =	sld [smem:$0x3FB1]  }
0x2e: {  	s3 =	simm.s32 @!p0 $0x1082;
	s9 =	sld [smem:$0x3FB2]  }
0x2f: {  	lr =	sadd.s32 s0, s3;
	s0 =	sld [smem:$0x3FA9]  }
0x30: {  	s3 =	sld [smem:$0x3FAC]  }
0x31: {  	[smem:$0x3FB5] =	sst s10  }
0x32: {  	s10 =	sld [smem:$0x3FB3];
	_ =	sdelay $0x3  }
0x33: {  	p0 =	seq.s32 s10, $0x1;
	s10 =	sld [smem:$0x3FB5];
	_ =	sdelay $0x3  }
0x34: {  	[smem:$0x3FB5] =	sst s10  }
0x35: {  	s10 =	sld [smem:$0x3FB4];
	_ =	sdelay $0x3  }
0x36: {  	p1 =	seq.s32 s10, $0x1;
	s10 =	sld [smem:$0x3FB5];
	_ =	sdelay $0x3  }
0x37: {  	[smem:$0x3FB5] =	sst s10  }
0x38: {  	s10 =	sld [smem:$0x3FB6]  }
0x39: {  	_ = 	snop;
	(pc) =	sbr.ind lr, $3  }
0x3a: {  	_ = 	snop  }
0x3b: {  	_ = 	snop  }
0x3c: {  	p2 =	seq.s32 s10, $0x1;
	s10 =	sld [smem:$0x3FB5]  }
0x3d: {  	_ =	shalt  }
0x3e: {  	_ =	shalt  }
0x3f: {  	_ =	shalt  }
0x40: {  	_ =	shalt  }
0x41: {  	_ =	shalt  }
0x42: {  	_ =	shalt  }
0x43: {  	_ =	shalt  }
0x44: {  	_ =	shalt  }
0x45: {  	_ =	shalt  }
0x46: {  	_ =	shalt  }
0x47: {  	_ =	shalt  }
0x48: {  	_ =	shalt  }
0x49: {  	_ =	shalt  }
0x4a: {  	_ =	shalt  }
0x4b: {  	_ =	shalt  }
0x4c: {  	_ =	shalt  }
0x4d: {  	_ =	shalt  }
0x4e: {  	_ =	shalt  }
0x4f: {  	_ =	shalt  }
0x50: {  	_ =	shalt  }
0x51: {  	_ =	shalt  }
0x52: {  	_ =	shalt  }
0x53: {  	_ =	shalt  }
0x54: {  	_ =	shalt  }
0x55: {  	_ =	shalt  }
0x56: {  	_ =	shalt  }
0x57: {  	_ =	shalt  }
0x58: {  	_ =	shalt  }
0x59: {  	_ =	shalt  }
0x5a: {  	_ =	shalt  }
0x5b: {  	_ =	shalt  }
0x5c: {  	_ =	shalt  }
0x5d: {  	_ =	shalt  }
0x5e: {  	_ =	shalt  }
0x5f: {  	_ =	shalt  }
0x60: {  	_ =	shalt  }
0x61: {  	_ =	shalt  }
0x62: {  	_ =	shalt  }
0x63: {  	_ =	shalt  }
0x64: {  	_ =	shalt  }
0x65: {  	_ =	shalt  }
0x66: {  	_ =	shalt  }
0x67: {  	_ =	shalt  }
0x68: {  	_ =	shalt  }
0x69: {  	_ =	shalt  }
0x6a: {  	_ =	shalt  }
0x6b: {  	_ =	shalt  }
0x6c: {  	_ =	shalt  }
0x6d: {  	_ =	shalt  }
0x6e: {  	_ =	shalt  }
0x6f: {  	_ =	shalt  }
0x70: {  	_ =	shalt  }
0x71: {  	_ =	shalt  }
0x72: {  	_ =	shalt  }
0x73: {  	_ =	shalt  }
0x74: {  	_ =	shalt  }
0x75: {  	_ =	shalt  }
0x76: {  	_ =	shalt  }
0x77: {  	_ =	shalt  }
0x78: {  	_ =	shalt  }
0x79: {  	_ =	shalt  }
0x7a: {  	_ =	shalt  }
0x7b: {  	_ =	shalt  }
0x7c: {  	_ =	shalt  }
0x7d: {  	_ =	shalt  }
0x7e: {  	_ =	shalt  }
0x7f: {  	_ =	shalt  }
0x80: {  	_ =	shalt  }
0x81: {  	_ =	shalt  }
0x82: {  	_ =	shalt  }
0x83: {  	_ =	shalt  }
0x84: {  	_ =	shalt  }
0x85: {  	_ =	shalt  }
0x86: {  	_ =	shalt  }
0x87: {  	_ =	shalt  }
.Lfunc_end0:
.L_simem_size_0:
called_computation.1_lowered:
.L_overlay_start_0:
0x88: {  	s2 =	sld [smem:$0x3FD9]  }
0x89: {  	s3 =	sld [smem:$0x3FFE];
	_ =	sdelay $0x1  }
0x8a: {  	s1 =	srdreg.scid  }
0x8b: {  	s0 =	sand.u32 $0x1, s1  }
0x8c: {  	s17 =	sshll.u32 s0, $0xA;
	s2 =	sadd.s32 s3, s2  }
0x8d: {  	s2 =	sadd.s32 s2, s17  }
0x8e: {  	[smem:$0x3FC1] =	sst s2  }
0x8f: {  	_ = 	snop  }
0x90: {  	s2 =	sld [smem:$0x3FC7]  }
0x91: {  	s18 =	sld [smem:$0x3FC4]  }
0x92: {  	s4 =	sld [smem:$0x3FC3]  }
0x93: {  	s5 =	sld [smem:$0x3FD0];
	(tm) =	ssettm $0x1  }
0x94: {  	s6 =	sld [smem:$0x3FFB];
	_ =	sdelay $0x3  }
0x95: {  	_ =	strace s6  }
0x96: {  	s6 =	sld [smem:$0x3FFC];
	_ =	sdelay $0x3  }
0x97: {  	_ =	strace s6  }
0x98: {  	s6 =	sld [smem:$0x3FFD];
	_ =	sdelay $0x3  }
0x99: {  	_ =	strace s6  }
0x9a: {  	_ =	strace $0x8FFFFFFF  }
0x9b: {  	s19 =	sld [smem:$0x3FDB];
	_ =	sdelay $0x1  }
0x9c: {  	s7 =	simm.s32 $_scs_section_size  }
0x9d: {  	s8 =	simm.s32 $_size__tile_overlayer_lowered;
	s9 =	simm.s32 $_tile_overlayer_lowered  }
0x9e: {  	s22 =	simm.s32 $0x1BFF;
	s21 =	sshll.u32 s9, $0x1;
	s6 =	sadd.s32 s7, s19  }
0x9f: {  	s10 =	simm.s32 $0x0;
	s20 =	sshll.u32 s8, $0x1;
	s8 =	sadd.s32 s21, s6  }
0xa0: {  	[timem:s10], [sflag:s22] =	dma.local [hbm:s8], s20  }
0xa1: {  	_ =	swait.ge [sflag:s22], s20  }
0xa2: {  	s7 =	ssub.s32 $0x0, s20;
	[sflag:s22] =	ssyncset.done $0x0  }
0xa3: {  	[sflag:s22] =	ssyncadd.s32 s7;
	_ =	sdelay $0x1  }
0xa4: {  	s23 =	simm.s32 $0x1B8B  }
0xa5: {  	_ =	swait.ge [sflag:s23], $0x1  }
0xa6: {  	[sflag:s23] =	ssyncset.done $0x0  }
0xa7: {  	s25 =	simm.s32 $0x1B8E;
	s24 =	sld [smem:$0x3FFE];
	[sflag:s23] =	ssyncadd.s32 $0xFFFFFFFF  }
0xa8: {  	s26 =	simm.s32 $execute0_lowered;
	[smem:$0x3FD2] =	sst s25  }
0xa9: {  	s8 =	sshll.u32 s26, $0x1;
	_ =	strace $0x80000049;
	[dreg:$0x1] =	wrdreg $0xFFFFFFFF  }
0xaa: {  	s28 =	simm.s32 $_size_execute0_lowered;
	s6 =	sadd.s32 s6, s8;
	[dreg:$0x0] =	wrdreg $0x0  }
0xab: {  	s8 =	sshll.u32 s28, $0x1;
	[dreg:$0x2] =	wrdreg s6  }
0xac: {  	[dreg:$0x3] =	wrdreg s8  }
0xad: {  	[dreg:$0x4] =	wrdreg $0xC0  }
0xae: {  	_ =	task [dreg:s10], $0x5FFFF  }
0xaf: {  	[dreg:$0x1] =	wrdreg $0xFFFFFFFF  }
0xb0: {  	[dreg:$0x0] =	wrdreg $0x60  }
0xb1: {  	[dreg:$0x2] =	wrdreg s24  }
0xb2: {  	[dreg:$0x3] =	wrdreg s2  }
0xb3: {  	[dreg:$0x4] =	wrdreg s18  }
0xb4: {  	[dreg:$0x5] =	wrdreg s4  }
0xb5: {  	[dreg:$0x6] =	wrdreg s5  }
0xb6: {  	[dreg:$0x7] =	wrdreg $0x9  }
0xb7: {  	_ =	task.clear_ibuf [dreg:s10], $0x8FFFF;
	_ =	strace $0x90000049  }
0xb8: {  	s29 =	simm.s32 $0x9;
	_ =	strace $0x8000004B  }
0xb9: {  	_ =	swait.ge [sflag:s29], $0x1  }
0xba: {  	[sflag:s29] =	ssyncadd.s32 $0xFFFFFFFF  }
0xbb: {  	_ =	strace $0x9000004B  }
0xbc: {  	_ =	sfence  }
0xbd: {  	s30 =	sld [smem:$0x0];
	_ =	sdelay $0x2  }
0xbe: {  	s31 =	sshll.u32 s1, $0xD;
	s1 =	sshrl.u32 s1, $0x2  }
0xbf: {  	s3 =	sand.u32 $0x4000, s31;
	s1 =	sadd.s32 s1, s30  }
0xc0: {  	s0 =	sor.u32 s3, s0;
	s1 =	sshll.u32 s1, $0x11  }
0xc1: {  	s0 =	sor.u32 s1, s0  }
0xc2: {  	s0 =	sadd.s32 $0x8F2B, s0  }
0xc3: {  	[sflag:s0] =	ssyncadd.remote.s32 $0x1  }
0xc4: {  	_ =	sfence.sel $0xFFFF  }
0xc5: {  	[dreg:$0x0] =	wrdreg $0xFFFFFFFF;
	(pc) =	sbr.abs _section_cstart, $3  }
0xc6: {  	[dreg:$0x1] =	wrdreg $0xFFFFFFFF  }
0xc7: {  	_ =	task.clear_ibuf [dreg:s10], $0x2FFFF;
	_ =	strace $0x9FFFFFFF  }
0xc8: {  	(tm) =	ssettm $0x7FFFFFFF  }
0xc9: {  	_ =	shalt  }
tec
execute0_lowered:
.L_overlay_start_1:
0x0: {  	(tag) =	ssettag $0x1  }
0x1: {  	s0 =	rddreg [dreg:$0x0]  }
0x2: {  	s1 =	rddreg [dreg:$0x1];
	s6 =	simm.s32 $0x0;
	v1 =	vlaneseq.u32  }
0x3: {  	[smem:$0x7FF] =	sst s6;
	v0 =	vor.u32 $0x10, v1  }
0x4: {  	s5 =	rddreg [dreg:$0x4];
	v39 =	vor.u32 $0x20, v1;
	_ =	strace $0x8000004A;
	[tilespmem:$0x1FE70] =	vst v0  }
0x5: {  	v40 =	vor.u32 $0x30, v1;
	[tilespmem:$0x1FE80] =	vst v39  }
0x6: {  	v41 =	vor.u32 $0x40, v1;
	[tilespmem:$0x1FE90] =	vst v40  }
0x7: {  	v42 =	vor.u32 $0x50, v1;
	[tilespmem:$0x1FEA0] =	vst v41  }
0x8: {  	v43 =	vor.u32 $0x60, v1;
	[tilespmem:$0x1FEB0] =	vst v42  }
0x9: {  	v44 =	vor.u32 $0x70, v1;
	[tilespmem:$0x1FEC0] =	vst v43  }
0xa: {  	v45 =	vor.u32 $0x80, v1;
	[tilespmem:$0x1FED0] =	vst v44  }
0xb: {  	v46 =	vor.u32 $0x90, v1;
	[tilespmem:$0x1FEE0] =	vst v45  }
0xc: {  	v47 =	vor.u32 $0xA0, v1;
	[tilespmem:$0x1FEF0] =	vst v46  }
0xd: {  	v48 =	vor.u32 $0xB0, v1;
	[tilespmem:$0x1FF00] =	vst v47  }
0xe: {  	v49 =	vor.u32 $0xC0, v1;
	[tilespmem:$0x1FF10] =	vst v48  }
0xf: {  	v50 =	vor.u32 $0xD0, v1;
	[tilespmem:$0x1FF20] =	vst v49  }
0x10: {  	v51 =	vor.u32 $0xE0, v1;
	[tilespmem:$0x1FF30] =	vst v50  }
0x11: {  	s2 =	srdreg.scid;
	s3 =	stileid.u32;
	s22 =	simm.s32 $0xC00;
	v52 =	vor.u32 $0xF0, v1;
	[tilespmem:$0x1FF40] =	vst v51  }
0x12: {  	s28 =	simm.s32 $0x16C00;
	s29 =	simm.s32 $0x17400;
	s30 =	simm.s32 $0x17C00;
	v53 =	vor.u32 $0x100, v1;
	[tilespmem:$0x1FF50] =	vst v52  }
0x13: {  	s31 =	simm.s32 $0x18400;
	s9 =	simm.s32 $0x0;
	s2 =	sand.u32 $0x1, s2;
	v54 =	vor.u32 $0x110, v1;
	[tilespmem:$0x1FF60] =	vst v53  }
0x14: {  	s3 =	sshll.u32 s3, $0xB;
	s8 =	sadd.s32 $0x800, s0;
	s23 =	sadd.s32 $0x1A800, s0;
	v55 =	vor.u32 $0x120, v1;
	[tilespmem:$0x1FF70] =	vst v54  }
0x15: {  	s12 =	sadd.s32 $0x100, s1;
	s13 =	sadd.s32 $0x200, s1;
	s14 =	sadd.s32 $0x900, s0;
	v56 =	vor.u32 $0x130, v1;
	[tilespmem:$0x1FF80] =	vst v55  }
0x16: {  	s15 =	sadd.s32 $0xA00, s0;
	v57 =	vor.u32 $0x140, v1;
	s4 =	sshll.u32 s2, $0xA;
	s2 =	ssub.s32 $0x2, s2;
	[tilespmem:$0x1FF90] =	vst v56  }
0x17: {  	v58 =	vor.u32 $0x150, v1;
	[dreg:$0x6] =	wrdreg s23;
	[tilespmem:$0x1FFA0] =	vst v57;
	s7 =	sor.u32 s4, s3;
	s24 =	sshrl.u32 s2, $0x1  }
0x18: {  	vm0 =	vmmov $0xffff;
	v59 =	vor.u32 $0x160, v1;
	v60 =	vor.u32 $0x170, v1;
	[tilespmem:$0x1FFB0] =	vst v58;
	s23 =	simm.s32 $0x15C00;
	s3 =	sshrl.u32 s7, $0x3;
	s2 =	ssub.s32 s2, s24  }
0x19: {  	v61 =	vor.u32 $0x180, v1;
	v62 =	vor.u32 $0x190, v1;
	v26 =	vor.u32 $0x1A0, v1;
	[tilespmem:$0x1FFC0] =	vst v59;
	s24 =	simm.s32 $0x16400;
	s3 =	sadd.s32 s3, s0;
	s26 =	smax.u32 s2, $0x1  }
0x1a: {  	v27 =	vor.u32 $0x1B0, v1;
	v28 =	vor.u32 $0x1C0, v1;
	v29 =	vor.u32 $0x1D0, v1;
	[tilespmem:$0x1FFD0] =	vst v60;
	s0 =	simm.s32 $0x3;
	s25 =	sadd.s32 $0x18800, s3;
	[dreg:$0x9] =	wrdreg s26  }
0x1b: {  	v30 =	vor.u32 $0x1E0, v1;
	v31 =	vor.u32 $0x1F0, v1;
	v63 =	vshrl.u32 v1, $0x3;
	[tilespmem:$0x1FFE0] =	vst v61;
	s3 =	sadd.s32 $0x19800, s3;
	s26 =	simm.s32 $0x6C00;
	[dreg:$0x7] =	wrdreg s25  }
0x1c: {  	v32 =	vand.u32 $0x7, v1;
	v34 =	vor.u32 $0x8, v1;
	[tilespmem:$0x1FFF0] =	vst v62;
	v33 =	vmul.u32 $0x8, v63;
	[dreg:$0x8] =	wrdreg s3;
	s25 =	simm.s32 $0x1;
	s3 =	simm.s32 $0x2  }
.LBB2_1:
0x1d: {  	[dreg:$0xa] =	wrdreg s9  }
0x1e: {  	s2 =	rddreg [dreg:$0x6];
	s4 =	simm.s32 $0x19200;
	s18 =	simm.s32 $0x5  }
0x1f: {  	[tilespmem:s4], [sflag:$0x5] =	stream.linear.gather [hbm4b:s2+s6], $0x1, $0x38;
	[tilespmem:$0x19280] =	vst v63  }
0x20: {  	_ =	swait.ge [sflag:s18], $0x1  }
0x21: {  	[sflag:s18] =	ssyncset.done $0x0  }
0x22: {  	[sflag:s18] =	ssyncadd.s32 $0xFFFFFFFF  }
0x23: {  	v0 =	vld [tilespmem:$0x19200];
	_ =	sdelay $0x4  }
0x24: {  	(v2sf) =	vpush v0, $0x0;
	_ =	sdelay $0xc  }
0x25: {  	s10 =	simm.s32 $0x18C00;
	s19 =	rddreg [dreg:$0x2]  }
0x26: {  	[tilespmem:s10], [sflag:$0x5] =	stream.linear.gather [hbm4b:s19+s6], $0x300, $0x38;
	[tilespmem:$0x19280] =	vst v63  }
0x27: {  	s2 =	spop (v2sf)  }
0x28: {  	_ =	swait.ge [sflag:s18], $0x300  }
0x29: {  	[sflag:s18] =	ssyncset.done $0x0  }
0x2a: {  	[sflag:s18] =	ssyncadd.s32 $0xFFFFFD00  }
0x2b: {  	s21 =	simm.s32 $0x18F00;
	s20 =	rddreg [dreg:$0x3]  }
0x2c: {  	[tilespmem:s21], [sflag:$0x5] =	stream.linear.gather [hbm4b:s20+s6], $0x300, $0x38;
	[tilespmem:$0x19280] =	vst v63  }
0x2d: {  	_ =	swait.ge [sflag:s18], $0x300  }
0x2e: {  	[sflag:s18] =	ssyncset.done $0x0  }
0x2f: {  	s10 =	rddreg [dreg:$0x7];
	[sflag:s18] =	ssyncadd.s32 $0xFFFFFD00  }
0x30: {  	[tilespmem:s6], [sflag:$0x5] =	stream.linear.gather [hbm4b:s10+s6], $0x400, $0x38;
	[tilespmem:$0x19280] =	vst v63  }
0x31: {  	_ =	swait.ge [sflag:s18], $0x400  }
0x32: {  	[sflag:s18] =	ssyncset.done $0x0  }
0x33: {  	s16 =	simm.s32 $0x400;
	s11 =	rddreg [dreg:$0x8];
	[sflag:s18] =	ssyncadd.s32 $0xFFFFFC00  }
0x34: {  	[tilespmem:s16], [sflag:$0x5] =	stream.linear.gather [hbm4b:s11+s6], $0x400, $0x38;
	[tilespmem:$0x19280] =	vst v63  }
0x35: {  	_ =	swait.ge [sflag:s18], $0x400  }
0x36: {  	v9 =	vld [tilespmem:$0x1FE70]  }
0x37: {  	v10 =	vld [tilespmem:$0x1FE80]  }
0x38: {  	v11 =	vld [tilespmem:$0x1FE90]  }
0x39: {  	v12 =	vld [tilespmem:$0x1FEA0]  }
0x3a: {  	v13 =	vld [tilespmem:$0x1FEB0]  }
0x3b: {  	v14 =	vld [tilespmem:$0x1FEC0]  }
0x3c: {  	v15 =	vld [tilespmem:$0x1FED0]  }
0x3d: {  	v16 =	vld [tilespmem:$0x1FEE0]  }
0x3e: {  	v17 =	vld [tilespmem:$0x1FEF0]  }
0x3f: {  	v18 =	vld [tilespmem:$0x1FF00]  }
0x40: {  	v19 =	vld [tilespmem:$0x1FF10]  }
0x41: {  	v20 =	vld [tilespmem:$0x1FF20]  }
0x42: {  	v21 =	vld [tilespmem:$0x1FF30]  }
0x43: {  	v22 =	vld [tilespmem:$0x1FF40]  }
0x44: {  	[sflag:s18] =	ssyncset.done $0x0;
	v24 =	vld [tilespmem:$0x1FF60]  }
0x45: {  	v25 =	vld [tilespmem:$0x1FF70];
	[sflag:s18] =	ssyncadd.s32 $0xFFFFFC00  }
0x46: {  	v42 =	vld [tilespmem:$0x400]  }
0x47: {  	v1 =	vld [tilespmem:$0x410]  }
0x48: {  	v2 =	vld [tilespmem:$0x420]  }
0x49: {  	v3 =	vld [tilespmem:$0x430]  }
0x4a: {  	v4 =	vld [tilespmem:$0x440]  }
0x4b: {  	v5 =	vld [tilespmem:$0x450]  }
0x4c: {  	v6 =	vld [tilespmem:$0x460]  }
0x4d: {  	v7 =	vld [tilespmem:$0x470]  }
0x4e: {  	v45 =	vld [tilespmem:$0x480]  }
0x4f: {  	v48 =	vld [tilespmem:$0x490]  }
0x50: {  	v51 =	vld [tilespmem:$0x4A0]  }
0x51: {  	v54 =	vld [tilespmem:$0x4B0]  }
0x52: {  	v57 =	vld [tilespmem:$0x4C0]  }
0x53: {  	v60 =	vld [tilespmem:$0x4D0]  }
0x54: {  	v63 =	vld [tilespmem:$0x4E0]  }
0x55: {  	v8 =	vlaneseq.u32;
	v36 =	vld [tilespmem:$0x4F0];
	v0 =	vshll.u32 v42, $0x9  }
0x56: {  	v39 =	vld [tilespmem:$0x500];
	v1 =	vshll.u32 v1, $0x9;
	v0 =	vor.u32 v8, v0  }
0x57: {  	v44 =	vshll.u32 v2, $0x9;
	v42 =	vld [tilespmem:$0x510];
	v43 =	vor.u32 v9, v1;
	[tilespmem:$0x800] =	vst v0  }
0x58: {  	v47 =	vshll.u32 v3, $0x9;
	v62 =	vshll.u32 v45, $0x9;
	v45 =	vld [tilespmem:$0x520];
	v46 =	vor.u32 v10, v44;
	[tilespmem:$0x810] =	vst v43  }
0x59: {  	v50 =	vshll.u32 v4, $0x9;
	v35 =	vshll.u32 v48, $0x9;
	v48 =	vld [tilespmem:$0x530];
	v49 =	vor.u32 v11, v47;
	[tilespmem:$0x820] =	vst v46  }
0x5a: {  	v53 =	vshll.u32 v5, $0x9;
	v38 =	vshll.u32 v51, $0x9;
	v51 =	vld [tilespmem:$0x540];
	v52 =	vor.u32 v12, v50;
	[tilespmem:$0x830] =	vst v49  }
0x5b: {  	v56 =	vshll.u32 v6, $0x9;
	v41 =	vshll.u32 v54, $0x9;
	v54 =	vld [tilespmem:$0x550];
	v55 =	vor.u32 v13, v53;
	[tilespmem:$0x840] =	vst v52  }
0x5c: {  	v59 =	vshll.u32 v7, $0x9;
	v58 =	vor.u32 v14, v56;
	v44 =	vshll.u32 v57, $0x9;
	v57 =	vld [tilespmem:$0x560];
	[tilespmem:$0x850] =	vst v55  }
0x5d: {  	v61 =	vor.u32 v15, v59;
	v47 =	vshll.u32 v60, $0x9;
	v60 =	vld [tilespmem:$0x570];
	[tilespmem:$0x860] =	vst v58  }
0x5e: {  	v23 =	vor.u32 v16, v62;
	v50 =	vshll.u32 v63, $0x9;
	v63 =	vld [tilespmem:$0x580];
	[tilespmem:$0x870] =	vst v61  }
0x5f: {  	v37 =	vor.u32 v17, v35;
	v35 =	vld [tilespmem:$0x1FF80];
	[tilespmem:$0x880] =	vst v23  }
0x60: {  	v40 =	vor.u32 v18, v38;
	v53 =	vshll.u32 v36, $0x9;
	v36 =	vld [tilespmem:$0x1FF90];
	[tilespmem:$0x890] =	vst v37  }
0x61: {  	v38 =	vld [tilespmem:$0x1FFB0];
	[tilespmem:$0x8A0] =	vst v40;
	v43 =	vor.u32 v19, v41  }
0x62: {  	v56 =	vshll.u32 v39, $0x9;
	v39 =	vld [tilespmem:$0x1FFC0];
	v46 =	vor.u32 v20, v44;
	[tilespmem:$0x8B0] =	vst v43  }
0x63: {  	v49 =	vor.u32 v21, v47;
	v23 =	vld [tilespmem:$0x1FF50];
	[tilespmem:$0x8C0] =	vst v46  }
0x64: {  	v52 =	vor.u32 v22, v50;
	v37 =	vld [tilespmem:$0x1FFA0];
	[tilespmem:$0x8D0] =	vst v49  }
0x65: {  	v58 =	vor.u32 v24, v56;
	v40 =	vld [tilespmem:$0x1FFD0];
	[tilespmem:$0x8E0] =	vst v52;
	v59 =	vshll.u32 v42, $0x9  }
0x66: {  	v41 =	vld [tilespmem:$0x1FFE0];
	[tilespmem:$0x900] =	vst v58;
	v62 =	vshll.u32 v45, $0x9;
	v61 =	vor.u32 v25, v59  }
0x67: {  	v44 =	vshll.u32 v48, $0x9;
	v45 =	vld [tilespmem:$0x590];
	v43 =	vor.u32 v35, v62;
	[tilespmem:$0x910] =	vst v61  }
0x68: {  	v48 =	vld [tilespmem:$0x5A0];
	v50 =	vshll.u32 v54, $0x9;
	v46 =	vor.u32 v36, v44;
	[tilespmem:$0x920] =	vst v43  }
0x69: {  	v47 =	vshll.u32 v51, $0x9;
	v51 =	vld [tilespmem:$0x5B0];
	v52 =	vor.u32 v38, v50;
	[tilespmem:$0x930] =	vst v46  }
0x6a: {  	v42 =	vld [tilespmem:$0x1FFF0];
	v55 =	vor.u32 v23, v53;
	[tilespmem:$0x950] =	vst v52  }
0x6b: {  	v54 =	vld [tilespmem:$0x5C0];
	v56 =	vshll.u32 v60, $0x9;
	v49 =	vor.u32 v37, v47;
	[tilespmem:$0x8F0] =	vst v55  }
0x6c: {  	v59 =	vshll.u32 v63, $0x9;
	v60 =	vld [tilespmem:$0x5E0];
	v58 =	vor.u32 v40, v56;
	[tilespmem:$0x940] =	vst v49  }
0x6d: {  	v63 =	vld [tilespmem:$0x5F0];
	v53 =	vshll.u32 v57, $0x9;
	v61 =	vor.u32 v41, v59;
	[tilespmem:$0x970] =	vst v58  }
0x6e: {  	v57 =	vld [tilespmem:$0x5D0];
	v55 =	vor.u32 v39, v53;
	[tilespmem:$0x980] =	vst v61;
	v62 =	vshll.u32 v45, $0x9  }
0x6f: {  	[tilespmem:$0x960] =	vst v55;
	v44 =	vshll.u32 v48, $0x9;
	v45 =	vld [tilespmem:$0x600];
	v43 =	vor.u32 v42, v62  }
0x70: {  	v47 =	vshll.u32 v51, $0x9;
	v48 =	vld [tilespmem:$0x610];
	v46 =	vor.u32 v26, v44;
	[tilespmem:$0x990] =	vst v43  }
0x71: {  	v50 =	vshll.u32 v54, $0x9;
	v51 =	vld [tilespmem:$0x620];
	v49 =	vor.u32 v27, v47;
	[tilespmem:$0x9A0] =	vst v46  }
0x72: {  	v54 =	vld [tilespmem:$0x630];
	v52 =	vor.u32 v28, v50;
	v56 =	vshll.u32 v60, $0x9;
	[tilespmem:$0x9B0] =	vst v49  }
0x73: {  	v59 =	vshll.u32 v63, $0x9;
	v60 =	vld [tilespmem:$0x650];
	[tilespmem:$0x9C0] =	vst v52;
	v58 =	vor.u32 v30, v56  }
0x74: {  	v63 =	vld [tilespmem:$0x660];
	v53 =	vshll.u32 v57, $0x9;
	v61 =	vor.u32 v31, v59;
	[tilespmem:$0x9E0] =	vst v58  }
0x75: {  	v57 =	vld [tilespmem:$0x640];
	v55 =	vor.u32 v29, v53;
	[tilespmem:$0x9F0] =	vst v61;
	v62 =	vshll.u32 v45, $0x9  }
0x76: {  	v44 =	vld [tilespmem:$0x670];
	[tilespmem:$0x9D0] =	vst v55;
	v43 =	vshll.u32 v48, $0x9;
	v8 =	vor.u32 v8, v62  }
0x77: {  	v50 =	vld [tilespmem:$0x690];
	v46 =	vshll.u32 v51, $0x9;
	v45 =	vor.u32 v9, v43;
	[tilespmem:$0xA00] =	vst v8  }
0x78: {  	v47 =	vld [tilespmem:$0x680];
	v49 =	vshll.u32 v54, $0x9;
	v48 =	vor.u32 v10, v46;
	[tilespmem:$0xA10] =	vst v45  }
0x79: {  	v56 =	vld [tilespmem:$0x6B0];
	v51 =	vor.u32 v11, v49;
	v55 =	vshll.u32 v60, $0x9;
	[tilespmem:$0xA20] =	vst v48  }
0x7a: {  	v59 =	vld [tilespmem:$0x6C0];
	v58 =	vshll.u32 v63, $0x9;
	v52 =	vshll.u32 v57, $0x9;
	[tilespmem:$0xA30] =	vst v51;
	v57 =	vor.u32 v13, v55  }
0x7b: {  	v53 =	vld [tilespmem:$0x6A0];
	v61 =	vshll.u32 v44, $0x9;
	v60 =	vor.u32 v14, v58;
	[tilespmem:$0xA50] =	vst v57  }
0x7c: {  	v62 =	vld [tilespmem:$0x6D0];
	v11 =	vshll.u32 v50, $0x9;
	v63 =	vor.u32 v15, v61;
	[tilespmem:$0xA60] =	vst v60  }
0x7d: {  	v9 =	vld [tilespmem:$0x6E0];
	v13 =	vor.u32 v17, v11;
	[tilespmem:$0xA70] =	vst v63  }
0x7e: {  	v8 =	vshll.u32 v47, $0x9;
	v15 =	vld [tilespmem:$0x700];
	v54 =	vor.u32 v12, v52;
	[tilespmem:$0xA90] =	vst v13  }
0x7f: {  	v17 =	vshll.u32 v56, $0x9;
	v45 =	vld [tilespmem:$0x720];
	v10 =	vor.u32 v16, v8;
	[tilespmem:$0xA40] =	vst v54  }
0x80: {  	v44 =	vshll.u32 v59, $0x9;
	v48 =	vld [tilespmem:$0x730];
	v43 =	vor.u32 v19, v17;
	[tilespmem:$0xA80] =	vst v10  }
0x81: {  	v51 =	vld [tilespmem:$0x740];
	v14 =	vshll.u32 v53, $0x9;
	v46 =	vor.u32 v20, v44;
	[tilespmem:$0xAB0] =	vst v43  }
0x82: {  	v12 =	vld [tilespmem:$0x6F0];
	v16 =	vor.u32 v18, v14;
	[tilespmem:$0xAC0] =	vst v46;
	v47 =	vshll.u32 v62, $0x9  }
0x83: {  	v57 =	vld [tilespmem:$0x760];
	[tilespmem:$0xAA0] =	vst v16;
	v50 =	vshll.u32 v9, $0x9;
	v49 =	vor.u32 v21, v47  }
0x84: {  	v60 =	vld [tilespmem:$0x770];
	v52 =	vor.u32 v22, v50;
	v56 =	vshll.u32 v15, $0x9;
	[tilespmem:$0xAD0] =	vst v49  }
0x85: {  	v18 =	vld [tilespmem:$0x710];
	v62 =	vshll.u32 v45, $0x9;
	[tilespmem:$0xAE0] =	vst v52;
	v58 =	vor.u32 v24, v56  }
0x86: {  	v54 =	vld [tilespmem:$0x750];
	v11 =	vshll.u32 v48, $0x9;
	v10 =	vor.u32 v35, v62;
	[tilespmem:$0xB00] =	vst v58  }
0x87: {  	v63 =	vld [tilespmem:$0x0];
	v14 =	vshll.u32 v51, $0x9;
	v13 =	vor.u32 v36, v11;
	[tilespmem:$0xB20] =	vst v10  }
0x88: {  	v43 =	vld [tilespmem:$0x7E0];
	v53 =	vshll.u32 v12, $0x9;
	v16 =	vor.u32 v37, v14;
	[tilespmem:$0xB30] =	vst v13  }
0x89: {  	v46 =	vld [tilespmem:$0x7F0];
	v20 =	vshll.u32 v57, $0x9;
	v55 =	vor.u32 v23, v53;
	[tilespmem:$0xB40] =	vst v16  }
0x8a: {  	v21 =	vld [tilespmem:$0x7B0];
	v59 =	vshll.u32 v18, $0x9;
	v22 =	vor.u32 v39, v20;
	[tilespmem:$0xAF0] =	vst v55  }
0x8b: {  	v12 =	vld [tilespmem:$0x780];
	v17 =	vshll.u32 v54, $0x9;
	v61 =	vor.u32 v25, v59;
	[tilespmem:$0xB60] =	vst v22  }
0x8c: {  	v35 =	vld [tilespmem:$0x7C0];
	v36 =	vshrl.u32 v63, $0x3;
	v23 =	vshll.u32 v60, $0x9;
	v19 =	vor.u32 v38, v17;
	[tilespmem:$0xB10] =	vst v61  }
0x8d: {  	v15 =	vld [tilespmem:$0x790];
	v8 =	vmul.u32 $0x30, v36;
	v56 =	vshll.u32 v43, $0x9;
	v37 =	vor.u32 v40, v23;
	[tilespmem:$0xB50] =	vst v19  }
0x8e: {  	v2 =	vand.u32 $0x7, v63;
	v18 =	vld [tilespmem:$0x7A0];
	v58 =	vshll.u32 v46, $0x9;
	v57 =	vor.u32 v30, v56;
	[tilespmem:$0xB70] =	vst v37  }
0x8f: {  	v39 =	vld [tilespmem:$0x7D0];
	v59 =	vor.u32 v31, v58;
	v2 =	vor.u32 v2, v8;
	[tilespmem:$0xBE0] =	vst v57;
	v48 =	vshll.u32 v21, $0x9  }
0x90: {  	[tilespmem:$0xBF0] =	vst v59;
	v49 =	vperm.xlane v2, v32;
	v38 =	vshll.u32 v12, $0x9;
	v50 =	vor.u32 v27, v48  }
0x91: {  	v51 =	vshll.u32 v35, $0x9;
	v40 =	vor.u32 v41, v38;
	[tilespmem:$0xBB0] =	vst v50  }
0x92: {  	v41 =	vshll.u32 v15, $0x9;
	v52 =	vor.u32 v28, v51;
	v54 =	vadd.s32 v33, v49;
	[tilespmem:$0xB80] =	vst v40  }
0x93: {  	v45 =	vshll.u32 v18, $0x9;
	v44 =	vor.u32 v42, v41;
	[tilespmem:$0xBC0] =	vst v52  }
0x94: {  	v53 =	vshll.u32 v39, $0x9;
	v47 =	vor.u32 v26, v45;
	[tilespmem:$0xB90] =	vst v44  }
0x95: {  	v55 =	vor.u32 v29, v53;
	[tilespmem:$0xBA0] =	vst v47  }
0x96: {  	v60 =	vperm.xlane v2, v34;
	[tilespmem:$0xBD0] =	vst v55  }
0x97: {  	[tilespmem:s22], [sflag:$0x1] =	stream.indirect_vreg.gather [hbm4b:s1+s6], $0x80, v54, vm0, $0xb8;
	[tilespmem:$0x19280] =	vst v63  }
0x98: {  	s17 =	simm.s32 $0x1400;
	v0 =	vadd.s32 v33, v60  }
0x99: {  	[tilespmem:s17], [sflag:$0x1] =	stream.indirect_vreg.gather [hbm4b:s12+s6], $0x80, v54, vm0, $0xb8;
	[tilespmem:$0x19280] =	vst v63  }
0x9a: {  	s18 =	simm.s32 $0x1C00  }
0x9b: {  	[tilespmem:s18], [sflag:$0x1] =	stream.indirect_vreg.gather [hbm4b:s13+s6], $0x80, v54, vm0, $0xb8;
	[tilespmem:$0x19280] =	vst v63  }
0x9c: {  	s19 =	simm.s32 $0x2400  }
0x9d: {  	[tilespmem:s19], [sflag:$0x1] =	stream.indirect_vreg.gather [hbm4b:s1+s6], $0x80, v0, vm0, $0xb8;
	[tilespmem:$0x19280] =	vst v63  }
0x9e: {  	s20 =	simm.s32 $0x2C00  }
0x9f: {  	[tilespmem:s20], [sflag:$0x1] =	stream.indirect_vreg.gather [hbm4b:s12+s6], $0x80, v0, vm0, $0xb8;
	[tilespmem:$0x19280] =	vst v63  }
0xa0: {  	s21 =	simm.s32 $0x3400  }
0xa1: {  	[tilespmem:s21], [sflag:$0x1] =	stream.indirect_vreg.gather [hbm4b:s13+s6], $0x80, v0, vm0, $0xb8;
	[tilespmem:$0x19280] =	vst v63  }
0xa2: {  	v0 =	vld [tilespmem:$0x10];
	_ =	sdelay $0x4  }
0xa3: {  	v61 =	vshrl.u32 v0, $0x3  }
0xa4: {  	v1 =	vmul.u32 $0x30, v61  }
0xa5: {  	v0 =	vand.u32 $0x7, v0  }
0xa6: {  	v0 =	vor.u32 v0, v1  }
0xa7: {  	v1 =	vperm.xlane v0, v32;
	_ =	sdelay $0x1  }
0xa8: {  	v1 =	vadd.s32 v33, v1;
	_ =	sdelay $0x3  }
0xa9: {  	s9 =	simm.s32 $0x3C00;
	v0 =	vperm.xlane v0, v34  }
0xaa: {  	[tilespmem:s9], [sflag:$0x1] =	stream.indirect_vreg.gather [hbm4b:s1+s6], $0x80, v1, vm0, $0xb8;
	[tilespmem:$0x19280] =	vst v63  }
0xab: {  	s10 =	simm.s32 $0x4400;
	v0 =	vadd.s32 v33, v0  }
0xac: {  	[tilespmem:s10], [sflag:$0x1] =	stream.indirect_vreg.gather [hbm4b:s12+s6], $0x80, v1, vm0, $0xb8;
	[tilespmem:$0x19280] =	vst v63  }
0xad: {  	s11 =	simm.s32 $0x4C00  }
0xae: {  	[tilespmem:s11], [sflag:$0x1] =	stream.indirect_vreg.gather [hbm4b:s13+s6], $0x80, v1, vm0, $0xb8;
	[tilespmem:$0x19280] =	vst v63  }
0xaf: {  	s16 =	simm.s32 $0x5400  }
0xb0: {  	[tilespmem:s16], [sflag:$0x1] =	stream.indirect_vreg.gather [hbm4b:s1+s6], $0x80, v0, vm0, $0xb8;
	[tilespmem:$0x19280] =	vst v63  }
0xb1: {  	s17 =	simm.s32 $0x5C00  }
0xb2: {  	[tilespmem:s17], [sflag:$0x1] =	stream.indirect_vreg.gather [hbm4b:s12+s6], $0x80, v0, vm0, $0xb8;
	[tilespmem:$0x19280] =	vst v63  }
0xb3: {  	s18 =	simm.s32 $0x6400  }
0xb4: {  	[tilespmem:s18], [sflag:$0x1] =	stream.indirect_vreg.gather [hbm4b:s13+s6], $0x80, v0, vm0, $0xb8;
	[tilespmem:$0x19280] =	vst v63  }
0xb5: {  	v0 =	vld [tilespmem:$0x800];
	_ =	sdelay $0x4  }
0xb6: {  	v62 =	vshrl.u32 v0, $0x3  }
0xb7: {  	v1 =	vmul.u32 $0x30, v62  }
0xb8: {  	v0 =	vand.u32 $0x7, v0  }
0xb9: {  	v0 =	vor.u32 v0, v1  }
0xba: {  	v1 =	vperm.xlane v0, v32;
	_ =	sdelay $0x1  }
0xbb: {  	v1 =	vadd.s32 v33, v1;
	_ =	sdelay $0x3  }
0xbc: {  	s19 =	simm.s32 $0xCC00;
	v0 =	vperm.xlane v0, v34  }
0xbd: {  	[tilespmem:s19], [sflag:$0x1] =	stream.indirect_vreg.gather [hbm4b:s8+s6], $0x80, v1, vm0, $0xb8;
	[tilespmem:$0x19280] =	vst v63  }
0xbe: {  	s20 =	simm.s32 $0xD400;
	v0 =	vadd.s32 v33, v0  }
0xbf: {  	[tilespmem:s20], [sflag:$0x1] =	stream.indirect_vreg.gather [hbm4b:s14+s6], $0x80, v1, vm0, $0xb8;
	[tilespmem:$0x19280] =	vst v63  }
0xc0: {  	s21 =	simm.s32 $0xDC00  }
0xc1: {  	[tilespmem:s21], [sflag:$0x1] =	stream.indirect_vreg.gather [hbm4b:s15+s6], $0x80, v1, vm0, $0xb8;
	[tilespmem:$0x19280] =	vst v63  }
0xc2: {  	s9 =	simm.s32 $0xE400  }
0xc3: {  	[tilespmem:s9], [sflag:$0x1] =	stream.indirect_vreg.gather [hbm4b:s8+s6], $0x80, v0, vm0, $0xb8;
	[tilespmem:$0x19280] =	vst v63  }
0xc4: {  	s10 =	simm.s32 $0xEC00  }
0xc5: {  	[tilespmem:s10], [sflag:$0x1] =	stream.indirect_vreg.gather [hbm4b:s14+s6], $0x80, v0, vm0, $0xb8;
	[tilespmem:$0x19280] =	vst v63  }
0xc6: {  	s11 =	simm.s32 $0xF400  }
0xc7: {  	[tilespmem:s11], [sflag:$0x1] =	stream.indirect_vreg.gather [hbm4b:s15+s6], $0x80, v0, vm0, $0xb8;
	[tilespmem:$0x19280] =	vst v63  }
0xc8: {  	v0 =	vld [tilespmem:$0x810];
	_ =	sdelay $0x4  }
0xc9: {  	v63 =	vshrl.u32 v0, $0x3  }
0xca: {  	v1 =	vmul.u32 $0x30, v63  }
0xcb: {  	v0 =	vand.u32 $0x7, v0  }
0xcc: {  	v0 =	vor.u32 v0, v1  }
0xcd: {  	v1 =	vperm.xlane v0, v32;
	_ =	sdelay $0x1  }
0xce: {  	v1 =	vadd.s32 v33, v1;
	_ =	sdelay $0x3  }
0xcf: {  	s16 =	simm.s32 $0xFC00;
	v0 =	vperm.xlane v0, v34  }
0xd0: {  	[tilespmem:s16], [sflag:$0x1] =	stream.indirect_vreg.gather [hbm4b:s8+s6], $0x80, v1, vm0, $0xb8;
	[tilespmem:$0x19280] =	vst v63  }
0xd1: {  	s17 =	simm.s32 $0x10400;
	v0 =	vadd.s32 v33, v0  }
0xd2: {  	[tilespmem:s17], [sflag:$0x1] =	stream.indirect_vreg.gather [hbm4b:s14+s6], $0x80, v1, vm0, $0xb8;
	[tilespmem:$0x19280] =	vst v63  }
0xd3: {  	s18 =	simm.s32 $0x10C00  }
0xd4: {  	[tilespmem:s18], [sflag:$0x1] =	stream.indirect_vreg.gather [hbm4b:s15+s6], $0x80, v1, vm0, $0xb8;
	[tilespmem:$0x19280] =	vst v63  }
0xd5: {  	s19 =	simm.s32 $0x11400  }
0xd6: {  	[tilespmem:s19], [sflag:$0x1] =	stream.indirect_vreg.gather [hbm4b:s8+s6], $0x80, v0, vm0, $0xb8;
	[tilespmem:$0x19280] =	vst v63  }
0xd7: {  	s20 =	simm.s32 $0x11C00  }
0xd8: {  	[tilespmem:s20], [sflag:$0x1] =	stream.indirect_vreg.gather [hbm4b:s14+s6], $0x80, v0, vm0, $0xb8;
	[tilespmem:$0x19280] =	vst v63  }
0xd9: {  	s4 =	simm.s32 $0x0;
	s21 =	simm.s32 $0x12400  }
0xda: {  	[tilespmem:s21], [sflag:$0x1] =	stream.indirect_vreg.gather [hbm4b:s15+s6], $0x80, v0, vm0, $0xb8;
	[tilespmem:$0x19280] =	vst v63  }
.LBB2_2:
0xdb: {  	_ =	swait.ge [sflag:s25], $0x6000  }
0xdc: {  	[sflag:s25] =	ssyncset.done $0x0  }
0xdd: {  	[sflag:s25] =	ssyncadd.s32 $0xFFFFA000  }
0xde: {  	_ =	swait.ge [sflag:s25], $0x6000  }
0xdf: {  	p0 =	seq.s32 s4, $0x0;
	[sflag:s25] =	ssyncset.done $0x0  }
0xe0: {  	s9 =	simm.s32 @!p0 $0x4;
	[sflag:s25] =	ssyncadd.s32 $0xFFFFA000  }
0xe1: {  	_ =	swait.ge @!p0 [sflag:s9], $0x6000  }
0xe2: {  	s19 =	sshll.u32 s4, $0x6;
	[sflag:s9] =	ssyncset.done @!p0 $0x0  }
0xe3: {  	s17 =	sor.u32 $0x20, s19;
	[sflag:s9] =	ssyncadd.s32 @!p0 $0xFFFFA000  }
0xe4: {  	v0 =	vld [tilespmem:s17+$0x0];
	_ =	sdelay $0x4  }
0xe5: {  	v1 =	vshrl.u32 v0, $0x3  }
0xe6: {  	v1 =	vmul.u32 $0x30, v1  }
0xe7: {  	v0 =	vand.u32 $0x7, v0  }
0xe8: {  	v0 =	vor.u32 v0, v1  }
0xe9: {  	v1 =	vperm.xlane v0, v32;
	_ =	sdelay $0x1  }
0xea: {  	v1 =	vadd.s32 v33, v1;
	_ =	sdelay $0x3  }
0xeb: {  	s20 =	simm.s32 $0x0;
	v0 =	vperm.xlane v0, v34  }
0xec: {  	[tilespmem:s26], [sflag:$0x2] =	stream.indirect_vreg.gather [hbm4b:s1+s20], $0x80, v1, vm0, $0xb8;
	[tilespmem:$0x19280] =	vst v63  }
0xed: {  	s18 =	simm.s32 $0x7400;
	v0 =	vadd.s32 v33, v0  }
0xee: {  	[tilespmem:s18], [sflag:$0x2] =	stream.indirect_vreg.gather [hbm4b:s12+s20], $0x80, v1, vm0, $0xb8;
	[tilespmem:$0x19280] =	vst v63  }
0xef: {  	s21 =	simm.s32 $0x7C00  }
0xf0: {  	[tilespmem:s21], [sflag:$0x2] =	stream.indirect_vreg.gather [hbm4b:s13+s20], $0x80, v1, vm0, $0xb8;
	[tilespmem:$0x19280] =	vst v63  }
0xf1: {  	s10 =	simm.s32 $0x8400  }
0xf2: {  	[tilespmem:s10], [sflag:$0x2] =	stream.indirect_vreg.gather [hbm4b:s1+s20], $0x80, v0, vm0, $0xb8;
	[tilespmem:$0x19280] =	vst v63  }
0xf3: {  	s11 =	simm.s32 $0x8C00  }
0xf4: {  	[tilespmem:s11], [sflag:$0x2] =	stream.indirect_vreg.gather [hbm4b:s12+s20], $0x80, v0, vm0, $0xb8;
	[tilespmem:$0x19280] =	vst v63  }
0xf5: {  	s16 =	simm.s32 $0x9400  }
0xf6: {  	[tilespmem:s16], [sflag:$0x2] =	stream.indirect_vreg.gather [hbm4b:s13+s20], $0x80, v0, vm0, $0xb8;
	[tilespmem:$0x19280] =	vst v63  }
0xf7: {  	v0 =	vld [tilespmem:s19+$0x30];
	_ =	sdelay $0x4  }
0xf8: {  	v61 =	vshrl.u32 v0, $0x3  }
0xf9: {  	v1 =	vmul.u32 $0x30, v61  }
0xfa: {  	v0 =	vand.u32 $0x7, v0  }
0xfb: {  	v0 =	vor.u32 v0, v1  }
0xfc: {  	v1 =	vperm.xlane v0, v32;
	_ =	sdelay $0x1  }
0xfd: {  	v1 =	vadd.s32 v33, v1;
	_ =	sdelay $0x3  }
0xfe: {  	s18 =	simm.s32 $0x9C00;
	v0 =	vperm.xlane v0, v34  }
0xff: {  	[tilespmem:s18], [sflag:$0x2] =	stream.indirect_vreg.gather [hbm4b:s1+s20], $0x80, v1, vm0, $0xb8;
	[tilespmem:$0x19280] =	vst v63  }
0x100: {  	s21 =	simm.s32 $0xA400;
	v0 =	vadd.s32 v33, v0  }
0x101: {  	[tilespmem:s21], [sflag:$0x2] =	stream.indirect_vreg.gather [hbm4b:s12+s20], $0x80, v1, vm0, $0xb8;
	[tilespmem:$0x19280] =	vst v63  }
0x102: {  	s10 =	simm.s32 $0xAC00  }
0x103: {  	[tilespmem:s10], [sflag:$0x2] =	stream.indirect_vreg.gather [hbm4b:s13+s20], $0x80, v1, vm0, $0xb8;
	[tilespmem:$0x19280] =	vst v63  }
0x104: {  	s11 =	simm.s32 $0xB400  }
0x105: {  	[tilespmem:s11], [sflag:$0x2] =	stream.indirect_vreg.gather [hbm4b:s1+s20], $0x80, v0, vm0, $0xb8;
	[tilespmem:$0x19280] =	vst v63  }
0x106: {  	s16 =	simm.s32 $0xBC00  }
0x107: {  	[tilespmem:s16], [sflag:$0x2] =	stream.indirect_vreg.gather [hbm4b:s12+s20], $0x80, v0, vm0, $0xb8;
	[tilespmem:$0x19280] =	vst v63  }
0x108: {  	s18 =	simm.s32 $0xC400  }
0x109: {  	[tilespmem:s18], [sflag:$0x2] =	stream.indirect_vreg.gather [hbm4b:s13+s20], $0x80, v0, vm0, $0xb8;
	[tilespmem:$0x19280] =	vst v63  }
0x10a: {  	v0 =	vld [tilespmem:s19+$0x820];
	_ =	sdelay $0x4  }
0x10b: {  	v62 =	vshrl.u32 v0, $0x3  }
0x10c: {  	v1 =	vmul.u32 $0x30, v62  }
0x10d: {  	v0 =	vand.u32 $0x7, v0  }
0x10e: {  	v0 =	vor.u32 v0, v1  }
0x10f: {  	v1 =	vperm.xlane v0, v32;
	_ =	sdelay $0x1  }
0x110: {  	v1 =	vadd.s32 v33, v1;
	_ =	sdelay $0x3  }
0x111: {  	s21 =	simm.s32 $0x12C00;
	v0 =	vperm.xlane v0, v34  }
0x112: {  	[tilespmem:s21], [sflag:$0x2] =	stream.indirect_vreg.gather [hbm4b:s8+s20], $0x80, v1, vm0, $0xb8;
	[tilespmem:$0x19280] =	vst v63  }
0x113: {  	s10 =	simm.s32 $0x13400;
	v0 =	vadd.s32 v33, v0  }
0x114: {  	[tilespmem:s10], [sflag:$0x2] =	stream.indirect_vreg.gather [hbm4b:s14+s20], $0x80, v1, vm0, $0xb8;
	[tilespmem:$0x19280] =	vst v63  }
0x115: {  	s11 =	simm.s32 $0x13C00  }
0x116: {  	[tilespmem:s11], [sflag:$0x2] =	stream.indirect_vreg.gather [hbm4b:s15+s20], $0x80, v1, vm0, $0xb8;
	[tilespmem:$0x19280] =	vst v63  }
0x117: {  	s16 =	simm.s32 $0x14400  }
0x118: {  	[tilespmem:s16], [sflag:$0x2] =	stream.indirect_vreg.gather [hbm4b:s8+s20], $0x80, v0, vm0, $0xb8;
	[tilespmem:$0x19280] =	vst v63  }
0x119: {  	s18 =	simm.s32 $0x14C00  }
0x11a: {  	[tilespmem:s18], [sflag:$0x2] =	stream.indirect_vreg.gather [hbm4b:s14+s20], $0x80, v0, vm0, $0xb8;
	[tilespmem:$0x19280] =	vst v63  }
0x11b: {  	s21 =	simm.s32 $0x15400  }
0x11c: {  	[tilespmem:s21], [sflag:$0x2] =	stream.indirect_vreg.gather [hbm4b:s15+s20], $0x80, v0, vm0, $0xb8;
	[tilespmem:$0x19280] =	vst v63  }
0x11d: {  	v0 =	vld [tilespmem:s19+$0x830];
	_ =	sdelay $0x4  }
0x11e: {  	v63 =	vshrl.u32 v0, $0x3  }
0x11f: {  	v1 =	vmul.u32 $0x30, v63  }
0x120: {  	v0 =	vand.u32 $0x7, v0  }
0x121: {  	v0 =	vor.u32 v0, v1  }
0x122: {  	v1 =	vperm.xlane v0, v32;
	_ =	sdelay $0x1  }
0x123: {  	v1 =	vadd.s32 v33, v1;
	_ =	sdelay $0x3  }
0x124: {  	v0 =	vperm.xlane v0, v34  }
0x125: {  	[tilespmem:s23], [sflag:$0x2] =	stream.indirect_vreg.gather [hbm4b:s8+s20], $0x80, v1, vm0, $0xb8;
	[tilespmem:$0x19280] =	vst v63  }
0x126: {  	v0 =	vadd.s32 v33, v0  }
0x127: {  	[tilespmem:s24], [sflag:$0x2] =	stream.indirect_vreg.gather [hbm4b:s14+s20], $0x80, v1, vm0, $0xb8;
	[tilespmem:$0x19280] =	vst v63  }
0x128: {  	_ = 	snop  }
0x129: {  	[tilespmem:s28], [sflag:$0x2] =	stream.indirect_vreg.gather [hbm4b:s15+s20], $0x80, v1, vm0, $0xb8;
	[tilespmem:$0x19280] =	vst v63  }
0x12a: {  	_ = 	snop  }
0x12b: {  	[tilespmem:s29], [sflag:$0x2] =	stream.indirect_vreg.gather [hbm4b:s8+s20], $0x80, v0, vm0, $0xb8;
	[tilespmem:$0x19280] =	vst v63  }
0x12c: {  	_ = 	snop  }
0x12d: {  	[tilespmem:s30], [sflag:$0x2] =	stream.indirect_vreg.gather [hbm4b:s14+s20], $0x80, v0, vm0, $0xb8;
	[tilespmem:$0x19280] =	vst v63  }
0x12e: {  	s21 =	simm.s32 $0x0  }
0x12f: {  	[tilespmem:s31], [sflag:$0x2] =	stream.indirect_vreg.gather [hbm4b:s15+s20], $0x80, v0, vm0, $0xb8;
	[tilespmem:$0x19280] =	vst v63  }
.LBB2_3:
0x130: {  	s9 =	sshrl.u32 s21, $0x3  }
0x131: {  	s9 =	smul.u32 $0x1800, s9  }
0x132: {  	s10 =	sand.u32 $0x380, s20  }
0x133: {  	s9 =	sor.u32 s10, s9  }
0x134: {  	v0 =	vld [tilespmem:s9+$0xC00]  }
0x135: {  	v1 =	vld [tilespmem:s9+$0xCC00]  }
0x136: {  	v2 =	vld [tilespmem:s9+$0xC10]  }
0x137: {  	v4 =	vld [tilespmem:s9+$0xCC10]  }
0x138: {  	v5 =	vld [tilespmem:s9+$0xC20]  }
0x139: {  	v6 =	vld [tilespmem:s9+$0xCC20]  }
0x13a: {  	v7 =	vld [tilespmem:s9+$0xC30]  }
0x13b: {  	v45 =	vld [tilespmem:s9+$0xCC30];
	v3 =	vadd.f32 v1, v0  }
0x13c: {  	v46 =	vld [tilespmem:s9+$0xC40];
	v18 =	vadd.f32 v4, v2  }
0x13d: {  	v48 =	vld [tilespmem:s9+$0xCC40];
	v47 =	vadd.f32 $0.0e+00, v3  }
0x13e: {  	v49 =	vld [tilespmem:s9+$0xC50];
	v17 =	vadd.f32 v6, v5;
	v8 =	vmul.f32 v3, v3;
	v9 =	vmul.f32 v18, v18  }
0x13f: {  	v50 =	vld [tilespmem:s9+$0xCC50];
	v2 =	vadd.f32 v18, v47  }
0x140: {  	v52 =	vld [tilespmem:s9+$0xC60];
	v16 =	vadd.f32 v45, v7;
	v51 =	vmul.f32 v17, v17;
	v8 =	vadd.f32 v9, v8  }
0x141: {  	v53 =	vld [tilespmem:s9+$0xCC60];
	v2 =	vadd.f32 v17, v2  }
0x142: {  	v55 =	vld [tilespmem:s9+$0xC70];
	v15 =	vadd.f32 v48, v46;
	v54 =	vmul.f32 v16, v16;
	v8 =	vadd.f32 v51, v8  }
0x143: {  	v56 =	vld [tilespmem:s9+$0xCC70];
	v2 =	vadd.f32 v16, v2  }
0x144: {  	v58 =	vld [tilespmem:s9+$0x1000];
	v14 =	vadd.f32 v50, v49;
	v57 =	vmul.f32 v15, v15;
	v8 =	vadd.f32 v54, v8  }
0x145: {  	v59 =	vld [tilespmem:s9+$0xD000];
	v2 =	vadd.f32 v15, v2  }
0x146: {  	v61 =	vld [tilespmem:s9+$0x1010];
	v13 =	vadd.f32 v53, v52;
	v60 =	vmul.f32 v14, v14;
	v8 =	vadd.f32 v57, v8  }
0x147: {  	v62 =	vld [tilespmem:s9+$0xD010];
	v2 =	vadd.f32 v14, v2  }
0x148: {  	v19 =	vld [tilespmem:s9+$0x1020];
	v12 =	vadd.f32 v56, v55;
	v63 =	vmul.f32 v13, v13;
	v8 =	vadd.f32 v60, v8  }
0x149: {  	v20 =	vld [tilespmem:s9+$0xD020];
	v2 =	vadd.f32 v13, v2  }
0x14a: {  	v22 =	vld [tilespmem:s9+$0x1030];
	v11 =	vadd.f32 v59, v58;
	v21 =	vmul.f32 v12, v12;
	v8 =	vadd.f32 v63, v8  }
0x14b: {  	v23 =	vld [tilespmem:s9+$0xD030];
	v2 =	vadd.f32 v12, v2  }
0x14c: {  	v40 =	vld [tilespmem:s9+$0x1040];
	v10 =	vadd.f32 v62, v61;
	v39 =	vmul.f32 v11, v11;
	v8 =	vadd.f32 v21, v8  }
0x14d: {  	v41 =	vld [tilespmem:s9+$0xD040];
	v2 =	vadd.f32 v11, v2  }
0x14e: {  	v42 =	vld [tilespmem:s9+$0x1050];
	v35 =	vmul.f32 v10, v10;
	v9 =	vadd.f32 v20, v19;
	v8 =	vadd.f32 v39, v8  }
0x14f: {  	v43 =	vld [tilespmem:s9+$0xD050];
	v2 =	vadd.f32 v10, v2  }
0x150: {  	v44 =	vld [tilespmem:s9+$0x1060];
	v36 =	vmul.f32 v9, v9;
	v35 =	vadd.f32 v35, v8;
	v8 =	vadd.f32 v23, v22  }
0x151: {  	v37 =	vld [tilespmem:s9+$0xD060];
	v2 =	vadd.f32 v9, v2  }
0x152: {  	v7 =	vadd.f32 v41, v40;
	v48 =	vld [tilespmem:s9+$0xD070];
	v45 =	vadd.f32 v36, v35;
	v46 =	vmul.f32 v8, v8  }
0x153: {  	v47 =	vld [tilespmem:s9+$0x1070];
	v2 =	vadd.f32 v8, v2  }
0x154: {  	v6 =	vadd.f32 v43, v42;
	v49 =	vld [tilespmem:s9+$0x1400];
	v38 =	vmul.f32 v7, v7;
	v35 =	vadd.f32 v46, v45  }
0x155: {  	v39 =	vld [tilespmem:s9+$0xD400];
	v2 =	vadd.f32 v7, v2  }
0x156: {  	v5 =	vadd.f32 v37, v44;
	v52 =	vld [tilespmem:s9+$0x1410];
	v51 =	vmul.f32 v6, v6;
	v50 =	vadd.f32 v38, v35  }
0x157: {  	v53 =	vld [tilespmem:s9+$0xD410];
	v2 =	vadd.f32 v6, v2  }
0x158: {  	v41 =	vld [tilespmem:s9+$0xD420];
	v40 =	vmul.f32 v5, v5;
	v4 =	vadd.f32 v48, v47;
	v35 =	vadd.f32 v51, v50  }
0x159: {  	v54 =	vld [tilespmem:s9+$0x1420];
	v55 =	vadd.f32 v5, v2  }
0x15a: {  	v42 =	vld [tilespmem:s9+$0xD430];
	v56 =	vmul.f32 v4, v4;
	v35 =	vadd.f32 v40, v35;
	v2 =	vadd.f32 v39, v49  }
0x15b: {  	v57 =	vld [tilespmem:s9+$0x1430];
	v36 =	vadd.f32 v4, v55  }
0x15c: {  	v59 =	vld [tilespmem:s9+$0x1440];
	v1 =	vadd.f32 v53, v52;
	v35 =	vadd.f32 v56, v35;
	v58 =	vmul.f32 v2, v2  }
0x15d: {  	v19 =	vld [tilespmem:s9+$0xD440];
	v36 =	vadd.f32 v2, v36  }
0x15e: {  	v43 =	vld [tilespmem:s9+$0xD450];
	v20 =	vmul.f32 v1, v1;
	v0 =	vadd.f32 v41, v54;
	v35 =	vadd.f32 v58, v35  }
0x15f: {  	v21 =	vld [tilespmem:s9+$0x1450];
	v36 =	vadd.f32 v1, v36  }
0x160: {  	v63 =	vadd.f32 v42, v57;
	v22 =	vmul.f32 v0, v0;
	v23 =	vld [tilespmem:s9+$0x1460];
	v35 =	vadd.f32 v20, v35  }
0x161: {  	v45 =	vld [tilespmem:s9+$0xD460];
	v36 =	vadd.f32 v0, v36  }
0x162: {  	v62 =	vadd.f32 v19, v59;
	v47 =	vld [tilespmem:s9+$0x1470];
	v46 =	vmul.f32 v63, v63;
	v35 =	vadd.f32 v22, v35  }
0x163: {  	v48 =	vld [tilespmem:s9+$0xD470];
	v36 =	vadd.f32 v63, v36  }
0x164: {  	v61 =	vadd.f32 v43, v21;
	v50 =	vld [tilespmem:s9+$0x1800];
	v49 =	vmul.f32 v62, v62;
	v35 =	vadd.f32 v46, v35  }
0x165: {  	v51 =	vld [tilespmem:s9+$0xD800];
	v36 =	vadd.f32 v62, v36  }
0x166: {  	v53 =	vld [tilespmem:s9+$0x1810];
	v52 =	vmul.f32 v61, v61;
	v60 =	vadd.f32 v45, v23;
	v35 =	vadd.f32 v49, v35  }
0x167: {  	v54 =	vld [tilespmem:s9+$0xD810];
	v36 =	vadd.f32 v61, v36  }
0x168: {  	v19 =	vld [tilespmem:s9+$0x1820];
	v59 =	vadd.f32 v48, v47;
	v55 =	vmul.f32 v60, v60;
	v35 =	vadd.f32 v52, v35  }
0x169: {  	v20 =	vld [tilespmem:s9+$0xD820];
	v36 =	vadd.f32 v60, v36  }
0x16a: {  	v21 =	vmul.f32 v59, v59;
	v23 =	vld [tilespmem:s9+$0xD830];
	v58 =	vadd.f32 v51, v50;
	v35 =	vadd.f32 v55, v35  }
0x16b: {  	v22 =	vld [tilespmem:s9+$0x1830];
	v36 =	vadd.f32 v59, v36  }
0x16c: {  	v47 =	vld [tilespmem:s9+$0xD840];
	v57 =	vadd.f32 v54, v53;
	v45 =	vmul.f32 v58, v58;
	v35 =	vadd.f32 v21, v35  }
0x16d: {  	v46 =	vld [tilespmem:s9+$0x1840];
	v36 =	vadd.f32 v58, v36  }
0x16e: {  	v48 =	vmul.f32 v57, v57;
	v50 =	vld [tilespmem:s9+$0xD850];
	v56 =	vadd.f32 v20, v19;
	v35 =	vadd.f32 v45, v35  }
0x16f: {  	v49 =	vld [tilespmem:s9+$0x1850];
	v36 =	vadd.f32 v57, v36  }
0x170: {  	v19 =	vld [tilespmem:s9+$0x1860];
	v51 =	vmul.f32 v56, v56;
	v55 =	vadd.f32 v23, v22;
	v35 =	vadd.f32 v48, v35  }
0x171: {  	v20 =	vld [tilespmem:s9+$0xD860];
	v36 =	vadd.f32 v56, v36  }
0x172: {  	v54 =	vadd.f32 v47, v46;
	v22 =	vld [tilespmem:s9+$0x1870];
	v21 =	vmul.f32 v55, v55;
	v35 =	vadd.f32 v51, v35  }
0x173: {  	v23 =	vld [tilespmem:s9+$0xD870];
	v36 =	vadd.f32 v55, v36  }
0x174: {  	v46 =	vld [tilespmem:s9+$0x1C00];
	v53 =	vadd.f32 v50, v49;
	v45 =	vmul.f32 v54, v54;
	v35 =	vadd.f32 v21, v35  }
0x175: {  	v47 =	vld [tilespmem:s9+$0xDC00];
	v36 =	vadd.f32 v54, v36  }
0x176: {  	v52 =	vadd.f32 v20, v19;
	v19 =	vld [tilespmem:s9+$0x1C10];
	v50 =	vmul.f32 v53, v53;
	v35 =	vadd.f32 v45, v35  }
0x177: {  	v20 =	vld [tilespmem:s9+$0xDC10];
	v36 =	vadd.f32 v53, v36  }
0x178: {  	v51 =	vadd.f32 v23, v22;
	v22 =	vld [tilespmem:s9+$0x1C20];
	v21 =	vmul.f32 v52, v52;
	v35 =	vadd.f32 v50, v35  }
0x179: {  	v23 =	vld [tilespmem:s9+$0xDC20];
	v36 =	vadd.f32 v52, v36  }
0x17a: {  	v44 =	vmul.f32 v51, v51;
	v45 =	vld [tilespmem:s9+$0x1C30];
	v50 =	vadd.f32 v47, v46;
	v35 =	vadd.f32 v21, v35  }
0x17b: {  	v46 =	vld [tilespmem:s9+$0xDC30];
	v36 =	vadd.f32 v51, v36  }
0x17c: {  	v49 =	vadd.f32 v20, v19;
	v19 =	vld [tilespmem:s9+$0x1C40];
	v47 =	vmul.f32 v50, v50;
	v35 =	vadd.f32 v44, v35  }
0x17d: {  	v20 =	vld [tilespmem:s9+$0xDC40];
	v36 =	vadd.f32 v50, v36  }
0x17e: {  	v42 =	vld [tilespmem:s9+$0xDC50];
	v48 =	vadd.f32 v23, v22;
	v21 =	vmul.f32 v49, v49;
	v35 =	vadd.f32 v47, v35  }
0x17f: {  	v39 =	vld [tilespmem:s9+$0x1C50];
	v36 =	vadd.f32 v49, v36  }
0x180: {  	v37 =	vld [tilespmem:s9+$0x1C60];
	v22 =	vmul.f32 v48, v48;
	v47 =	vadd.f32 v46, v45;
	v35 =	vadd.f32 v21, v35  }
0x181: {  	v38 =	vld [tilespmem:s9+$0xDC60];
	v36 =	vadd.f32 v48, v36  }
0x182: {  	v46 =	vadd.f32 v20, v19;
	v19 =	vld [tilespmem:s9+$0x1C70];
	v23 =	vmul.f32 v47, v47;
	v35 =	vadd.f32 v22, v35  }
0x183: {  	v20 =	vld [tilespmem:s9+$0xDC70];
	v36 =	vadd.f32 v47, v36  }
0x184: {  	v45 =	vadd.f32 v42, v39;
	v39 =	vld [tilespmem:s9+$0x2000];
	v21 =	vmul.f32 v46, v46;
	v35 =	vadd.f32 v23, v35  }
0x185: {  	v42 =	vld [tilespmem:s9+$0xE000];
	v36 =	vadd.f32 v46, v36  }
0x186: {  	v44 =	vadd.f32 v38, v37;
	v37 =	vld [tilespmem:s9+$0x2010];
	v22 =	vmul.f32 v45, v45;
	v35 =	vadd.f32 v21, v35  }
0x187: {  	v38 =	vld [tilespmem:s9+$0xE010];
	v36 =	vadd.f32 v45, v36  }
0x188: {  	v40 =	vmul.f32 v44, v44;
	v43 =	vadd.f32 v20, v19;
	v19 =	vld [tilespmem:s9+$0x2020];
	v35 =	vadd.f32 v22, v35  }
0x189: {  	v20 =	vld [tilespmem:s9+$0xE020];
	v36 =	vadd.f32 v44, v36  }
0x18a: {  	v42 =	vadd.f32 v42, v39;
	v39 =	vld [tilespmem:s9+$0x2030];
	v35 =	vadd.f32 v40, v35;
	v40 =	vmul.f32 v43, v43  }
0x18b: {  	v21 =	vld [tilespmem:s9+$0xE030];
	v36 =	vadd.f32 v43, v36  }
0x18c: {  	v41 =	vadd.f32 v38, v37;
	v37 =	vld [tilespmem:s9+$0x2040];
	v23 =	vmul.f32 v42, v42;
	v35 =	vadd.f32 v40, v35  }
0x18d: {  	v38 =	vld [tilespmem:s9+$0xE040];
	v36 =	vadd.f32 v42, v36  }
0x18e: {  	v22 =	vmul.f32 v41, v41;
	v40 =	vadd.f32 v20, v19;
	v19 =	vld [tilespmem:s9+$0x2050];
	v35 =	vadd.f32 v23, v35  }
0x18f: {  	v20 =	vadd.f32 v41, v36;
	v36 =	vld [tilespmem:s9+$0xE050]  }
0x190: {  	v39 =	vadd.f32 v21, v39;
	v21 =	vld [tilespmem:s9+$0x2060];
	v22 =	vadd.f32 v22, v35;
	v35 =	vmul.f32 v40, v40  }
0x191: {  	v23 =	vld [tilespmem:s9+$0xE060];
	v20 =	vadd.f32 v40, v20  }
0x192: {  	v24 =	vld [tilespmem:s9+$0x2070];
	v38 =	vadd.f32 v38, v37;
	v22 =	vadd.f32 v35, v22;
	v35 =	vmul.f32 v39, v39  }
0x193: {  	v25 =	vld [tilespmem:s9+$0xE070];
	v20 =	vadd.f32 v39, v20  }
0x194: {  	v22 =	vadd.f32 v35, v22;
	v37 =	vadd.f32 v36, v19;
	v36 =	vmul.f32 v38, v38  }
0x195: {  	v20 =	vadd.f32 v38, v20  }
0x196: {  	v19 =	vadd.f32 v36, v22;
	v36 =	vadd.f32 v23, v21;
	v35 =	vmul.f32 v37, v37  }
0x197: {  	v20 =	vadd.f32 v37, v20  }
0x198: {  	v19 =	vadd.f32 v35, v19;
	v35 =	vadd.f32 v25, v24;
	v21 =	vmul.f32 v36, v36  }
0x199: {  	v20 =	vadd.f32 v36, v20  }
0x19a: {  	v19 =	vadd.f32 v21, v19;
	v21 =	vmul.f32 v35, v35  }
0x19b: {  	v20 =	vadd.f32 v35, v20  }
0x19c: {  	v19 =	vadd.f32 v21, v19  }
0x19d: {  	(xrf2) =	vadd.scan.msk.f32 $0xffff, v20  }
0x19e: {  	(xrf2) =	vadd.scan.msk.f32 $0xffff, v19;
	_ =	sdelay $0x8  }
0x19f: {  	v23, _, _ =	vpop (xrf2)  }
0x1a0: {  	(v2sf) =	vpush v23, $0xF;
	v21, _, _ =	vpop (xrf2)  }
0x1a1: {  	(v2sf) =	vpush v21, $0xF;
	_ =	sdelay $0xd  }
0x1a2: {  	s11 =	spop (v2sf)  }
0x1a3: {  	s11 =	smul.f32 s11, s2;
	s16 =	spop (v2sf)  }
0x1a4: {  	s10 =	smul.f32 s16, s2  }
0x1a5: {  	s16 =	smul.f32 s11, s11;
	_ =	sdelay $0x1  }
0x1a6: {  	s10 =	ssub.f32 s10, s16;
	_ =	sdelay $0x1  }
0x1a7: {  	s10 =	sadd.f32 $9.999999960e-13, s10;
	_ =	sdelay $0x1  }
0x1a8: {  	s18 =	sshra.s32 s10, $0x1;
	s10 =	smul.f32 $5.000000000e-01, s10  }
0x1a9: {  	s16 =	ssub.s32 $0x5F3759DF, s18  }
0x1aa: {  	s18 =	smul.f32 s16, s10;
	_ =	sdelay $0x1  }
0x1ab: {  	s18 =	smul.f32 s16, s18;
	_ =	sdelay $0x1  }
0x1ac: {  	s18 =	ssub.f32 $1.500000000e+00, s18;
	_ =	sdelay $0x1  }
0x1ad: {  	s16 =	smul.f32 s16, s18;
	_ =	sdelay $0x1  }
0x1ae: {  	s18 =	smul.f32 s16, s10;
	_ =	sdelay $0x1  }
0x1af: {  	s18 =	smul.f32 s18, s16;
	_ =	sdelay $0x1  }
0x1b0: {  	s18 =	ssub.f32 $1.500000000e+00, s18;
	_ =	sdelay $0x1  }
0x1b1: {  	s16 =	smul.f32 s18, s16;
	_ =	sdelay $0x1  }
0x1b2: {  	s10 =	smul.f32 s16, s10;
	_ =	sdelay $0x1  }
0x1b3: {  	s10 =	smul.f32 s10, s16;
	_ =	sdelay $0x1  }
0x1b4: {  	s10 =	ssub.f32 $1.500000000e+00, s10;
	_ =	sdelay $0x1  }
0x1b5: {  	s10 =	smul.f32 s10, s16;
	_ =	sdelay $0x1  }
0x1b6: {  	v19 =	vld [tilespmem:$0x18C00];
	s11 =	smul.f32 s10, s11  }
0x1b7: {  	v20 =	vmul.f32 s10, v3  }
0x1b8: {  	v21 =	vld [tilespmem:$0x18F00];
	v3 =	vmov s11  }
0x1b9: {  	v20 =	vsub.f32 v20, v3;
	_ =	sdelay $0x1  }
0x1ba: {  	v19 =	vmul.f32 v20, v19;
	_ =	sdelay $0x1  }
0x1bb: {  	v19 =	vadd.f32 v19, v21;
	_ =	sdelay $0x1  }
0x1bc: {  	[tilespmem:s9+$0xC00] =	vst v19  }
0x1bd: {  	v19 =	vld [tilespmem:$0x18C10]  }
0x1be: {  	v18 =	vmul.f32 s10, v18  }
0x1bf: {  	v20 =	vld [tilespmem:$0x18F10]  }
0x1c0: {  	v18 =	vsub.f32 v18, v3;
	_ =	sdelay $0x1  }
0x1c1: {  	v18 =	vmul.f32 v18, v19;
	_ =	sdelay $0x1  }
0x1c2: {  	v18 =	vadd.f32 v18, v20;
	_ =	sdelay $0x1  }
0x1c3: {  	[tilespmem:s9+$0xC10] =	vst v18  }
0x1c4: {  	v18 =	vld [tilespmem:$0x18C20]  }
0x1c5: {  	v17 =	vmul.f32 s10, v17  }
0x1c6: {  	v22 =	vld [tilespmem:$0x18F20]  }
0x1c7: {  	v17 =	vsub.f32 v17, v3;
	_ =	sdelay $0x1  }
0x1c8: {  	v17 =	vmul.f32 v17, v18;
	_ =	sdelay $0x1  }
0x1c9: {  	v17 =	vadd.f32 v17, v22;
	_ =	sdelay $0x1  }
0x1ca: {  	[tilespmem:s9+$0xC20] =	vst v17  }
0x1cb: {  	v17 =	vld [tilespmem:$0x18C30]  }
0x1cc: {  	v16 =	vmul.f32 s10, v16  }
0x1cd: {  	v23 =	vld [tilespmem:$0x18F30]  }
0x1ce: {  	v16 =	vsub.f32 v16, v3;
	_ =	sdelay $0x1  }
0x1cf: {  	v16 =	vmul.f32 v16, v17;
	_ =	sdelay $0x1  }
0x1d0: {  	v16 =	vadd.f32 v16, v23;
	_ =	sdelay $0x1  }
0x1d1: {  	[tilespmem:s9+$0xC30] =	vst v16  }
0x1d2: {  	v16 =	vld [tilespmem:$0x18C40]  }
0x1d3: {  	v15 =	vmul.f32 s10, v15  }
0x1d4: {  	v20 =	vld [tilespmem:$0x18F40]  }
0x1d5: {  	v15 =	vsub.f32 v15, v3;
	_ =	sdelay $0x1  }
0x1d6: {  	v15 =	vmul.f32 v15, v16;
	_ =	sdelay $0x1  }
0x1d7: {  	v15 =	vadd.f32 v15, v20;
	_ =	sdelay $0x1  }
0x1d8: {  	[tilespmem:s9+$0xC40] =	vst v15  }
0x1d9: {  	v15 =	vld [tilespmem:$0x18C50]  }
0x1da: {  	v14 =	vmul.f32 s10, v14  }
0x1db: {  	v21 =	vld [tilespmem:$0x18F50]  }
0x1dc: {  	v14 =	vsub.f32 v14, v3;
	_ =	sdelay $0x1  }
0x1dd: {  	v14 =	vmul.f32 v14, v15;
	_ =	sdelay $0x1  }
0x1de: {  	v14 =	vadd.f32 v14, v21;
	_ =	sdelay $0x1  }
0x1df: {  	[tilespmem:s9+$0xC50] =	vst v14  }
0x1e0: {  	v14 =	vld [tilespmem:$0x18C60]  }
0x1e1: {  	v13 =	vmul.f32 s10, v13  }
0x1e2: {  	v22 =	vld [tilespmem:$0x18F60]  }
0x1e3: {  	v13 =	vsub.f32 v13, v3;
	_ =	sdelay $0x1  }
0x1e4: {  	v13 =	vmul.f32 v13, v14;
	_ =	sdelay $0x1  }
0x1e5: {  	v13 =	vadd.f32 v13, v22;
	_ =	sdelay $0x1  }
0x1e6: {  	[tilespmem:s9+$0xC60] =	vst v13  }
0x1e7: {  	v13 =	vld [tilespmem:$0x18C70]  }
0x1e8: {  	v12 =	vmul.f32 s10, v12  }
0x1e9: {  	v23 =	vld [tilespmem:$0x18F70]  }
0x1ea: {  	v12 =	vsub.f32 v12, v3;
	_ =	sdelay $0x1  }
0x1eb: {  	v12 =	vmul.f32 v12, v13;
	_ =	sdelay $0x1  }
0x1ec: {  	v12 =	vadd.f32 v12, v23;
	_ =	sdelay $0x1  }
0x1ed: {  	[tilespmem:s9+$0xC70] =	vst v12  }
0x1ee: {  	v12 =	vld [tilespmem:$0x18C80]  }
0x1ef: {  	v11 =	vmul.f32 s10, v11  }
0x1f0: {  	v16 =	vld [tilespmem:$0x18F80]  }
0x1f1: {  	v11 =	vsub.f32 v11, v3;
	_ =	sdelay $0x1  }
0x1f2: {  	v11 =	vmul.f32 v11, v12;
	_ =	sdelay $0x1  }
0x1f3: {  	v11 =	vadd.f32 v11, v16;
	_ =	sdelay $0x1  }
0x1f4: {  	[tilespmem:s9+$0x1000] =	vst v11  }
0x1f5: {  	v11 =	vld [tilespmem:$0x18C90]  }
0x1f6: {  	v10 =	vmul.f32 s10, v10  }
0x1f7: {  	v17 =	vld [tilespmem:$0x18F90]  }
0x1f8: {  	v10 =	vsub.f32 v10, v3;
	_ =	sdelay $0x1  }
0x1f9: {  	v10 =	vmul.f32 v10, v11;
	_ =	sdelay $0x1  }
0x1fa: {  	v10 =	vadd.f32 v10, v17;
	_ =	sdelay $0x1  }
0x1fb: {  	[tilespmem:s9+$0x1010] =	vst v10  }
0x1fc: {  	v10 =	vld [tilespmem:$0x18CA0]  }
0x1fd: {  	v9 =	vmul.f32 s10, v9  }
0x1fe: {  	v18 =	vld [tilespmem:$0x18FA0]  }
0x1ff: {  	v9 =	vsub.f32 v9, v3;
	_ =	sdelay $0x1  }
0x200: {  	v9 =	vmul.f32 v10, v9;
	_ =	sdelay $0x1  }
0x201: {  	v9 =	vadd.f32 v18, v9;
	_ =	sdelay $0x1  }
0x202: {  	[tilespmem:s9+$0x1020] =	vst v9  }
0x203: {  	v9 =	vld [tilespmem:$0x18CB0]  }
0x204: {  	v8 =	vmul.f32 s10, v8  }
0x205: {  	v19 =	vld [tilespmem:$0x18FB0]  }
0x206: {  	v8 =	vsub.f32 v8, v3;
	_ =	sdelay $0x1  }
0x207: {  	v8 =	vmul.f32 v9, v8;
	_ =	sdelay $0x1  }
0x208: {  	v8 =	vadd.f32 v19, v8;
	_ =	sdelay $0x1  }
0x209: {  	[tilespmem:s9+$0x1030] =	vst v8  }
0x20a: {  	v8 =	vld [tilespmem:$0x18CC0]  }
0x20b: {  	v7 =	vmul.f32 s10, v7  }
0x20c: {  	v20 =	vld [tilespmem:$0x18FC0]  }
0x20d: {  	v7 =	vsub.f32 v7, v3;
	_ =	sdelay $0x1  }
0x20e: {  	v7 =	vmul.f32 v8, v7;
	_ =	sdelay $0x1  }
0x20f: {  	v7 =	vadd.f32 v20, v7;
	_ =	sdelay $0x1  }
0x210: {  	[tilespmem:s9+$0x1040] =	vst v7  }
0x211: {  	v7 =	vld [tilespmem:$0x18CD0]  }
0x212: {  	v6 =	vmul.f32 s10, v6  }
0x213: {  	v21 =	vld [tilespmem:$0x18FD0]  }
0x214: {  	v6 =	vsub.f32 v6, v3;
	_ =	sdelay $0x1  }
0x215: {  	v6 =	vmul.f32 v7, v6;
	_ =	sdelay $0x1  }
0x216: {  	v6 =	vadd.f32 v21, v6;
	_ =	sdelay $0x1  }
0x217: {  	[tilespmem:s9+$0x1050] =	vst v6  }
0x218: {  	v6 =	vld [tilespmem:$0x18CE0]  }
0x219: {  	v5 =	vmul.f32 s10, v5  }
0x21a: {  	v22 =	vld [tilespmem:$0x18FE0]  }
0x21b: {  	v5 =	vsub.f32 v5, v3;
	_ =	sdelay $0x1  }
0x21c: {  	v5 =	vmul.f32 v6, v5;
	_ =	sdelay $0x1  }
0x21d: {  	v5 =	vadd.f32 v22, v5;
	_ =	sdelay $0x1  }
0x21e: {  	[tilespmem:s9+$0x1060] =	vst v5  }
0x21f: {  	v5 =	vld [tilespmem:$0x18CF0]  }
0x220: {  	v4 =	vmul.f32 s10, v4  }
0x221: {  	v23 =	vld [tilespmem:$0x18FF0]  }
0x222: {  	v4 =	vsub.f32 v4, v3;
	_ =	sdelay $0x1  }
0x223: {  	v4 =	vmul.f32 v5, v4;
	_ =	sdelay $0x1  }
0x224: {  	v4 =	vadd.f32 v23, v4;
	_ =	sdelay $0x1  }
0x225: {  	[tilespmem:s9+$0x1070] =	vst v4  }
0x226: {  	v4 =	vld [tilespmem:$0x18D00]  }
0x227: {  	v2 =	vmul.f32 s10, v2  }
0x228: {  	v9 =	vld [tilespmem:$0x19000]  }
0x229: {  	v2 =	vsub.f32 v2, v3;
	_ =	sdelay $0x1  }
0x22a: {  	v2 =	vmul.f32 v4, v2;
	_ =	sdelay $0x1  }
0x22b: {  	v2 =	vadd.f32 v9, v2;
	_ =	sdelay $0x1  }
0x22c: {  	[tilespmem:s9+$0x1400] =	vst v2  }
0x22d: {  	v2 =	vld [tilespmem:$0x18D10]  }
0x22e: {  	v1 =	vmul.f32 s10, v1  }
0x22f: {  	v10 =	vld [tilespmem:$0x19010]  }
0x230: {  	v1 =	vsub.f32 v1, v3;
	_ =	sdelay $0x1  }
0x231: {  	v1 =	vmul.f32 v2, v1;
	_ =	sdelay $0x1  }
0x232: {  	v1 =	vadd.f32 v10, v1;
	_ =	sdelay $0x1  }
0x233: {  	[tilespmem:s9+$0x1410] =	vst v1  }
0x234: {  	v1 =	vld [tilespmem:$0x18D20]  }
0x235: {  	v0 =	vmul.f32 s10, v0  }
0x236: {  	v11 =	vld [tilespmem:$0x19020]  }
0x237: {  	v0 =	vsub.f32 v0, v3;
	_ =	sdelay $0x1  }
0x238: {  	v0 =	vmul.f32 v1, v0;
	_ =	sdelay $0x1  }
0x239: {  	v0 =	vadd.f32 v11, v0;
	_ =	sdelay $0x1  }
0x23a: {  	[tilespmem:s9+$0x1420] =	vst v0  }
0x23b: {  	v0 =	vld [tilespmem:$0x18D30]  }
0x23c: {  	v12 =	vmul.f32 s10, v63  }
0x23d: {  	v13 =	vld [tilespmem:$0x19030]  }
0x23e: {  	v1 =	vsub.f32 v12, v3;
	_ =	sdelay $0x1  }
0x23f: {  	v0 =	vmul.f32 v0, v1;
	_ =	sdelay $0x1  }
0x240: {  	v0 =	vadd.f32 v13, v0;
	_ =	sdelay $0x1  }
0x241: {  	[tilespmem:s9+$0x1430] =	vst v0  }
0x242: {  	v0 =	vld [tilespmem:$0x18D40]  }
0x243: {  	v14 =	vmul.f32 s10, v62  }
0x244: {  	v15 =	vld [tilespmem:$0x19040]  }
0x245: {  	v1 =	vsub.f32 v14, v3;
	_ =	sdelay $0x1  }
0x246: {  	v0 =	vmul.f32 v0, v1;
	_ =	sdelay $0x1  }
0x247: {  	v0 =	vadd.f32 v15, v0;
	_ =	sdelay $0x1  }
0x248: {  	[tilespmem:s9+$0x1440] =	vst v0  }
0x249: {  	v0 =	vld [tilespmem:$0x18D50]  }
0x24a: {  	v16 =	vmul.f32 s10, v61  }
0x24b: {  	v17 =	vld [tilespmem:$0x19050]  }
0x24c: {  	v1 =	vsub.f32 v16, v3;
	_ =	sdelay $0x1  }
0x24d: {  	v0 =	vmul.f32 v0, v1;
	_ =	sdelay $0x1  }
0x24e: {  	v0 =	vadd.f32 v17, v0;
	_ =	sdelay $0x1  }
0x24f: {  	[tilespmem:s9+$0x1450] =	vst v0  }
0x250: {  	v0 =	vld [tilespmem:$0x18D60]  }
0x251: {  	v18 =	vmul.f32 s10, v60  }
0x252: {  	v19 =	vld [tilespmem:$0x19060]  }
0x253: {  	v1 =	vsub.f32 v18, v3;
	_ =	sdelay $0x1  }
0x254: {  	v0 =	vmul.f32 v0, v1;
	_ =	sdelay $0x1  }
0x255: {  	v0 =	vadd.f32 v19, v0;
	_ =	sdelay $0x1  }
0x256: {  	[tilespmem:s9+$0x1460] =	vst v0  }
0x257: {  	v0 =	vld [tilespmem:$0x18D70]  }
0x258: {  	v20 =	vmul.f32 s10, v59  }
0x259: {  	v21 =	vld [tilespmem:$0x19070]  }
0x25a: {  	v1 =	vsub.f32 v20, v3;
	_ =	sdelay $0x1  }
0x25b: {  	v0 =	vmul.f32 v0, v1;
	_ =	sdelay $0x1  }
0x25c: {  	v0 =	vadd.f32 v21, v0;
	_ =	sdelay $0x1  }
0x25d: {  	[tilespmem:s9+$0x1470] =	vst v0  }
0x25e: {  	v0 =	vld [tilespmem:$0x18D80]  }
0x25f: {  	v22 =	vmul.f32 s10, v58  }
0x260: {  	v23 =	vld [tilespmem:$0x19080]  }
0x261: {  	v1 =	vsub.f32 v22, v3;
	_ =	sdelay $0x1  }
0x262: {  	v0 =	vmul.f32 v0, v1;
	_ =	sdelay $0x1  }
0x263: {  	v0 =	vadd.f32 v23, v0;
	_ =	sdelay $0x1  }
0x264: {  	[tilespmem:s9+$0x1800] =	vst v0  }
0x265: {  	v0 =	vld [tilespmem:$0x18D90]  }
0x266: {  	v58 =	vmul.f32 s10, v57  }
0x267: {  	v59 =	vld [tilespmem:$0x19090]  }
0x268: {  	v1 =	vsub.f32 v58, v3;
	_ =	sdelay $0x1  }
0x269: {  	v0 =	vmul.f32 v0, v1;
	_ =	sdelay $0x1  }
0x26a: {  	v0 =	vadd.f32 v59, v0;
	_ =	sdelay $0x1  }
0x26b: {  	[tilespmem:s9+$0x1810] =	vst v0  }
0x26c: {  	v0 =	vld [tilespmem:$0x18DA0]  }
0x26d: {  	v60 =	vmul.f32 s10, v56  }
0x26e: {  	v61 =	vld [tilespmem:$0x190A0]  }
0x26f: {  	v1 =	vsub.f32 v60, v3;
	_ =	sdelay $0x1  }
0x270: {  	v0 =	vmul.f32 v0, v1;
	_ =	sdelay $0x1  }
0x271: {  	v0 =	vadd.f32 v61, v0;
	_ =	sdelay $0x1  }
0x272: {  	[tilespmem:s9+$0x1820] =	vst v0  }
0x273: {  	v0 =	vld [tilespmem:$0x18DB0]  }
0x274: {  	v62 =	vmul.f32 s10, v55  }
0x275: {  	v63 =	vld [tilespmem:$0x190B0]  }
0x276: {  	v1 =	vsub.f32 v62, v3;
	_ =	sdelay $0x1  }
0x277: {  	v0 =	vmul.f32 v0, v1;
	_ =	sdelay $0x1  }
0x278: {  	v0 =	vadd.f32 v63, v0;
	_ =	sdelay $0x1  }
0x279: {  	[tilespmem:s9+$0x1830] =	vst v0  }
0x27a: {  	v0 =	vld [tilespmem:$0x18DC0]  }
0x27b: {  	v4 =	vmul.f32 s10, v54  }
0x27c: {  	v5 =	vld [tilespmem:$0x190C0]  }
0x27d: {  	v1 =	vsub.f32 v4, v3;
	_ =	sdelay $0x1  }
0x27e: {  	v0 =	vmul.f32 v0, v1;
	_ =	sdelay $0x1  }
0x27f: {  	v0 =	vadd.f32 v5, v0;
	_ =	sdelay $0x1  }
0x280: {  	[tilespmem:s9+$0x1840] =	vst v0  }
0x281: {  	v0 =	vld [tilespmem:$0x18DD0]  }
0x282: {  	v6 =	vmul.f32 s10, v53  }
0x283: {  	v7 =	vld [tilespmem:$0x190D0]  }
0x284: {  	v1 =	vsub.f32 v6, v3;
	_ =	sdelay $0x1  }
0x285: {  	v0 =	vmul.f32 v0, v1;
	_ =	sdelay $0x1  }
0x286: {  	v0 =	vadd.f32 v7, v0;
	_ =	sdelay $0x1  }
0x287: {  	[tilespmem:s9+$0x1850] =	vst v0  }
0x288: {  	v0 =	vld [tilespmem:$0x18DE0]  }
0x289: {  	v8 =	vmul.f32 s10, v52  }
0x28a: {  	v9 =	vld [tilespmem:$0x190E0]  }
0x28b: {  	v1 =	vsub.f32 v8, v3;
	_ =	sdelay $0x1  }
0x28c: {  	v0 =	vmul.f32 v0, v1;
	_ =	sdelay $0x1  }
0x28d: {  	v0 =	vadd.f32 v9, v0;
	_ =	sdelay $0x1  }
0x28e: {  	[tilespmem:s9+$0x1860] =	vst v0  }
0x28f: {  	v0 =	vld [tilespmem:$0x18DF0]  }
0x290: {  	v10 =	vmul.f32 s10, v51  }
0x291: {  	v11 =	vld [tilespmem:$0x190F0]  }
0x292: {  	v1 =	vsub.f32 v10, v3;
	_ =	sdelay $0x1  }
0x293: {  	v0 =	vmul.f32 v0, v1;
	_ =	sdelay $0x1  }
0x294: {  	v0 =	vadd.f32 v11, v0;
	_ =	sdelay $0x1  }
0x295: {  	[tilespmem:s9+$0x1870] =	vst v0  }
0x296: {  	v0 =	vld [tilespmem:$0x18E00]  }
0x297: {  	v12 =	vmul.f32 s10, v50  }
0x298: {  	v13 =	vld [tilespmem:$0x19100]  }
0x299: {  	v1 =	vsub.f32 v12, v3;
	_ =	sdelay $0x1  }
0x29a: {  	v0 =	vmul.f32 v0, v1;
	_ =	sdelay $0x1  }
0x29b: {  	v0 =	vadd.f32 v13, v0;
	_ =	sdelay $0x1  }
0x29c: {  	[tilespmem:s9+$0x1C00] =	vst v0  }
0x29d: {  	v0 =	vld [tilespmem:$0x18E10]  }
0x29e: {  	v14 =	vmul.f32 s10, v49  }
0x29f: {  	v15 =	vld [tilespmem:$0x19110]  }
0x2a0: {  	v1 =	vsub.f32 v14, v3;
	_ =	sdelay $0x1  }
0x2a1: {  	v0 =	vmul.f32 v0, v1;
	_ =	sdelay $0x1  }
0x2a2: {  	v0 =	vadd.f32 v15, v0;
	_ =	sdelay $0x1  }
0x2a3: {  	[tilespmem:s9+$0x1C10] =	vst v0  }
0x2a4: {  	v0 =	vld [tilespmem:$0x18E20]  }
0x2a5: {  	v16 =	vmul.f32 s10, v48  }
0x2a6: {  	v17 =	vld [tilespmem:$0x19120]  }
0x2a7: {  	v1 =	vsub.f32 v16, v3;
	_ =	sdelay $0x1  }
0x2a8: {  	v0 =	vmul.f32 v0, v1;
	_ =	sdelay $0x1  }
0x2a9: {  	v0 =	vadd.f32 v17, v0;
	_ =	sdelay $0x1  }
0x2aa: {  	[tilespmem:s9+$0x1C20] =	vst v0  }
0x2ab: {  	v0 =	vld [tilespmem:$0x18E30]  }
0x2ac: {  	v18 =	vmul.f32 s10, v47  }
0x2ad: {  	v19 =	vld [tilespmem:$0x19130]  }
0x2ae: {  	v1 =	vsub.f32 v18, v3;
	_ =	sdelay $0x1  }
0x2af: {  	v0 =	vmul.f32 v0, v1;
	_ =	sdelay $0x1  }
0x2b0: {  	v0 =	vadd.f32 v19, v0;
	_ =	sdelay $0x1  }
0x2b1: {  	[tilespmem:s9+$0x1C30] =	vst v0  }
0x2b2: {  	v0 =	vld [tilespmem:$0x18E40]  }
0x2b3: {  	v20 =	vmul.f32 s10, v46  }
0x2b4: {  	v21 =	vld [tilespmem:$0x19140]  }
0x2b5: {  	v1 =	vsub.f32 v20, v3;
	_ =	sdelay $0x1  }
0x2b6: {  	v0 =	vmul.f32 v0, v1;
	_ =	sdelay $0x1  }
0x2b7: {  	v0 =	vadd.f32 v21, v0;
	_ =	sdelay $0x1  }
0x2b8: {  	[tilespmem:s9+$0x1C40] =	vst v0  }
0x2b9: {  	v0 =	vld [tilespmem:$0x18E50]  }
0x2ba: {  	v22 =	vmul.f32 s10, v45  }
0x2bb: {  	v23 =	vld [tilespmem:$0x19150]  }
0x2bc: {  	v1 =	vsub.f32 v22, v3;
	_ =	sdelay $0x1  }
0x2bd: {  	v0 =	vmul.f32 v0, v1;
	_ =	sdelay $0x1  }
0x2be: {  	v0 =	vadd.f32 v23, v0;
	_ =	sdelay $0x1  }
0x2bf: {  	[tilespmem:s9+$0x1C50] =	vst v0  }
0x2c0: {  	v0 =	vld [tilespmem:$0x18E60]  }
0x2c1: {  	v44 =	vmul.f32 s10, v44  }
0x2c2: {  	v45 =	vld [tilespmem:$0x19160]  }
0x2c3: {  	v1 =	vsub.f32 v44, v3;
	_ =	sdelay $0x1  }
0x2c4: {  	v0 =	vmul.f32 v0, v1;
	_ =	sdelay $0x1  }
0x2c5: {  	v0 =	vadd.f32 v45, v0;
	_ =	sdelay $0x1  }
0x2c6: {  	[tilespmem:s9+$0x1C60] =	vst v0  }
0x2c7: {  	v0 =	vld [tilespmem:$0x18E70]  }
0x2c8: {  	v46 =	vmul.f32 s10, v43  }
0x2c9: {  	v47 =	vld [tilespmem:$0x19170]  }
0x2ca: {  	v1 =	vsub.f32 v46, v3;
	_ =	sdelay $0x1  }
0x2cb: {  	v0 =	vmul.f32 v0, v1;
	_ =	sdelay $0x1  }
0x2cc: {  	v0 =	vadd.f32 v47, v0;
	_ =	sdelay $0x1  }
0x2cd: {  	[tilespmem:s9+$0x1C70] =	vst v0  }
0x2ce: {  	v0 =	vld [tilespmem:$0x18E80]  }
0x2cf: {  	v48 =	vmul.f32 s10, v42  }
0x2d0: {  	v49 =	vld [tilespmem:$0x19180]  }
0x2d1: {  	v1 =	vsub.f32 v48, v3;
	_ =	sdelay $0x1  }
0x2d2: {  	v0 =	vmul.f32 v0, v1;
	_ =	sdelay $0x1  }
0x2d3: {  	v0 =	vadd.f32 v49, v0;
	_ =	sdelay $0x1  }
0x2d4: {  	[tilespmem:s9+$0x2000] =	vst v0  }
0x2d5: {  	v0 =	vld [tilespmem:$0x18E90]  }
0x2d6: {  	v50 =	vmul.f32 s10, v41  }
0x2d7: {  	v51 =	vld [tilespmem:$0x19190]  }
0x2d8: {  	v1 =	vsub.f32 v50, v3;
	_ =	sdelay $0x1  }
0x2d9: {  	v0 =	vmul.f32 v0, v1;
	_ =	sdelay $0x1  }
0x2da: {  	v0 =	vadd.f32 v51, v0;
	_ =	sdelay $0x1  }
0x2db: {  	[tilespmem:s9+$0x2010] =	vst v0  }
0x2dc: {  	v0 =	vld [tilespmem:$0x18EA0]  }
0x2dd: {  	v52 =	vmul.f32 s10, v40  }
0x2de: {  	v53 =	vld [tilespmem:$0x191A0]  }
0x2df: {  	v1 =	vsub.f32 v52, v3;
	_ =	sdelay $0x1  }
0x2e0: {  	v0 =	vmul.f32 v0, v1;
	_ =	sdelay $0x1  }
0x2e1: {  	v0 =	vadd.f32 v53, v0;
	_ =	sdelay $0x1  }
0x2e2: {  	[tilespmem:s9+$0x2020] =	vst v0  }
0x2e3: {  	v0 =	vld [tilespmem:$0x18EB0]  }
0x2e4: {  	v54 =	vmul.f32 s10, v39  }
0x2e5: {  	v55 =	vld [tilespmem:$0x191B0]  }
0x2e6: {  	v1 =	vsub.f32 v54, v3;
	_ =	sdelay $0x1  }
0x2e7: {  	v0 =	vmul.f32 v0, v1;
	_ =	sdelay $0x1  }
0x2e8: {  	v0 =	vadd.f32 v55, v0;
	_ =	sdelay $0x1  }
0x2e9: {  	[tilespmem:s9+$0x2030] =	vst v0  }
0x2ea: {  	v0 =	vld [tilespmem:$0x18EC0]  }
0x2eb: {  	v56 =	vmul.f32 s10, v38  }
0x2ec: {  	v57 =	vld [tilespmem:$0x191C0]  }
0x2ed: {  	v1 =	vsub.f32 v56, v3;
	_ =	sdelay $0x1  }
0x2ee: {  	v0 =	vmul.f32 v0, v1;
	_ =	sdelay $0x1  }
0x2ef: {  	v0 =	vadd.f32 v57, v0;
	_ =	sdelay $0x1  }
0x2f0: {  	[tilespmem:s9+$0x2040] =	vst v0  }
0x2f1: {  	v0 =	vld [tilespmem:$0x18ED0]  }
0x2f2: {  	v58 =	vmul.f32 s10, v37  }
0x2f3: {  	v59 =	vld [tilespmem:$0x191D0]  }
0x2f4: {  	v1 =	vsub.f32 v58, v3;
	_ =	sdelay $0x1  }
0x2f5: {  	v0 =	vmul.f32 v0, v1;
	_ =	sdelay $0x1  }
0x2f6: {  	v0 =	vadd.f32 v59, v0;
	_ =	sdelay $0x1  }
0x2f7: {  	[tilespmem:s9+$0x2050] =	vst v0  }
0x2f8: {  	v0 =	vld [tilespmem:$0x18EE0]  }
0x2f9: {  	v60 =	vmul.f32 s10, v36  }
0x2fa: {  	v61 =	vld [tilespmem:$0x191E0]  }
0x2fb: {  	v1 =	vsub.f32 v60, v3;
	_ =	sdelay $0x1  }
0x2fc: {  	v0 =	vmul.f32 v0, v1;
	_ =	sdelay $0x1  }
0x2fd: {  	v0 =	vadd.f32 v61, v0;
	_ =	sdelay $0x1  }
0x2fe: {  	[tilespmem:s9+$0x2060] =	vst v0  }
0x2ff: {  	v0 =	vld [tilespmem:$0x18EF0]  }
0x300: {  	v62 =	vmul.f32 s10, v35  }
0x301: {  	v63 =	vld [tilespmem:$0x191F0]  }
0x302: {  	v1 =	vsub.f32 v62, v3  }
0x303: {  	p0 =	sne.s32 s21, $0x1F  }
.Ltmp0:
0x304: {  	v0 =	vmul.f32 v0, v1;
	(pc) =	sbr.rel @p0 .LBB2_3-.Ltmp0, $3  }
0x305: {  	_ = 	snop  }
0x306: {  	v0 =	vadd.f32 v63, v0;
	_ =	sdelay $0x1  }
0x307: {  	s20 =	sadd.s32 $0x80, s20;
	s21 =	sadd.s32 $0x1, s21;
	[tilespmem:s9+$0x2070] =	vst v0  }
0x308: {  	s9 =	sor.u32 s7, s19  }
0x309: {  	s9 =	sshrl.u32 s9, $0x3  }
0x30a: {  	s9 =	smul.u32 $0x300, s9;
	_ =	sdelay $0x1  }
0x30b: {  	s9 =	sadd.s32 s5, s9  }
0x30c: {  	[hbm4b:s9+s6] =	stream.linear.scatter [tilespmem:s22], [sflag:$0x3], $0x6000, $0x38;
	[tilespmem:$0x19280] =	vst v63  }
0x30d: {  	_ =	swait.ge [sflag:s3], $0x6000  }
0x30e: {  	[sflag:s3] =	ssyncset.done $0x0  }
0x30f: {  	[sflag:s3] =	ssyncadd.s32 $0xFFFFA000  }
0x310: {  	p0 =	seq.s32 s4, $0xF;
	_ =	swait.ge [sflag:s3], $0x6000  }
.Ltmp1:
0x311: {  	[sflag:s3] =	ssyncset.done $0x0;
	(pc) =	sbr.rel @p0 .LBB2_6-.Ltmp1, $4  }
0x312: {  	[sflag:s3] =	ssyncadd.s32 $0xFFFFA000  }
0x313: {  	_ =	swait.ge [sflag:s0], $0x6000  }
0x314: {  	[sflag:s0] =	ssyncset.done $0x0  }
0x315: {  	[sflag:s0] =	ssyncadd.s32 $0xFFFFA000  }
0x316: {  	v0 =	vld [tilespmem:s19+$0x40];
	_ =	sdelay $0x4  }
0x317: {  	v1 =	vshrl.u32 v0, $0x3  }
0x318: {  	v1 =	vmul.u32 $0x30, v1  }
0x319: {  	v0 =	vand.u32 $0x7, v0  }
0x31a: {  	v0 =	vor.u32 v0, v1  }
0x31b: {  	v1 =	vperm.xlane v0, v32;
	_ =	sdelay $0x1  }
0x31c: {  	v1 =	vadd.s32 v33, v1;
	_ =	sdelay $0x3  }
0x31d: {  	v0 =	vperm.xlane v0, v34  }
0x31e: {  	[tilespmem:s22], [sflag:$0x1] =	stream.indirect_vreg.gather [hbm4b:s1+s6], $0x80, v1, vm0, $0xb8;
	[tilespmem:$0x19280] =	vst v63  }
0x31f: {  	s9 =	simm.s32 $0x1400;
	v0 =	vadd.s32 v33, v0  }
0x320: {  	[tilespmem:s9], [sflag:$0x1] =	stream.indirect_vreg.gather [hbm4b:s12+s6], $0x80, v1, vm0, $0xb8;
	[tilespmem:$0x19280] =	vst v63  }
0x321: {  	s18 =	simm.s32 $0x1C00  }
0x322: {  	[tilespmem:s18], [sflag:$0x1] =	stream.indirect_vreg.gather [hbm4b:s13+s6], $0x80, v1, vm0, $0xb8;
	[tilespmem:$0x19280] =	vst v63  }
0x323: {  	s20 =	simm.s32 $0x2400  }
0x324: {  	[tilespmem:s20], [sflag:$0x1] =	stream.indirect_vreg.gather [hbm4b:s1+s6], $0x80, v0, vm0, $0xb8;
	[tilespmem:$0x19280] =	vst v63  }
0x325: {  	s21 =	simm.s32 $0x2C00  }
0x326: {  	[tilespmem:s21], [sflag:$0x1] =	stream.indirect_vreg.gather [hbm4b:s12+s6], $0x80, v0, vm0, $0xb8;
	[tilespmem:$0x19280] =	vst v63  }
0x327: {  	s10 =	simm.s32 $0x3400  }
0x328: {  	[tilespmem:s10], [sflag:$0x1] =	stream.indirect_vreg.gather [hbm4b:s13+s6], $0x80, v0, vm0, $0xb8;
	[tilespmem:$0x19280] =	vst v63  }
0x329: {  	v0 =	vld [tilespmem:s19+$0x50];
	_ =	sdelay $0x4  }
0x32a: {  	v61 =	vshrl.u32 v0, $0x3  }
0x32b: {  	v1 =	vmul.u32 $0x30, v61  }
0x32c: {  	v0 =	vand.u32 $0x7, v0  }
0x32d: {  	v0 =	vor.u32 v0, v1  }
0x32e: {  	v1 =	vperm.xlane v0, v32;
	_ =	sdelay $0x1  }
0x32f: {  	v1 =	vadd.s32 v33, v1;
	_ =	sdelay $0x3  }
0x330: {  	s11 =	simm.s32 $0x3C00;
	v0 =	vperm.xlane v0, v34  }
0x331: {  	[tilespmem:s11], [sflag:$0x1] =	stream.indirect_vreg.gather [hbm4b:s1+s6], $0x80, v1, vm0, $0xb8;
	[tilespmem:$0x19280] =	vst v63  }
0x332: {  	s16 =	simm.s32 $0x4400;
	v0 =	vadd.s32 v33, v0  }
0x333: {  	[tilespmem:s16], [sflag:$0x1] =	stream.indirect_vreg.gather [hbm4b:s12+s6], $0x80, v1, vm0, $0xb8;
	[tilespmem:$0x19280] =	vst v63  }
0x334: {  	s18 =	simm.s32 $0x4C00  }
0x335: {  	[tilespmem:s18], [sflag:$0x1] =	stream.indirect_vreg.gather [hbm4b:s13+s6], $0x80, v1, vm0, $0xb8;
	[tilespmem:$0x19280] =	vst v63  }
0x336: {  	s20 =	simm.s32 $0x5400  }
0x337: {  	[tilespmem:s20], [sflag:$0x1] =	stream.indirect_vreg.gather [hbm4b:s1+s6], $0x80, v0, vm0, $0xb8;
	[tilespmem:$0x19280] =	vst v63  }
0x338: {  	s21 =	simm.s32 $0x5C00  }
0x339: {  	[tilespmem:s21], [sflag:$0x1] =	stream.indirect_vreg.gather [hbm4b:s12+s6], $0x80, v0, vm0, $0xb8;
	[tilespmem:$0x19280] =	vst v63  }
0x33a: {  	s10 =	simm.s32 $0x6400  }
0x33b: {  	[tilespmem:s10], [sflag:$0x1] =	stream.indirect_vreg.gather [hbm4b:s13+s6], $0x80, v0, vm0, $0xb8;
	[tilespmem:$0x19280] =	vst v63  }
0x33c: {  	v0 =	vld [tilespmem:s19+$0x840];
	_ =	sdelay $0x4  }
0x33d: {  	v62 =	vshrl.u32 v0, $0x3  }
0x33e: {  	v1 =	vmul.u32 $0x30, v62  }
0x33f: {  	v0 =	vand.u32 $0x7, v0  }
0x340: {  	v0 =	vor.u32 v0, v1  }
0x341: {  	v1 =	vperm.xlane v0, v32;
	_ =	sdelay $0x1  }
0x342: {  	v1 =	vadd.s32 v33, v1;
	_ =	sdelay $0x3  }
0x343: {  	s11 =	simm.s32 $0xCC00;
	v0 =	vperm.xlane v0, v34  }
0x344: {  	[tilespmem:s11], [sflag:$0x1] =	stream.indirect_vreg.gather [hbm4b:s8+s6], $0x80, v1, vm0, $0xb8;
	[tilespmem:$0x19280] =	vst v63  }
0x345: {  	s16 =	simm.s32 $0xD400;
	v0 =	vadd.s32 v33, v0  }
0x346: {  	[tilespmem:s16], [sflag:$0x1] =	stream.indirect_vreg.gather [hbm4b:s14+s6], $0x80, v1, vm0, $0xb8;
	[tilespmem:$0x19280] =	vst v63  }
0x347: {  	s18 =	simm.s32 $0xDC00  }
0x348: {  	[tilespmem:s18], [sflag:$0x1] =	stream.indirect_vreg.gather [hbm4b:s15+s6], $0x80, v1, vm0, $0xb8;
	[tilespmem:$0x19280] =	vst v63  }
0x349: {  	s20 =	simm.s32 $0xE400  }
0x34a: {  	[tilespmem:s20], [sflag:$0x1] =	stream.indirect_vreg.gather [hbm4b:s8+s6], $0x80, v0, vm0, $0xb8;
	[tilespmem:$0x19280] =	vst v63  }
0x34b: {  	s21 =	simm.s32 $0xEC00  }
0x34c: {  	[tilespmem:s21], [sflag:$0x1] =	stream.indirect_vreg.gather [hbm4b:s14+s6], $0x80, v0, vm0, $0xb8;
	[tilespmem:$0x19280] =	vst v63  }
0x34d: {  	s10 =	simm.s32 $0xF400  }
0x34e: {  	[tilespmem:s10], [sflag:$0x1] =	stream.indirect_vreg.gather [hbm4b:s15+s6], $0x80, v0, vm0, $0xb8;
	[tilespmem:$0x19280] =	vst v63  }
0x34f: {  	v0 =	vld [tilespmem:s19+$0x850];
	_ =	sdelay $0x4  }
0x350: {  	v63 =	vshrl.u32 v0, $0x3  }
0x351: {  	v1 =	vmul.u32 $0x30, v63  }
0x352: {  	v0 =	vand.u32 $0x7, v0  }
0x353: {  	v0 =	vor.u32 v0, v1  }
0x354: {  	v1 =	vperm.xlane v0, v32;
	_ =	sdelay $0x1  }
0x355: {  	v1 =	vadd.s32 v33, v1;
	_ =	sdelay $0x3  }
0x356: {  	s11 =	simm.s32 $0xFC00;
	v0 =	vperm.xlane v0, v34  }
0x357: {  	[tilespmem:s11], [sflag:$0x1] =	stream.indirect_vreg.gather [hbm4b:s8+s6], $0x80, v1, vm0, $0xb8;
	[tilespmem:$0x19280] =	vst v63  }
0x358: {  	s16 =	simm.s32 $0x10400;
	v0 =	vadd.s32 v33, v0  }
0x359: {  	[tilespmem:s16], [sflag:$0x1] =	stream.indirect_vreg.gather [hbm4b:s14+s6], $0x80, v1, vm0, $0xb8;
	[tilespmem:$0x19280] =	vst v63  }
0x35a: {  	s18 =	simm.s32 $0x10C00  }
0x35b: {  	[tilespmem:s18], [sflag:$0x1] =	stream.indirect_vreg.gather [hbm4b:s15+s6], $0x80, v1, vm0, $0xb8;
	[tilespmem:$0x19280] =	vst v63  }
0x35c: {  	s19 =	simm.s32 $0x11400  }
0x35d: {  	[tilespmem:s19], [sflag:$0x1] =	stream.indirect_vreg.gather [hbm4b:s8+s6], $0x80, v0, vm0, $0xb8;
	[tilespmem:$0x19280] =	vst v63  }
0x35e: {  	s20 =	simm.s32 $0x11C00  }
0x35f: {  	[tilespmem:s20], [sflag:$0x1] =	stream.indirect_vreg.gather [hbm4b:s14+s6], $0x80, v0, vm0, $0xb8;
	[tilespmem:$0x19280] =	vst v63  }
0x360: {  	s21 =	simm.s32 $0x12400  }
0x361: {  	[tilespmem:s21], [sflag:$0x1] =	stream.indirect_vreg.gather [hbm4b:s15+s6], $0x80, v0, vm0, $0xb8;
	[tilespmem:$0x19280] =	vst v63  }
.LBB2_6:
0x362: {  	s19 =	simm.s32 $0x0;
	s20 =	simm.s32 $0x0  }
.LBB2_7:
0x363: {  	s9 =	sshrl.u32 s20, $0x3  }
0x364: {  	s9 =	smul.u32 $0x1800, s9  }
0x365: {  	s10 =	sand.u32 $0x380, s19  }
0x366: {  	s9 =	sor.u32 s10, s9  }
0x367: {  	v0 =	vld [tilespmem:s9+$0x6C00]  }
0x368: {  	v1 =	vld [tilespmem:s9+$0x12C00]  }
0x369: {  	v2 =	vld [tilespmem:s9+$0x6C10]  }
0x36a: {  	v4 =	vld [tilespmem:s9+$0x12C10]  }
0x36b: {  	v5 =	vld [tilespmem:s9+$0x6C20]  }
0x36c: {  	v6 =	vld [tilespmem:s9+$0x12C20]  }
0x36d: {  	v7 =	vld [tilespmem:s9+$0x6C30]  }
0x36e: {  	v41 =	vld [tilespmem:s9+$0x12C30];
	v3 =	vadd.f32 v1, v0  }
0x36f: {  	v42 =	vld [tilespmem:s9+$0x6C40];
	v18 =	vadd.f32 v4, v2  }
0x370: {  	v44 =	vld [tilespmem:s9+$0x12C40];
	v43 =	vadd.f32 $0.0e+00, v3  }
0x371: {  	v45 =	vld [tilespmem:s9+$0x6C50];
	v17 =	vadd.f32 v6, v5;
	v8 =	vmul.f32 v3, v3;
	v9 =	vmul.f32 v18, v18  }
0x372: {  	v46 =	vld [tilespmem:s9+$0x12C50];
	v2 =	vadd.f32 v18, v43  }
0x373: {  	v48 =	vld [tilespmem:s9+$0x6C60];
	v16 =	vadd.f32 v41, v7;
	v47 =	vmul.f32 v17, v17;
	v8 =	vadd.f32 v9, v8  }
0x374: {  	v49 =	vld [tilespmem:s9+$0x12C60];
	v2 =	vadd.f32 v17, v2  }
0x375: {  	v51 =	vld [tilespmem:s9+$0x6C70];
	v15 =	vadd.f32 v44, v42;
	v50 =	vmul.f32 v16, v16;
	v8 =	vadd.f32 v47, v8  }
0x376: {  	v52 =	vld [tilespmem:s9+$0x12C70];
	v2 =	vadd.f32 v16, v2  }
0x377: {  	v54 =	vld [tilespmem:s9+$0x7000];
	v14 =	vadd.f32 v46, v45;
	v53 =	vmul.f32 v15, v15;
	v8 =	vadd.f32 v50, v8  }
0x378: {  	v55 =	vld [tilespmem:s9+$0x13000];
	v2 =	vadd.f32 v15, v2  }
0x379: {  	v57 =	vld [tilespmem:s9+$0x7010];
	v13 =	vadd.f32 v49, v48;
	v56 =	vmul.f32 v14, v14;
	v8 =	vadd.f32 v53, v8  }
0x37a: {  	v58 =	vld [tilespmem:s9+$0x13010];
	v2 =	vadd.f32 v14, v2  }
0x37b: {  	v60 =	vld [tilespmem:s9+$0x7020];
	v12 =	vadd.f32 v52, v51;
	v59 =	vmul.f32 v13, v13;
	v8 =	vadd.f32 v56, v8  }
0x37c: {  	v61 =	vld [tilespmem:s9+$0x13020];
	v2 =	vadd.f32 v13, v2  }
0x37d: {  	v63 =	vld [tilespmem:s9+$0x7030];
	v11 =	vadd.f32 v55, v54;
	v62 =	vmul.f32 v12, v12;
	v8 =	vadd.f32 v59, v8  }
0x37e: {  	v35 =	vld [tilespmem:s9+$0x13030];
	v2 =	vadd.f32 v12, v2  }
0x37f: {  	v37 =	vld [tilespmem:s9+$0x7040];
	v10 =	vadd.f32 v58, v57;
	v36 =	vmul.f32 v11, v11;
	v8 =	vadd.f32 v62, v8  }
0x380: {  	v38 =	vld [tilespmem:s9+$0x13040];
	v2 =	vadd.f32 v11, v2  }
0x381: {  	v39 =	vld [tilespmem:s9+$0x7050];
	v19 =	vmul.f32 v10, v10;
	v9 =	vadd.f32 v61, v60;
	v8 =	vadd.f32 v36, v8  }
0x382: {  	v40 =	vld [tilespmem:s9+$0x13050];
	v2 =	vadd.f32 v10, v2  }
0x383: {  	v21 =	vld [tilespmem:s9+$0x13060];
	v20 =	vmul.f32 v9, v9;
	v19 =	vadd.f32 v19, v8;
	v8 =	vadd.f32 v35, v63  }
0x384: {  	v41 =	vld [tilespmem:s9+$0x7060];
	v2 =	vadd.f32 v9, v2  }
0x385: {  	v7 =	vadd.f32 v38, v37;
	v44 =	vld [tilespmem:s9+$0x7070];
	v42 =	vadd.f32 v20, v19;
	v43 =	vmul.f32 v8, v8  }
0x386: {  	v45 =	vld [tilespmem:s9+$0x13070];
	v2 =	vadd.f32 v8, v2  }
0x387: {  	v23 =	vld [tilespmem:s9+$0x13400];
	v6 =	vadd.f32 v40, v39;
	v22 =	vmul.f32 v7, v7;
	v19 =	vadd.f32 v43, v42  }
0x388: {  	v46 =	vld [tilespmem:s9+$0x7400];
	v2 =	vadd.f32 v7, v2  }
0x389: {  	v49 =	vld [tilespmem:s9+$0x7410];
	v48 =	vmul.f32 v6, v6;
	v5 =	vadd.f32 v21, v41;
	v47 =	vadd.f32 v22, v19  }
0x38a: {  	v50 =	vld [tilespmem:s9+$0x13410];
	v2 =	vadd.f32 v6, v2  }
0x38b: {  	v25 =	vld [tilespmem:s9+$0x13420];
	v4 =	vadd.f32 v45, v44;
	v24 =	vmul.f32 v5, v5;
	v19 =	vadd.f32 v48, v47  }
0x38c: {  	v51 =	vld [tilespmem:s9+$0x7420];
	v52 =	vadd.f32 v5, v2  }
0x38d: {  	v53 =	vld [tilespmem:s9+$0x7430];
	v19 =	vadd.f32 v24, v19;
	v24 =	vmul.f32 v4, v4;
	v2 =	vadd.f32 v23, v46  }
0x38e: {  	v35 =	vld [tilespmem:s9+$0x13430];
	v20 =	vadd.f32 v4, v52  }
0x38f: {  	v54 =	vld [tilespmem:s9+$0x7440];
	v1 =	vadd.f32 v50, v49;
	v19 =	vadd.f32 v24, v19;
	v24 =	vmul.f32 v2, v2  }
0x390: {  	v55 =	vld [tilespmem:s9+$0x13440];
	v20 =	vadd.f32 v2, v20  }
0x391: {  	v0 =	vadd.f32 v25, v51;
	v25 =	vld [tilespmem:s9+$0x7450];
	v19 =	vadd.f32 v24, v19;
	v24 =	vmul.f32 v1, v1  }
0x392: {  	v36 =	vld [tilespmem:s9+$0x13450];
	v20 =	vadd.f32 v1, v20  }
0x393: {  	v57 =	vld [tilespmem:s9+$0x13460];
	v63 =	vadd.f32 v35, v53;
	v19 =	vadd.f32 v24, v19;
	v24 =	vmul.f32 v0, v0  }
0x394: {  	v56 =	vld [tilespmem:s9+$0x7460];
	v20 =	vadd.f32 v0, v20  }
0x395: {  	v58 =	vld [tilespmem:s9+$0x7470];
	v62 =	vadd.f32 v55, v54;
	v19 =	vadd.f32 v24, v19;
	v24 =	vmul.f32 v63, v63  }
0x396: {  	v59 =	vld [tilespmem:s9+$0x13470];
	v20 =	vadd.f32 v63, v20  }
0x397: {  	v40 =	vld [tilespmem:s9+$0x13800];
	v61 =	vadd.f32 v36, v25;
	v19 =	vadd.f32 v24, v19;
	v24 =	vmul.f32 v62, v62  }
0x398: {  	v25 =	vld [tilespmem:s9+$0x7800];
	v20 =	vadd.f32 v62, v20  }
0x399: {  	v41 =	vld [tilespmem:s9+$0x7810];
	v60 =	vadd.f32 v57, v56;
	v19 =	vadd.f32 v24, v19;
	v24 =	vmul.f32 v61, v61  }
0x39a: {  	v42 =	vld [tilespmem:s9+$0x13810];
	v20 =	vadd.f32 v61, v20  }
0x39b: {  	v44 =	vld [tilespmem:s9+$0x13820];
	v59 =	vadd.f32 v59, v58;
	v19 =	vadd.f32 v24, v19;
	v24 =	vmul.f32 v60, v60  }
0x39c: {  	v43 =	vld [tilespmem:s9+$0x7820];
	v20 =	vadd.f32 v60, v20  }
0x39d: {  	v45 =	vld [tilespmem:s9+$0x13830];
	v58 =	vadd.f32 v40, v25;
	v19 =	vadd.f32 v24, v19;
	v24 =	vmul.f32 v59, v59  }
0x39e: {  	v25 =	vld [tilespmem:s9+$0x7830];
	v20 =	vadd.f32 v59, v20  }
0x39f: {  	v47 =	vld [tilespmem:s9+$0x13840];
	v57 =	vadd.f32 v42, v41;
	v19 =	vadd.f32 v24, v19;
	v24 =	vmul.f32 v58, v58  }
0x3a0: {  	v46 =	vld [tilespmem:s9+$0x7840];
	v20 =	vadd.f32 v58, v20  }
0x3a1: {  	v49 =	vld [tilespmem:s9+$0x13850];
	v56 =	vadd.f32 v44, v43;
	v19 =	vadd.f32 v24, v19;
	v24 =	vmul.f32 v57, v57  }
0x3a2: {  	v48 =	vld [tilespmem:s9+$0x7850];
	v20 =	vadd.f32 v57, v20  }
0x3a3: {  	v50 =	vld [tilespmem:s9+$0x13860];
	v55 =	vadd.f32 v45, v25;
	v19 =	vadd.f32 v24, v19;
	v24 =	vmul.f32 v56, v56  }
0x3a4: {  	v25 =	vld [tilespmem:s9+$0x7860];
	v20 =	vadd.f32 v56, v20  }
0x3a5: {  	v40 =	vld [tilespmem:s9+$0x7870];
	v54 =	vadd.f32 v47, v46;
	v19 =	vadd.f32 v24, v19;
	v24 =	vmul.f32 v55, v55  }
0x3a6: {  	v41 =	vld [tilespmem:s9+$0x13870];
	v20 =	vadd.f32 v55, v20  }
0x3a7: {  	v42 =	vld [tilespmem:s9+$0x7C00];
	v53 =	vadd.f32 v49, v48;
	v19 =	vadd.f32 v24, v19;
	v24 =	vmul.f32 v54, v54  }
0x3a8: {  	v43 =	vld [tilespmem:s9+$0x13C00];
	v20 =	vadd.f32 v54, v20  }
0x3a9: {  	v44 =	vld [tilespmem:s9+$0x13C10];
	v52 =	vadd.f32 v50, v25;
	v19 =	vadd.f32 v24, v19;
	v24 =	vmul.f32 v53, v53  }
0x3aa: {  	v25 =	vld [tilespmem:s9+$0x7C10];
	v20 =	vadd.f32 v53, v20  }
0x3ab: {  	v45 =	vld [tilespmem:s9+$0x7C20];
	v51 =	vadd.f32 v41, v40;
	v19 =	vadd.f32 v24, v19;
	v24 =	vmul.f32 v52, v52  }
0x3ac: {  	v46 =	vld [tilespmem:s9+$0x13C20];
	v20 =	vadd.f32 v52, v20  }
0x3ad: {  	v40 =	vld [tilespmem:s9+$0x13C30];
	v50 =	vadd.f32 v43, v42;
	v19 =	vadd.f32 v24, v19;
	v24 =	vmul.f32 v51, v51  }
0x3ae: {  	v47 =	vld [tilespmem:s9+$0x7C30];
	v20 =	vadd.f32 v51, v20  }
0x3af: {  	v41 =	vld [tilespmem:s9+$0x13C40];
	v49 =	vadd.f32 v44, v25;
	v19 =	vadd.f32 v24, v19;
	v24 =	vmul.f32 v50, v50  }
0x3b0: {  	v25 =	vld [tilespmem:s9+$0x7C40];
	v20 =	vadd.f32 v50, v20  }
0x3b1: {  	v23 =	vld [tilespmem:s9+$0x7C50];
	v48 =	vadd.f32 v46, v45;
	v19 =	vadd.f32 v24, v19;
	v24 =	vmul.f32 v49, v49  }
0x3b2: {  	v42 =	vld [tilespmem:s9+$0x13C50];
	v20 =	vadd.f32 v49, v20  }
0x3b3: {  	v43 =	vld [tilespmem:s9+$0x7C60];
	v47 =	vadd.f32 v40, v47;
	v19 =	vadd.f32 v24, v19;
	v24 =	vmul.f32 v48, v48  }
0x3b4: {  	v40 =	vld [tilespmem:s9+$0x13C60];
	v20 =	vadd.f32 v48, v20  }
0x3b5: {  	v46 =	vadd.f32 v41, v25;
	v25 =	vld [tilespmem:s9+$0x7C70];
	v19 =	vadd.f32 v24, v19;
	v24 =	vmul.f32 v47, v47  }
0x3b6: {  	v41 =	vld [tilespmem:s9+$0x13C70];
	v20 =	vadd.f32 v47, v20  }
0x3b7: {  	v35 =	vld [tilespmem:s9+$0x14000];
	v45 =	vadd.f32 v42, v23;
	v19 =	vadd.f32 v24, v19;
	v24 =	vmul.f32 v46, v46  }
0x3b8: {  	v23 =	vld [tilespmem:s9+$0x8000];
	v20 =	vadd.f32 v46, v20  }
0x3b9: {  	v21 =	vld [tilespmem:s9+$0x8010];
	v44 =	vadd.f32 v40, v43;
	v19 =	vadd.f32 v24, v19;
	v24 =	vmul.f32 v45, v45  }
0x3ba: {  	v22 =	vld [tilespmem:s9+$0x14010];
	v20 =	vadd.f32 v45, v20  }
0x3bb: {  	v36 =	vld [tilespmem:s9+$0x14020];
	v43 =	vadd.f32 v41, v25;
	v19 =	vadd.f32 v24, v19;
	v24 =	vmul.f32 v44, v44  }
0x3bc: {  	v25 =	vld [tilespmem:s9+$0x8020];
	v20 =	vadd.f32 v44, v20  }
0x3bd: {  	v42 =	vadd.f32 v35, v23;
	v23 =	vld [tilespmem:s9+$0x8030];
	v19 =	vadd.f32 v24, v19;
	v24 =	vmul.f32 v43, v43  }
0x3be: {  	v35 =	vld [tilespmem:s9+$0x14030];
	v20 =	vadd.f32 v43, v20  }
0x3bf: {  	v41 =	vadd.f32 v22, v21;
	v21 =	vld [tilespmem:s9+$0x8040];
	v19 =	vadd.f32 v24, v19;
	v24 =	vmul.f32 v42, v42  }
0x3c0: {  	v22 =	vld [tilespmem:s9+$0x14040];
	v20 =	vadd.f32 v42, v20  }
0x3c1: {  	v40 =	vadd.f32 v36, v25;
	v25 =	vld [tilespmem:s9+$0x8050];
	v19 =	vadd.f32 v24, v19;
	v24 =	vmul.f32 v41, v41  }
0x3c2: {  	v36 =	vld [tilespmem:s9+$0x14050];
	v20 =	vadd.f32 v41, v20  }
0x3c3: {  	v39 =	vadd.f32 v35, v23;
	v23 =	vld [tilespmem:s9+$0x8060];
	v19 =	vadd.f32 v24, v19;
	v24 =	vmul.f32 v40, v40  }
0x3c4: {  	v35 =	vld [tilespmem:s9+$0x14060];
	v20 =	vadd.f32 v40, v20  }
0x3c5: {  	v38 =	vadd.f32 v22, v21;
	v21 =	vld [tilespmem:s9+$0x8070];
	v19 =	vadd.f32 v24, v19;
	v24 =	vmul.f32 v39, v39  }
0x3c6: {  	v22 =	vld [tilespmem:s9+$0x14070];
	v20 =	vadd.f32 v39, v20  }
0x3c7: {  	v37 =	vadd.f32 v36, v25;
	v19 =	vadd.f32 v24, v19;
	v24 =	vmul.f32 v38, v38  }
0x3c8: {  	v20 =	vadd.f32 v38, v20  }
0x3c9: {  	v36 =	vadd.f32 v35, v23;
	v35 =	vmul.f32 v37, v37;
	v19 =	vadd.f32 v24, v19  }
0x3ca: {  	v20 =	vadd.f32 v37, v20  }
0x3cb: {  	v19 =	vadd.f32 v35, v19;
	v35 =	vadd.f32 v22, v21;
	v21 =	vmul.f32 v36, v36  }
0x3cc: {  	v20 =	vadd.f32 v36, v20  }
0x3cd: {  	v19 =	vadd.f32 v21, v19;
	v21 =	vmul.f32 v35, v35  }
0x3ce: {  	v20 =	vadd.f32 v35, v20  }
0x3cf: {  	v19 =	vadd.f32 v21, v19  }
0x3d0: {  	(xrf2) =	vadd.scan.msk.f32 $0xffff, v20  }
0x3d1: {  	(xrf2) =	vadd.scan.msk.f32 $0xffff, v19;
	_ =	sdelay $0x8  }
0x3d2: {  	v23, _, _ =	vpop (xrf2)  }
0x3d3: {  	(v2sf) =	vpush v23, $0xF;
	v21, _, _ =	vpop (xrf2)  }
0x3d4: {  	(v2sf) =	vpush v21, $0xF;
	_ =	sdelay $0xd  }
0x3d5: {  	s16 =	spop (v2sf)  }
0x3d6: {  	s11 =	smul.f32 s16, s2;
	s18 =	spop (v2sf)  }
0x3d7: {  	s10 =	smul.f32 s18, s2  }
0x3d8: {  	s16 =	smul.f32 s11, s11;
	_ =	sdelay $0x1  }
0x3d9: {  	s10 =	ssub.f32 s10, s16;
	_ =	sdelay $0x1  }
0x3da: {  	s10 =	sadd.f32 $9.999999960e-13, s10;
	_ =	sdelay $0x1  }
0x3db: {  	s21 =	sshra.s32 s10, $0x1;
	s10 =	smul.f32 $5.000000000e-01, s10  }
0x3dc: {  	s16 =	ssub.s32 $0x5F3759DF, s21  }
0x3dd: {  	s18 =	smul.f32 s16, s10;
	_ =	sdelay $0x1  }
0x3de: {  	s18 =	smul.f32 s16, s18;
	_ =	sdelay $0x1  }
0x3df: {  	s18 =	ssub.f32 $1.500000000e+00, s18;
	_ =	sdelay $0x1  }
0x3e0: {  	s16 =	smul.f32 s16, s18;
	_ =	sdelay $0x1  }
0x3e1: {  	s18 =	smul.f32 s16, s10;
	_ =	sdelay $0x1  }
0x3e2: {  	s18 =	smul.f32 s18, s16;
	_ =	sdelay $0x1  }
0x3e3: {  	s18 =	ssub.f32 $1.500000000e+00, s18;
	_ =	sdelay $0x1  }
0x3e4: {  	s16 =	smul.f32 s18, s16;
	_ =	sdelay $0x1  }
0x3e5: {  	s10 =	smul.f32 s16, s10;
	_ =	sdelay $0x1  }
0x3e6: {  	s10 =	smul.f32 s10, s16;
	_ =	sdelay $0x1  }
0x3e7: {  	s10 =	ssub.f32 $1.500000000e+00, s10;
	_ =	sdelay $0x1  }
0x3e8: {  	s10 =	smul.f32 s10, s16;
	_ =	sdelay $0x1  }
0x3e9: {  	v19 =	vld [tilespmem:$0x18C00];
	s11 =	smul.f32 s10, s11  }
0x3ea: {  	v20 =	vmul.f32 s10, v3  }
0x3eb: {  	v21 =	vld [tilespmem:$0x18F00];
	v3 =	vmov s11  }
0x3ec: {  	v20 =	vsub.f32 v20, v3;
	_ =	sdelay $0x1  }
0x3ed: {  	v19 =	vmul.f32 v20, v19;
	_ =	sdelay $0x1  }
0x3ee: {  	v19 =	vadd.f32 v19, v21;
	_ =	sdelay $0x1  }
0x3ef: {  	[tilespmem:s9+$0x6C00] =	vst v19  }
0x3f0: {  	v19 =	vld [tilespmem:$0x18C10]  }
0x3f1: {  	v18 =	vmul.f32 s10, v18  }
0x3f2: {  	v20 =	vld [tilespmem:$0x18F10]  }
0x3f3: {  	v18 =	vsub.f32 v18, v3;
	_ =	sdelay $0x1  }
0x3f4: {  	v18 =	vmul.f32 v18, v19;
	_ =	sdelay $0x1  }
0x3f5: {  	v18 =	vadd.f32 v18, v20;
	_ =	sdelay $0x1  }
0x3f6: {  	[tilespmem:s9+$0x6C10] =	vst v18  }
0x3f7: {  	v18 =	vld [tilespmem:$0x18C20]  }
0x3f8: {  	v17 =	vmul.f32 s10, v17  }
0x3f9: {  	v22 =	vld [tilespmem:$0x18F20]  }
0x3fa: {  	v17 =	vsub.f32 v17, v3;
	_ =	sdelay $0x1  }
0x3fb: {  	v17 =	vmul.f32 v17, v18;
	_ =	sdelay $0x1  }
0x3fc: {  	v17 =	vadd.f32 v17, v22;
	_ =	sdelay $0x1  }
0x3fd: {  	[tilespmem:s9+$0x6C20] =	vst v17  }
0x3fe: {  	v17 =	vld [tilespmem:$0x18C30]  }
0x3ff: {  	v16 =	vmul.f32 s10, v16  }
0x400: {  	v23 =	vld [tilespmem:$0x18F30]  }
0x401: {  	v16 =	vsub.f32 v16, v3;
	_ =	sdelay $0x1  }
0x402: {  	v16 =	vmul.f32 v16, v17;
	_ =	sdelay $0x1  }
0x403: {  	v16 =	vadd.f32 v16, v23;
	_ =	sdelay $0x1  }
0x404: {  	[tilespmem:s9+$0x6C30] =	vst v16  }
0x405: {  	v16 =	vld [tilespmem:$0x18C40]  }
0x406: {  	v15 =	vmul.f32 s10, v15  }
0x407: {  	v20 =	vld [tilespmem:$0x18F40]  }
0x408: {  	v15 =	vsub.f32 v15, v3;
	_ =	sdelay $0x1  }
0x409: {  	v15 =	vmul.f32 v15, v16;
	_ =	sdelay $0x1  }
0x40a: {  	v15 =	vadd.f32 v15, v20;
	_ =	sdelay $0x1  }
0x40b: {  	[tilespmem:s9+$0x6C40] =	vst v15  }
0x40c: {  	v15 =	vld [tilespmem:$0x18C50]  }
0x40d: {  	v14 =	vmul.f32 s10, v14  }
0x40e: {  	v21 =	vld [tilespmem:$0x18F50]  }
0x40f: {  	v14 =	vsub.f32 v14, v3;
	_ =	sdelay $0x1  }
0x410: {  	v14 =	vmul.f32 v14, v15;
	_ =	sdelay $0x1  }
0x411: {  	v14 =	vadd.f32 v14, v21;
	_ =	sdelay $0x1  }
0x412: {  	[tilespmem:s9+$0x6C50] =	vst v14  }
0x413: {  	v14 =	vld [tilespmem:$0x18C60]  }
0x414: {  	v13 =	vmul.f32 s10, v13  }
0x415: {  	v22 =	vld [tilespmem:$0x18F60]  }
0x416: {  	v13 =	vsub.f32 v13, v3;
	_ =	sdelay $0x1  }
0x417: {  	v13 =	vmul.f32 v13, v14;
	_ =	sdelay $0x1  }
0x418: {  	v13 =	vadd.f32 v13, v22;
	_ =	sdelay $0x1  }
0x419: {  	[tilespmem:s9+$0x6C60] =	vst v13  }
0x41a: {  	v13 =	vld [tilespmem:$0x18C70]  }
0x41b: {  	v12 =	vmul.f32 s10, v12  }
0x41c: {  	v23 =	vld [tilespmem:$0x18F70]  }
0x41d: {  	v12 =	vsub.f32 v12, v3;
	_ =	sdelay $0x1  }
0x41e: {  	v12 =	vmul.f32 v12, v13;
	_ =	sdelay $0x1  }
0x41f: {  	v12 =	vadd.f32 v12, v23;
	_ =	sdelay $0x1  }
0x420: {  	[tilespmem:s9+$0x6C70] =	vst v12  }
0x421: {  	v12 =	vld [tilespmem:$0x18C80]  }
0x422: {  	v11 =	vmul.f32 s10, v11  }
0x423: {  	v16 =	vld [tilespmem:$0x18F80]  }
0x424: {  	v11 =	vsub.f32 v11, v3;
	_ =	sdelay $0x1  }
0x425: {  	v11 =	vmul.f32 v11, v12;
	_ =	sdelay $0x1  }
0x426: {  	v11 =	vadd.f32 v11, v16;
	_ =	sdelay $0x1  }
0x427: {  	[tilespmem:s9+$0x7000] =	vst v11  }
0x428: {  	v11 =	vld [tilespmem:$0x18C90]  }
0x429: {  	v10 =	vmul.f32 s10, v10  }
0x42a: {  	v17 =	vld [tilespmem:$0x18F90]  }
0x42b: {  	v10 =	vsub.f32 v10, v3;
	_ =	sdelay $0x1  }
0x42c: {  	v10 =	vmul.f32 v10, v11;
	_ =	sdelay $0x1  }
0x42d: {  	v10 =	vadd.f32 v10, v17;
	_ =	sdelay $0x1  }
0x42e: {  	[tilespmem:s9+$0x7010] =	vst v10  }
0x42f: {  	v10 =	vld [tilespmem:$0x18CA0]  }
0x430: {  	v9 =	vmul.f32 s10, v9  }
0x431: {  	v18 =	vld [tilespmem:$0x18FA0]  }
0x432: {  	v9 =	vsub.f32 v9, v3;
	_ =	sdelay $0x1  }
0x433: {  	v9 =	vmul.f32 v10, v9;
	_ =	sdelay $0x1  }
0x434: {  	v9 =	vadd.f32 v18, v9;
	_ =	sdelay $0x1  }
0x435: {  	[tilespmem:s9+$0x7020] =	vst v9  }
0x436: {  	v9 =	vld [tilespmem:$0x18CB0]  }
0x437: {  	v8 =	vmul.f32 s10, v8  }
0x438: {  	v19 =	vld [tilespmem:$0x18FB0]  }
0x439: {  	v8 =	vsub.f32 v8, v3;
	_ =	sdelay $0x1  }
0x43a: {  	v8 =	vmul.f32 v9, v8;
	_ =	sdelay $0x1  }
0x43b: {  	v8 =	vadd.f32 v19, v8;
	_ =	sdelay $0x1  }
0x43c: {  	[tilespmem:s9+$0x7030] =	vst v8  }
0x43d: {  	v8 =	vld [tilespmem:$0x18CC0]  }
0x43e: {  	v7 =	vmul.f32 s10, v7  }
0x43f: {  	v20 =	vld [tilespmem:$0x18FC0]  }
0x440: {  	v7 =	vsub.f32 v7, v3;
	_ =	sdelay $0x1  }
0x441: {  	v7 =	vmul.f32 v8, v7;
	_ =	sdelay $0x1  }
0x442: {  	v7 =	vadd.f32 v20, v7;
	_ =	sdelay $0x1  }
0x443: {  	[tilespmem:s9+$0x7040] =	vst v7  }
0x444: {  	v7 =	vld [tilespmem:$0x18CD0]  }
0x445: {  	v6 =	vmul.f32 s10, v6  }
0x446: {  	v21 =	vld [tilespmem:$0x18FD0]  }
0x447: {  	v6 =	vsub.f32 v6, v3;
	_ =	sdelay $0x1  }
0x448: {  	v6 =	vmul.f32 v7, v6;
	_ =	sdelay $0x1  }
0x449: {  	v6 =	vadd.f32 v21, v6;
	_ =	sdelay $0x1  }
0x44a: {  	[tilespmem:s9+$0x7050] =	vst v6  }
0x44b: {  	v6 =	vld [tilespmem:$0x18CE0]  }
0x44c: {  	v5 =	vmul.f32 s10, v5  }
0x44d: {  	v22 =	vld [tilespmem:$0x18FE0]  }
0x44e: {  	v5 =	vsub.f32 v5, v3;
	_ =	sdelay $0x1  }
0x44f: {  	v5 =	vmul.f32 v6, v5;
	_ =	sdelay $0x1  }
0x450: {  	v5 =	vadd.f32 v22, v5;
	_ =	sdelay $0x1  }
0x451: {  	[tilespmem:s9+$0x7060] =	vst v5  }
0x452: {  	v5 =	vld [tilespmem:$0x18CF0]  }
0x453: {  	v4 =	vmul.f32 s10, v4  }
0x454: {  	v23 =	vld [tilespmem:$0x18FF0]  }
0x455: {  	v4 =	vsub.f32 v4, v3;
	_ =	sdelay $0x1  }
0x456: {  	v4 =	vmul.f32 v5, v4;
	_ =	sdelay $0x1  }
0x457: {  	v4 =	vadd.f32 v23, v4;
	_ =	sdelay $0x1  }
0x458: {  	[tilespmem:s9+$0x7070] =	vst v4  }
0x459: {  	v4 =	vld [tilespmem:$0x18D00]  }
0x45a: {  	v2 =	vmul.f32 s10, v2  }
0x45b: {  	v9 =	vld [tilespmem:$0x19000]  }
0x45c: {  	v2 =	vsub.f32 v2, v3;
	_ =	sdelay $0x1  }
0x45d: {  	v2 =	vmul.f32 v4, v2;
	_ =	sdelay $0x1  }
0x45e: {  	v2 =	vadd.f32 v9, v2;
	_ =	sdelay $0x1  }
0x45f: {  	[tilespmem:s9+$0x7400] =	vst v2  }
0x460: {  	v2 =	vld [tilespmem:$0x18D10]  }
0x461: {  	v1 =	vmul.f32 s10, v1  }
0x462: {  	v10 =	vld [tilespmem:$0x19010]  }
0x463: {  	v1 =	vsub.f32 v1, v3;
	_ =	sdelay $0x1  }
0x464: {  	v1 =	vmul.f32 v2, v1;
	_ =	sdelay $0x1  }
0x465: {  	v1 =	vadd.f32 v10, v1;
	_ =	sdelay $0x1  }
0x466: {  	[tilespmem:s9+$0x7410] =	vst v1  }
0x467: {  	v1 =	vld [tilespmem:$0x18D20]  }
0x468: {  	v0 =	vmul.f32 s10, v0  }
0x469: {  	v11 =	vld [tilespmem:$0x19020]  }
0x46a: {  	v0 =	vsub.f32 v0, v3;
	_ =	sdelay $0x1  }
0x46b: {  	v0 =	vmul.f32 v1, v0;
	_ =	sdelay $0x1  }
0x46c: {  	v0 =	vadd.f32 v11, v0;
	_ =	sdelay $0x1  }
0x46d: {  	[tilespmem:s9+$0x7420] =	vst v0  }
0x46e: {  	v0 =	vld [tilespmem:$0x18D30]  }
0x46f: {  	v12 =	vmul.f32 s10, v63  }
0x470: {  	v13 =	vld [tilespmem:$0x19030]  }
0x471: {  	v1 =	vsub.f32 v12, v3;
	_ =	sdelay $0x1  }
0x472: {  	v0 =	vmul.f32 v0, v1;
	_ =	sdelay $0x1  }
0x473: {  	v0 =	vadd.f32 v13, v0;
	_ =	sdelay $0x1  }
0x474: {  	[tilespmem:s9+$0x7430] =	vst v0  }
0x475: {  	v0 =	vld [tilespmem:$0x18D40]  }
0x476: {  	v14 =	vmul.f32 s10, v62  }
0x477: {  	v15 =	vld [tilespmem:$0x19040]  }
0x478: {  	v1 =	vsub.f32 v14, v3;
	_ =	sdelay $0x1  }
0x479: {  	v0 =	vmul.f32 v0, v1;
	_ =	sdelay $0x1  }
0x47a: {  	v0 =	vadd.f32 v15, v0;
	_ =	sdelay $0x1  }
0x47b: {  	[tilespmem:s9+$0x7440] =	vst v0  }
0x47c: {  	v0 =	vld [tilespmem:$0x18D50]  }
0x47d: {  	v16 =	vmul.f32 s10, v61  }
0x47e: {  	v17 =	vld [tilespmem:$0x19050]  }
0x47f: {  	v1 =	vsub.f32 v16, v3;
	_ =	sdelay $0x1  }
0x480: {  	v0 =	vmul.f32 v0, v1;
	_ =	sdelay $0x1  }
0x481: {  	v0 =	vadd.f32 v17, v0;
	_ =	sdelay $0x1  }
0x482: {  	[tilespmem:s9+$0x7450] =	vst v0  }
0x483: {  	v0 =	vld [tilespmem:$0x18D60]  }
0x484: {  	v18 =	vmul.f32 s10, v60  }
0x485: {  	v19 =	vld [tilespmem:$0x19060]  }
0x486: {  	v1 =	vsub.f32 v18, v3;
	_ =	sdelay $0x1  }
0x487: {  	v0 =	vmul.f32 v0, v1;
	_ =	sdelay $0x1  }
0x488: {  	v0 =	vadd.f32 v19, v0;
	_ =	sdelay $0x1  }
0x489: {  	[tilespmem:s9+$0x7460] =	vst v0  }
0x48a: {  	v0 =	vld [tilespmem:$0x18D70]  }
0x48b: {  	v20 =	vmul.f32 s10, v59  }
0x48c: {  	v21 =	vld [tilespmem:$0x19070]  }
0x48d: {  	v1 =	vsub.f32 v20, v3;
	_ =	sdelay $0x1  }
0x48e: {  	v0 =	vmul.f32 v0, v1;
	_ =	sdelay $0x1  }
0x48f: {  	v0 =	vadd.f32 v21, v0;
	_ =	sdelay $0x1  }
0x490: {  	[tilespmem:s9+$0x7470] =	vst v0  }
0x491: {  	v0 =	vld [tilespmem:$0x18D80]  }
0x492: {  	v22 =	vmul.f32 s10, v58  }
0x493: {  	v23 =	vld [tilespmem:$0x19080]  }
0x494: {  	v1 =	vsub.f32 v22, v3;
	_ =	sdelay $0x1  }
0x495: {  	v0 =	vmul.f32 v0, v1;
	_ =	sdelay $0x1  }
0x496: {  	v0 =	vadd.f32 v23, v0;
	_ =	sdelay $0x1  }
0x497: {  	[tilespmem:s9+$0x7800] =	vst v0  }
0x498: {  	v0 =	vld [tilespmem:$0x18D90]  }
0x499: {  	v58 =	vmul.f32 s10, v57  }
0x49a: {  	v59 =	vld [tilespmem:$0x19090]  }
0x49b: {  	v1 =	vsub.f32 v58, v3;
	_ =	sdelay $0x1  }
0x49c: {  	v0 =	vmul.f32 v0, v1;
	_ =	sdelay $0x1  }
0x49d: {  	v0 =	vadd.f32 v59, v0;
	_ =	sdelay $0x1  }
0x49e: {  	[tilespmem:s9+$0x7810] =	vst v0  }
0x49f: {  	v0 =	vld [tilespmem:$0x18DA0]  }
0x4a0: {  	v60 =	vmul.f32 s10, v56  }
0x4a1: {  	v61 =	vld [tilespmem:$0x190A0]  }
0x4a2: {  	v1 =	vsub.f32 v60, v3;
	_ =	sdelay $0x1  }
0x4a3: {  	v0 =	vmul.f32 v0, v1;
	_ =	sdelay $0x1  }
0x4a4: {  	v0 =	vadd.f32 v61, v0;
	_ =	sdelay $0x1  }
0x4a5: {  	[tilespmem:s9+$0x7820] =	vst v0  }
0x4a6: {  	v0 =	vld [tilespmem:$0x18DB0]  }
0x4a7: {  	v62 =	vmul.f32 s10, v55  }
0x4a8: {  	v63 =	vld [tilespmem:$0x190B0]  }
0x4a9: {  	v1 =	vsub.f32 v62, v3;
	_ =	sdelay $0x1  }
0x4aa: {  	v0 =	vmul.f32 v0, v1;
	_ =	sdelay $0x1  }
0x4ab: {  	v0 =	vadd.f32 v63, v0;
	_ =	sdelay $0x1  }
0x4ac: {  	[tilespmem:s9+$0x7830] =	vst v0  }
0x4ad: {  	v0 =	vld [tilespmem:$0x18DC0]  }
0x4ae: {  	v4 =	vmul.f32 s10, v54  }
0x4af: {  	v5 =	vld [tilespmem:$0x190C0]  }
0x4b0: {  	v1 =	vsub.f32 v4, v3;
	_ =	sdelay $0x1  }
0x4b1: {  	v0 =	vmul.f32 v0, v1;
	_ =	sdelay $0x1  }
0x4b2: {  	v0 =	vadd.f32 v5, v0;
	_ =	sdelay $0x1  }
0x4b3: {  	[tilespmem:s9+$0x7840] =	vst v0  }
0x4b4: {  	v0 =	vld [tilespmem:$0x18DD0]  }
0x4b5: {  	v6 =	vmul.f32 s10, v53  }
0x4b6: {  	v7 =	vld [tilespmem:$0x190D0]  }
0x4b7: {  	v1 =	vsub.f32 v6, v3;
	_ =	sdelay $0x1  }
0x4b8: {  	v0 =	vmul.f32 v0, v1;
	_ =	sdelay $0x1  }
0x4b9: {  	v0 =	vadd.f32 v7, v0;
	_ =	sdelay $0x1  }
0x4ba: {  	[tilespmem:s9+$0x7850] =	vst v0  }
0x4bb: {  	v0 =	vld [tilespmem:$0x18DE0]  }
0x4bc: {  	v8 =	vmul.f32 s10, v52  }
0x4bd: {  	v9 =	vld [tilespmem:$0x190E0]  }
0x4be: {  	v1 =	vsub.f32 v8, v3;
	_ =	sdelay $0x1  }
0x4bf: {  	v0 =	vmul.f32 v0, v1;
	_ =	sdelay $0x1  }
0x4c0: {  	v0 =	vadd.f32 v9, v0;
	_ =	sdelay $0x1  }
0x4c1: {  	[tilespmem:s9+$0x7860] =	vst v0  }
0x4c2: {  	v0 =	vld [tilespmem:$0x18DF0]  }
0x4c3: {  	v10 =	vmul.f32 s10, v51  }
0x4c4: {  	v11 =	vld [tilespmem:$0x190F0]  }
0x4c5: {  	v1 =	vsub.f32 v10, v3;
	_ =	sdelay $0x1  }
0x4c6: {  	v0 =	vmul.f32 v0, v1;
	_ =	sdelay $0x1  }
0x4c7: {  	v0 =	vadd.f32 v11, v0;
	_ =	sdelay $0x1  }
0x4c8: {  	[tilespmem:s9+$0x7870] =	vst v0  }
0x4c9: {  	v0 =	vld [tilespmem:$0x18E00]  }
0x4ca: {  	v12 =	vmul.f32 s10, v50  }
0x4cb: {  	v13 =	vld [tilespmem:$0x19100]  }
0x4cc: {  	v1 =	vsub.f32 v12, v3;
	_ =	sdelay $0x1  }
0x4cd: {  	v0 =	vmul.f32 v0, v1;
	_ =	sdelay $0x1  }
0x4ce: {  	v0 =	vadd.f32 v13, v0;
	_ =	sdelay $0x1  }
0x4cf: {  	[tilespmem:s9+$0x7C00] =	vst v0  }
0x4d0: {  	v0 =	vld [tilespmem:$0x18E10]  }
0x4d1: {  	v14 =	vmul.f32 s10, v49  }
0x4d2: {  	v15 =	vld [tilespmem:$0x19110]  }
0x4d3: {  	v1 =	vsub.f32 v14, v3;
	_ =	sdelay $0x1  }
0x4d4: {  	v0 =	vmul.f32 v0, v1;
	_ =	sdelay $0x1  }
0x4d5: {  	v0 =	vadd.f32 v15, v0;
	_ =	sdelay $0x1  }
0x4d6: {  	[tilespmem:s9+$0x7C10] =	vst v0  }
0x4d7: {  	v0 =	vld [tilespmem:$0x18E20]  }
0x4d8: {  	v16 =	vmul.f32 s10, v48  }
0x4d9: {  	v17 =	vld [tilespmem:$0x19120]  }
0x4da: {  	v1 =	vsub.f32 v16, v3;
	_ =	sdelay $0x1  }
0x4db: {  	v0 =	vmul.f32 v0, v1;
	_ =	sdelay $0x1  }
0x4dc: {  	v0 =	vadd.f32 v17, v0;
	_ =	sdelay $0x1  }
0x4dd: {  	[tilespmem:s9+$0x7C20] =	vst v0  }
0x4de: {  	v0 =	vld [tilespmem:$0x18E30]  }
0x4df: {  	v18 =	vmul.f32 s10, v47  }
0x4e0: {  	v19 =	vld [tilespmem:$0x19130]  }
0x4e1: {  	v1 =	vsub.f32 v18, v3;
	_ =	sdelay $0x1  }
0x4e2: {  	v0 =	vmul.f32 v0, v1;
	_ =	sdelay $0x1  }
0x4e3: {  	v0 =	vadd.f32 v19, v0;
	_ =	sdelay $0x1  }
0x4e4: {  	[tilespmem:s9+$0x7C30] =	vst v0  }
0x4e5: {  	v0 =	vld [tilespmem:$0x18E40]  }
0x4e6: {  	v20 =	vmul.f32 s10, v46  }
0x4e7: {  	v21 =	vld [tilespmem:$0x19140]  }
0x4e8: {  	v1 =	vsub.f32 v20, v3;
	_ =	sdelay $0x1  }
0x4e9: {  	v0 =	vmul.f32 v0, v1;
	_ =	sdelay $0x1  }
0x4ea: {  	v0 =	vadd.f32 v21, v0;
	_ =	sdelay $0x1  }
0x4eb: {  	[tilespmem:s9+$0x7C40] =	vst v0  }
0x4ec: {  	v0 =	vld [tilespmem:$0x18E50]  }
0x4ed: {  	v22 =	vmul.f32 s10, v45  }
0x4ee: {  	v23 =	vld [tilespmem:$0x19150]  }
0x4ef: {  	v1 =	vsub.f32 v22, v3;
	_ =	sdelay $0x1  }
0x4f0: {  	v0 =	vmul.f32 v0, v1;
	_ =	sdelay $0x1  }
0x4f1: {  	v0 =	vadd.f32 v23, v0;
	_ =	sdelay $0x1  }
0x4f2: {  	[tilespmem:s9+$0x7C50] =	vst v0  }
0x4f3: {  	v0 =	vld [tilespmem:$0x18E60]  }
0x4f4: {  	v44 =	vmul.f32 s10, v44  }
0x4f5: {  	v45 =	vld [tilespmem:$0x19160]  }
0x4f6: {  	v1 =	vsub.f32 v44, v3;
	_ =	sdelay $0x1  }
0x4f7: {  	v0 =	vmul.f32 v0, v1;
	_ =	sdelay $0x1  }
0x4f8: {  	v0 =	vadd.f32 v45, v0;
	_ =	sdelay $0x1  }
0x4f9: {  	[tilespmem:s9+$0x7C60] =	vst v0  }
0x4fa: {  	v0 =	vld [tilespmem:$0x18E70]  }
0x4fb: {  	v46 =	vmul.f32 s10, v43  }
0x4fc: {  	v47 =	vld [tilespmem:$0x19170]  }
0x4fd: {  	v1 =	vsub.f32 v46, v3;
	_ =	sdelay $0x1  }
0x4fe: {  	v0 =	vmul.f32 v0, v1;
	_ =	sdelay $0x1  }
0x4ff: {  	v0 =	vadd.f32 v47, v0;
	_ =	sdelay $0x1  }
0x500: {  	[tilespmem:s9+$0x7C70] =	vst v0  }
0x501: {  	v0 =	vld [tilespmem:$0x18E80]  }
0x502: {  	v48 =	vmul.f32 s10, v42  }
0x503: {  	v49 =	vld [tilespmem:$0x19180]  }
0x504: {  	v1 =	vsub.f32 v48, v3;
	_ =	sdelay $0x1  }
0x505: {  	v0 =	vmul.f32 v0, v1;
	_ =	sdelay $0x1  }
0x506: {  	v0 =	vadd.f32 v49, v0;
	_ =	sdelay $0x1  }
0x507: {  	[tilespmem:s9+$0x8000] =	vst v0  }
0x508: {  	v0 =	vld [tilespmem:$0x18E90]  }
0x509: {  	v50 =	vmul.f32 s10, v41  }
0x50a: {  	v51 =	vld [tilespmem:$0x19190]  }
0x50b: {  	v1 =	vsub.f32 v50, v3;
	_ =	sdelay $0x1  }
0x50c: {  	v0 =	vmul.f32 v0, v1;
	_ =	sdelay $0x1  }
0x50d: {  	v0 =	vadd.f32 v51, v0;
	_ =	sdelay $0x1  }
0x50e: {  	[tilespmem:s9+$0x8010] =	vst v0  }
0x50f: {  	v0 =	vld [tilespmem:$0x18EA0]  }
0x510: {  	v52 =	vmul.f32 s10, v40  }
0x511: {  	v53 =	vld [tilespmem:$0x191A0]  }
0x512: {  	v1 =	vsub.f32 v52, v3;
	_ =	sdelay $0x1  }
0x513: {  	v0 =	vmul.f32 v0, v1;
	_ =	sdelay $0x1  }
0x514: {  	v0 =	vadd.f32 v53, v0;
	_ =	sdelay $0x1  }
0x515: {  	[tilespmem:s9+$0x8020] =	vst v0  }
0x516: {  	v0 =	vld [tilespmem:$0x18EB0]  }
0x517: {  	v54 =	vmul.f32 s10, v39  }
0x518: {  	v55 =	vld [tilespmem:$0x191B0]  }
0x519: {  	v1 =	vsub.f32 v54, v3;
	_ =	sdelay $0x1  }
0x51a: {  	v0 =	vmul.f32 v0, v1;
	_ =	sdelay $0x1  }
0x51b: {  	v0 =	vadd.f32 v55, v0;
	_ =	sdelay $0x1  }
0x51c: {  	[tilespmem:s9+$0x8030] =	vst v0  }
0x51d: {  	v0 =	vld [tilespmem:$0x18EC0]  }
0x51e: {  	v56 =	vmul.f32 s10, v38  }
0x51f: {  	v57 =	vld [tilespmem:$0x191C0]  }
0x520: {  	v1 =	vsub.f32 v56, v3;
	_ =	sdelay $0x1  }
0x521: {  	v0 =	vmul.f32 v0, v1;
	_ =	sdelay $0x1  }
0x522: {  	v0 =	vadd.f32 v57, v0;
	_ =	sdelay $0x1  }
0x523: {  	[tilespmem:s9+$0x8040] =	vst v0  }
0x524: {  	v0 =	vld [tilespmem:$0x18ED0]  }
0x525: {  	v58 =	vmul.f32 s10, v37  }
0x526: {  	v59 =	vld [tilespmem:$0x191D0]  }
0x527: {  	v1 =	vsub.f32 v58, v3;
	_ =	sdelay $0x1  }
0x528: {  	v0 =	vmul.f32 v0, v1;
	_ =	sdelay $0x1  }
0x529: {  	v0 =	vadd.f32 v59, v0;
	_ =	sdelay $0x1  }
0x52a: {  	[tilespmem:s9+$0x8050] =	vst v0  }
0x52b: {  	v0 =	vld [tilespmem:$0x18EE0]  }
0x52c: {  	v60 =	vmul.f32 s10, v36  }
0x52d: {  	v61 =	vld [tilespmem:$0x191E0]  }
0x52e: {  	v1 =	vsub.f32 v60, v3;
	_ =	sdelay $0x1  }
0x52f: {  	v0 =	vmul.f32 v0, v1;
	_ =	sdelay $0x1  }
0x530: {  	v0 =	vadd.f32 v61, v0;
	_ =	sdelay $0x1  }
0x531: {  	[tilespmem:s9+$0x8060] =	vst v0  }
0x532: {  	v0 =	vld [tilespmem:$0x18EF0]  }
0x533: {  	v62 =	vmul.f32 s10, v35  }
0x534: {  	v63 =	vld [tilespmem:$0x191F0]  }
0x535: {  	v1 =	vsub.f32 v62, v3  }
0x536: {  	p0 =	sne.s32 s20, $0x1F  }
.Ltmp2:
0x537: {  	v0 =	vmul.f32 v0, v1;
	(pc) =	sbr.rel @p0 .LBB2_7-.Ltmp2, $3  }
0x538: {  	_ = 	snop  }
0x539: {  	v0 =	vadd.f32 v63, v0;
	_ =	sdelay $0x1  }
0x53a: {  	s19 =	sadd.s32 $0x80, s19;
	s20 =	sadd.s32 $0x1, s20;
	[tilespmem:s9+$0x8070] =	vst v0  }
0x53b: {  	s4 =	sadd.s32 $0x1, s4  }
0x53c: {  	s9 =	sor.u32 s7, s17;
	p0 =	sne.s32 s4, $0x10  }
.Ltmp3:
0x53d: {  	s9 =	sshrl.u32 s9, $0x3;
	(pc) =	sbr.rel @p0 .LBB2_2-.Ltmp3, $3  }
0x53e: {  	s9 =	smul.u32 $0x300, s9;
	_ =	sdelay $0x1  }
0x53f: {  	s9 =	sadd.s32 s5, s9  }
0x540: {  	[hbm4b:s9+s6] =	stream.linear.scatter [tilespmem:s26], [sflag:$0x4], $0x6000, $0x38;
	[tilespmem:$0x19280] =	vst v63  }
0x541: {  	s4 =	simm.s32 $0x4  }
0x542: {  	_ =	swait.ge [sflag:s4], $0x6000  }
0x543: {  	s9 =	rddreg [dreg:$0xa]  }
0x544: {  	s2 =	rddreg [dreg:$0x9];
	s9 =	sadd.s32 $0x1, s9  }
0x545: {  	p0 =	sne.s32 s9, s2  }
.Ltmp4:
0x546: {  	_ = 	snop;
	(pc) =	sbr.rel @p0 .LBB2_1-.Ltmp4, $3  }
0x547: {  	_ =	sdelay $0x1  }
0x548: {  	[sflag:s4] =	ssyncset.done $0x0  }
0x549: {  	[sflag:s4] =	ssyncadd.s32 $0xFFFFA000  }
0x54a: {  	_ =	sfence.sel $0x180000  }
0x54b: {  	[bflag:$0x0] =	sbarrier.arrive $0xFFFF  }
0x54c: {  	_ =	strace $0x9000004A  }
0x54d: {  	s0 =	stileid.u32;
	[bflag:$0x2] =	sbarrier.arrive $0xFFFF  }
0x54e: {  	p0 =	sne.s32 s0, $0x0;
	s0 =	rddreg [dreg:$0x5]  }
0x54f: {  	s0 =	sadd.s32 @!p0 $0x100000, s0  }
0x550: {  	[sflag:s0] =	ssyncadd.tile.s32 @!p0 $0x1;
	_ =	shalt  }
.Lfunc_end2:
_tile_overlayer_lowered:
.L_overlay_start_2:
0x551: {  	(tag) =	ssettag $0x2  }
0x552: {  	s0 =	rddreg [dreg:$0x0];
	s2 =	stileid.u32  }
0x553: {  	s1 =	rddreg [dreg:$0x1];
	p0 =	sne.s32 s2, $0x0  }
0x554: {  	s3 =	rddreg [dreg:$0x2];
	[bflag:$0x3] =	sbarrier.arrive $0xFFFF;
	s2 =	simm.s32 @!p0 $0x1C05  }
0x555: {  	[timem:s3], [sflag:s2] =	dma.local @!p0 [hbm:s0], s1  }
0x556: {  	s0 =	simm.s32 @!p0 $0x5  }
0x557: {  	_ =	swait.ge @!p0 [sflag:s0], s1  }
0x558: {  	s1 =	ssub.s32 @!p0 $0x0, s1;
	[sflag:s0] =	ssyncset.done @!p0 $0x0  }
0x559: {  	[sflag:s0] =	ssyncadd.s32 @!p0 s1  }
0x55a: {  	[bflag:$0x3] =	sbarrier.arrive $0xFFFF  }
0x55b: {  	_ =	shalt  }

</sc_bundles>
